<compile_context>
chip_gen: v7x
topology: tpu7x:2x2x1
jax: 0.10.2.dev20260603
libtpu: 0.0.44.dev20260713+nightly
codegen_flags: <defaults>
</compile_context>

<pallas_src>
import functools

import jax
import jax.numpy as jnp
from jax import lax
from jax.experimental import pallas as pl
from jax.experimental.pallas import tpu as pltpu
from jax.experimental.pallas import tpu_sc as plsc

N_ATOMS = 100000
N_EDGES = 6400000
N_MOL = 512

NC = 2
NS = 16
NW = NC * NS
E_PER = N_EDGES // NW
BLK = 1600
NBLK = E_PER // BLK
NGRP = BLK // 16
A_PAD = 100096
A_PER = A_PAD // NS
NCOMP = 9
SAC = N_MOL * 8
SRED = NCOMP * N_MOL
SSEG = SRED // NS


def _body(rx, ry, rz, ii_h, ij_h, im_h,
          fx_o, fy_o, fz_o, s_o,
          molv,
          rxv0, ryv0, rzv0, iiv0, ijv0, pxv0, pyv0, pzv0, nxv0, nyv0, nzv0,
          rxv1, ryv1, rzv1, iiv1, ijv1, pxv1, pyv1, pzv1, nxv1, nyv1, nzv1,
          sacc, sred, res,
          fx_s, fy_s, fz_s, im_s, slab, semg, semsc, semin):
    c = lax.axis_index("c")
    s = lax.axis_index("s")
    w = c * NS + s
    lane = lax.iota(jnp.int32, 16)
    zf = jnp.zeros((16,), jnp.float32)

    chunks = []
    off = 0
    while off < A_PER:
        chunks.append((off, min(SRED, A_PER - off)))
        off += SRED

    def zloop(i, _):
        sred[pl.ds(i * 16, 16)] = zf
        return 0
    lax.fori_loop(0, SRED // 16, zloop, 0)
    a0 = s * A_PER
    for f_s in (fx_s, fy_s, fz_s):
        for o, n in chunks:
            pltpu.sync_copy(sred.at[pl.ds(0, n)], f_s.at[pl.ds(a0 + o, n)])

    for k in range(3):
        pltpu.sync_copy(im_h.at[pl.ds(a0 + k * BLK, BLK)], iiv0)
        pltpu.sync_copy(iiv0, im_s.at[pl.ds(a0 + k * BLK, BLK)])
    IREM = A_PER - 3 * BLK
    pltpu.sync_copy(im_h.at[pl.ds(a0 + 3 * BLK, IREM)],
                    iiv0.at[pl.ds(0, IREM)])
    pltpu.sync_copy(iiv0.at[pl.ds(0, IREM)], im_s.at[pl.ds(a0 + 3 * BLK, IREM)])

    def zacc(i, _):
        for t in range(NCOMP):
            sacc[pl.ds(i * 16 + t * SAC, 16)] = zf
        return 0
    lax.fori_loop(0, SAC // 16, zacc, 0)

    plsc.subcore_barrier()

    bufs0 = (rxv0, ryv0, rzv0, iiv0, ijv0, pxv0, pyv0, pzv0, nxv0, nyv0, nzv0)
    bufs1 = (rxv1, ryv1, rzv1, iiv1, ijv1, pxv1, pyv1, pzv1, nxv1, nyv1, nzv1)

    def fire_in(b, bufs):
        base = w * E_PER + b * BLK
        rxv, ryv, rzv, iiv, ijv = bufs[:5]
        pltpu.async_copy(rx.at[pl.ds(base, BLK)], rxv, semin)
        pltpu.async_copy(ry.at[pl.ds(base, BLK)], ryv, semin)
        pltpu.async_copy(rz.at[pl.ds(base, BLK)], rzv, semin)
        pltpu.async_copy(ii_h.at[pl.ds(base, BLK)], iiv, semin)
        pltpu.async_copy(ij_h.at[pl.ds(base, BLK)], ijv, semin)

    def wait_in(bufs):
        rxv, ryv, rzv, iiv, ijv = bufs[:5]
        pltpu.make_async_copy(rx.at[pl.ds(0, BLK)], rxv, semin).wait()
        pltpu.make_async_copy(ry.at[pl.ds(0, BLK)], ryv, semin).wait()
        pltpu.make_async_copy(rz.at[pl.ds(0, BLK)], rzv, semin).wait()
        pltpu.make_async_copy(ii_h.at[pl.ds(0, BLK)], iiv, semin).wait()
        pltpu.make_async_copy(ij_h.at[pl.ds(0, BLK)], ijv, semin).wait()

    def drain_sc():
        for _ in range(6):
            pltpu.make_async_copy(rx.at[pl.ds(0, BLK)], rxv0, semsc).wait()

    def half(b, first, last, bufs, nbufs):
        rxv, ryv, rzv, iiv, ijv, pxv, pyv, pzv, nxv, nyv, nzv = bufs
        wait_in(bufs)
        if not first:
            drain_sc()
        if not last:
            fire_in(b + 1, nbufs)
        gd = pltpu.async_copy(im_s.at[iiv], molv, semg)

        def grp1(j, _):
            sl = pl.ds(j * 16, 16)
            ax = rxv[sl]
            ay = ryv[sl]
            az = rzv[sl]
            r2 = ax * ax + ay * ay + az * az
            ew = jnp.exp(-0.5 * r2)
            px = ax * ew
            py = ay * ew
            pz = az * ew
            pxv[sl] = px
            pyv[sl] = py
            pzv[sl] = pz
            nxv[sl] = -px
            nyv[sl] = -py
            nzv[sl] = -pz
            return 0
        lax.fori_loop(0, NGRP, grp1, 0)

        pltpu.async_copy(nxv, fx_s.at[iiv], semsc, add=True)
        pltpu.async_copy(nyv, fy_s.at[iiv], semsc, add=True)
        pltpu.async_copy(nzv, fz_s.at[iiv], semsc, add=True)
        pltpu.async_copy(pxv, fx_s.at[ijv], semsc, add=True)
        pltpu.async_copy(pyv, fy_s.at[ijv], semsc, add=True)
        pltpu.async_copy(pzv, fz_s.at[ijv], semsc, add=True)

        gd.wait()

        def grp2(j, _):
            sl = pl.ds(j * 16, 16)
            ax = rxv[sl]
            ay = ryv[sl]
            az = rzv[sl]
            nx = nxv[sl]
            ny = nyv[sl]
            nz = nzv[sl]
            mg = molv[sl]
            gb = mg * 8 + jnp.bitwise_and(lane, 7)
            mlo = lane < 8
            mhi = lane >= 8
            nb = (nx, ny, nz)
            ra = (ax, ay, az)
            for a in range(3):
                for bb in range(3):
                    comp = 3 * a + bb
                    v = nb[bb] * ra[a]
                    plsc.addupdate_scatter(
                        sacc, [gb + comp * SAC], v, mask=mlo)
                    plsc.addupdate_scatter(
                        sacc, [gb + comp * SAC], v, mask=mhi)
            return 0
        lax.fori_loop(0, NGRP, grp2, 0)

    fire_in(0, bufs0)

    def blk2(i, _):
        b0 = i * 2

        @pl.when(i == 0)
        def _():
            half(b0, True, False, bufs0, bufs1)

        @pl.when(i > 0)
        def _():
            half(b0, False, False, bufs0, bufs1)

        half(b0 + 1, False, False, bufs1, bufs0)
        return 0
    lax.fori_loop(0, NBLK // 2, blk2, 0)

    half(NBLK - 1, False, True, bufs0, bufs1)

    drain_sc()

    plsc.subcore_barrier()

    for f_s, f_o in ((fx_s, fx_o), (fy_s, fy_o), (fz_s, fz_o)):
        for o, n in chunks:
            pltpu.sync_copy(f_s.at[pl.ds(a0 + o, n)], sred.at[pl.ds(0, n)])
            pltpu.sync_copy(sred.at[pl.ds(0, n)],
                            f_o.at[pl.ds(c * A_PAD + a0 + o, n)])

    for comp in range(NCOMP):
        def lred(m, _, comp=comp):
            ib = m * 128 + lane * 8
            acc = zf
            for l in range(8):
                acc = acc + plsc.load_gather(sacc, [ib + (l + comp * SAC)])
            sred[pl.ds(comp * N_MOL + m * 16, 16)] = acc
            return 0
        lax.fori_loop(0, N_MOL // 16, lred, 0)
    pltpu.sync_copy(sred, slab.at[pl.ds(s * SRED, SRED)])

    plsc.subcore_barrier()

    for t in range(NS):
        pltpu.sync_copy(slab.at[pl.ds(t * SRED + s * SSEG, SSEG)],
                        sred.at[pl.ds(t * SSEG, SSEG)])

    def tred(j, _):
        acc = zf
        for t in range(NS):
            acc = acc + sred[pl.ds(t * SSEG + j * 16, 16)]
        res[pl.ds(j * 16, 16)] = acc
        return 0
    lax.fori_loop(0, SSEG // 16, tred, 0)
    pltpu.sync_copy(res, s_o.at[pl.ds(c * SRED + s * SSEG, SSEG)])


@jax.jit
def kernel(energy, position, Rij, idx_i, idx_j, idx_m, cell):
    rt = Rij.T
    rx = rt[0]
    ry = rt[1]
    rz = rt[2]
    im_pad = jnp.concatenate(
        [idx_m, jnp.zeros((A_PAD - N_ATOMS,), jnp.int32)])

    mesh = plsc.VectorSubcoreMesh(core_axis_name="c", subcore_axis_name="s")
    run = functools.partial(
        pl.kernel,
        out_type=[
            jax.ShapeDtypeStruct((NC * A_PAD,), jnp.float32),
            jax.ShapeDtypeStruct((NC * A_PAD,), jnp.float32),
            jax.ShapeDtypeStruct((NC * A_PAD,), jnp.float32),
            jax.ShapeDtypeStruct((NC * SRED,), jnp.float32),
        ],
        mesh=mesh,
        compiler_params=pltpu.CompilerParams(needs_layout_passes=False),
        scratch_types=(
            [pltpu.VMEM((BLK,), jnp.int32)]
            + 2 * ([pltpu.VMEM((BLK,), jnp.float32)] * 3
                   + [pltpu.VMEM((BLK,), jnp.int32)] * 2
                   + [pltpu.VMEM((BLK,), jnp.float32)] * 6
                   )
            + [
                pltpu.VMEM((NCOMP * SAC,), jnp.float32),
                pltpu.VMEM((SRED,), jnp.float32),
                pltpu.VMEM((SSEG,), jnp.float32),
                pltpu.VMEM_SHARED((A_PAD,), jnp.float32),
                pltpu.VMEM_SHARED((A_PAD,), jnp.float32),
                pltpu.VMEM_SHARED((A_PAD,), jnp.float32),
                pltpu.VMEM_SHARED((A_PAD,), jnp.int32),
                pltpu.VMEM_SHARED((NS * SRED,), jnp.float32),
                pltpu.SemaphoreType.DMA,
                pltpu.SemaphoreType.DMA,
                pltpu.SemaphoreType.DMA,
            ]
        ),
    )(_body)
    fx, fy, fz, s_par = run(rx, ry, rz, idx_i, idx_j, im_pad)

    fx = fx.reshape(NC, A_PAD)
    fy = fy.reshape(NC, A_PAD)
    fz = fz.reshape(NC, A_PAD)
    Fx = (fx[0] + fx[1])[:N_ATOMS]
    Fy = (fy[0] + fy[1])[:N_ATOMS]
    Fz = (fz[0] + fz[1])[:N_ATOMS]
    Fpred = jnp.stack([Fx, Fy, Fz], axis=-1)

    s_par = s_par.reshape(NC, SRED)
    stress = (s_par[0] + s_par[1]).reshape(3, 3, N_MOL).transpose(2, 0, 1)
    cell_33 = cell.reshape(N_MOL, 3, 3)
    volume = jnp.sum(
        cell_33[:, 0, :] * jnp.cross(cell_33[:, 1, :], cell_33[:, 2, :]),
        axis=1, keepdims=True)
    volume = jnp.broadcast_to(volume, (N_MOL, 3)).reshape(N_MOL * 3, 1)
    stress_out = stress.reshape(N_MOL * 3, 3) / volume
    return Fpred, stress_out

# --- scband reference (transcript-rebuilt; emitter-appended) ---
"""Pipeline reference for scband-forces-43430709297374 (READ-ONLY COPY).

The authoritative reference and input builder live on the scoring server;
editing this copy changes nothing except your own understanding.
"""

import jax, jax.numpy as jnp
import numpy as np

N_ATOMS = 100000
N_EDGES = 6400000
N_MOL = 512


def _energy_fn(rij):
    # Differentiable surrogate for the upstream energy model E(Rij):
    # sum over pairs of a Gaussian pair potential. The Forces module only
    # needs dE/dRij, which torch obtains via autograd on the live graph.
    r2 = jnp.sum(rij * rij, axis=-1)
    return jnp.sum(jnp.exp(-0.5 * r2))


def setup_inputs(seed: int = 0) -> dict:
    key = jax.random.key(seed)
    ks = jax.random.split(key, 7)
    position = jax.random.normal(ks[0], (N_ATOMS, 3), dtype=jnp.float32)
    Rij = jax.random.normal(ks[1], (N_EDGES, 3), dtype=jnp.float32)
    idx_i = jax.random.randint(ks[2], (N_EDGES,), 0, N_ATOMS, dtype=jnp.int32)
    idx_j = jax.random.randint(ks[3], (N_EDGES,), 0, N_ATOMS, dtype=jnp.int32)
    idx_m = jnp.sort(jax.random.randint(ks[4], (N_ATOMS,), 0, N_MOL, dtype=jnp.int32))
    idx_m = idx_m.at[-1].set(N_MOL - 1)  # ensure maxm == N_MOL as in torch int(idx_m[-1])+1
    cell = jax.random.normal(ks[5], (N_MOL, 3, 3), dtype=jnp.float32)
    energy = jax.random.normal(ks[6], (N_MOL,), dtype=jnp.float32)
    return {"energy": energy, "position": position, "Rij": Rij,
            "idx_i": idx_i, "idx_j": idx_j, "idx_m": idx_m, "cell": cell}


def reference(energy, position, Rij, idx_i, idx_j, idx_m, cell):
    # energy is a placeholder tensor; in torch it carries the autograd graph
    # back to Rij. Here we recompute E(Rij) via the surrogate and take its grad
    # (equivalent to torch.autograd.grad([Epred],[Rij], grad_outputs=ones)).
    dEdRij = jax.grad(_energy_fn)(Rij)

    # Forces: Fpred = zeros.index_add(0, idx_i, dEdRij).index_add(0, idx_j, -dEdRij)
    Fpred = jnp.zeros_like(position)
    Fpred = Fpred.at[idx_i].add(dEdRij)
    Fpred = Fpred.at[idx_j].add(-dEdRij)

    # Per-atom stress contributions, then per-molecule reduction.
    stress_i = jnp.zeros((position.shape[0], 3, 3), dtype=position.dtype)
    stress_i = stress_i.at[idx_i].add(dEdRij[:, None, :] * Rij[:, :, None])

    maxm = cell.shape[0]
    stress = jnp.zeros((maxm, 3, 3), dtype=stress_i.dtype)
    stress = stress.at[idx_m].add(stress_i)

    cell_33 = cell.reshape(maxm, 3, 3)
    volume = jnp.sum(cell_33[:, 0, :] * jnp.cross(cell_33[:, 1, :], cell_33[:, 2, :]),
                     axis=1, keepdims=True)
    volume = jnp.broadcast_to(volume, (maxm, 3)).reshape(maxm * 3, 1)
    stress_out = stress.reshape(maxm * 3, 3) / volume
    return Fpred, stress_out

if __name__ == "__main__":
    import jax
    _d = setup_inputs()
    print(jax.jit(kernel)(*tuple(_d.values())))

</pallas_src>

<mosaic_0001>
#map = affine_map<(d0, d1) -> (0)>
module attributes {stable_mosaic.version = 14 : i64} {
  func.func @_body(%arg0: i32, %arg1: i32, %arg2: memref<6400000xf32, #tpu.memory_space<hbm>>, %arg3: memref<6400000xf32, #tpu.memory_space<hbm>>, %arg4: memref<6400000xf32, #tpu.memory_space<hbm>>, %arg5: memref<6400000xi32, #tpu.memory_space<hbm>>, %arg6: memref<6400000xi32, #tpu.memory_space<hbm>>, %arg7: memref<100096xi32, #tpu.memory_space<hbm>>, %arg8: memref<200192xf32, #tpu.memory_space<hbm>>, %arg9: memref<200192xf32, #tpu.memory_space<hbm>>, %arg10: memref<200192xf32, #tpu.memory_space<hbm>>, %arg11: memref<9216xf32, #tpu.memory_space<hbm>>, %arg12: memref<1600xi32, #tpu.memory_space<vmem>>, %arg13: memref<1600xf32, #tpu.memory_space<vmem>>, %arg14: memref<1600xf32, #tpu.memory_space<vmem>>, %arg15: memref<1600xf32, #tpu.memory_space<vmem>>, %arg16: memref<1600xi32, #tpu.memory_space<vmem>>, %arg17: memref<1600xi32, #tpu.memory_space<vmem>>, %arg18: memref<1600xf32, #tpu.memory_space<vmem>>, %arg19: memref<1600xf32, #tpu.memory_space<vmem>>, %arg20: memref<1600xf32, #tpu.memory_space<vmem>>, %arg21: memref<1600xf32, #tpu.memory_space<vmem>>, %arg22: memref<1600xf32, #tpu.memory_space<vmem>>, %arg23: memref<1600xf32, #tpu.memory_space<vmem>>, %arg24: memref<1600xf32, #tpu.memory_space<vmem>>, %arg25: memref<1600xf32, #tpu.memory_space<vmem>>, %arg26: memref<1600xf32, #tpu.memory_space<vmem>>, %arg27: memref<1600xi32, #tpu.memory_space<vmem>>, %arg28: memref<1600xi32, #tpu.memory_space<vmem>>, %arg29: memref<1600xf32, #tpu.memory_space<vmem>>, %arg30: memref<1600xf32, #tpu.memory_space<vmem>>, %arg31: memref<1600xf32, #tpu.memory_space<vmem>>, %arg32: memref<1600xf32, #tpu.memory_space<vmem>>, %arg33: memref<1600xf32, #tpu.memory_space<vmem>>, %arg34: memref<1600xf32, #tpu.memory_space<vmem>>, %arg35: memref<36864xf32, #tpu.memory_space<vmem>>, %arg36: memref<4608xf32, #tpu.memory_space<vmem>>, %arg37: memref<288xf32, #tpu.memory_space<vmem>>, %arg38: memref<100096xf32, #tpu.memory_space<vmem_shared>>, %arg39: memref<100096xf32, #tpu.memory_space<vmem_shared>>, %arg40: memref<100096xf32, #tpu.memory_space<vmem_shared>>, %arg41: memref<100096xi32, #tpu.memory_space<vmem_shared>>, %arg42: memref<73728xf32, #tpu.memory_space<vmem_shared>>, %arg43: memref<!tpu.dma_semaphore, #tpu.memory_space<semaphore_mem>>, %arg44: memref<!tpu.dma_semaphore, #tpu.memory_space<semaphore_mem>>, %arg45: memref<!tpu.dma_semaphore, #tpu.memory_space<semaphore_mem>>) attributes {dimension_semantics = [#tpu.dimension_semantics<core_parallel>, #tpu.dimension_semantics<subcore_parallel>], iteration_bounds = array<i64: 2, 16>, scalar_prefetch = 0 : i64, scratch_operands = 34 : i64, tpu.core_type = #tpu.core_type<sc_vector_subcore>, window_params = [{transform_indices = #map}, {transform_indices = #map}, {transform_indices = #map}, {transform_indices = #map}, {transform_indices = #map}, {transform_indices = #map}, {transform_indices = #map}, {transform_indices = #map}, {transform_indices = #map}, {transform_indices = #map}]} {
    %mul3A = arith.constant 16 : i32
    %mul3A_0 = arith.muli %arg0, %mul3A : i32
    %add3A = arith.addi %mul3A_0, %arg1 : i32
    %iota3A = tpu.iota {dimensions = array<i32: 0>} : vector<16xi32>
    %broadcast_in_dim3A = arith.constant 0.000000e+00 : f32
    %broadcast_in_dim3A_1 = vector.broadcast %broadcast_in_dim3A : f32 to vector<16xf32>
    %scan3A = arith.constant 0 : i32
    %scan3A_2 = arith.constant 0 : i32
    %scan3A_3 = arith.constant 288 : i32
    %scan3A_4 = arith.addi %scan3A_2, %scan3A_3 : i32
    %scan3A_5 = arith.constant 1 : i32
    %scan3A_6 = scf.for %scan3A_347 = %scan3A_2 to %scan3A_4 step %scan3A_5 iter_args(%scan3A_348 = %scan3A) -> (i32)  : i32 {
      %mul3A_349 = arith.constant 16 : i32
      %mul3A_350 = arith.muli %scan3A_347, %mul3A_349 : i32
      %swap3A = arith.index_cast %mul3A_350 : i32 to index
      %swap3A_351 = tpu.vector_load %arg36[%swap3A] {strides = array<i32>} : memref<4608xf32, #tpu.memory_space<vmem>>, vector<16xf32>,
      tpu.vector_store %arg36[%swap3A], %broadcast_in_dim3A_1 {strides = array<i32>} : memref<4608xf32, #tpu.memory_space<vmem>>, vector<16xf32>,
      %scan3A_352 = arith.constant 0 : i32
      scf.yield %scan3A_352 : i32
    }
    %scan3A_7 = arith.constant 288 : i32
    %mul3A_8 = arith.constant 6256 : i32
    %mul3A_9 = arith.muli %arg1, %mul3A_8 : i32
    %add3A_10 = arith.constant 0 : i32
    %add3A_11 = arith.addi %mul3A_9, %add3A_10 : i32
    "tpu.region"() ({
      %run_scoped3A = tpu.sem_alloc : memref<!tpu.dma_semaphore, #tpu.memory_space<semaphore_mem>>
      %dma_start3A_347 = arith.constant 0 : i32
      %dma_start3A_348 = tpu.memref_slice %arg36[%dma_start3A_347] : memref<4608xf32, #tpu.memory_space<vmem>> -> memref<4608xf32, #tpu.memory_space<vmem>>
      %dma_start3A_349 = tpu.memref_slice %arg38[%add3A_11] : memref<100096xf32, #tpu.memory_space<vmem_shared>> -> memref<4608xf32, #tpu.memory_space<vmem_shared>>
      %dma_start3A_350 = tpu.memref_slice %arg38[%add3A_11] : memref<100096xf32, #tpu.memory_space<vmem_shared>> -> memref<4608xf32, #tpu.memory_space<vmem_shared>>
      %dma_start3A_351 = arith.constant 0 : i32
      %dma_start3A_352 = tpu.memref_slice %arg36[%dma_start3A_351] : memref<4608xf32, #tpu.memory_space<vmem>> -> memref<4608xf32, #tpu.memory_space<vmem>>
      tpu.enqueue_dma source(%dma_start3A_352 : memref<4608xf32, #tpu.memory_space<vmem>>) target(%dma_start3A_350 : memref<4608xf32, #tpu.memory_space<vmem_shared>>) target_semaphore(%run_scoped3A : memref<!tpu.dma_semaphore, #tpu.memory_space<semaphore_mem>>)
      %dma_wait3A_353 = arith.constant 0 : i32
      %dma_wait3A_354 = tpu.memref_slice %arg36[%dma_wait3A_353] : memref<4608xf32, #tpu.memory_space<vmem>> -> memref<4608xf32, #tpu.memory_space<vmem>>
      %dma_wait3A_355 = tpu.memref_slice %arg38[%add3A_11] : memref<100096xf32, #tpu.memory_space<vmem_shared>> -> memref<4608xf32, #tpu.memory_space<vmem_shared>>
      %dma_wait3A_356 = tpu.memref_slice %arg38[%add3A_11] : memref<100096xf32, #tpu.memory_space<vmem_shared>> -> memref<4608xf32, #tpu.memory_space<vmem_shared>>
      %dma_wait3A_357 = arith.constant 0 : i32
      %dma_wait3A_358 = tpu.memref_slice %arg36[%dma_wait3A_357] : memref<4608xf32, #tpu.memory_space<vmem>> -> memref<4608xf32, #tpu.memory_space<vmem>>
      tpu.wait_dma2 semaphore(%run_scoped3A : memref<!tpu.dma_semaphore, #tpu.memory_space<semaphore_mem>>) src(%dma_wait3A_358 : memref<4608xf32, #tpu.memory_space<vmem>>) dst(%dma_wait3A_356 : memref<4608xf32, #tpu.memory_space<vmem_shared>>)
      tpu.yield
    }) : () -> ()
    %add3A_12 = arith.constant 4608 : i32
    %add3A_13 = arith.addi %mul3A_9, %add3A_12 : i32
    "tpu.region"() ({
      %run_scoped3A = tpu.sem_alloc : memref<!tpu.dma_semaphore, #tpu.memory_space<semaphore_mem>>
      %dma_start3A_347 = arith.constant 0 : i32
      %dma_start3A_348 = tpu.memref_slice %arg36[%dma_start3A_347] : memref<4608xf32, #tpu.memory_space<vmem>> -> memref<1648xf32, #tpu.memory_space<vmem>>
      %dma_start3A_349 = tpu.memref_slice %arg38[%add3A_13] : memref<100096xf32, #tpu.memory_space<vmem_shared>> -> memref<1648xf32, #tpu.memory_space<vmem_shared>>
      %dma_start3A_350 = tpu.memref_slice %arg38[%add3A_13] : memref<100096xf32, #tpu.memory_space<vmem_shared>> -> memref<1648xf32, #tpu.memory_space<vmem_shared>>
      %dma_start3A_351 = arith.constant 0 : i32
      %dma_start3A_352 = tpu.memref_slice %arg36[%dma_start3A_351] : memref<4608xf32, #tpu.memory_space<vmem>> -> memref<1648xf32, #tpu.memory_space<vmem>>
      tpu.enqueue_dma source(%dma_start3A_352 : memref<1648xf32, #tpu.memory_space<vmem>>) target(%dma_start3A_350 : memref<1648xf32, #tpu.memory_space<vmem_shared>>) target_semaphore(%run_scoped3A : memref<!tpu.dma_semaphore, #tpu.memory_space<semaphore_mem>>)
      %dma_wait3A_353 = arith.constant 0 : i32
      %dma_wait3A_354 = tpu.memref_slice %arg36[%dma_wait3A_353] : memref<4608xf32, #tpu.memory_space<vmem>> -> memref<1648xf32, #tpu.memory_space<vmem>>
      %dma_wait3A_355 = tpu.memref_slice %arg38[%add3A_13] : memref<100096xf32, #tpu.memory_space<vmem_shared>> -> memref<1648xf32, #tpu.memory_space<vmem_shared>>
      %dma_wait3A_356 = tpu.memref_slice %arg38[%add3A_13] : memref<100096xf32, #tpu.memory_space<vmem_shared>> -> memref<1648xf32, #tpu.memory_space<vmem_shared>>
      %dma_wait3A_357 = arith.constant 0 : i32
      %dma_wait3A_358 = tpu.memref_slice %arg36[%dma_wait3A_357] : memref<4608xf32, #tpu.memory_space<vmem>> -> memref<1648xf32, #tpu.memory_space<vmem>>
      tpu.wait_dma2 semaphore(%run_scoped3A : memref<!tpu.dma_semaphore, #tpu.memory_space<semaphore_mem>>) src(%dma_wait3A_358 : memref<1648xf32, #tpu.memory_space<vmem>>) dst(%dma_wait3A_356 : memref<1648xf32, #tpu.memory_space<vmem_shared>>)
      tpu.yield
    }) : () -> ()
    %add3A_14 = arith.constant 0 : i32
    %add3A_15 = arith.addi %mul3A_9, %add3A_14 : i32
    "tpu.region"() ({
      %run_scoped3A = tpu.sem_alloc : memref<!tpu.dma_semaphore, #tpu.memory_space<semaphore_mem>>
      %dma_start3A_347 = arith.constant 0 : i32
      %dma_start3A_348 = tpu.memref_slice %arg36[%dma_start3A_347] : memref<4608xf32, #tpu.memory_space<vmem>> -> memref<4608xf32, #tpu.memory_space<vmem>>
      %dma_start3A_349 = tpu.memref_slice %arg39[%add3A_15] : memref<100096xf32, #tpu.memory_space<vmem_shared>> -> memref<4608xf32, #tpu.memory_space<vmem_shared>>
      %dma_start3A_350 = tpu.memref_slice %arg39[%add3A_15] : memref<100096xf32, #tpu.memory_space<vmem_shared>> -> memref<4608xf32, #tpu.memory_space<vmem_shared>>
      %dma_start3A_351 = arith.constant 0 : i32
      %dma_start3A_352 = tpu.memref_slice %arg36[%dma_start3A_351] : memref<4608xf32, #tpu.memory_space<vmem>> -> memref<4608xf32, #tpu.memory_space<vmem>>
      tpu.enqueue_dma source(%dma_start3A_352 : memref<4608xf32, #tpu.memory_space<vmem>>) target(%dma_start3A_350 : memref<4608xf32, #tpu.memory_space<vmem_shared>>) target_semaphore(%run_scoped3A : memref<!tpu.dma_semaphore, #tpu.memory_space<semaphore_mem>>)
      %dma_wait3A_353 = arith.constant 0 : i32
      %dma_wait3A_354 = tpu.memref_slice %arg36[%dma_wait3A_353] : memref<4608xf32, #tpu.memory_space<vmem>> -> memref<4608xf32, #tpu.memory_space<vmem>>
      %dma_wait3A_355 = tpu.memref_slice %arg39[%add3A_15] : memref<100096xf32, #tpu.memory_space<vmem_shared>> -> memref<4608xf32, #tpu.memory_space<vmem_shared>>
      %dma_wait3A_356 = tpu.memref_slice %arg39[%add3A_15] : memref<100096xf32, #tpu.memory_space<vmem_shared>> -> memref<4608xf32, #tpu.memory_space<vmem_shared>>
      %dma_wait3A_357 = arith.constant 0 : i32
      %dma_wait3A_358 = tpu.memref_slice %arg36[%dma_wait3A_357] : memref<4608xf32, #tpu.memory_space<vmem>> -> memref<4608xf32, #tpu.memory_space<vmem>>
      tpu.wait_dma2 semaphore(%run_scoped3A : memref<!tpu.dma_semaphore, #tpu.memory_space<semaphore_mem>>) src(%dma_wait3A_358 : memref<4608xf32, #tpu.memory_space<vmem>>) dst(%dma_wait3A_356 : memref<4608xf32, #tpu.memory_space<vmem_shared>>)
      tpu.yield
    }) : () -> ()
    %add3A_16 = arith.constant 4608 : i32
    %add3A_17 = arith.addi %mul3A_9, %add3A_16 : i32
    "tpu.region"() ({
      %run_scoped3A = tpu.sem_alloc : memref<!tpu.dma_semaphore, #tpu.memory_space<semaphore_mem>>
      %dma_start3A_347 = arith.constant 0 : i32
      %dma_start3A_348 = tpu.memref_slice %arg36[%dma_start3A_347] : memref<4608xf32, #tpu.memory_space<vmem>> -> memref<1648xf32, #tpu.memory_space<vmem>>
      %dma_start3A_349 = tpu.memref_slice %arg39[%add3A_17] : memref<100096xf32, #tpu.memory_space<vmem_shared>> -> memref<1648xf32, #tpu.memory_space<vmem_shared>>
      %dma_start3A_350 = tpu.memref_slice %arg39[%add3A_17] : memref<100096xf32, #tpu.memory_space<vmem_shared>> -> memref<1648xf32, #tpu.memory_space<vmem_shared>>
      %dma_start3A_351 = arith.constant 0 : i32
      %dma_start3A_352 = tpu.memref_slice %arg36[%dma_start3A_351] : memref<4608xf32, #tpu.memory_space<vmem>> -> memref<1648xf32, #tpu.memory_space<vmem>>
      tpu.enqueue_dma source(%dma_start3A_352 : memref<1648xf32, #tpu.memory_space<vmem>>) target(%dma_start3A_350 : memref<1648xf32, #tpu.memory_space<vmem_shared>>) target_semaphore(%run_scoped3A : memref<!tpu.dma_semaphore, #tpu.memory_space<semaphore_mem>>)
      %dma_wait3A_353 = arith.constant 0 : i32
      %dma_wait3A_354 = tpu.memref_slice %arg36[%dma_wait3A_353] : memref<4608xf32, #tpu.memory_space<vmem>> -> memref<1648xf32, #tpu.memory_space<vmem>>
      %dma_wait3A_355 = tpu.memref_slice %arg39[%add3A_17] : memref<100096xf32, #tpu.memory_space<vmem_shared>> -> memref<1648xf32, #tpu.memory_space<vmem_shared>>
      %dma_wait3A_356 = tpu.memref_slice %arg39[%add3A_17] : memref<100096xf32, #tpu.memory_space<vmem_shared>> -> memref<1648xf32, #tpu.memory_space<vmem_shared>>
      %dma_wait3A_357 = arith.constant 0 : i32
      %dma_wait3A_358 = tpu.memref_slice %arg36[%dma_wait3A_357] : memref<4608xf32, #tpu.memory_space<vmem>> -> memref<1648xf32, #tpu.memory_space<vmem>>
      tpu.wait_dma2 semaphore(%run_scoped3A : memref<!tpu.dma_semaphore, #tpu.memory_space<semaphore_mem>>) src(%dma_wait3A_358 : memref<1648xf32, #tpu.memory_space<vmem>>) dst(%dma_wait3A_356 : memref<1648xf32, #tpu.memory_space<vmem_shared>>)
      tpu.yield
    }) : () -> ()
    %add3A_18 = arith.constant 0 : i32
    %add3A_19 = arith.addi %mul3A_9, %add3A_18 : i32
    "tpu.region"() ({
      %run_scoped3A = tpu.sem_alloc : memref<!tpu.dma_semaphore, #tpu.memory_space<semaphore_mem>>
      %dma_start3A_347 = arith.constant 0 : i32
      %dma_start3A_348 = tpu.memref_slice %arg36[%dma_start3A_347] : memref<4608xf32, #tpu.memory_space<vmem>> -> memref<4608xf32, #tpu.memory_space<vmem>>
      %dma_start3A_349 = tpu.memref_slice %arg40[%add3A_19] : memref<100096xf32, #tpu.memory_space<vmem_shared>> -> memref<4608xf32, #tpu.memory_space<vmem_shared>>
      %dma_start3A_350 = tpu.memref_slice %arg40[%add3A_19] : memref<100096xf32, #tpu.memory_space<vmem_shared>> -> memref<4608xf32, #tpu.memory_space<vmem_shared>>
      %dma_start3A_351 = arith.constant 0 : i32
      %dma_start3A_352 = tpu.memref_slice %arg36[%dma_start3A_351] : memref<4608xf32, #tpu.memory_space<vmem>> -> memref<4608xf32, #tpu.memory_space<vmem>>
      tpu.enqueue_dma source(%dma_start3A_352 : memref<4608xf32, #tpu.memory_space<vmem>>) target(%dma_start3A_350 : memref<4608xf32, #tpu.memory_space<vmem_shared>>) target_semaphore(%run_scoped3A : memref<!tpu.dma_semaphore, #tpu.memory_space<semaphore_mem>>)
      %dma_wait3A_353 = arith.constant 0 : i32
      %dma_wait3A_354 = tpu.memref_slice %arg36[%dma_wait3A_353] : memref<4608xf32, #tpu.memory_space<vmem>> -> memref<4608xf32, #tpu.memory_space<vmem>>
      %dma_wait3A_355 = tpu.memref_slice %arg40[%add3A_19] : memref<100096xf32, #tpu.memory_space<vmem_shared>> -> memref<4608xf32, #tpu.memory_space<vmem_shared>>
      %dma_wait3A_356 = tpu.memref_slice %arg40[%add3A_19] : memref<100096xf32, #tpu.memory_space<vmem_shared>> -> memref<4608xf32, #tpu.memory_space<vmem_shared>>
      %dma_wait3A_357 = arith.constant 0 : i32
      %dma_wait3A_358 = tpu.memref_slice %arg36[%dma_wait3A_357] : memref<4608xf32, #tpu.memory_space<vmem>> -> memref<4608xf32, #tpu.memory_space<vmem>>
      tpu.wait_dma2 semaphore(%run_scoped3A : memref<!tpu.dma_semaphore, #tpu.memory_space<semaphore_mem>>) src(%dma_wait3A_358 : memref<4608xf32, #tpu.memory_space<vmem>>) dst(%dma_wait3A_356 : memref<4608xf32, #tpu.memory_space<vmem_shared>>)
      tpu.yield
    }) : () -> ()
    %add3A_20 = arith.constant 4608 : i32
    %add3A_21 = arith.addi %mul3A_9, %add3A_20 : i32
    "tpu.region"() ({
      %run_scoped3A = tpu.sem_alloc : memref<!tpu.dma_semaphore, #tpu.memory_space<semaphore_mem>>
      %dma_start3A_347 = arith.constant 0 : i32
      %dma_start3A_348 = tpu.memref_slice %arg36[%dma_start3A_347] : memref<4608xf32, #tpu.memory_space<vmem>> -> memref<1648xf32, #tpu.memory_space<vmem>>
      %dma_start3A_349 = tpu.memref_slice %arg40[%add3A_21] : memref<100096xf32, #tpu.memory_space<vmem_shared>> -> memref<1648xf32, #tpu.memory_space<vmem_shared>>
      %dma_start3A_350 = tpu.memref_slice %arg40[%add3A_21] : memref<100096xf32, #tpu.memory_space<vmem_shared>> -> memref<1648xf32, #tpu.memory_space<vmem_shared>>
      %dma_start3A_351 = arith.constant 0 : i32
      %dma_start3A_352 = tpu.memref_slice %arg36[%dma_start3A_351] : memref<4608xf32, #tpu.memory_space<vmem>> -> memref<1648xf32, #tpu.memory_space<vmem>>
      tpu.enqueue_dma source(%dma_start3A_352 : memref<1648xf32, #tpu.memory_space<vmem>>) target(%dma_start3A_350 : memref<1648xf32, #tpu.memory_space<vmem_shared>>) target_semaphore(%run_scoped3A : memref<!tpu.dma_semaphore, #tpu.memory_space<semaphore_mem>>)
      %dma_wait3A_353 = arith.constant 0 : i32
      %dma_wait3A_354 = tpu.memref_slice %arg36[%dma_wait3A_353] : memref<4608xf32, #tpu.memory_space<vmem>> -> memref<1648xf32, #tpu.memory_space<vmem>>
      %dma_wait3A_355 = tpu.memref_slice %arg40[%add3A_21] : memref<100096xf32, #tpu.memory_space<vmem_shared>> -> memref<1648xf32, #tpu.memory_space<vmem_shared>>
      %dma_wait3A_356 = tpu.memref_slice %arg40[%add3A_21] : memref<100096xf32, #tpu.memory_space<vmem_shared>> -> memref<1648xf32, #tpu.memory_space<vmem_shared>>
      %dma_wait3A_357 = arith.constant 0 : i32
      %dma_wait3A_358 = tpu.memref_slice %arg36[%dma_wait3A_357] : memref<4608xf32, #tpu.memory_space<vmem>> -> memref<1648xf32, #tpu.memory_space<vmem>>
      tpu.wait_dma2 semaphore(%run_scoped3A : memref<!tpu.dma_semaphore, #tpu.memory_space<semaphore_mem>>) src(%dma_wait3A_358 : memref<1648xf32, #tpu.memory_space<vmem>>) dst(%dma_wait3A_356 : memref<1648xf32, #tpu.memory_space<vmem_shared>>)
      tpu.yield
    }) : () -> ()
    %add3A_22 = arith.constant 0 : i32
    %add3A_23 = arith.addi %mul3A_9, %add3A_22 : i32
    "tpu.region"() ({
      %run_scoped3A = tpu.sem_alloc : memref<!tpu.dma_semaphore, #tpu.memory_space<semaphore_mem>>
      %dma_start3A_347 = tpu.memref_slice %arg7[%add3A_23] : memref<100096xi32, #tpu.memory_space<hbm>> -> memref<1600xi32, #tpu.memory_space<hbm>>
      %dma_start3A_348 = tpu.memref_slice %arg7[%add3A_23] : memref<100096xi32, #tpu.memory_space<hbm>> -> memref<1600xi32, #tpu.memory_space<hbm>>
      tpu.enqueue_dma source(%dma_start3A_348 : memref<1600xi32, #tpu.memory_space<hbm>>) target(%arg16 : memref<1600xi32, #tpu.memory_space<vmem>>) target_semaphore(%run_scoped3A : memref<!tpu.dma_semaphore, #tpu.memory_space<semaphore_mem>>)
      %dma_wait3A_349 = tpu.memref_slice %arg7[%add3A_23] : memref<100096xi32, #tpu.memory_space<hbm>> -> memref<1600xi32, #tpu.memory_space<hbm>>
      %dma_wait3A_350 = tpu.memref_slice %arg7[%add3A_23] : memref<100096xi32, #tpu.memory_space<hbm>> -> memref<1600xi32, #tpu.memory_space<hbm>>
      tpu.wait_dma2 semaphore(%run_scoped3A : memref<!tpu.dma_semaphore, #tpu.memory_space<semaphore_mem>>) src(%dma_wait3A_350 : memref<1600xi32, #tpu.memory_space<hbm>>) dst(%arg16 : memref<1600xi32, #tpu.memory_space<vmem>>)
      tpu.yield
    }) : () -> ()
    %add3A_24 = arith.constant 0 : i32
    %add3A_25 = arith.addi %mul3A_9, %add3A_24 : i32
    "tpu.region"() ({
      %run_scoped3A = tpu.sem_alloc : memref<!tpu.dma_semaphore, #tpu.memory_space<semaphore_mem>>
      %dma_start3A_347 = tpu.memref_slice %arg41[%add3A_25] : memref<100096xi32, #tpu.memory_space<vmem_shared>> -> memref<1600xi32, #tpu.memory_space<vmem_shared>>
      %dma_start3A_348 = tpu.memref_slice %arg41[%add3A_25] : memref<100096xi32, #tpu.memory_space<vmem_shared>> -> memref<1600xi32, #tpu.memory_space<vmem_shared>>
      tpu.enqueue_dma source(%arg16 : memref<1600xi32, #tpu.memory_space<vmem>>) target(%dma_start3A_348 : memref<1600xi32, #tpu.memory_space<vmem_shared>>) target_semaphore(%run_scoped3A : memref<!tpu.dma_semaphore, #tpu.memory_space<semaphore_mem>>)
      %dma_wait3A_349 = tpu.memref_slice %arg41[%add3A_25] : memref<100096xi32, #tpu.memory_space<vmem_shared>> -> memref<1600xi32, #tpu.memory_space<vmem_shared>>
      %dma_wait3A_350 = tpu.memref_slice %arg41[%add3A_25] : memref<100096xi32, #tpu.memory_space<vmem_shared>> -> memref<1600xi32, #tpu.memory_space<vmem_shared>>
      tpu.wait_dma2 semaphore(%run_scoped3A : memref<!tpu.dma_semaphore, #tpu.memory_space<semaphore_mem>>) src(%arg16 : memref<1600xi32, #tpu.memory_space<vmem>>) dst(%dma_wait3A_350 : memref<1600xi32, #tpu.memory_space<vmem_shared>>)
      tpu.yield
    }) : () -> ()
    %add3A_26 = arith.constant 1600 : i32
    %add3A_27 = arith.addi %mul3A_9, %add3A_26 : i32
    "tpu.region"() ({
      %run_scoped3A = tpu.sem_alloc : memref<!tpu.dma_semaphore, #tpu.memory_space<semaphore_mem>>
      %dma_start3A_347 = tpu.memref_slice %arg7[%add3A_27] : memref<100096xi32, #tpu.memory_space<hbm>> -> memref<1600xi32, #tpu.memory_space<hbm>>
      %dma_start3A_348 = tpu.memref_slice %arg7[%add3A_27] : memref<100096xi32, #tpu.memory_space<hbm>> -> memref<1600xi32, #tpu.memory_space<hbm>>
      tpu.enqueue_dma source(%dma_start3A_348 : memref<1600xi32, #tpu.memory_space<hbm>>) target(%arg16 : memref<1600xi32, #tpu.memory_space<vmem>>) target_semaphore(%run_scoped3A : memref<!tpu.dma_semaphore, #tpu.memory_space<semaphore_mem>>)
      %dma_wait3A_349 = tpu.memref_slice %arg7[%add3A_27] : memref<100096xi32, #tpu.memory_space<hbm>> -> memref<1600xi32, #tpu.memory_space<hbm>>
      %dma_wait3A_350 = tpu.memref_slice %arg7[%add3A_27] : memref<100096xi32, #tpu.memory_space<hbm>> -> memref<1600xi32, #tpu.memory_space<hbm>>
      tpu.wait_dma2 semaphore(%run_scoped3A : memref<!tpu.dma_semaphore, #tpu.memory_space<semaphore_mem>>) src(%dma_wait3A_350 : memref<1600xi32, #tpu.memory_space<hbm>>) dst(%arg16 : memref<1600xi32, #tpu.memory_space<vmem>>)
      tpu.yield
    }) : () -> ()
    %add3A_28 = arith.constant 1600 : i32
    %add3A_29 = arith.addi %mul3A_9, %add3A_28 : i32
    "tpu.region"() ({
      %run_scoped3A = tpu.sem_alloc : memref<!tpu.dma_semaphore, #tpu.memory_space<semaphore_mem>>
      %dma_start3A_347 = tpu.memref_slice %arg41[%add3A_29] : memref<100096xi32, #tpu.memory_space<vmem_shared>> -> memref<1600xi32, #tpu.memory_space<vmem_shared>>
      %dma_start3A_348 = tpu.memref_slice %arg41[%add3A_29] : memref<100096xi32, #tpu.memory_space<vmem_shared>> -> memref<1600xi32, #tpu.memory_space<vmem_shared>>
      tpu.enqueue_dma source(%arg16 : memref<1600xi32, #tpu.memory_space<vmem>>) target(%dma_start3A_348 : memref<1600xi32, #tpu.memory_space<vmem_shared>>) target_semaphore(%run_scoped3A : memref<!tpu.dma_semaphore, #tpu.memory_space<semaphore_mem>>)
      %dma_wait3A_349 = tpu.memref_slice %arg41[%add3A_29] : memref<100096xi32, #tpu.memory_space<vmem_shared>> -> memref<1600xi32, #tpu.memory_space<vmem_shared>>
      %dma_wait3A_350 = tpu.memref_slice %arg41[%add3A_29] : memref<100096xi32, #tpu.memory_space<vmem_shared>> -> memref<1600xi32, #tpu.memory_space<vmem_shared>>
      tpu.wait_dma2 semaphore(%run_scoped3A : memref<!tpu.dma_semaphore, #tpu.memory_space<semaphore_mem>>) src(%arg16 : memref<1600xi32, #tpu.memory_space<vmem>>) dst(%dma_wait3A_350 : memref<1600xi32, #tpu.memory_space<vmem_shared>>)
      tpu.yield
    }) : () -> ()
    %add3A_30 = arith.constant 3200 : i32
    %add3A_31 = arith.addi %mul3A_9, %add3A_30 : i32
    "tpu.region"() ({
      %run_scoped3A = tpu.sem_alloc : memref<!tpu.dma_semaphore, #tpu.memory_space<semaphore_mem>>
      %dma_start3A_347 = tpu.memref_slice %arg7[%add3A_31] : memref<100096xi32, #tpu.memory_space<hbm>> -> memref<1600xi32, #tpu.memory_space<hbm>>
      %dma_start3A_348 = tpu.memref_slice %arg7[%add3A_31] : memref<100096xi32, #tpu.memory_space<hbm>> -> memref<1600xi32, #tpu.memory_space<hbm>>
      tpu.enqueue_dma source(%dma_start3A_348 : memref<1600xi32, #tpu.memory_space<hbm>>) target(%arg16 : memref<1600xi32, #tpu.memory_space<vmem>>) target_semaphore(%run_scoped3A : memref<!tpu.dma_semaphore, #tpu.memory_space<semaphore_mem>>)
      %dma_wait3A_349 = tpu.memref_slice %arg7[%add3A_31] : memref<100096xi32, #tpu.memory_space<hbm>> -> memref<1600xi32, #tpu.memory_space<hbm>>
      %dma_wait3A_350 = tpu.memref_slice %arg7[%add3A_31] : memref<100096xi32, #tpu.memory_space<hbm>> -> memref<1600xi32, #tpu.memory_space<hbm>>
      tpu.wait_dma2 semaphore(%run_scoped3A : memref<!tpu.dma_semaphore, #tpu.memory_space<semaphore_mem>>) src(%dma_wait3A_350 : memref<1600xi32, #tpu.memory_space<hbm>>) dst(%arg16 : memref<1600xi32, #tpu.memory_space<vmem>>)
      tpu.yield
    }) : () -> ()
    %add3A_32 = arith.constant 3200 : i32
    %add3A_33 = arith.addi %mul3A_9, %add3A_32 : i32
    "tpu.region"() ({
      %run_scoped3A = tpu.sem_alloc : memref<!tpu.dma_semaphore, #tpu.memory_space<semaphore_mem>>
      %dma_start3A_347 = tpu.memref_slice %arg41[%add3A_33] : memref<100096xi32, #tpu.memory_space<vmem_shared>> -> memref<1600xi32, #tpu.memory_space<vmem_shared>>
      %dma_start3A_348 = tpu.memref_slice %arg41[%add3A_33] : memref<100096xi32, #tpu.memory_space<vmem_shared>> -> memref<1600xi32, #tpu.memory_space<vmem_shared>>
      tpu.enqueue_dma source(%arg16 : memref<1600xi32, #tpu.memory_space<vmem>>) target(%dma_start3A_348 : memref<1600xi32, #tpu.memory_space<vmem_shared>>) target_semaphore(%run_scoped3A : memref<!tpu.dma_semaphore, #tpu.memory_space<semaphore_mem>>)
      %dma_wait3A_349 = tpu.memref_slice %arg41[%add3A_33] : memref<100096xi32, #tpu.memory_space<vmem_shared>> -> memref<1600xi32, #tpu.memory_space<vmem_shared>>
      %dma_wait3A_350 = tpu.memref_slice %arg41[%add3A_33] : memref<100096xi32, #tpu.memory_space<vmem_shared>> -> memref<1600xi32, #tpu.memory_space<vmem_shared>>
      tpu.wait_dma2 semaphore(%run_scoped3A : memref<!tpu.dma_semaphore, #tpu.memory_space<semaphore_mem>>) src(%arg16 : memref<1600xi32, #tpu.memory_space<vmem>>) dst(%dma_wait3A_350 : memref<1600xi32, #tpu.memory_space<vmem_shared>>)
      tpu.yield
    }) : () -> ()
    %add3A_34 = arith.constant 4800 : i32
    %add3A_35 = arith.addi %mul3A_9, %add3A_34 : i32
    "tpu.region"() ({
      %run_scoped3A = tpu.sem_alloc : memref<!tpu.dma_semaphore, #tpu.memory_space<semaphore_mem>>
      %dma_start3A_347 = arith.constant 0 : i32
      %dma_start3A_348 = tpu.memref_slice %arg16[%dma_start3A_347] : memref<1600xi32, #tpu.memory_space<vmem>> -> memref<1456xi32, #tpu.memory_space<vmem>>
      %dma_start3A_349 = tpu.memref_slice %arg7[%add3A_35] : memref<100096xi32, #tpu.memory_space<hbm>> -> memref<1456xi32, #tpu.memory_space<hbm>>
      %dma_start3A_350 = arith.constant 0 : i32
      %dma_start3A_351 = tpu.memref_slice %arg16[%dma_start3A_350] : memref<1600xi32, #tpu.memory_space<vmem>> -> memref<1456xi32, #tpu.memory_space<vmem>>
      %dma_start3A_352 = tpu.memref_slice %arg7[%add3A_35] : memref<100096xi32, #tpu.memory_space<hbm>> -> memref<1456xi32, #tpu.memory_space<hbm>>
      tpu.enqueue_dma source(%dma_start3A_352 : memref<1456xi32, #tpu.memory_space<hbm>>) target(%dma_start3A_351 : memref<1456xi32, #tpu.memory_space<vmem>>) target_semaphore(%run_scoped3A : memref<!tpu.dma_semaphore, #tpu.memory_space<semaphore_mem>>)
      %dma_wait3A_353 = arith.constant 0 : i32
      %dma_wait3A_354 = tpu.memref_slice %arg16[%dma_wait3A_353] : memref<1600xi32, #tpu.memory_space<vmem>> -> memref<1456xi32, #tpu.memory_space<vmem>>
      %dma_wait3A_355 = tpu.memref_slice %arg7[%add3A_35] : memref<100096xi32, #tpu.memory_space<hbm>> -> memref<1456xi32, #tpu.memory_space<hbm>>
      %dma_wait3A_356 = arith.constant 0 : i32
      %dma_wait3A_357 = tpu.memref_slice %arg16[%dma_wait3A_356] : memref<1600xi32, #tpu.memory_space<vmem>> -> memref<1456xi32, #tpu.memory_space<vmem>>
      %dma_wait3A_358 = tpu.memref_slice %arg7[%add3A_35] : memref<100096xi32, #tpu.memory_space<hbm>> -> memref<1456xi32, #tpu.memory_space<hbm>>
      tpu.wait_dma2 semaphore(%run_scoped3A : memref<!tpu.dma_semaphore, #tpu.memory_space<semaphore_mem>>) src(%dma_wait3A_358 : memref<1456xi32, #tpu.memory_space<hbm>>) dst(%dma_wait3A_357 : memref<1456xi32, #tpu.memory_space<vmem>>)
      tpu.yield
    }) : () -> ()
    %add3A_36 = arith.constant 4800 : i32
    %add3A_37 = arith.addi %mul3A_9, %add3A_36 : i32
    "tpu.region"() ({
      %run_scoped3A = tpu.sem_alloc : memref<!tpu.dma_semaphore, #tpu.memory_space<semaphore_mem>>
      %dma_start3A_347 = arith.constant 0 : i32
      %dma_start3A_348 = tpu.memref_slice %arg16[%dma_start3A_347] : memref<1600xi32, #tpu.memory_space<vmem>> -> memref<1456xi32, #tpu.memory_space<vmem>>
      %dma_start3A_349 = tpu.memref_slice %arg41[%add3A_37] : memref<100096xi32, #tpu.memory_space<vmem_shared>> -> memref<1456xi32, #tpu.memory_space<vmem_shared>>
      %dma_start3A_350 = tpu.memref_slice %arg41[%add3A_37] : memref<100096xi32, #tpu.memory_space<vmem_shared>> -> memref<1456xi32, #tpu.memory_space<vmem_shared>>
      %dma_start3A_351 = arith.constant 0 : i32
      %dma_start3A_352 = tpu.memref_slice %arg16[%dma_start3A_351] : memref<1600xi32, #tpu.memory_space<vmem>> -> memref<1456xi32, #tpu.memory_space<vmem>>
      tpu.enqueue_dma source(%dma_start3A_352 : memref<1456xi32, #tpu.memory_space<vmem>>) target(%dma_start3A_350 : memref<1456xi32, #tpu.memory_space<vmem_shared>>) target_semaphore(%run_scoped3A : memref<!tpu.dma_semaphore, #tpu.memory_space<semaphore_mem>>)
      %dma_wait3A_353 = arith.constant 0 : i32
      %dma_wait3A_354 = tpu.memref_slice %arg16[%dma_wait3A_353] : memref<1600xi32, #tpu.memory_space<vmem>> -> memref<1456xi32, #tpu.memory_space<vmem>>
      %dma_wait3A_355 = tpu.memref_slice %arg41[%add3A_37] : memref<100096xi32, #tpu.memory_space<vmem_shared>> -> memref<1456xi32, #tpu.memory_space<vmem_shared>>
      %dma_wait3A_356 = tpu.memref_slice %arg41[%add3A_37] : memref<100096xi32, #tpu.memory_space<vmem_shared>> -> memref<1456xi32, #tpu.memory_space<vmem_shared>>
      %dma_wait3A_357 = arith.constant 0 : i32
      %dma_wait3A_358 = tpu.memref_slice %arg16[%dma_wait3A_357] : memref<1600xi32, #tpu.memory_space<vmem>> -> memref<1456xi32, #tpu.memory_space<vmem>>
      tpu.wait_dma2 semaphore(%run_scoped3A : memref<!tpu.dma_semaphore, #tpu.memory_space<semaphore_mem>>) src(%dma_wait3A_358 : memref<1456xi32, #tpu.memory_space<vmem>>) dst(%dma_wait3A_356 : memref<1456xi32, #tpu.memory_space<vmem_shared>>)
      tpu.yield
    }) : () -> ()
    %scan3A_38 = arith.constant 0 : i32
    %scan3A_39 = arith.constant 0 : i32
    %scan3A_40 = arith.constant 256 : i32
    %scan3A_41 = arith.addi %scan3A_39, %scan3A_40 : i32
    %scan3A_42 = arith.constant 1 : i32
    %scan3A_43 = scf.for %scan3A_347 = %scan3A_39 to %scan3A_41 step %scan3A_42 iter_args(%scan3A_348 = %scan3A_38) -> (i32)  : i32 {
      %mul3A_349 = arith.constant 16 : i32
      %mul3A_350 = arith.muli %scan3A_347, %mul3A_349 : i32
      %add3A_351 = arith.constant 0 : i32
      %add3A_352 = arith.addi %mul3A_350, %add3A_351 : i32
      %swap3A = arith.index_cast %add3A_352 : i32 to index
      %swap3A_353 = tpu.vector_load %arg35[%swap3A] {strides = array<i32>} : memref<36864xf32, #tpu.memory_space<vmem>>, vector<16xf32>,
      tpu.vector_store %arg35[%swap3A], %broadcast_in_dim3A_1 {strides = array<i32>} : memref<36864xf32, #tpu.memory_space<vmem>>, vector<16xf32>,
      %mul3A_354 = arith.constant 16 : i32
      %mul3A_355 = arith.muli %scan3A_347, %mul3A_354 : i32
      %add3A_356 = arith.constant 4096 : i32
      %add3A_357 = arith.addi %mul3A_355, %add3A_356 : i32
      %swap3A_358 = arith.index_cast %add3A_357 : i32 to index
      %swap3A_359 = tpu.vector_load %arg35[%swap3A_358] {strides = array<i32>} : memref<36864xf32, #tpu.memory_space<vmem>>, vector<16xf32>,
      tpu.vector_store %arg35[%swap3A_358], %broadcast_in_dim3A_1 {strides = array<i32>} : memref<36864xf32, #tpu.memory_space<vmem>>, vector<16xf32>,
      %mul3A_360 = arith.constant 16 : i32
      %mul3A_361 = arith.muli %scan3A_347, %mul3A_360 : i32
      %add3A_362 = arith.constant 8192 : i32
      %add3A_363 = arith.addi %mul3A_361, %add3A_362 : i32
      %swap3A_364 = arith.index_cast %add3A_363 : i32 to index
      %swap3A_365 = tpu.vector_load %arg35[%swap3A_364] {strides = array<i32>} : memref<36864xf32, #tpu.memory_space<vmem>>, vector<16xf32>,
      tpu.vector_store %arg35[%swap3A_364], %broadcast_in_dim3A_1 {strides = array<i32>} : memref<36864xf32, #tpu.memory_space<vmem>>, vector<16xf32>,
      %mul3A_366 = arith.constant 16 : i32
      %mul3A_367 = arith.muli %scan3A_347, %mul3A_366 : i32
      %add3A_368 = arith.constant 12288 : i32
      %add3A_369 = arith.addi %mul3A_367, %add3A_368 : i32
      %swap3A_370 = arith.index_cast %add3A_369 : i32 to index
      %swap3A_371 = tpu.vector_load %arg35[%swap3A_370] {strides = array<i32>} : memref<36864xf32, #tpu.memory_space<vmem>>, vector<16xf32>,
      tpu.vector_store %arg35[%swap3A_370], %broadcast_in_dim3A_1 {strides = array<i32>} : memref<36864xf32, #tpu.memory_space<vmem>>, vector<16xf32>,
      %mul3A_372 = arith.constant 16 : i32
      %mul3A_373 = arith.muli %scan3A_347, %mul3A_372 : i32
      %add3A_374 = arith.constant 16384 : i32
      %add3A_375 = arith.addi %mul3A_373, %add3A_374 : i32
      %swap3A_376 = arith.index_cast %add3A_375 : i32 to index
      %swap3A_377 = tpu.vector_load %arg35[%swap3A_376] {strides = array<i32>} : memref<36864xf32, #tpu.memory_space<vmem>>, vector<16xf32>,
      tpu.vector_store %arg35[%swap3A_376], %broadcast_in_dim3A_1 {strides = array<i32>} : memref<36864xf32, #tpu.memory_space<vmem>>, vector<16xf32>,
      %mul3A_378 = arith.constant 16 : i32
      %mul3A_379 = arith.muli %scan3A_347, %mul3A_378 : i32
      %add3A_380 = arith.constant 20480 : i32
      %add3A_381 = arith.addi %mul3A_379, %add3A_380 : i32
      %swap3A_382 = arith.index_cast %add3A_381 : i32 to index
      %swap3A_383 = tpu.vector_load %arg35[%swap3A_382] {strides = array<i32>} : memref<36864xf32, #tpu.memory_space<vmem>>, vector<16xf32>,
      tpu.vector_store %arg35[%swap3A_382], %broadcast_in_dim3A_1 {strides = array<i32>} : memref<36864xf32, #tpu.memory_space<vmem>>, vector<16xf32>,
      %mul3A_384 = arith.constant 16 : i32
      %mul3A_385 = arith.muli %scan3A_347, %mul3A_384 : i32
      %add3A_386 = arith.constant 24576 : i32
      %add3A_387 = arith.addi %mul3A_385, %add3A_386 : i32
      %swap3A_388 = arith.index_cast %add3A_387 : i32 to index
      %swap3A_389 = tpu.vector_load %arg35[%swap3A_388] {strides = array<i32>} : memref<36864xf32, #tpu.memory_space<vmem>>, vector<16xf32>,
      tpu.vector_store %arg35[%swap3A_388], %broadcast_in_dim3A_1 {strides = array<i32>} : memref<36864xf32, #tpu.memory_space<vmem>>, vector<16xf32>,
      %mul3A_390 = arith.constant 16 : i32
      %mul3A_391 = arith.muli %scan3A_347, %mul3A_390 : i32
      %add3A_392 = arith.constant 28672 : i32
      %add3A_393 = arith.addi %mul3A_391, %add3A_392 : i32
      %swap3A_394 = arith.index_cast %add3A_393 : i32 to index
      %swap3A_395 = tpu.vector_load %arg35[%swap3A_394] {strides = array<i32>} : memref<36864xf32, #tpu.memory_space<vmem>>, vector<16xf32>,
      tpu.vector_store %arg35[%swap3A_394], %broadcast_in_dim3A_1 {strides = array<i32>} : memref<36864xf32, #tpu.memory_space<vmem>>, vector<16xf32>,
      %mul3A_396 = arith.constant 16 : i32
      %mul3A_397 = arith.muli %scan3A_347, %mul3A_396 : i32
      %add3A_398 = arith.constant 32768 : i32
      %add3A_399 = arith.addi %mul3A_397, %add3A_398 : i32
      %swap3A_400 = arith.index_cast %add3A_399 : i32 to index
      %swap3A_401 = tpu.vector_load %arg35[%swap3A_400] {strides = array<i32>} : memref<36864xf32, #tpu.memory_space<vmem>>, vector<16xf32>,
      tpu.vector_store %arg35[%swap3A_400], %broadcast_in_dim3A_1 {strides = array<i32>} : memref<36864xf32, #tpu.memory_space<vmem>>, vector<16xf32>,
      %scan3A_402 = arith.constant 0 : i32
      scf.yield %scan3A_402 : i32
    }
    %scan3A_44 = arith.constant 256 : i32
    %barrier3A = arith.constant 0 : index
    tpu.barrier barrier_id(%barrier3A)
    %mul3A_45 = arith.constant 200000 : i32
    %mul3A_46 = arith.muli %add3A, %mul3A_45 : i32
    %add3A_47 = arith.constant 0 : i32
    %add3A_48 = arith.addi %mul3A_46, %add3A_47 : i32
    %dma_start3A = tpu.memref_slice %arg2[%add3A_48] : memref<6400000xf32, #tpu.memory_space<hbm>> -> memref<1600xf32, #tpu.memory_space<hbm>>
    %dma_start3A_49 = tpu.memref_slice %arg2[%add3A_48] : memref<6400000xf32, #tpu.memory_space<hbm>> -> memref<1600xf32, #tpu.memory_space<hbm>>
    tpu.enqueue_dma source(%dma_start3A_49 : memref<1600xf32, #tpu.memory_space<hbm>>) target(%arg13 : memref<1600xf32, #tpu.memory_space<vmem>>) target_semaphore(%arg45 : memref<!tpu.dma_semaphore, #tpu.memory_space<semaphore_mem>>)
    %dma_start3A_50 = tpu.memref_slice %arg3[%add3A_48] : memref<6400000xf32, #tpu.memory_space<hbm>> -> memref<1600xf32, #tpu.memory_space<hbm>>
    %dma_start3A_51 = tpu.memref_slice %arg3[%add3A_48] : memref<6400000xf32, #tpu.memory_space<hbm>> -> memref<1600xf32, #tpu.memory_space<hbm>>
    tpu.enqueue_dma source(%dma_start3A_51 : memref<1600xf32, #tpu.memory_space<hbm>>) target(%arg14 : memref<1600xf32, #tpu.memory_space<vmem>>) target_semaphore(%arg45 : memref<!tpu.dma_semaphore, #tpu.memory_space<semaphore_mem>>)
    %dma_start3A_52 = tpu.memref_slice %arg4[%add3A_48] : memref<6400000xf32, #tpu.memory_space<hbm>> -> memref<1600xf32, #tpu.memory_space<hbm>>
    %dma_start3A_53 = tpu.memref_slice %arg4[%add3A_48] : memref<6400000xf32, #tpu.memory_space<hbm>> -> memref<1600xf32, #tpu.memory_space<hbm>>
    tpu.enqueue_dma source(%dma_start3A_53 : memref<1600xf32, #tpu.memory_space<hbm>>) target(%arg15 : memref<1600xf32, #tpu.memory_space<vmem>>) target_semaphore(%arg45 : memref<!tpu.dma_semaphore, #tpu.memory_space<semaphore_mem>>)
    %dma_start3A_54 = tpu.memref_slice %arg5[%add3A_48] : memref<6400000xi32, #tpu.memory_space<hbm>> -> memref<1600xi32, #tpu.memory_space<hbm>>
    %dma_start3A_55 = tpu.memref_slice %arg5[%add3A_48] : memref<6400000xi32, #tpu.memory_space<hbm>> -> memref<1600xi32, #tpu.memory_space<hbm>>
    tpu.enqueue_dma source(%dma_start3A_55 : memref<1600xi32, #tpu.memory_space<hbm>>) target(%arg16 : memref<1600xi32, #tpu.memory_space<vmem>>) target_semaphore(%arg45 : memref<!tpu.dma_semaphore, #tpu.memory_space<semaphore_mem>>)
    %dma_start3A_56 = tpu.memref_slice %arg6[%add3A_48] : memref<6400000xi32, #tpu.memory_space<hbm>> -> memref<1600xi32, #tpu.memory_space<hbm>>
    %dma_start3A_57 = tpu.memref_slice %arg6[%add3A_48] : memref<6400000xi32, #tpu.memory_space<hbm>> -> memref<1600xi32, #tpu.memory_space<hbm>>
    tpu.enqueue_dma source(%dma_start3A_57 : memref<1600xi32, #tpu.memory_space<hbm>>) target(%arg17 : memref<1600xi32, #tpu.memory_space<vmem>>) target_semaphore(%arg45 : memref<!tpu.dma_semaphore, #tpu.memory_space<semaphore_mem>>)
    %scan3A_58 = arith.constant 0 : i32
    %scan3A_59 = arith.constant 0 : i32
    %scan3A_60 = arith.constant 62 : i32
    %scan3A_61 = arith.addi %scan3A_59, %scan3A_60 : i32
    %scan3A_62 = arith.constant 1 : i32
    %scan3A_63 = scf.for %scan3A_347 = %scan3A_59 to %scan3A_61 step %scan3A_62 iter_args(%scan3A_348 = %scan3A_58) -> (i32)  : i32 {
      %mul3A_349 = arith.constant 2 : i32
      %mul3A_350 = arith.muli %scan3A_347, %mul3A_349 : i32
      %eq3A = arith.constant 0 : i32
      %eq3A_351 = arith.cmpi eq, %scan3A_347, %eq3A : i32
      %convert_element_type3A = arith.extui %eq3A_351 : i1 to i32
      %cond3A = arith.constant 0 : i32
      %cond3A_352 = arith.cmpi ne, %convert_element_type3A, %cond3A : i32
      scf.if %cond3A_352 {
        %dma_wait3A_451 = arith.constant 0 : i32
        %dma_wait3A_452 = tpu.memref_slice %arg2[%dma_wait3A_451] : memref<6400000xf32, #tpu.memory_space<hbm>> -> memref<1600xf32, #tpu.memory_space<hbm>>
        %dma_wait3A_453 = arith.constant 0 : i32
        %dma_wait3A_454 = tpu.memref_slice %arg2[%dma_wait3A_453] : memref<6400000xf32, #tpu.memory_space<hbm>> -> memref<1600xf32, #tpu.memory_space<hbm>>
        tpu.wait_dma2 semaphore(%arg45 : memref<!tpu.dma_semaphore, #tpu.memory_space<semaphore_mem>>) src(%dma_wait3A_454 : memref<1600xf32, #tpu.memory_space<hbm>>) dst(%arg13 : memref<1600xf32, #tpu.memory_space<vmem>>)
        %dma_wait3A_455 = arith.constant 0 : i32
        %dma_wait3A_456 = tpu.memref_slice %arg3[%dma_wait3A_455] : memref<6400000xf32, #tpu.memory_space<hbm>> -> memref<1600xf32, #tpu.memory_space<hbm>>
        %dma_wait3A_457 = arith.constant 0 : i32
        %dma_wait3A_458 = tpu.memref_slice %arg3[%dma_wait3A_457] : memref<6400000xf32, #tpu.memory_space<hbm>> -> memref<1600xf32, #tpu.memory_space<hbm>>
        tpu.wait_dma2 semaphore(%arg45 : memref<!tpu.dma_semaphore, #tpu.memory_space<semaphore_mem>>) src(%dma_wait3A_458 : memref<1600xf32, #tpu.memory_space<hbm>>) dst(%arg14 : memref<1600xf32, #tpu.memory_space<vmem>>)
        %dma_wait3A_459 = arith.constant 0 : i32
        %dma_wait3A_460 = tpu.memref_slice %arg4[%dma_wait3A_459] : memref<6400000xf32, #tpu.memory_space<hbm>> -> memref<1600xf32, #tpu.memory_space<hbm>>
        %dma_wait3A_461 = arith.constant 0 : i32
        %dma_wait3A_462 = tpu.memref_slice %arg4[%dma_wait3A_461] : memref<6400000xf32, #tpu.memory_space<hbm>> -> memref<1600xf32, #tpu.memory_space<hbm>>
        tpu.wait_dma2 semaphore(%arg45 : memref<!tpu.dma_semaphore, #tpu.memory_space<semaphore_mem>>) src(%dma_wait3A_462 : memref<1600xf32, #tpu.memory_space<hbm>>) dst(%arg15 : memref<1600xf32, #tpu.memory_space<vmem>>)
        %dma_wait3A_463 = arith.constant 0 : i32
        %dma_wait3A_464 = tpu.memref_slice %arg5[%dma_wait3A_463] : memref<6400000xi32, #tpu.memory_space<hbm>> -> memref<1600xi32, #tpu.memory_space<hbm>>
        %dma_wait3A_465 = arith.constant 0 : i32
        %dma_wait3A_466 = tpu.memref_slice %arg5[%dma_wait3A_465] : memref<6400000xi32, #tpu.memory_space<hbm>> -> memref<1600xi32, #tpu.memory_space<hbm>>
        tpu.wait_dma2 semaphore(%arg45 : memref<!tpu.dma_semaphore, #tpu.memory_space<semaphore_mem>>) src(%dma_wait3A_466 : memref<1600xi32, #tpu.memory_space<hbm>>) dst(%arg16 : memref<1600xi32, #tpu.memory_space<vmem>>)
        %dma_wait3A_467 = arith.constant 0 : i32
        %dma_wait3A_468 = tpu.memref_slice %arg6[%dma_wait3A_467] : memref<6400000xi32, #tpu.memory_space<hbm>> -> memref<1600xi32, #tpu.memory_space<hbm>>
        %dma_wait3A_469 = arith.constant 0 : i32
        %dma_wait3A_470 = tpu.memref_slice %arg6[%dma_wait3A_469] : memref<6400000xi32, #tpu.memory_space<hbm>> -> memref<1600xi32, #tpu.memory_space<hbm>>
        tpu.wait_dma2 semaphore(%arg45 : memref<!tpu.dma_semaphore, #tpu.memory_space<semaphore_mem>>) src(%dma_wait3A_470 : memref<1600xi32, #tpu.memory_space<hbm>>) dst(%arg17 : memref<1600xi32, #tpu.memory_space<vmem>>)
        %add3A_471 = arith.constant 1 : i32
        %add3A_472 = arith.addi %mul3A_350, %add3A_471 : i32
        %mul3A_473 = arith.constant 200000 : i32
        %mul3A_474 = arith.muli %add3A, %mul3A_473 : i32
        %mul3A_475 = arith.constant 1600 : i32
        %mul3A_476 = arith.muli %add3A_472, %mul3A_475 : i32
        %add3A_477 = arith.addi %mul3A_474, %mul3A_476 : i32
        %dma_start3A_478 = tpu.memref_slice %arg2[%add3A_477] : memref<6400000xf32, #tpu.memory_space<hbm>> -> memref<1600xf32, #tpu.memory_space<hbm>>
        %dma_start3A_479 = tpu.memref_slice %arg2[%add3A_477] : memref<6400000xf32, #tpu.memory_space<hbm>> -> memref<1600xf32, #tpu.memory_space<hbm>>
        tpu.enqueue_dma source(%dma_start3A_479 : memref<1600xf32, #tpu.memory_space<hbm>>) target(%arg24 : memref<1600xf32, #tpu.memory_space<vmem>>) target_semaphore(%arg45 : memref<!tpu.dma_semaphore, #tpu.memory_space<semaphore_mem>>)
        %dma_start3A_480 = tpu.memref_slice %arg3[%add3A_477] : memref<6400000xf32, #tpu.memory_space<hbm>> -> memref<1600xf32, #tpu.memory_space<hbm>>
        %dma_start3A_481 = tpu.memref_slice %arg3[%add3A_477] : memref<6400000xf32, #tpu.memory_space<hbm>> -> memref<1600xf32, #tpu.memory_space<hbm>>
        tpu.enqueue_dma source(%dma_start3A_481 : memref<1600xf32, #tpu.memory_space<hbm>>) target(%arg25 : memref<1600xf32, #tpu.memory_space<vmem>>) target_semaphore(%arg45 : memref<!tpu.dma_semaphore, #tpu.memory_space<semaphore_mem>>)
        %dma_start3A_482 = tpu.memref_slice %arg4[%add3A_477] : memref<6400000xf32, #tpu.memory_space<hbm>> -> memref<1600xf32, #tpu.memory_space<hbm>>
        %dma_start3A_483 = tpu.memref_slice %arg4[%add3A_477] : memref<6400000xf32, #tpu.memory_space<hbm>> -> memref<1600xf32, #tpu.memory_space<hbm>>
        tpu.enqueue_dma source(%dma_start3A_483 : memref<1600xf32, #tpu.memory_space<hbm>>) target(%arg26 : memref<1600xf32, #tpu.memory_space<vmem>>) target_semaphore(%arg45 : memref<!tpu.dma_semaphore, #tpu.memory_space<semaphore_mem>>)
        %dma_start3A_484 = tpu.memref_slice %arg5[%add3A_477] : memref<6400000xi32, #tpu.memory_space<hbm>> -> memref<1600xi32, #tpu.memory_space<hbm>>
        %dma_start3A_485 = tpu.memref_slice %arg5[%add3A_477] : memref<6400000xi32, #tpu.memory_space<hbm>> -> memref<1600xi32, #tpu.memory_space<hbm>>
        tpu.enqueue_dma source(%dma_start3A_485 : memref<1600xi32, #tpu.memory_space<hbm>>) target(%arg27 : memref<1600xi32, #tpu.memory_space<vmem>>) target_semaphore(%arg45 : memref<!tpu.dma_semaphore, #tpu.memory_space<semaphore_mem>>)
        %dma_start3A_486 = tpu.memref_slice %arg6[%add3A_477] : memref<6400000xi32, #tpu.memory_space<hbm>> -> memref<1600xi32, #tpu.memory_space<hbm>>
        %dma_start3A_487 = tpu.memref_slice %arg6[%add3A_477] : memref<6400000xi32, #tpu.memory_space<hbm>> -> memref<1600xi32, #tpu.memory_space<hbm>>
        tpu.enqueue_dma source(%dma_start3A_487 : memref<1600xi32, #tpu.memory_space<hbm>>) target(%arg28 : memref<1600xi32, #tpu.memory_space<vmem>>) target_semaphore(%arg45 : memref<!tpu.dma_semaphore, #tpu.memory_space<semaphore_mem>>)
        %dma_start3A_488 = arith.constant 0 : i32
        %dma_start3A_489 = tpu.memref_slice %arg41[%dma_start3A_488] : memref<100096xi32, #tpu.memory_space<vmem_shared>> -> memref<100096xi32, #tpu.memory_space<vmem_shared>>
        tpu.enqueue_indirect_dma source(%dma_start3A_489 : memref<100096xi32, #tpu.memory_space<vmem_shared>>) target(%arg12 : memref<1600xi32, #tpu.memory_space<vmem>>) offsets(%arg16 : memref<1600xi32, #tpu.memory_space<vmem>>) semaphore(%arg43 : memref<!tpu.dma_semaphore, #tpu.memory_space<semaphore_mem>>)
        %scan3A_490 = arith.constant 0 : i32
        %scan3A_491 = arith.constant 0 : i32
        %scan3A_492 = arith.constant 100 : i32
        %scan3A_493 = arith.addi %scan3A_491, %scan3A_492 : i32
        %scan3A_494 = arith.constant 1 : i32
        %scan3A_495 = scf.for %scan3A_518 = %scan3A_491 to %scan3A_493 step %scan3A_494 iter_args(%scan3A_519 = %scan3A_490) -> (i32)  : i32 {
          %mul3A_520 = arith.constant 16 : i32
          %mul3A_521 = arith.muli %scan3A_518, %mul3A_520 : i32
          %get3A = arith.index_cast %mul3A_521 : i32 to index
          %get3A_522 = tpu.vector_load %arg13[%get3A] {strides = array<i32>} : memref<1600xf32, #tpu.memory_space<vmem>>, vector<16xf32>,
          %get3A_523 = arith.index_cast %mul3A_521 : i32 to index
          %get3A_524 = tpu.vector_load %arg14[%get3A_523] {strides = array<i32>} : memref<1600xf32, #tpu.memory_space<vmem>>, vector<16xf32>,
          %get3A_525 = arith.index_cast %mul3A_521 : i32 to index
          %get3A_526 = tpu.vector_load %arg15[%get3A_525] {strides = array<i32>} : memref<1600xf32, #tpu.memory_space<vmem>>, vector<16xf32>,
          %mul3A_527 = arith.mulf %get3A_522, %get3A_522 : vector<16xf32>
          %mul3A_528 = arith.mulf %get3A_524, %get3A_524 : vector<16xf32>
          %add3A_529 = arith.addf %mul3A_527, %mul3A_528 : vector<16xf32>
          %mul3A_530 = arith.mulf %get3A_526, %get3A_526 : vector<16xf32>
          %add3A_531 = arith.addf %add3A_529, %mul3A_530 : vector<16xf32>
          %mul3A_532 = arith.constant -5.000000e-01 : f32
          %mul3A_533 = vector.broadcast %mul3A_532 : f32 to vector<16xf32>
          %mul3A_534 = arith.mulf %mul3A_533, %add3A_531 : vector<16xf32>
          %exp3A = math.exp %mul3A_534 : vector<16xf32>
          %mul3A_535 = arith.mulf %get3A_522, %exp3A : vector<16xf32>
          %mul3A_536 = arith.mulf %get3A_524, %exp3A : vector<16xf32>
          %mul3A_537 = arith.mulf %get3A_526, %exp3A : vector<16xf32>
          %swap3A = arith.index_cast %mul3A_521 : i32 to index
          %swap3A_538 = tpu.vector_load %arg18[%swap3A] {strides = array<i32>} : memref<1600xf32, #tpu.memory_space<vmem>>, vector<16xf32>,
          tpu.vector_store %arg18[%swap3A], %mul3A_535 {strides = array<i32>} : memref<1600xf32, #tpu.memory_space<vmem>>, vector<16xf32>,
          %swap3A_539 = arith.index_cast %mul3A_521 : i32 to index
          %swap3A_540 = tpu.vector_load %arg19[%swap3A_539] {strides = array<i32>} : memref<1600xf32, #tpu.memory_space<vmem>>, vector<16xf32>,
          tpu.vector_store %arg19[%swap3A_539], %mul3A_536 {strides = array<i32>} : memref<1600xf32, #tpu.memory_space<vmem>>, vector<16xf32>,
          %swap3A_541 = arith.index_cast %mul3A_521 : i32 to index
          %swap3A_542 = tpu.vector_load %arg20[%swap3A_541] {strides = array<i32>} : memref<1600xf32, #tpu.memory_space<vmem>>, vector<16xf32>,
          tpu.vector_store %arg20[%swap3A_541], %mul3A_537 {strides = array<i32>} : memref<1600xf32, #tpu.memory_space<vmem>>, vector<16xf32>,
          %neg3A = arith.constant 0.000000e+00 : f32
          %neg3A_543 = vector.broadcast %neg3A : f32 to vector<16xf32>
          %neg3A_544 = arith.subf %neg3A_543, %mul3A_535 : vector<16xf32>
          %swap3A_545 = arith.index_cast %mul3A_521 : i32 to index
          %swap3A_546 = tpu.vector_load %arg21[%swap3A_545] {strides = array<i32>} : memref<1600xf32, #tpu.memory_space<vmem>>, vector<16xf32>,
          tpu.vector_store %arg21[%swap3A_545], %neg3A_544 {strides = array<i32>} : memref<1600xf32, #tpu.memory_space<vmem>>, vector<16xf32>,
          %neg3A_547 = arith.constant 0.000000e+00 : f32
          %neg3A_548 = vector.broadcast %neg3A_547 : f32 to vector<16xf32>
          %neg3A_549 = arith.subf %neg3A_548, %mul3A_536 : vector<16xf32>
          %swap3A_550 = arith.index_cast %mul3A_521 : i32 to index
          %swap3A_551 = tpu.vector_load %arg22[%swap3A_550] {strides = array<i32>} : memref<1600xf32, #tpu.memory_space<vmem>>, vector<16xf32>,
          tpu.vector_store %arg22[%swap3A_550], %neg3A_549 {strides = array<i32>} : memref<1600xf32, #tpu.memory_space<vmem>>, vector<16xf32>,
          %neg3A_552 = arith.constant 0.000000e+00 : f32
          %neg3A_553 = vector.broadcast %neg3A_552 : f32 to vector<16xf32>
          %neg3A_554 = arith.subf %neg3A_553, %mul3A_537 : vector<16xf32>
          %swap3A_555 = arith.index_cast %mul3A_521 : i32 to index
          %swap3A_556 = tpu.vector_load %arg23[%swap3A_555] {strides = array<i32>} : memref<1600xf32, #tpu.memory_space<vmem>>, vector<16xf32>,
          tpu.vector_store %arg23[%swap3A_555], %neg3A_554 {strides = array<i32>} : memref<1600xf32, #tpu.memory_space<vmem>>, vector<16xf32>,
          %scan3A_557 = arith.constant 0 : i32
          scf.yield %scan3A_557 : i32
        }
        %scan3A_496 = arith.constant 100 : i32
        %dma_start3A_497 = arith.constant 0 : i32
        %dma_start3A_498 = tpu.memref_slice %arg38[%dma_start3A_497] : memref<100096xf32, #tpu.memory_space<vmem_shared>> -> memref<100096xf32, #tpu.memory_space<vmem_shared>>
        tpu.enqueue_indirect_dma source(%arg21 : memref<1600xf32, #tpu.memory_space<vmem>>) target(%dma_start3A_498 : memref<100096xf32, #tpu.memory_space<vmem_shared>>) offsets(%arg16 : memref<1600xi32, #tpu.memory_space<vmem>>) semaphore(%arg44 : memref<!tpu.dma_semaphore, #tpu.memory_space<semaphore_mem>>) {add = true}
        %dma_start3A_499 = arith.constant 0 : i32
        %dma_start3A_500 = tpu.memref_slice %arg39[%dma_start3A_499] : memref<100096xf32, #tpu.memory_space<vmem_shared>> -> memref<100096xf32, #tpu.memory_space<vmem_shared>>
        tpu.enqueue_indirect_dma source(%arg22 : memref<1600xf32, #tpu.memory_space<vmem>>) target(%dma_start3A_500 : memref<100096xf32, #tpu.memory_space<vmem_shared>>) offsets(%arg16 : memref<1600xi32, #tpu.memory_space<vmem>>) semaphore(%arg44 : memref<!tpu.dma_semaphore, #tpu.memory_space<semaphore_mem>>) {add = true}
        %dma_start3A_501 = arith.constant 0 : i32
        %dma_start3A_502 = tpu.memref_slice %arg40[%dma_start3A_501] : memref<100096xf32, #tpu.memory_space<vmem_shared>> -> memref<100096xf32, #tpu.memory_space<vmem_shared>>
        tpu.enqueue_indirect_dma source(%arg23 : memref<1600xf32, #tpu.memory_space<vmem>>) target(%dma_start3A_502 : memref<100096xf32, #tpu.memory_space<vmem_shared>>) offsets(%arg16 : memref<1600xi32, #tpu.memory_space<vmem>>) semaphore(%arg44 : memref<!tpu.dma_semaphore, #tpu.memory_space<semaphore_mem>>) {add = true}
        %dma_start3A_503 = arith.constant 0 : i32
        %dma_start3A_504 = tpu.memref_slice %arg38[%dma_start3A_503] : memref<100096xf32, #tpu.memory_space<vmem_shared>> -> memref<100096xf32, #tpu.memory_space<vmem_shared>>
        tpu.enqueue_indirect_dma source(%arg18 : memref<1600xf32, #tpu.memory_space<vmem>>) target(%dma_start3A_504 : memref<100096xf32, #tpu.memory_space<vmem_shared>>) offsets(%arg17 : memref<1600xi32, #tpu.memory_space<vmem>>) semaphore(%arg44 : memref<!tpu.dma_semaphore, #tpu.memory_space<semaphore_mem>>) {add = true}
        %dma_start3A_505 = arith.constant 0 : i32
        %dma_start3A_506 = tpu.memref_slice %arg39[%dma_start3A_505] : memref<100096xf32, #tpu.memory_space<vmem_shared>> -> memref<100096xf32, #tpu.memory_space<vmem_shared>>
        tpu.enqueue_indirect_dma source(%arg19 : memref<1600xf32, #tpu.memory_space<vmem>>) target(%dma_start3A_506 : memref<100096xf32, #tpu.memory_space<vmem_shared>>) offsets(%arg17 : memref<1600xi32, #tpu.memory_space<vmem>>) semaphore(%arg44 : memref<!tpu.dma_semaphore, #tpu.memory_space<semaphore_mem>>) {add = true}
        %dma_start3A_507 = arith.constant 0 : i32
        %dma_start3A_508 = tpu.memref_slice %arg40[%dma_start3A_507] : memref<100096xf32, #tpu.memory_space<vmem_shared>> -> memref<100096xf32, #tpu.memory_space<vmem_shared>>
        tpu.enqueue_indirect_dma source(%arg20 : memref<1600xf32, #tpu.memory_space<vmem>>) target(%dma_start3A_508 : memref<100096xf32, #tpu.memory_space<vmem_shared>>) offsets(%arg17 : memref<1600xi32, #tpu.memory_space<vmem>>) semaphore(%arg44 : memref<!tpu.dma_semaphore, #tpu.memory_space<semaphore_mem>>) {add = true}
        %dma_wait3A_509 = arith.constant 0 : i32
        %dma_wait3A_510 = tpu.memref_slice %arg41[%dma_wait3A_509] : memref<100096xi32, #tpu.memory_space<vmem_shared>> -> memref<100096xi32, #tpu.memory_space<vmem_shared>>
        tpu.wait_indirect_dma semaphore(%arg43 : memref<!tpu.dma_semaphore, #tpu.memory_space<semaphore_mem>>) src(%dma_wait3A_510 : memref<100096xi32, #tpu.memory_space<vmem_shared>>) dst(%arg12 : memref<1600xi32, #tpu.memory_space<vmem>>)
        %scan3A_511 = arith.constant 0 : i32
        %scan3A_512 = arith.constant 0 : i32
        %scan3A_513 = arith.constant 100 : i32
        %scan3A_514 = arith.addi %scan3A_512, %scan3A_513 : i32
        %scan3A_515 = arith.constant 1 : i32
        %scan3A_516 = scf.for %scan3A_518 = %scan3A_512 to %scan3A_514 step %scan3A_515 iter_args(%scan3A_519 = %scan3A_511) -> (i32)  : i32 {
          %mul3A_520 = arith.constant 16 : i32
          %mul3A_521 = arith.muli %scan3A_518, %mul3A_520 : i32
          %get3A = arith.index_cast %mul3A_521 : i32 to index
          %get3A_522 = tpu.vector_load %arg13[%get3A] {strides = array<i32>} : memref<1600xf32, #tpu.memory_space<vmem>>, vector<16xf32>,
          %get3A_523 = arith.index_cast %mul3A_521 : i32 to index
          %get3A_524 = tpu.vector_load %arg14[%get3A_523] {strides = array<i32>} : memref<1600xf32, #tpu.memory_space<vmem>>, vector<16xf32>,
          %get3A_525 = arith.index_cast %mul3A_521 : i32 to index
          %get3A_526 = tpu.vector_load %arg15[%get3A_525] {strides = array<i32>} : memref<1600xf32, #tpu.memory_space<vmem>>, vector<16xf32>,
          %get3A_527 = arith.index_cast %mul3A_521 : i32 to index
          %get3A_528 = tpu.vector_load %arg21[%get3A_527] {strides = array<i32>} : memref<1600xf32, #tpu.memory_space<vmem>>, vector<16xf32>,
          %get3A_529 = arith.index_cast %mul3A_521 : i32 to index
          %get3A_530 = tpu.vector_load %arg22[%get3A_529] {strides = array<i32>} : memref<1600xf32, #tpu.memory_space<vmem>>, vector<16xf32>,
          %get3A_531 = arith.index_cast %mul3A_521 : i32 to index
          %get3A_532 = tpu.vector_load %arg23[%get3A_531] {strides = array<i32>} : memref<1600xf32, #tpu.memory_space<vmem>>, vector<16xf32>,
          %get3A_533 = arith.index_cast %mul3A_521 : i32 to index
          %get3A_534 = tpu.vector_load %arg12[%get3A_533] {strides = array<i32>} : memref<1600xi32, #tpu.memory_space<vmem>>, vector<16xi32>,
          %mul3A_535 = arith.constant 8 : i32
          %mul3A_536 = vector.broadcast %mul3A_535 : i32 to vector<16xi32>
          %mul3A_537 = arith.muli %get3A_534, %mul3A_536 : vector<16xi32>
          %and3A = arith.constant 7 : i32
          %and3A_538 = vector.broadcast %and3A : i32 to vector<16xi32>
          %and3A_539 = arith.andi %iota3A, %and3A_538 : vector<16xi32>
          %add3A_540 = arith.addi %mul3A_537, %and3A_539 : vector<16xi32>
          %lt3A = arith.constant 8 : i32
          %lt3A_541 = vector.broadcast %lt3A : i32 to vector<16xi32>
          %lt3A_542 = arith.cmpi slt, %iota3A, %lt3A_541 : vector<16xi32>
          %ge3A = arith.constant 8 : i32
          %ge3A_543 = vector.broadcast %ge3A : i32 to vector<16xi32>
          %ge3A_544 = arith.cmpi sge, %iota3A, %ge3A_543 : vector<16xi32>
          %mul3A_545 = arith.mulf %get3A_528, %get3A_522 : vector<16xf32>
          %add3A_546 = arith.constant 0 : i32
          %add3A_547 = vector.broadcast %add3A_546 : i32 to vector<16xi32>
          %add3A_548 = arith.addi %add3A_540, %add3A_547 : vector<16xi32>
          tpu.vector_store_idx %arg35[%add3A_548], %mul3A_545 masked %lt3A_542 {add = true} : memref<36864xf32, #tpu.memory_space<vmem>>[vector<16xi32>], vector<16xf32>, vector<16xi1>
          %add3A_549 = arith.constant 0 : i32
          %add3A_550 = vector.broadcast %add3A_549 : i32 to vector<16xi32>
          %add3A_551 = arith.addi %add3A_540, %add3A_550 : vector<16xi32>
          tpu.vector_store_idx %arg35[%add3A_551], %mul3A_545 masked %ge3A_544 {add = true} : memref<36864xf32, #tpu.memory_space<vmem>>[vector<16xi32>], vector<16xf32>, vector<16xi1>
          %mul3A_552 = arith.mulf %get3A_530, %get3A_522 : vector<16xf32>
          %add3A_553 = arith.constant 4096 : i32
          %add3A_554 = vector.broadcast %add3A_553 : i32 to vector<16xi32>
          %add3A_555 = arith.addi %add3A_540, %add3A_554 : vector<16xi32>
          tpu.vector_store_idx %arg35[%add3A_555], %mul3A_552 masked %lt3A_542 {add = true} : memref<36864xf32, #tpu.memory_space<vmem>>[vector<16xi32>], vector<16xf32>, vector<16xi1>
          %add3A_556 = arith.constant 4096 : i32
          %add3A_557 = vector.broadcast %add3A_556 : i32 to vector<16xi32>
          %add3A_558 = arith.addi %add3A_540, %add3A_557 : vector<16xi32>
          tpu.vector_store_idx %arg35[%add3A_558], %mul3A_552 masked %ge3A_544 {add = true} : memref<36864xf32, #tpu.memory_space<vmem>>[vector<16xi32>], vector<16xf32>, vector<16xi1>
          %mul3A_559 = arith.mulf %get3A_532, %get3A_522 : vector<16xf32>
          %add3A_560 = arith.constant 8192 : i32
          %add3A_561 = vector.broadcast %add3A_560 : i32 to vector<16xi32>
          %add3A_562 = arith.addi %add3A_540, %add3A_561 : vector<16xi32>
          tpu.vector_store_idx %arg35[%add3A_562], %mul3A_559 masked %lt3A_542 {add = true} : memref<36864xf32, #tpu.memory_space<vmem>>[vector<16xi32>], vector<16xf32>, vector<16xi1>
          %add3A_563 = arith.constant 8192 : i32
          %add3A_564 = vector.broadcast %add3A_563 : i32 to vector<16xi32>
          %add3A_565 = arith.addi %add3A_540, %add3A_564 : vector<16xi32>
          tpu.vector_store_idx %arg35[%add3A_565], %mul3A_559 masked %ge3A_544 {add = true} : memref<36864xf32, #tpu.memory_space<vmem>>[vector<16xi32>], vector<16xf32>, vector<16xi1>
          %mul3A_566 = arith.mulf %get3A_528, %get3A_524 : vector<16xf32>
          %add3A_567 = arith.constant 12288 : i32
          %add3A_568 = vector.broadcast %add3A_567 : i32 to vector<16xi32>
          %add3A_569 = arith.addi %add3A_540, %add3A_568 : vector<16xi32>
          tpu.vector_store_idx %arg35[%add3A_569], %mul3A_566 masked %lt3A_542 {add = true} : memref<36864xf32, #tpu.memory_space<vmem>>[vector<16xi32>], vector<16xf32>, vector<16xi1>
          %add3A_570 = arith.constant 12288 : i32
          %add3A_571 = vector.broadcast %add3A_570 : i32 to vector<16xi32>
          %add3A_572 = arith.addi %add3A_540, %add3A_571 : vector<16xi32>
          tpu.vector_store_idx %arg35[%add3A_572], %mul3A_566 masked %ge3A_544 {add = true} : memref<36864xf32, #tpu.memory_space<vmem>>[vector<16xi32>], vector<16xf32>, vector<16xi1>
          %mul3A_573 = arith.mulf %get3A_530, %get3A_524 : vector<16xf32>
          %add3A_574 = arith.constant 16384 : i32
          %add3A_575 = vector.broadcast %add3A_574 : i32 to vector<16xi32>
          %add3A_576 = arith.addi %add3A_540, %add3A_575 : vector<16xi32>
          tpu.vector_store_idx %arg35[%add3A_576], %mul3A_573 masked %lt3A_542 {add = true} : memref<36864xf32, #tpu.memory_space<vmem>>[vector<16xi32>], vector<16xf32>, vector<16xi1>
          %add3A_577 = arith.constant 16384 : i32
          %add3A_578 = vector.broadcast %add3A_577 : i32 to vector<16xi32>
          %add3A_579 = arith.addi %add3A_540, %add3A_578 : vector<16xi32>
          tpu.vector_store_idx %arg35[%add3A_579], %mul3A_573 masked %ge3A_544 {add = true} : memref<36864xf32, #tpu.memory_space<vmem>>[vector<16xi32>], vector<16xf32>, vector<16xi1>
          %mul3A_580 = arith.mulf %get3A_532, %get3A_524 : vector<16xf32>
          %add3A_581 = arith.constant 20480 : i32
          %add3A_582 = vector.broadcast %add3A_581 : i32 to vector<16xi32>
          %add3A_583 = arith.addi %add3A_540, %add3A_582 : vector<16xi32>
          tpu.vector_store_idx %arg35[%add3A_583], %mul3A_580 masked %lt3A_542 {add = true} : memref<36864xf32, #tpu.memory_space<vmem>>[vector<16xi32>], vector<16xf32>, vector<16xi1>
          %add3A_584 = arith.constant 20480 : i32
          %add3A_585 = vector.broadcast %add3A_584 : i32 to vector<16xi32>
          %add3A_586 = arith.addi %add3A_540, %add3A_585 : vector<16xi32>
          tpu.vector_store_idx %arg35[%add3A_586], %mul3A_580 masked %ge3A_544 {add = true} : memref<36864xf32, #tpu.memory_space<vmem>>[vector<16xi32>], vector<16xf32>, vector<16xi1>
          %mul3A_587 = arith.mulf %get3A_528, %get3A_526 : vector<16xf32>
          %add3A_588 = arith.constant 24576 : i32
          %add3A_589 = vector.broadcast %add3A_588 : i32 to vector<16xi32>
          %add3A_590 = arith.addi %add3A_540, %add3A_589 : vector<16xi32>
          tpu.vector_store_idx %arg35[%add3A_590], %mul3A_587 masked %lt3A_542 {add = true} : memref<36864xf32, #tpu.memory_space<vmem>>[vector<16xi32>], vector<16xf32>, vector<16xi1>
          %add3A_591 = arith.constant 24576 : i32
          %add3A_592 = vector.broadcast %add3A_591 : i32 to vector<16xi32>
          %add3A_593 = arith.addi %add3A_540, %add3A_592 : vector<16xi32>
          tpu.vector_store_idx %arg35[%add3A_593], %mul3A_587 masked %ge3A_544 {add = true} : memref<36864xf32, #tpu.memory_space<vmem>>[vector<16xi32>], vector<16xf32>, vector<16xi1>
          %mul3A_594 = arith.mulf %get3A_530, %get3A_526 : vector<16xf32>
          %add3A_595 = arith.constant 28672 : i32
          %add3A_596 = vector.broadcast %add3A_595 : i32 to vector<16xi32>
          %add3A_597 = arith.addi %add3A_540, %add3A_596 : vector<16xi32>
          tpu.vector_store_idx %arg35[%add3A_597], %mul3A_594 masked %lt3A_542 {add = true} : memref<36864xf32, #tpu.memory_space<vmem>>[vector<16xi32>], vector<16xf32>, vector<16xi1>
          %add3A_598 = arith.constant 28672 : i32
          %add3A_599 = vector.broadcast %add3A_598 : i32 to vector<16xi32>
          %add3A_600 = arith.addi %add3A_540, %add3A_599 : vector<16xi32>
          tpu.vector_store_idx %arg35[%add3A_600], %mul3A_594 masked %ge3A_544 {add = true} : memref<36864xf32, #tpu.memory_space<vmem>>[vector<16xi32>], vector<16xf32>, vector<16xi1>
          %mul3A_601 = arith.mulf %get3A_532, %get3A_526 : vector<16xf32>
          %add3A_602 = arith.constant 32768 : i32
          %add3A_603 = vector.broadcast %add3A_602 : i32 to vector<16xi32>
          %add3A_604 = arith.addi %add3A_540, %add3A_603 : vector<16xi32>
          tpu.vector_store_idx %arg35[%add3A_604], %mul3A_601 masked %lt3A_542 {add = true} : memref<36864xf32, #tpu.memory_space<vmem>>[vector<16xi32>], vector<16xf32>, vector<16xi1>
          %add3A_605 = arith.constant 32768 : i32
          %add3A_606 = vector.broadcast %add3A_605 : i32 to vector<16xi32>
          %add3A_607 = arith.addi %add3A_540, %add3A_606 : vector<16xi32>
          tpu.vector_store_idx %arg35[%add3A_607], %mul3A_601 masked %ge3A_544 {add = true} : memref<36864xf32, #tpu.memory_space<vmem>>[vector<16xi32>], vector<16xf32>, vector<16xi1>
          %scan3A_608 = arith.constant 0 : i32
          scf.yield %scan3A_608 : i32
        }
        %scan3A_517 = arith.constant 100 : i32
      } else {
      }
      %gt3A = arith.constant 0 : i32
      %gt3A_353 = arith.cmpi sgt, %scan3A_347, %gt3A : i32
      %convert_element_type3A_354 = arith.extui %gt3A_353 : i1 to i32
      %cond3A_355 = arith.constant 0 : i32
      %cond3A_356 = arith.cmpi ne, %convert_element_type3A_354, %cond3A_355 : i32
      scf.if %cond3A_356 {
        %dma_wait3A_451 = arith.constant 0 : i32
        %dma_wait3A_452 = tpu.memref_slice %arg2[%dma_wait3A_451] : memref<6400000xf32, #tpu.memory_space<hbm>> -> memref<1600xf32, #tpu.memory_space<hbm>>
        %dma_wait3A_453 = arith.constant 0 : i32
        %dma_wait3A_454 = tpu.memref_slice %arg2[%dma_wait3A_453] : memref<6400000xf32, #tpu.memory_space<hbm>> -> memref<1600xf32, #tpu.memory_space<hbm>>
        tpu.wait_dma2 semaphore(%arg45 : memref<!tpu.dma_semaphore, #tpu.memory_space<semaphore_mem>>) src(%dma_wait3A_454 : memref<1600xf32, #tpu.memory_space<hbm>>) dst(%arg13 : memref<1600xf32, #tpu.memory_space<vmem>>)
        %dma_wait3A_455 = arith.constant 0 : i32
        %dma_wait3A_456 = tpu.memref_slice %arg3[%dma_wait3A_455] : memref<6400000xf32, #tpu.memory_space<hbm>> -> memref<1600xf32, #tpu.memory_space<hbm>>
        %dma_wait3A_457 = arith.constant 0 : i32
        %dma_wait3A_458 = tpu.memref_slice %arg3[%dma_wait3A_457] : memref<6400000xf32, #tpu.memory_space<hbm>> -> memref<1600xf32, #tpu.memory_space<hbm>>
        tpu.wait_dma2 semaphore(%arg45 : memref<!tpu.dma_semaphore, #tpu.memory_space<semaphore_mem>>) src(%dma_wait3A_458 : memref<1600xf32, #tpu.memory_space<hbm>>) dst(%arg14 : memref<1600xf32, #tpu.memory_space<vmem>>)
        %dma_wait3A_459 = arith.constant 0 : i32
        %dma_wait3A_460 = tpu.memref_slice %arg4[%dma_wait3A_459] : memref<6400000xf32, #tpu.memory_space<hbm>> -> memref<1600xf32, #tpu.memory_space<hbm>>
        %dma_wait3A_461 = arith.constant 0 : i32
        %dma_wait3A_462 = tpu.memref_slice %arg4[%dma_wait3A_461] : memref<6400000xf32, #tpu.memory_space<hbm>> -> memref<1600xf32, #tpu.memory_space<hbm>>
        tpu.wait_dma2 semaphore(%arg45 : memref<!tpu.dma_semaphore, #tpu.memory_space<semaphore_mem>>) src(%dma_wait3A_462 : memref<1600xf32, #tpu.memory_space<hbm>>) dst(%arg15 : memref<1600xf32, #tpu.memory_space<vmem>>)
        %dma_wait3A_463 = arith.constant 0 : i32
        %dma_wait3A_464 = tpu.memref_slice %arg5[%dma_wait3A_463] : memref<6400000xi32, #tpu.memory_space<hbm>> -> memref<1600xi32, #tpu.memory_space<hbm>>
        %dma_wait3A_465 = arith.constant 0 : i32
        %dma_wait3A_466 = tpu.memref_slice %arg5[%dma_wait3A_465] : memref<6400000xi32, #tpu.memory_space<hbm>> -> memref<1600xi32, #tpu.memory_space<hbm>>
        tpu.wait_dma2 semaphore(%arg45 : memref<!tpu.dma_semaphore, #tpu.memory_space<semaphore_mem>>) src(%dma_wait3A_466 : memref<1600xi32, #tpu.memory_space<hbm>>) dst(%arg16 : memref<1600xi32, #tpu.memory_space<vmem>>)
        %dma_wait3A_467 = arith.constant 0 : i32
        %dma_wait3A_468 = tpu.memref_slice %arg6[%dma_wait3A_467] : memref<6400000xi32, #tpu.memory_space<hbm>> -> memref<1600xi32, #tpu.memory_space<hbm>>
        %dma_wait3A_469 = arith.constant 0 : i32
        %dma_wait3A_470 = tpu.memref_slice %arg6[%dma_wait3A_469] : memref<6400000xi32, #tpu.memory_space<hbm>> -> memref<1600xi32, #tpu.memory_space<hbm>>
        tpu.wait_dma2 semaphore(%arg45 : memref<!tpu.dma_semaphore, #tpu.memory_space<semaphore_mem>>) src(%dma_wait3A_470 : memref<1600xi32, #tpu.memory_space<hbm>>) dst(%arg17 : memref<1600xi32, #tpu.memory_space<vmem>>)
        %dma_wait3A_471 = arith.constant 0 : i32
        %dma_wait3A_472 = tpu.memref_slice %arg2[%dma_wait3A_471] : memref<6400000xf32, #tpu.memory_space<hbm>> -> memref<1600xf32, #tpu.memory_space<hbm>>
        %dma_wait3A_473 = arith.constant 0 : i32
        %dma_wait3A_474 = tpu.memref_slice %arg2[%dma_wait3A_473] : memref<6400000xf32, #tpu.memory_space<hbm>> -> memref<1600xf32, #tpu.memory_space<hbm>>
        tpu.wait_dma2 semaphore(%arg44 : memref<!tpu.dma_semaphore, #tpu.memory_space<semaphore_mem>>) src(%dma_wait3A_474 : memref<1600xf32, #tpu.memory_space<hbm>>) dst(%arg13 : memref<1600xf32, #tpu.memory_space<vmem>>)
        %dma_wait3A_475 = arith.constant 0 : i32
        %dma_wait3A_476 = tpu.memref_slice %arg2[%dma_wait3A_475] : memref<6400000xf32, #tpu.memory_space<hbm>> -> memref<1600xf32, #tpu.memory_space<hbm>>
        %dma_wait3A_477 = arith.constant 0 : i32
        %dma_wait3A_478 = tpu.memref_slice %arg2[%dma_wait3A_477] : memref<6400000xf32, #tpu.memory_space<hbm>> -> memref<1600xf32, #tpu.memory_space<hbm>>
        tpu.wait_dma2 semaphore(%arg44 : memref<!tpu.dma_semaphore, #tpu.memory_space<semaphore_mem>>) src(%dma_wait3A_478 : memref<1600xf32, #tpu.memory_space<hbm>>) dst(%arg13 : memref<1600xf32, #tpu.memory_space<vmem>>)
        %dma_wait3A_479 = arith.constant 0 : i32
        %dma_wait3A_480 = tpu.memref_slice %arg2[%dma_wait3A_479] : memref<6400000xf32, #tpu.memory_space<hbm>> -> memref<1600xf32, #tpu.memory_space<hbm>>
        %dma_wait3A_481 = arith.constant 0 : i32
        %dma_wait3A_482 = tpu.memref_slice %arg2[%dma_wait3A_481] : memref<6400000xf32, #tpu.memory_space<hbm>> -> memref<1600xf32, #tpu.memory_space<hbm>>
        tpu.wait_dma2 semaphore(%arg44 : memref<!tpu.dma_semaphore, #tpu.memory_space<semaphore_mem>>) src(%dma_wait3A_482 : memref<1600xf32, #tpu.memory_space<hbm>>) dst(%arg13 : memref<1600xf32, #tpu.memory_space<vmem>>)
        %dma_wait3A_483 = arith.constant 0 : i32
        %dma_wait3A_484 = tpu.memref_slice %arg2[%dma_wait3A_483] : memref<6400000xf32, #tpu.memory_space<hbm>> -> memref<1600xf32, #tpu.memory_space<hbm>>
        %dma_wait3A_485 = arith.constant 0 : i32
        %dma_wait3A_486 = tpu.memref_slice %arg2[%dma_wait3A_485] : memref<6400000xf32, #tpu.memory_space<hbm>> -> memref<1600xf32, #tpu.memory_space<hbm>>
        tpu.wait_dma2 semaphore(%arg44 : memref<!tpu.dma_semaphore, #tpu.memory_space<semaphore_mem>>) src(%dma_wait3A_486 : memref<1600xf32, #tpu.memory_space<hbm>>) dst(%arg13 : memref<1600xf32, #tpu.memory_space<vmem>>)
        %dma_wait3A_487 = arith.constant 0 : i32
        %dma_wait3A_488 = tpu.memref_slice %arg2[%dma_wait3A_487] : memref<6400000xf32, #tpu.memory_space<hbm>> -> memref<1600xf32, #tpu.memory_space<hbm>>
        %dma_wait3A_489 = arith.constant 0 : i32
        %dma_wait3A_490 = tpu.memref_slice %arg2[%dma_wait3A_489] : memref<6400000xf32, #tpu.memory_space<hbm>> -> memref<1600xf32, #tpu.memory_space<hbm>>
        tpu.wait_dma2 semaphore(%arg44 : memref<!tpu.dma_semaphore, #tpu.memory_space<semaphore_mem>>) src(%dma_wait3A_490 : memref<1600xf32, #tpu.memory_space<hbm>>) dst(%arg13 : memref<1600xf32, #tpu.memory_space<vmem>>)
        %dma_wait3A_491 = arith.constant 0 : i32
        %dma_wait3A_492 = tpu.memref_slice %arg2[%dma_wait3A_491] : memref<6400000xf32, #tpu.memory_space<hbm>> -> memref<1600xf32, #tpu.memory_space<hbm>>
        %dma_wait3A_493 = arith.constant 0 : i32
        %dma_wait3A_494 = tpu.memref_slice %arg2[%dma_wait3A_493] : memref<6400000xf32, #tpu.memory_space<hbm>> -> memref<1600xf32, #tpu.memory_space<hbm>>
        tpu.wait_dma2 semaphore(%arg44 : memref<!tpu.dma_semaphore, #tpu.memory_space<semaphore_mem>>) src(%dma_wait3A_494 : memref<1600xf32, #tpu.memory_space<hbm>>) dst(%arg13 : memref<1600xf32, #tpu.memory_space<vmem>>)
        %add3A_495 = arith.constant 1 : i32
        %add3A_496 = arith.addi %mul3A_350, %add3A_495 : i32
        %mul3A_497 = arith.constant 200000 : i32
        %mul3A_498 = arith.muli %add3A, %mul3A_497 : i32
        %mul3A_499 = arith.constant 1600 : i32
        %mul3A_500 = arith.muli %add3A_496, %mul3A_499 : i32
        %add3A_501 = arith.addi %mul3A_498, %mul3A_500 : i32
        %dma_start3A_502 = tpu.memref_slice %arg2[%add3A_501] : memref<6400000xf32, #tpu.memory_space<hbm>> -> memref<1600xf32, #tpu.memory_space<hbm>>
        %dma_start3A_503 = tpu.memref_slice %arg2[%add3A_501] : memref<6400000xf32, #tpu.memory_space<hbm>> -> memref<1600xf32, #tpu.memory_space<hbm>>
        tpu.enqueue_dma source(%dma_start3A_503 : memref<1600xf32, #tpu.memory_space<hbm>>) target(%arg24 : memref<1600xf32, #tpu.memory_space<vmem>>) target_semaphore(%arg45 : memref<!tpu.dma_semaphore, #tpu.memory_space<semaphore_mem>>)
        %dma_start3A_504 = tpu.memref_slice %arg3[%add3A_501] : memref<6400000xf32, #tpu.memory_space<hbm>> -> memref<1600xf32, #tpu.memory_space<hbm>>
        %dma_start3A_505 = tpu.memref_slice %arg3[%add3A_501] : memref<6400000xf32, #tpu.memory_space<hbm>> -> memref<1600xf32, #tpu.memory_space<hbm>>
        tpu.enqueue_dma source(%dma_start3A_505 : memref<1600xf32, #tpu.memory_space<hbm>>) target(%arg25 : memref<1600xf32, #tpu.memory_space<vmem>>) target_semaphore(%arg45 : memref<!tpu.dma_semaphore, #tpu.memory_space<semaphore_mem>>)
        %dma_start3A_506 = tpu.memref_slice %arg4[%add3A_501] : memref<6400000xf32, #tpu.memory_space<hbm>> -> memref<1600xf32, #tpu.memory_space<hbm>>
        %dma_start3A_507 = tpu.memref_slice %arg4[%add3A_501] : memref<6400000xf32, #tpu.memory_space<hbm>> -> memref<1600xf32, #tpu.memory_space<hbm>>
        tpu.enqueue_dma source(%dma_start3A_507 : memref<1600xf32, #tpu.memory_space<hbm>>) target(%arg26 : memref<1600xf32, #tpu.memory_space<vmem>>) target_semaphore(%arg45 : memref<!tpu.dma_semaphore, #tpu.memory_space<semaphore_mem>>)
        %dma_start3A_508 = tpu.memref_slice %arg5[%add3A_501] : memref<6400000xi32, #tpu.memory_space<hbm>> -> memref<1600xi32, #tpu.memory_space<hbm>>
        %dma_start3A_509 = tpu.memref_slice %arg5[%add3A_501] : memref<6400000xi32, #tpu.memory_space<hbm>> -> memref<1600xi32, #tpu.memory_space<hbm>>
        tpu.enqueue_dma source(%dma_start3A_509 : memref<1600xi32, #tpu.memory_space<hbm>>) target(%arg27 : memref<1600xi32, #tpu.memory_space<vmem>>) target_semaphore(%arg45 : memref<!tpu.dma_semaphore, #tpu.memory_space<semaphore_mem>>)
        %dma_start3A_510 = tpu.memref_slice %arg6[%add3A_501] : memref<6400000xi32, #tpu.memory_space<hbm>> -> memref<1600xi32, #tpu.memory_space<hbm>>
        %dma_start3A_511 = tpu.memref_slice %arg6[%add3A_501] : memref<6400000xi32, #tpu.memory_space<hbm>> -> memref<1600xi32, #tpu.memory_space<hbm>>
        tpu.enqueue_dma source(%dma_start3A_511 : memref<1600xi32, #tpu.memory_space<hbm>>) target(%arg28 : memref<1600xi32, #tpu.memory_space<vmem>>) target_semaphore(%arg45 : memref<!tpu.dma_semaphore, #tpu.memory_space<semaphore_mem>>)
        %dma_start3A_512 = arith.constant 0 : i32
        %dma_start3A_513 = tpu.memref_slice %arg41[%dma_start3A_512] : memref<100096xi32, #tpu.memory_space<vmem_shared>> -> memref<100096xi32, #tpu.memory_space<vmem_shared>>
        tpu.enqueue_indirect_dma source(%dma_start3A_513 : memref<100096xi32, #tpu.memory_space<vmem_shared>>) target(%arg12 : memref<1600xi32, #tpu.memory_space<vmem>>) offsets(%arg16 : memref<1600xi32, #tpu.memory_space<vmem>>) semaphore(%arg43 : memref<!tpu.dma_semaphore, #tpu.memory_space<semaphore_mem>>)
        %scan3A_514 = arith.constant 0 : i32
        %scan3A_515 = arith.constant 0 : i32
        %scan3A_516 = arith.constant 100 : i32
        %scan3A_517 = arith.addi %scan3A_515, %scan3A_516 : i32
        %scan3A_518 = arith.constant 1 : i32
        %scan3A_519 = scf.for %scan3A_542 = %scan3A_515 to %scan3A_517 step %scan3A_518 iter_args(%scan3A_543 = %scan3A_514) -> (i32)  : i32 {
          %mul3A_544 = arith.constant 16 : i32
          %mul3A_545 = arith.muli %scan3A_542, %mul3A_544 : i32
          %get3A = arith.index_cast %mul3A_545 : i32 to index
          %get3A_546 = tpu.vector_load %arg13[%get3A] {strides = array<i32>} : memref<1600xf32, #tpu.memory_space<vmem>>, vector<16xf32>,
          %get3A_547 = arith.index_cast %mul3A_545 : i32 to index
          %get3A_548 = tpu.vector_load %arg14[%get3A_547] {strides = array<i32>} : memref<1600xf32, #tpu.memory_space<vmem>>, vector<16xf32>,
          %get3A_549 = arith.index_cast %mul3A_545 : i32 to index
          %get3A_550 = tpu.vector_load %arg15[%get3A_549] {strides = array<i32>} : memref<1600xf32, #tpu.memory_space<vmem>>, vector<16xf32>,
          %mul3A_551 = arith.mulf %get3A_546, %get3A_546 : vector<16xf32>
          %mul3A_552 = arith.mulf %get3A_548, %get3A_548 : vector<16xf32>
          %add3A_553 = arith.addf %mul3A_551, %mul3A_552 : vector<16xf32>
          %mul3A_554 = arith.mulf %get3A_550, %get3A_550 : vector<16xf32>
          %add3A_555 = arith.addf %add3A_553, %mul3A_554 : vector<16xf32>
          %mul3A_556 = arith.constant -5.000000e-01 : f32
          %mul3A_557 = vector.broadcast %mul3A_556 : f32 to vector<16xf32>
          %mul3A_558 = arith.mulf %mul3A_557, %add3A_555 : vector<16xf32>
          %exp3A = math.exp %mul3A_558 : vector<16xf32>
          %mul3A_559 = arith.mulf %get3A_546, %exp3A : vector<16xf32>
          %mul3A_560 = arith.mulf %get3A_548, %exp3A : vector<16xf32>
          %mul3A_561 = arith.mulf %get3A_550, %exp3A : vector<16xf32>
          %swap3A = arith.index_cast %mul3A_545 : i32 to index
          %swap3A_562 = tpu.vector_load %arg18[%swap3A] {strides = array<i32>} : memref<1600xf32, #tpu.memory_space<vmem>>, vector<16xf32>,
          tpu.vector_store %arg18[%swap3A], %mul3A_559 {strides = array<i32>} : memref<1600xf32, #tpu.memory_space<vmem>>, vector<16xf32>,
          %swap3A_563 = arith.index_cast %mul3A_545 : i32 to index
          %swap3A_564 = tpu.vector_load %arg19[%swap3A_563] {strides = array<i32>} : memref<1600xf32, #tpu.memory_space<vmem>>, vector<16xf32>,
          tpu.vector_store %arg19[%swap3A_563], %mul3A_560 {strides = array<i32>} : memref<1600xf32, #tpu.memory_space<vmem>>, vector<16xf32>,
          %swap3A_565 = arith.index_cast %mul3A_545 : i32 to index
          %swap3A_566 = tpu.vector_load %arg20[%swap3A_565] {strides = array<i32>} : memref<1600xf32, #tpu.memory_space<vmem>>, vector<16xf32>,
          tpu.vector_store %arg20[%swap3A_565], %mul3A_561 {strides = array<i32>} : memref<1600xf32, #tpu.memory_space<vmem>>, vector<16xf32>,
          %neg3A = arith.constant 0.000000e+00 : f32
          %neg3A_567 = vector.broadcast %neg3A : f32 to vector<16xf32>
          %neg3A_568 = arith.subf %neg3A_567, %mul3A_559 : vector<16xf32>
          %swap3A_569 = arith.index_cast %mul3A_545 : i32 to index
          %swap3A_570 = tpu.vector_load %arg21[%swap3A_569] {strides = array<i32>} : memref<1600xf32, #tpu.memory_space<vmem>>, vector<16xf32>,
          tpu.vector_store %arg21[%swap3A_569], %neg3A_568 {strides = array<i32>} : memref<1600xf32, #tpu.memory_space<vmem>>, vector<16xf32>,
          %neg3A_571 = arith.constant 0.000000e+00 : f32
          %neg3A_572 = vector.broadcast %neg3A_571 : f32 to vector<16xf32>
          %neg3A_573 = arith.subf %neg3A_572, %mul3A_560 : vector<16xf32>
          %swap3A_574 = arith.index_cast %mul3A_545 : i32 to index
          %swap3A_575 = tpu.vector_load %arg22[%swap3A_574] {strides = array<i32>} : memref<1600xf32, #tpu.memory_space<vmem>>, vector<16xf32>,
          tpu.vector_store %arg22[%swap3A_574], %neg3A_573 {strides = array<i32>} : memref<1600xf32, #tpu.memory_space<vmem>>, vector<16xf32>,
          %neg3A_576 = arith.constant 0.000000e+00 : f32
          %neg3A_577 = vector.broadcast %neg3A_576 : f32 to vector<16xf32>
          %neg3A_578 = arith.subf %neg3A_577, %mul3A_561 : vector<16xf32>
          %swap3A_579 = arith.index_cast %mul3A_545 : i32 to index
          %swap3A_580 = tpu.vector_load %arg23[%swap3A_579] {strides = array<i32>} : memref<1600xf32, #tpu.memory_space<vmem>>, vector<16xf32>,
          tpu.vector_store %arg23[%swap3A_579], %neg3A_578 {strides = array<i32>} : memref<1600xf32, #tpu.memory_space<vmem>>, vector<16xf32>,
          %scan3A_581 = arith.constant 0 : i32
          scf.yield %scan3A_581 : i32
        }
        %scan3A_520 = arith.constant 100 : i32
        %dma_start3A_521 = arith.constant 0 : i32
        %dma_start3A_522 = tpu.memref_slice %arg38[%dma_start3A_521] : memref<100096xf32, #tpu.memory_space<vmem_shared>> -> memref<100096xf32, #tpu.memory_space<vmem_shared>>
        tpu.enqueue_indirect_dma source(%arg21 : memref<1600xf32, #tpu.memory_space<vmem>>) target(%dma_start3A_522 : memref<100096xf32, #tpu.memory_space<vmem_shared>>) offsets(%arg16 : memref<1600xi32, #tpu.memory_space<vmem>>) semaphore(%arg44 : memref<!tpu.dma_semaphore, #tpu.memory_space<semaphore_mem>>) {add = true}
        %dma_start3A_523 = arith.constant 0 : i32
        %dma_start3A_524 = tpu.memref_slice %arg39[%dma_start3A_523] : memref<100096xf32, #tpu.memory_space<vmem_shared>> -> memref<100096xf32, #tpu.memory_space<vmem_shared>>
        tpu.enqueue_indirect_dma source(%arg22 : memref<1600xf32, #tpu.memory_space<vmem>>) target(%dma_start3A_524 : memref<100096xf32, #tpu.memory_space<vmem_shared>>) offsets(%arg16 : memref<1600xi32, #tpu.memory_space<vmem>>) semaphore(%arg44 : memref<!tpu.dma_semaphore, #tpu.memory_space<semaphore_mem>>) {add = true}
        %dma_start3A_525 = arith.constant 0 : i32
        %dma_start3A_526 = tpu.memref_slice %arg40[%dma_start3A_525] : memref<100096xf32, #tpu.memory_space<vmem_shared>> -> memref<100096xf32, #tpu.memory_space<vmem_shared>>
        tpu.enqueue_indirect_dma source(%arg23 : memref<1600xf32, #tpu.memory_space<vmem>>) target(%dma_start3A_526 : memref<100096xf32, #tpu.memory_space<vmem_shared>>) offsets(%arg16 : memref<1600xi32, #tpu.memory_space<vmem>>) semaphore(%arg44 : memref<!tpu.dma_semaphore, #tpu.memory_space<semaphore_mem>>) {add = true}
        %dma_start3A_527 = arith.constant 0 : i32
        %dma_start3A_528 = tpu.memref_slice %arg38[%dma_start3A_527] : memref<100096xf32, #tpu.memory_space<vmem_shared>> -> memref<100096xf32, #tpu.memory_space<vmem_shared>>
        tpu.enqueue_indirect_dma source(%arg18 : memref<1600xf32, #tpu.memory_space<vmem>>) target(%dma_start3A_528 : memref<100096xf32, #tpu.memory_space<vmem_shared>>) offsets(%arg17 : memref<1600xi32, #tpu.memory_space<vmem>>) semaphore(%arg44 : memref<!tpu.dma_semaphore, #tpu.memory_space<semaphore_mem>>) {add = true}
        %dma_start3A_529 = arith.constant 0 : i32
        %dma_start3A_530 = tpu.memref_slice %arg39[%dma_start3A_529] : memref<100096xf32, #tpu.memory_space<vmem_shared>> -> memref<100096xf32, #tpu.memory_space<vmem_shared>>
        tpu.enqueue_indirect_dma source(%arg19 : memref<1600xf32, #tpu.memory_space<vmem>>) target(%dma_start3A_530 : memref<100096xf32, #tpu.memory_space<vmem_shared>>) offsets(%arg17 : memref<1600xi32, #tpu.memory_space<vmem>>) semaphore(%arg44 : memref<!tpu.dma_semaphore, #tpu.memory_space<semaphore_mem>>) {add = true}
        %dma_start3A_531 = arith.constant 0 : i32
        %dma_start3A_532 = tpu.memref_slice %arg40[%dma_start3A_531] : memref<100096xf32, #tpu.memory_space<vmem_shared>> -> memref<100096xf32, #tpu.memory_space<vmem_shared>>
        tpu.enqueue_indirect_dma source(%arg20 : memref<1600xf32, #tpu.memory_space<vmem>>) target(%dma_start3A_532 : memref<100096xf32, #tpu.memory_space<vmem_shared>>) offsets(%arg17 : memref<1600xi32, #tpu.memory_space<vmem>>) semaphore(%arg44 : memref<!tpu.dma_semaphore, #tpu.memory_space<semaphore_mem>>) {add = true}
        %dma_wait3A_533 = arith.constant 0 : i32
        %dma_wait3A_534 = tpu.memref_slice %arg41[%dma_wait3A_533] : memref<100096xi32, #tpu.memory_space<vmem_shared>> -> memref<100096xi32, #tpu.memory_space<vmem_shared>>
        tpu.wait_indirect_dma semaphore(%arg43 : memref<!tpu.dma_semaphore, #tpu.memory_space<semaphore_mem>>) src(%dma_wait3A_534 : memref<100096xi32, #tpu.memory_space<vmem_shared>>) dst(%arg12 : memref<1600xi32, #tpu.memory_space<vmem>>)
        %scan3A_535 = arith.constant 0 : i32
        %scan3A_536 = arith.constant 0 : i32
        %scan3A_537 = arith.constant 100 : i32
        %scan3A_538 = arith.addi %scan3A_536, %scan3A_537 : i32
        %scan3A_539 = arith.constant 1 : i32
        %scan3A_540 = scf.for %scan3A_542 = %scan3A_536 to %scan3A_538 step %scan3A_539 iter_args(%scan3A_543 = %scan3A_535) -> (i32)  : i32 {
          %mul3A_544 = arith.constant 16 : i32
          %mul3A_545 = arith.muli %scan3A_542, %mul3A_544 : i32
          %get3A = arith.index_cast %mul3A_545 : i32 to index
          %get3A_546 = tpu.vector_load %arg13[%get3A] {strides = array<i32>} : memref<1600xf32, #tpu.memory_space<vmem>>, vector<16xf32>,
          %get3A_547 = arith.index_cast %mul3A_545 : i32 to index
          %get3A_548 = tpu.vector_load %arg14[%get3A_547] {strides = array<i32>} : memref<1600xf32, #tpu.memory_space<vmem>>, vector<16xf32>,
          %get3A_549 = arith.index_cast %mul3A_545 : i32 to index
          %get3A_550 = tpu.vector_load %arg15[%get3A_549] {strides = array<i32>} : memref<1600xf32, #tpu.memory_space<vmem>>, vector<16xf32>,
          %get3A_551 = arith.index_cast %mul3A_545 : i32 to index
          %get3A_552 = tpu.vector_load %arg21[%get3A_551] {strides = array<i32>} : memref<1600xf32, #tpu.memory_space<vmem>>, vector<16xf32>,
          %get3A_553 = arith.index_cast %mul3A_545 : i32 to index
          %get3A_554 = tpu.vector_load %arg22[%get3A_553] {strides = array<i32>} : memref<1600xf32, #tpu.memory_space<vmem>>, vector<16xf32>,
          %get3A_555 = arith.index_cast %mul3A_545 : i32 to index
          %get3A_556 = tpu.vector_load %arg23[%get3A_555] {strides = array<i32>} : memref<1600xf32, #tpu.memory_space<vmem>>, vector<16xf32>,
          %get3A_557 = arith.index_cast %mul3A_545 : i32 to index
          %get3A_558 = tpu.vector_load %arg12[%get3A_557] {strides = array<i32>} : memref<1600xi32, #tpu.memory_space<vmem>>, vector<16xi32>,
          %mul3A_559 = arith.constant 8 : i32
          %mul3A_560 = vector.broadcast %mul3A_559 : i32 to vector<16xi32>
          %mul3A_561 = arith.muli %get3A_558, %mul3A_560 : vector<16xi32>
          %and3A = arith.constant 7 : i32
          %and3A_562 = vector.broadcast %and3A : i32 to vector<16xi32>
          %and3A_563 = arith.andi %iota3A, %and3A_562 : vector<16xi32>
          %add3A_564 = arith.addi %mul3A_561, %and3A_563 : vector<16xi32>
          %lt3A = arith.constant 8 : i32
          %lt3A_565 = vector.broadcast %lt3A : i32 to vector<16xi32>
          %lt3A_566 = arith.cmpi slt, %iota3A, %lt3A_565 : vector<16xi32>
          %ge3A = arith.constant 8 : i32
          %ge3A_567 = vector.broadcast %ge3A : i32 to vector<16xi32>
          %ge3A_568 = arith.cmpi sge, %iota3A, %ge3A_567 : vector<16xi32>
          %mul3A_569 = arith.mulf %get3A_552, %get3A_546 : vector<16xf32>
          %add3A_570 = arith.constant 0 : i32
          %add3A_571 = vector.broadcast %add3A_570 : i32 to vector<16xi32>
          %add3A_572 = arith.addi %add3A_564, %add3A_571 : vector<16xi32>
          tpu.vector_store_idx %arg35[%add3A_572], %mul3A_569 masked %lt3A_566 {add = true} : memref<36864xf32, #tpu.memory_space<vmem>>[vector<16xi32>], vector<16xf32>, vector<16xi1>
          %add3A_573 = arith.constant 0 : i32
          %add3A_574 = vector.broadcast %add3A_573 : i32 to vector<16xi32>
          %add3A_575 = arith.addi %add3A_564, %add3A_574 : vector<16xi32>
          tpu.vector_store_idx %arg35[%add3A_575], %mul3A_569 masked %ge3A_568 {add = true} : memref<36864xf32, #tpu.memory_space<vmem>>[vector<16xi32>], vector<16xf32>, vector<16xi1>
          %mul3A_576 = arith.mulf %get3A_554, %get3A_546 : vector<16xf32>
          %add3A_577 = arith.constant 4096 : i32
          %add3A_578 = vector.broadcast %add3A_577 : i32 to vector<16xi32>
          %add3A_579 = arith.addi %add3A_564, %add3A_578 : vector<16xi32>
          tpu.vector_store_idx %arg35[%add3A_579], %mul3A_576 masked %lt3A_566 {add = true} : memref<36864xf32, #tpu.memory_space<vmem>>[vector<16xi32>], vector<16xf32>, vector<16xi1>
          %add3A_580 = arith.constant 4096 : i32
          %add3A_581 = vector.broadcast %add3A_580 : i32 to vector<16xi32>
          %add3A_582 = arith.addi %add3A_564, %add3A_581 : vector<16xi32>
          tpu.vector_store_idx %arg35[%add3A_582], %mul3A_576 masked %ge3A_568 {add = true} : memref<36864xf32, #tpu.memory_space<vmem>>[vector<16xi32>], vector<16xf32>, vector<16xi1>
          %mul3A_583 = arith.mulf %get3A_556, %get3A_546 : vector<16xf32>
          %add3A_584 = arith.constant 8192 : i32
          %add3A_585 = vector.broadcast %add3A_584 : i32 to vector<16xi32>
          %add3A_586 = arith.addi %add3A_564, %add3A_585 : vector<16xi32>
          tpu.vector_store_idx %arg35[%add3A_586], %mul3A_583 masked %lt3A_566 {add = true} : memref<36864xf32, #tpu.memory_space<vmem>>[vector<16xi32>], vector<16xf32>, vector<16xi1>
          %add3A_587 = arith.constant 8192 : i32
          %add3A_588 = vector.broadcast %add3A_587 : i32 to vector<16xi32>
          %add3A_589 = arith.addi %add3A_564, %add3A_588 : vector<16xi32>
          tpu.vector_store_idx %arg35[%add3A_589], %mul3A_583 masked %ge3A_568 {add = true} : memref<36864xf32, #tpu.memory_space<vmem>>[vector<16xi32>], vector<16xf32>, vector<16xi1>
          %mul3A_590 = arith.mulf %get3A_552, %get3A_548 : vector<16xf32>
          %add3A_591 = arith.constant 12288 : i32
          %add3A_592 = vector.broadcast %add3A_591 : i32 to vector<16xi32>
          %add3A_593 = arith.addi %add3A_564, %add3A_592 : vector<16xi32>
          tpu.vector_store_idx %arg35[%add3A_593], %mul3A_590 masked %lt3A_566 {add = true} : memref<36864xf32, #tpu.memory_space<vmem>>[vector<16xi32>], vector<16xf32>, vector<16xi1>
          %add3A_594 = arith.constant 12288 : i32
          %add3A_595 = vector.broadcast %add3A_594 : i32 to vector<16xi32>
          %add3A_596 = arith.addi %add3A_564, %add3A_595 : vector<16xi32>
          tpu.vector_store_idx %arg35[%add3A_596], %mul3A_590 masked %ge3A_568 {add = true} : memref<36864xf32, #tpu.memory_space<vmem>>[vector<16xi32>], vector<16xf32>, vector<16xi1>
          %mul3A_597 = arith.mulf %get3A_554, %get3A_548 : vector<16xf32>
          %add3A_598 = arith.constant 16384 : i32
          %add3A_599 = vector.broadcast %add3A_598 : i32 to vector<16xi32>
          %add3A_600 = arith.addi %add3A_564, %add3A_599 : vector<16xi32>
          tpu.vector_store_idx %arg35[%add3A_600], %mul3A_597 masked %lt3A_566 {add = true} : memref<36864xf32, #tpu.memory_space<vmem>>[vector<16xi32>], vector<16xf32>, vector<16xi1>
          %add3A_601 = arith.constant 16384 : i32
          %add3A_602 = vector.broadcast %add3A_601 : i32 to vector<16xi32>
          %add3A_603 = arith.addi %add3A_564, %add3A_602 : vector<16xi32>
          tpu.vector_store_idx %arg35[%add3A_603], %mul3A_597 masked %ge3A_568 {add = true} : memref<36864xf32, #tpu.memory_space<vmem>>[vector<16xi32>], vector<16xf32>, vector<16xi1>
          %mul3A_604 = arith.mulf %get3A_556, %get3A_548 : vector<16xf32>
          %add3A_605 = arith.constant 20480 : i32
          %add3A_606 = vector.broadcast %add3A_605 : i32 to vector<16xi32>
          %add3A_607 = arith.addi %add3A_564, %add3A_606 : vector<16xi32>
          tpu.vector_store_idx %arg35[%add3A_607], %mul3A_604 masked %lt3A_566 {add = true} : memref<36864xf32, #tpu.memory_space<vmem>>[vector<16xi32>], vector<16xf32>, vector<16xi1>
          %add3A_608 = arith.constant 20480 : i32
          %add3A_609 = vector.broadcast %add3A_608 : i32 to vector<16xi32>
          %add3A_610 = arith.addi %add3A_564, %add3A_609 : vector<16xi32>
          tpu.vector_store_idx %arg35[%add3A_610], %mul3A_604 masked %ge3A_568 {add = true} : memref<36864xf32, #tpu.memory_space<vmem>>[vector<16xi32>], vector<16xf32>, vector<16xi1>
          %mul3A_611 = arith.mulf %get3A_552, %get3A_550 : vector<16xf32>
          %add3A_612 = arith.constant 24576 : i32
          %add3A_613 = vector.broadcast %add3A_612 : i32 to vector<16xi32>
          %add3A_614 = arith.addi %add3A_564, %add3A_613 : vector<16xi32>
          tpu.vector_store_idx %arg35[%add3A_614], %mul3A_611 masked %lt3A_566 {add = true} : memref<36864xf32, #tpu.memory_space<vmem>>[vector<16xi32>], vector<16xf32>, vector<16xi1>
          %add3A_615 = arith.constant 24576 : i32
          %add3A_616 = vector.broadcast %add3A_615 : i32 to vector<16xi32>
          %add3A_617 = arith.addi %add3A_564, %add3A_616 : vector<16xi32>
          tpu.vector_store_idx %arg35[%add3A_617], %mul3A_611 masked %ge3A_568 {add = true} : memref<36864xf32, #tpu.memory_space<vmem>>[vector<16xi32>], vector<16xf32>, vector<16xi1>
          %mul3A_618 = arith.mulf %get3A_554, %get3A_550 : vector<16xf32>
          %add3A_619 = arith.constant 28672 : i32
          %add3A_620 = vector.broadcast %add3A_619 : i32 to vector<16xi32>
          %add3A_621 = arith.addi %add3A_564, %add3A_620 : vector<16xi32>
          tpu.vector_store_idx %arg35[%add3A_621], %mul3A_618 masked %lt3A_566 {add = true} : memref<36864xf32, #tpu.memory_space<vmem>>[vector<16xi32>], vector<16xf32>, vector<16xi1>
          %add3A_622 = arith.constant 28672 : i32
          %add3A_623 = vector.broadcast %add3A_622 : i32 to vector<16xi32>
          %add3A_624 = arith.addi %add3A_564, %add3A_623 : vector<16xi32>
          tpu.vector_store_idx %arg35[%add3A_624], %mul3A_618 masked %ge3A_568 {add = true} : memref<36864xf32, #tpu.memory_space<vmem>>[vector<16xi32>], vector<16xf32>, vector<16xi1>
          %mul3A_625 = arith.mulf %get3A_556, %get3A_550 : vector<16xf32>
          %add3A_626 = arith.constant 32768 : i32
          %add3A_627 = vector.broadcast %add3A_626 : i32 to vector<16xi32>
          %add3A_628 = arith.addi %add3A_564, %add3A_627 : vector<16xi32>
          tpu.vector_store_idx %arg35[%add3A_628], %mul3A_625 masked %lt3A_566 {add = true} : memref<36864xf32, #tpu.memory_space<vmem>>[vector<16xi32>], vector<16xf32>, vector<16xi1>
          %add3A_629 = arith.constant 32768 : i32
          %add3A_630 = vector.broadcast %add3A_629 : i32 to vector<16xi32>
          %add3A_631 = arith.addi %add3A_564, %add3A_630 : vector<16xi32>
          tpu.vector_store_idx %arg35[%add3A_631], %mul3A_625 masked %ge3A_568 {add = true} : memref<36864xf32, #tpu.memory_space<vmem>>[vector<16xi32>], vector<16xf32>, vector<16xi1>
          %scan3A_632 = arith.constant 0 : i32
          scf.yield %scan3A_632 : i32
        }
        %scan3A_541 = arith.constant 100 : i32
      } else {
      }
      %add3A_357 = arith.constant 1 : i32
      %add3A_358 = arith.addi %mul3A_350, %add3A_357 : i32
      %dma_wait3A_359 = arith.constant 0 : i32
      %dma_wait3A_360 = tpu.memref_slice %arg2[%dma_wait3A_359] : memref<6400000xf32, #tpu.memory_space<hbm>> -> memref<1600xf32, #tpu.memory_space<hbm>>
      %dma_wait3A_361 = arith.constant 0 : i32
      %dma_wait3A_362 = tpu.memref_slice %arg2[%dma_wait3A_361] : memref<6400000xf32, #tpu.memory_space<hbm>> -> memref<1600xf32, #tpu.memory_space<hbm>>
      tpu.wait_dma2 semaphore(%arg45 : memref<!tpu.dma_semaphore, #tpu.memory_space<semaphore_mem>>) src(%dma_wait3A_362 : memref<1600xf32, #tpu.memory_space<hbm>>) dst(%arg24 : memref<1600xf32, #tpu.memory_space<vmem>>)
      %dma_wait3A_363 = arith.constant 0 : i32
      %dma_wait3A_364 = tpu.memref_slice %arg3[%dma_wait3A_363] : memref<6400000xf32, #tpu.memory_space<hbm>> -> memref<1600xf32, #tpu.memory_space<hbm>>
      %dma_wait3A_365 = arith.constant 0 : i32
      %dma_wait3A_366 = tpu.memref_slice %arg3[%dma_wait3A_365] : memref<6400000xf32, #tpu.memory_space<hbm>> -> memref<1600xf32, #tpu.memory_space<hbm>>
      tpu.wait_dma2 semaphore(%arg45 : memref<!tpu.dma_semaphore, #tpu.memory_space<semaphore_mem>>) src(%dma_wait3A_366 : memref<1600xf32, #tpu.memory_space<hbm>>) dst(%arg25 : memref<1600xf32, #tpu.memory_space<vmem>>)
      %dma_wait3A_367 = arith.constant 0 : i32
      %dma_wait3A_368 = tpu.memref_slice %arg4[%dma_wait3A_367] : memref<6400000xf32, #tpu.memory_space<hbm>> -> memref<1600xf32, #tpu.memory_space<hbm>>
      %dma_wait3A_369 = arith.constant 0 : i32
      %dma_wait3A_370 = tpu.memref_slice %arg4[%dma_wait3A_369] : memref<6400000xf32, #tpu.memory_space<hbm>> -> memref<1600xf32, #tpu.memory_space<hbm>>
      tpu.wait_dma2 semaphore(%arg45 : memref<!tpu.dma_semaphore, #tpu.memory_space<semaphore_mem>>) src(%dma_wait3A_370 : memref<1600xf32, #tpu.memory_space<hbm>>) dst(%arg26 : memref<1600xf32, #tpu.memory_space<vmem>>)
      %dma_wait3A_371 = arith.constant 0 : i32
      %dma_wait3A_372 = tpu.memref_slice %arg5[%dma_wait3A_371] : memref<6400000xi32, #tpu.memory_space<hbm>> -> memref<1600xi32, #tpu.memory_space<hbm>>
      %dma_wait3A_373 = arith.constant 0 : i32
      %dma_wait3A_374 = tpu.memref_slice %arg5[%dma_wait3A_373] : memref<6400000xi32, #tpu.memory_space<hbm>> -> memref<1600xi32, #tpu.memory_space<hbm>>
      tpu.wait_dma2 semaphore(%arg45 : memref<!tpu.dma_semaphore, #tpu.memory_space<semaphore_mem>>) src(%dma_wait3A_374 : memref<1600xi32, #tpu.memory_space<hbm>>) dst(%arg27 : memref<1600xi32, #tpu.memory_space<vmem>>)
      %dma_wait3A_375 = arith.constant 0 : i32
      %dma_wait3A_376 = tpu.memref_slice %arg6[%dma_wait3A_375] : memref<6400000xi32, #tpu.memory_space<hbm>> -> memref<1600xi32, #tpu.memory_space<hbm>>
      %dma_wait3A_377 = arith.constant 0 : i32
      %dma_wait3A_378 = tpu.memref_slice %arg6[%dma_wait3A_377] : memref<6400000xi32, #tpu.memory_space<hbm>> -> memref<1600xi32, #tpu.memory_space<hbm>>
      tpu.wait_dma2 semaphore(%arg45 : memref<!tpu.dma_semaphore, #tpu.memory_space<semaphore_mem>>) src(%dma_wait3A_378 : memref<1600xi32, #tpu.memory_space<hbm>>) dst(%arg28 : memref<1600xi32, #tpu.memory_space<vmem>>)
      %dma_wait3A_379 = arith.constant 0 : i32
      %dma_wait3A_380 = tpu.memref_slice %arg2[%dma_wait3A_379] : memref<6400000xf32, #tpu.memory_space<hbm>> -> memref<1600xf32, #tpu.memory_space<hbm>>
      %dma_wait3A_381 = arith.constant 0 : i32
      %dma_wait3A_382 = tpu.memref_slice %arg2[%dma_wait3A_381] : memref<6400000xf32, #tpu.memory_space<hbm>> -> memref<1600xf32, #tpu.memory_space<hbm>>
      tpu.wait_dma2 semaphore(%arg44 : memref<!tpu.dma_semaphore, #tpu.memory_space<semaphore_mem>>) src(%dma_wait3A_382 : memref<1600xf32, #tpu.memory_space<hbm>>) dst(%arg13 : memref<1600xf32, #tpu.memory_space<vmem>>)
      %dma_wait3A_383 = arith.constant 0 : i32
      %dma_wait3A_384 = tpu.memref_slice %arg2[%dma_wait3A_383] : memref<6400000xf32, #tpu.memory_space<hbm>> -> memref<1600xf32, #tpu.memory_space<hbm>>
      %dma_wait3A_385 = arith.constant 0 : i32
      %dma_wait3A_386 = tpu.memref_slice %arg2[%dma_wait3A_385] : memref<6400000xf32, #tpu.memory_space<hbm>> -> memref<1600xf32, #tpu.memory_space<hbm>>
      tpu.wait_dma2 semaphore(%arg44 : memref<!tpu.dma_semaphore, #tpu.memory_space<semaphore_mem>>) src(%dma_wait3A_386 : memref<1600xf32, #tpu.memory_space<hbm>>) dst(%arg13 : memref<1600xf32, #tpu.memory_space<vmem>>)
      %dma_wait3A_387 = arith.constant 0 : i32
      %dma_wait3A_388 = tpu.memref_slice %arg2[%dma_wait3A_387] : memref<6400000xf32, #tpu.memory_space<hbm>> -> memref<1600xf32, #tpu.memory_space<hbm>>
      %dma_wait3A_389 = arith.constant 0 : i32
      %dma_wait3A_390 = tpu.memref_slice %arg2[%dma_wait3A_389] : memref<6400000xf32, #tpu.memory_space<hbm>> -> memref<1600xf32, #tpu.memory_space<hbm>>
      tpu.wait_dma2 semaphore(%arg44 : memref<!tpu.dma_semaphore, #tpu.memory_space<semaphore_mem>>) src(%dma_wait3A_390 : memref<1600xf32, #tpu.memory_space<hbm>>) dst(%arg13 : memref<1600xf32, #tpu.memory_space<vmem>>)
      %dma_wait3A_391 = arith.constant 0 : i32
      %dma_wait3A_392 = tpu.memref_slice %arg2[%dma_wait3A_391] : memref<6400000xf32, #tpu.memory_space<hbm>> -> memref<1600xf32, #tpu.memory_space<hbm>>
      %dma_wait3A_393 = arith.constant 0 : i32
      %dma_wait3A_394 = tpu.memref_slice %arg2[%dma_wait3A_393] : memref<6400000xf32, #tpu.memory_space<hbm>> -> memref<1600xf32, #tpu.memory_space<hbm>>
      tpu.wait_dma2 semaphore(%arg44 : memref<!tpu.dma_semaphore, #tpu.memory_space<semaphore_mem>>) src(%dma_wait3A_394 : memref<1600xf32, #tpu.memory_space<hbm>>) dst(%arg13 : memref<1600xf32, #tpu.memory_space<vmem>>)
      %dma_wait3A_395 = arith.constant 0 : i32
      %dma_wait3A_396 = tpu.memref_slice %arg2[%dma_wait3A_395] : memref<6400000xf32, #tpu.memory_space<hbm>> -> memref<1600xf32, #tpu.memory_space<hbm>>
      %dma_wait3A_397 = arith.constant 0 : i32
      %dma_wait3A_398 = tpu.memref_slice %arg2[%dma_wait3A_397] : memref<6400000xf32, #tpu.memory_space<hbm>> -> memref<1600xf32, #tpu.memory_space<hbm>>
      tpu.wait_dma2 semaphore(%arg44 : memref<!tpu.dma_semaphore, #tpu.memory_space<semaphore_mem>>) src(%dma_wait3A_398 : memref<1600xf32, #tpu.memory_space<hbm>>) dst(%arg13 : memref<1600xf32, #tpu.memory_space<vmem>>)
      %dma_wait3A_399 = arith.constant 0 : i32
      %dma_wait3A_400 = tpu.memref_slice %arg2[%dma_wait3A_399] : memref<6400000xf32, #tpu.memory_space<hbm>> -> memref<1600xf32, #tpu.memory_space<hbm>>
      %dma_wait3A_401 = arith.constant 0 : i32
      %dma_wait3A_402 = tpu.memref_slice %arg2[%dma_wait3A_401] : memref<6400000xf32, #tpu.memory_space<hbm>> -> memref<1600xf32, #tpu.memory_space<hbm>>
      tpu.wait_dma2 semaphore(%arg44 : memref<!tpu.dma_semaphore, #tpu.memory_space<semaphore_mem>>) src(%dma_wait3A_402 : memref<1600xf32, #tpu.memory_space<hbm>>) dst(%arg13 : memref<1600xf32, #tpu.memory_space<vmem>>)
      %add3A_403 = arith.constant 1 : i32
      %add3A_404 = arith.addi %add3A_358, %add3A_403 : i32
      %mul3A_405 = arith.constant 200000 : i32
      %mul3A_406 = arith.muli %add3A, %mul3A_405 : i32
      %mul3A_407 = arith.constant 1600 : i32
      %mul3A_408 = arith.muli %add3A_404, %mul3A_407 : i32
      %add3A_409 = arith.addi %mul3A_406, %mul3A_408 : i32
      %dma_start3A_410 = tpu.memref_slice %arg2[%add3A_409] : memref<6400000xf32, #tpu.memory_space<hbm>> -> memref<1600xf32, #tpu.memory_space<hbm>>
      %dma_start3A_411 = tpu.memref_slice %arg2[%add3A_409] : memref<6400000xf32, #tpu.memory_space<hbm>> -> memref<1600xf32, #tpu.memory_space<hbm>>
      tpu.enqueue_dma source(%dma_start3A_411 : memref<1600xf32, #tpu.memory_space<hbm>>) target(%arg13 : memref<1600xf32, #tpu.memory_space<vmem>>) target_semaphore(%arg45 : memref<!tpu.dma_semaphore, #tpu.memory_space<semaphore_mem>>)
      %dma_start3A_412 = tpu.memref_slice %arg3[%add3A_409] : memref<6400000xf32, #tpu.memory_space<hbm>> -> memref<1600xf32, #tpu.memory_space<hbm>>
      %dma_start3A_413 = tpu.memref_slice %arg3[%add3A_409] : memref<6400000xf32, #tpu.memory_space<hbm>> -> memref<1600xf32, #tpu.memory_space<hbm>>
      tpu.enqueue_dma source(%dma_start3A_413 : memref<1600xf32, #tpu.memory_space<hbm>>) target(%arg14 : memref<1600xf32, #tpu.memory_space<vmem>>) target_semaphore(%arg45 : memref<!tpu.dma_semaphore, #tpu.memory_space<semaphore_mem>>)
      %dma_start3A_414 = tpu.memref_slice %arg4[%add3A_409] : memref<6400000xf32, #tpu.memory_space<hbm>> -> memref<1600xf32, #tpu.memory_space<hbm>>
      %dma_start3A_415 = tpu.memref_slice %arg4[%add3A_409] : memref<6400000xf32, #tpu.memory_space<hbm>> -> memref<1600xf32, #tpu.memory_space<hbm>>
      tpu.enqueue_dma source(%dma_start3A_415 : memref<1600xf32, #tpu.memory_space<hbm>>) target(%arg15 : memref<1600xf32, #tpu.memory_space<vmem>>) target_semaphore(%arg45 : memref<!tpu.dma_semaphore, #tpu.memory_space<semaphore_mem>>)
      %dma_start3A_416 = tpu.memref_slice %arg5[%add3A_409] : memref<6400000xi32, #tpu.memory_space<hbm>> -> memref<1600xi32, #tpu.memory_space<hbm>>
      %dma_start3A_417 = tpu.memref_slice %arg5[%add3A_409] : memref<6400000xi32, #tpu.memory_space<hbm>> -> memref<1600xi32, #tpu.memory_space<hbm>>
      tpu.enqueue_dma source(%dma_start3A_417 : memref<1600xi32, #tpu.memory_space<hbm>>) target(%arg16 : memref<1600xi32, #tpu.memory_space<vmem>>) target_semaphore(%arg45 : memref<!tpu.dma_semaphore, #tpu.memory_space<semaphore_mem>>)
      %dma_start3A_418 = tpu.memref_slice %arg6[%add3A_409] : memref<6400000xi32, #tpu.memory_space<hbm>> -> memref<1600xi32, #tpu.memory_space<hbm>>
      %dma_start3A_419 = tpu.memref_slice %arg6[%add3A_409] : memref<6400000xi32, #tpu.memory_space<hbm>> -> memref<1600xi32, #tpu.memory_space<hbm>>
      tpu.enqueue_dma source(%dma_start3A_419 : memref<1600xi32, #tpu.memory_space<hbm>>) target(%arg17 : memref<1600xi32, #tpu.memory_space<vmem>>) target_semaphore(%arg45 : memref<!tpu.dma_semaphore, #tpu.memory_space<semaphore_mem>>)
      %dma_start3A_420 = arith.constant 0 : i32
      %dma_start3A_421 = tpu.memref_slice %arg41[%dma_start3A_420] : memref<100096xi32, #tpu.memory_space<vmem_shared>> -> memref<100096xi32, #tpu.memory_space<vmem_shared>>
      tpu.enqueue_indirect_dma source(%dma_start3A_421 : memref<100096xi32, #tpu.memory_space<vmem_shared>>) target(%arg12 : memref<1600xi32, #tpu.memory_space<vmem>>) offsets(%arg27 : memref<1600xi32, #tpu.memory_space<vmem>>) semaphore(%arg43 : memref<!tpu.dma_semaphore, #tpu.memory_space<semaphore_mem>>)
      %scan3A_422 = arith.constant 0 : i32
      %scan3A_423 = arith.constant 0 : i32
      %scan3A_424 = arith.constant 100 : i32
      %scan3A_425 = arith.addi %scan3A_423, %scan3A_424 : i32
      %scan3A_426 = arith.constant 1 : i32
      %scan3A_427 = scf.for %scan3A_451 = %scan3A_423 to %scan3A_425 step %scan3A_426 iter_args(%scan3A_452 = %scan3A_422) -> (i32)  : i32 {
        %mul3A_453 = arith.constant 16 : i32
        %mul3A_454 = arith.muli %scan3A_451, %mul3A_453 : i32
        %get3A = arith.index_cast %mul3A_454 : i32 to index
        %get3A_455 = tpu.vector_load %arg24[%get3A] {strides = array<i32>} : memref<1600xf32, #tpu.memory_space<vmem>>, vector<16xf32>,
        %get3A_456 = arith.index_cast %mul3A_454 : i32 to index
        %get3A_457 = tpu.vector_load %arg25[%get3A_456] {strides = array<i32>} : memref<1600xf32, #tpu.memory_space<vmem>>, vector<16xf32>,
        %get3A_458 = arith.index_cast %mul3A_454 : i32 to index
        %get3A_459 = tpu.vector_load %arg26[%get3A_458] {strides = array<i32>} : memref<1600xf32, #tpu.memory_space<vmem>>, vector<16xf32>,
        %mul3A_460 = arith.mulf %get3A_455, %get3A_455 : vector<16xf32>
        %mul3A_461 = arith.mulf %get3A_457, %get3A_457 : vector<16xf32>
        %add3A_462 = arith.addf %mul3A_460, %mul3A_461 : vector<16xf32>
        %mul3A_463 = arith.mulf %get3A_459, %get3A_459 : vector<16xf32>
        %add3A_464 = arith.addf %add3A_462, %mul3A_463 : vector<16xf32>
        %mul3A_465 = arith.constant -5.000000e-01 : f32
        %mul3A_466 = vector.broadcast %mul3A_465 : f32 to vector<16xf32>
        %mul3A_467 = arith.mulf %mul3A_466, %add3A_464 : vector<16xf32>
        %exp3A = math.exp %mul3A_467 : vector<16xf32>
        %mul3A_468 = arith.mulf %get3A_455, %exp3A : vector<16xf32>
        %mul3A_469 = arith.mulf %get3A_457, %exp3A : vector<16xf32>
        %mul3A_470 = arith.mulf %get3A_459, %exp3A : vector<16xf32>
        %swap3A = arith.index_cast %mul3A_454 : i32 to index
        %swap3A_471 = tpu.vector_load %arg29[%swap3A] {strides = array<i32>} : memref<1600xf32, #tpu.memory_space<vmem>>, vector<16xf32>,
        tpu.vector_store %arg29[%swap3A], %mul3A_468 {strides = array<i32>} : memref<1600xf32, #tpu.memory_space<vmem>>, vector<16xf32>,
        %swap3A_472 = arith.index_cast %mul3A_454 : i32 to index
        %swap3A_473 = tpu.vector_load %arg30[%swap3A_472] {strides = array<i32>} : memref<1600xf32, #tpu.memory_space<vmem>>, vector<16xf32>,
        tpu.vector_store %arg30[%swap3A_472], %mul3A_469 {strides = array<i32>} : memref<1600xf32, #tpu.memory_space<vmem>>, vector<16xf32>,
        %swap3A_474 = arith.index_cast %mul3A_454 : i32 to index
        %swap3A_475 = tpu.vector_load %arg31[%swap3A_474] {strides = array<i32>} : memref<1600xf32, #tpu.memory_space<vmem>>, vector<16xf32>,
        tpu.vector_store %arg31[%swap3A_474], %mul3A_470 {strides = array<i32>} : memref<1600xf32, #tpu.memory_space<vmem>>, vector<16xf32>,
        %neg3A = arith.constant 0.000000e+00 : f32
        %neg3A_476 = vector.broadcast %neg3A : f32 to vector<16xf32>
        %neg3A_477 = arith.subf %neg3A_476, %mul3A_468 : vector<16xf32>
        %swap3A_478 = arith.index_cast %mul3A_454 : i32 to index
        %swap3A_479 = tpu.vector_load %arg32[%swap3A_478] {strides = array<i32>} : memref<1600xf32, #tpu.memory_space<vmem>>, vector<16xf32>,
        tpu.vector_store %arg32[%swap3A_478], %neg3A_477 {strides = array<i32>} : memref<1600xf32, #tpu.memory_space<vmem>>, vector<16xf32>,
        %neg3A_480 = arith.constant 0.000000e+00 : f32
        %neg3A_481 = vector.broadcast %neg3A_480 : f32 to vector<16xf32>
        %neg3A_482 = arith.subf %neg3A_481, %mul3A_469 : vector<16xf32>
        %swap3A_483 = arith.index_cast %mul3A_454 : i32 to index
        %swap3A_484 = tpu.vector_load %arg33[%swap3A_483] {strides = array<i32>} : memref<1600xf32, #tpu.memory_space<vmem>>, vector<16xf32>,
        tpu.vector_store %arg33[%swap3A_483], %neg3A_482 {strides = array<i32>} : memref<1600xf32, #tpu.memory_space<vmem>>, vector<16xf32>,
        %neg3A_485 = arith.constant 0.000000e+00 : f32
        %neg3A_486 = vector.broadcast %neg3A_485 : f32 to vector<16xf32>
        %neg3A_487 = arith.subf %neg3A_486, %mul3A_470 : vector<16xf32>
        %swap3A_488 = arith.index_cast %mul3A_454 : i32 to index
        %swap3A_489 = tpu.vector_load %arg34[%swap3A_488] {strides = array<i32>} : memref<1600xf32, #tpu.memory_space<vmem>>, vector<16xf32>,
        tpu.vector_store %arg34[%swap3A_488], %neg3A_487 {strides = array<i32>} : memref<1600xf32, #tpu.memory_space<vmem>>, vector<16xf32>,
        %scan3A_490 = arith.constant 0 : i32
        scf.yield %scan3A_490 : i32
      }
      %scan3A_428 = arith.constant 100 : i32
      %dma_start3A_429 = arith.constant 0 : i32
      %dma_start3A_430 = tpu.memref_slice %arg38[%dma_start3A_429] : memref<100096xf32, #tpu.memory_space<vmem_shared>> -> memref<100096xf32, #tpu.memory_space<vmem_shared>>
      tpu.enqueue_indirect_dma source(%arg32 : memref<1600xf32, #tpu.memory_space<vmem>>) target(%dma_start3A_430 : memref<100096xf32, #tpu.memory_space<vmem_shared>>) offsets(%arg27 : memref<1600xi32, #tpu.memory_space<vmem>>) semaphore(%arg44 : memref<!tpu.dma_semaphore, #tpu.memory_space<semaphore_mem>>) {add = true}
      %dma_start3A_431 = arith.constant 0 : i32
      %dma_start3A_432 = tpu.memref_slice %arg39[%dma_start3A_431] : memref<100096xf32, #tpu.memory_space<vmem_shared>> -> memref<100096xf32, #tpu.memory_space<vmem_shared>>
      tpu.enqueue_indirect_dma source(%arg33 : memref<1600xf32, #tpu.memory_space<vmem>>) target(%dma_start3A_432 : memref<100096xf32, #tpu.memory_space<vmem_shared>>) offsets(%arg27 : memref<1600xi32, #tpu.memory_space<vmem>>) semaphore(%arg44 : memref<!tpu.dma_semaphore, #tpu.memory_space<semaphore_mem>>) {add = true}
      %dma_start3A_433 = arith.constant 0 : i32
      %dma_start3A_434 = tpu.memref_slice %arg40[%dma_start3A_433] : memref<100096xf32, #tpu.memory_space<vmem_shared>> -> memref<100096xf32, #tpu.memory_space<vmem_shared>>
      tpu.enqueue_indirect_dma source(%arg34 : memref<1600xf32, #tpu.memory_space<vmem>>) target(%dma_start3A_434 : memref<100096xf32, #tpu.memory_space<vmem_shared>>) offsets(%arg27 : memref<1600xi32, #tpu.memory_space<vmem>>) semaphore(%arg44 : memref<!tpu.dma_semaphore, #tpu.memory_space<semaphore_mem>>) {add = true}
      %dma_start3A_435 = arith.constant 0 : i32
      %dma_start3A_436 = tpu.memref_slice %arg38[%dma_start3A_435] : memref<100096xf32, #tpu.memory_space<vmem_shared>> -> memref<100096xf32, #tpu.memory_space<vmem_shared>>
      tpu.enqueue_indirect_dma source(%arg29 : memref<1600xf32, #tpu.memory_space<vmem>>) target(%dma_start3A_436 : memref<100096xf32, #tpu.memory_space<vmem_shared>>) offsets(%arg28 : memref<1600xi32, #tpu.memory_space<vmem>>) semaphore(%arg44 : memref<!tpu.dma_semaphore, #tpu.memory_space<semaphore_mem>>) {add = true}
      %dma_start3A_437 = arith.constant 0 : i32
      %dma_start3A_438 = tpu.memref_slice %arg39[%dma_start3A_437] : memref<100096xf32, #tpu.memory_space<vmem_shared>> -> memref<100096xf32, #tpu.memory_space<vmem_shared>>
      tpu.enqueue_indirect_dma source(%arg30 : memref<1600xf32, #tpu.memory_space<vmem>>) target(%dma_start3A_438 : memref<100096xf32, #tpu.memory_space<vmem_shared>>) offsets(%arg28 : memref<1600xi32, #tpu.memory_space<vmem>>) semaphore(%arg44 : memref<!tpu.dma_semaphore, #tpu.memory_space<semaphore_mem>>) {add = true}
      %dma_start3A_439 = arith.constant 0 : i32
      %dma_start3A_440 = tpu.memref_slice %arg40[%dma_start3A_439] : memref<100096xf32, #tpu.memory_space<vmem_shared>> -> memref<100096xf32, #tpu.memory_space<vmem_shared>>
      tpu.enqueue_indirect_dma source(%arg31 : memref<1600xf32, #tpu.memory_space<vmem>>) target(%dma_start3A_440 : memref<100096xf32, #tpu.memory_space<vmem_shared>>) offsets(%arg28 : memref<1600xi32, #tpu.memory_space<vmem>>) semaphore(%arg44 : memref<!tpu.dma_semaphore, #tpu.memory_space<semaphore_mem>>) {add = true}
      %dma_wait3A_441 = arith.constant 0 : i32
      %dma_wait3A_442 = tpu.memref_slice %arg41[%dma_wait3A_441] : memref<100096xi32, #tpu.memory_space<vmem_shared>> -> memref<100096xi32, #tpu.memory_space<vmem_shared>>
      tpu.wait_indirect_dma semaphore(%arg43 : memref<!tpu.dma_semaphore, #tpu.memory_space<semaphore_mem>>) src(%dma_wait3A_442 : memref<100096xi32, #tpu.memory_space<vmem_shared>>) dst(%arg12 : memref<1600xi32, #tpu.memory_space<vmem>>)
      %scan3A_443 = arith.constant 0 : i32
      %scan3A_444 = arith.constant 0 : i32
      %scan3A_445 = arith.constant 100 : i32
      %scan3A_446 = arith.addi %scan3A_444, %scan3A_445 : i32
      %scan3A_447 = arith.constant 1 : i32
      %scan3A_448 = scf.for %scan3A_451 = %scan3A_444 to %scan3A_446 step %scan3A_447 iter_args(%scan3A_452 = %scan3A_443) -> (i32)  : i32 {
        %mul3A_453 = arith.constant 16 : i32
        %mul3A_454 = arith.muli %scan3A_451, %mul3A_453 : i32
        %get3A = arith.index_cast %mul3A_454 : i32 to index
        %get3A_455 = tpu.vector_load %arg24[%get3A] {strides = array<i32>} : memref<1600xf32, #tpu.memory_space<vmem>>, vector<16xf32>,
        %get3A_456 = arith.index_cast %mul3A_454 : i32 to index
        %get3A_457 = tpu.vector_load %arg25[%get3A_456] {strides = array<i32>} : memref<1600xf32, #tpu.memory_space<vmem>>, vector<16xf32>,
        %get3A_458 = arith.index_cast %mul3A_454 : i32 to index
        %get3A_459 = tpu.vector_load %arg26[%get3A_458] {strides = array<i32>} : memref<1600xf32, #tpu.memory_space<vmem>>, vector<16xf32>,
        %get3A_460 = arith.index_cast %mul3A_454 : i32 to index
        %get3A_461 = tpu.vector_load %arg32[%get3A_460] {strides = array<i32>} : memref<1600xf32, #tpu.memory_space<vmem>>, vector<16xf32>,
        %get3A_462 = arith.index_cast %mul3A_454 : i32 to index
        %get3A_463 = tpu.vector_load %arg33[%get3A_462] {strides = array<i32>} : memref<1600xf32, #tpu.memory_space<vmem>>, vector<16xf32>,
        %get3A_464 = arith.index_cast %mul3A_454 : i32 to index
        %get3A_465 = tpu.vector_load %arg34[%get3A_464] {strides = array<i32>} : memref<1600xf32, #tpu.memory_space<vmem>>, vector<16xf32>,
        %get3A_466 = arith.index_cast %mul3A_454 : i32 to index
        %get3A_467 = tpu.vector_load %arg12[%get3A_466] {strides = array<i32>} : memref<1600xi32, #tpu.memory_space<vmem>>, vector<16xi32>,
        %mul3A_468 = arith.constant 8 : i32
        %mul3A_469 = vector.broadcast %mul3A_468 : i32 to vector<16xi32>
        %mul3A_470 = arith.muli %get3A_467, %mul3A_469 : vector<16xi32>
        %and3A = arith.constant 7 : i32
        %and3A_471 = vector.broadcast %and3A : i32 to vector<16xi32>
        %and3A_472 = arith.andi %iota3A, %and3A_471 : vector<16xi32>
        %add3A_473 = arith.addi %mul3A_470, %and3A_472 : vector<16xi32>
        %lt3A = arith.constant 8 : i32
        %lt3A_474 = vector.broadcast %lt3A : i32 to vector<16xi32>
        %lt3A_475 = arith.cmpi slt, %iota3A, %lt3A_474 : vector<16xi32>
        %ge3A = arith.constant 8 : i32
        %ge3A_476 = vector.broadcast %ge3A : i32 to vector<16xi32>
        %ge3A_477 = arith.cmpi sge, %iota3A, %ge3A_476 : vector<16xi32>
        %mul3A_478 = arith.mulf %get3A_461, %get3A_455 : vector<16xf32>
        %add3A_479 = arith.constant 0 : i32
        %add3A_480 = vector.broadcast %add3A_479 : i32 to vector<16xi32>
        %add3A_481 = arith.addi %add3A_473, %add3A_480 : vector<16xi32>
        tpu.vector_store_idx %arg35[%add3A_481], %mul3A_478 masked %lt3A_475 {add = true} : memref<36864xf32, #tpu.memory_space<vmem>>[vector<16xi32>], vector<16xf32>, vector<16xi1>
        %add3A_482 = arith.constant 0 : i32
        %add3A_483 = vector.broadcast %add3A_482 : i32 to vector<16xi32>
        %add3A_484 = arith.addi %add3A_473, %add3A_483 : vector<16xi32>
        tpu.vector_store_idx %arg35[%add3A_484], %mul3A_478 masked %ge3A_477 {add = true} : memref<36864xf32, #tpu.memory_space<vmem>>[vector<16xi32>], vector<16xf32>, vector<16xi1>
        %mul3A_485 = arith.mulf %get3A_463, %get3A_455 : vector<16xf32>
        %add3A_486 = arith.constant 4096 : i32
        %add3A_487 = vector.broadcast %add3A_486 : i32 to vector<16xi32>
        %add3A_488 = arith.addi %add3A_473, %add3A_487 : vector<16xi32>
        tpu.vector_store_idx %arg35[%add3A_488], %mul3A_485 masked %lt3A_475 {add = true} : memref<36864xf32, #tpu.memory_space<vmem>>[vector<16xi32>], vector<16xf32>, vector<16xi1>
        %add3A_489 = arith.constant 4096 : i32
        %add3A_490 = vector.broadcast %add3A_489 : i32 to vector<16xi32>
        %add3A_491 = arith.addi %add3A_473, %add3A_490 : vector<16xi32>
        tpu.vector_store_idx %arg35[%add3A_491], %mul3A_485 masked %ge3A_477 {add = true} : memref<36864xf32, #tpu.memory_space<vmem>>[vector<16xi32>], vector<16xf32>, vector<16xi1>
        %mul3A_492 = arith.mulf %get3A_465, %get3A_455 : vector<16xf32>
        %add3A_493 = arith.constant 8192 : i32
        %add3A_494 = vector.broadcast %add3A_493 : i32 to vector<16xi32>
        %add3A_495 = arith.addi %add3A_473, %add3A_494 : vector<16xi32>
        tpu.vector_store_idx %arg35[%add3A_495], %mul3A_492 masked %lt3A_475 {add = true} : memref<36864xf32, #tpu.memory_space<vmem>>[vector<16xi32>], vector<16xf32>, vector<16xi1>
        %add3A_496 = arith.constant 8192 : i32
        %add3A_497 = vector.broadcast %add3A_496 : i32 to vector<16xi32>
        %add3A_498 = arith.addi %add3A_473, %add3A_497 : vector<16xi32>
        tpu.vector_store_idx %arg35[%add3A_498], %mul3A_492 masked %ge3A_477 {add = true} : memref<36864xf32, #tpu.memory_space<vmem>>[vector<16xi32>], vector<16xf32>, vector<16xi1>
        %mul3A_499 = arith.mulf %get3A_461, %get3A_457 : vector<16xf32>
        %add3A_500 = arith.constant 12288 : i32
        %add3A_501 = vector.broadcast %add3A_500 : i32 to vector<16xi32>
        %add3A_502 = arith.addi %add3A_473, %add3A_501 : vector<16xi32>
        tpu.vector_store_idx %arg35[%add3A_502], %mul3A_499 masked %lt3A_475 {add = true} : memref<36864xf32, #tpu.memory_space<vmem>>[vector<16xi32>], vector<16xf32>, vector<16xi1>
        %add3A_503 = arith.constant 12288 : i32
        %add3A_504 = vector.broadcast %add3A_503 : i32 to vector<16xi32>
        %add3A_505 = arith.addi %add3A_473, %add3A_504 : vector<16xi32>
        tpu.vector_store_idx %arg35[%add3A_505], %mul3A_499 masked %ge3A_477 {add = true} : memref<36864xf32, #tpu.memory_space<vmem>>[vector<16xi32>], vector<16xf32>, vector<16xi1>
        %mul3A_506 = arith.mulf %get3A_463, %get3A_457 : vector<16xf32>
        %add3A_507 = arith.constant 16384 : i32
        %add3A_508 = vector.broadcast %add3A_507 : i32 to vector<16xi32>
        %add3A_509 = arith.addi %add3A_473, %add3A_508 : vector<16xi32>
        tpu.vector_store_idx %arg35[%add3A_509], %mul3A_506 masked %lt3A_475 {add = true} : memref<36864xf32, #tpu.memory_space<vmem>>[vector<16xi32>], vector<16xf32>, vector<16xi1>
        %add3A_510 = arith.constant 16384 : i32
        %add3A_511 = vector.broadcast %add3A_510 : i32 to vector<16xi32>
        %add3A_512 = arith.addi %add3A_473, %add3A_511 : vector<16xi32>
        tpu.vector_store_idx %arg35[%add3A_512], %mul3A_506 masked %ge3A_477 {add = true} : memref<36864xf32, #tpu.memory_space<vmem>>[vector<16xi32>], vector<16xf32>, vector<16xi1>
        %mul3A_513 = arith.mulf %get3A_465, %get3A_457 : vector<16xf32>
        %add3A_514 = arith.constant 20480 : i32
        %add3A_515 = vector.broadcast %add3A_514 : i32 to vector<16xi32>
        %add3A_516 = arith.addi %add3A_473, %add3A_515 : vector<16xi32>
        tpu.vector_store_idx %arg35[%add3A_516], %mul3A_513 masked %lt3A_475 {add = true} : memref<36864xf32, #tpu.memory_space<vmem>>[vector<16xi32>], vector<16xf32>, vector<16xi1>
        %add3A_517 = arith.constant 20480 : i32
        %add3A_518 = vector.broadcast %add3A_517 : i32 to vector<16xi32>
        %add3A_519 = arith.addi %add3A_473, %add3A_518 : vector<16xi32>
        tpu.vector_store_idx %arg35[%add3A_519], %mul3A_513 masked %ge3A_477 {add = true} : memref<36864xf32, #tpu.memory_space<vmem>>[vector<16xi32>], vector<16xf32>, vector<16xi1>
        %mul3A_520 = arith.mulf %get3A_461, %get3A_459 : vector<16xf32>
        %add3A_521 = arith.constant 24576 : i32
        %add3A_522 = vector.broadcast %add3A_521 : i32 to vector<16xi32>
        %add3A_523 = arith.addi %add3A_473, %add3A_522 : vector<16xi32>
        tpu.vector_store_idx %arg35[%add3A_523], %mul3A_520 masked %lt3A_475 {add = true} : memref<36864xf32, #tpu.memory_space<vmem>>[vector<16xi32>], vector<16xf32>, vector<16xi1>
        %add3A_524 = arith.constant 24576 : i32
        %add3A_525 = vector.broadcast %add3A_524 : i32 to vector<16xi32>
        %add3A_526 = arith.addi %add3A_473, %add3A_525 : vector<16xi32>
        tpu.vector_store_idx %arg35[%add3A_526], %mul3A_520 masked %ge3A_477 {add = true} : memref<36864xf32, #tpu.memory_space<vmem>>[vector<16xi32>], vector<16xf32>, vector<16xi1>
        %mul3A_527 = arith.mulf %get3A_463, %get3A_459 : vector<16xf32>
        %add3A_528 = arith.constant 28672 : i32
        %add3A_529 = vector.broadcast %add3A_528 : i32 to vector<16xi32>
        %add3A_530 = arith.addi %add3A_473, %add3A_529 : vector<16xi32>
        tpu.vector_store_idx %arg35[%add3A_530], %mul3A_527 masked %lt3A_475 {add = true} : memref<36864xf32, #tpu.memory_space<vmem>>[vector<16xi32>], vector<16xf32>, vector<16xi1>
        %add3A_531 = arith.constant 28672 : i32
        %add3A_532 = vector.broadcast %add3A_531 : i32 to vector<16xi32>
        %add3A_533 = arith.addi %add3A_473, %add3A_532 : vector<16xi32>
        tpu.vector_store_idx %arg35[%add3A_533], %mul3A_527 masked %ge3A_477 {add = true} : memref<36864xf32, #tpu.memory_space<vmem>>[vector<16xi32>], vector<16xf32>, vector<16xi1>
        %mul3A_534 = arith.mulf %get3A_465, %get3A_459 : vector<16xf32>
        %add3A_535 = arith.constant 32768 : i32
        %add3A_536 = vector.broadcast %add3A_535 : i32 to vector<16xi32>
        %add3A_537 = arith.addi %add3A_473, %add3A_536 : vector<16xi32>
        tpu.vector_store_idx %arg35[%add3A_537], %mul3A_534 masked %lt3A_475 {add = true} : memref<36864xf32, #tpu.memory_space<vmem>>[vector<16xi32>], vector<16xf32>, vector<16xi1>
        %add3A_538 = arith.constant 32768 : i32
        %add3A_539 = vector.broadcast %add3A_538 : i32 to vector<16xi32>
        %add3A_540 = arith.addi %add3A_473, %add3A_539 : vector<16xi32>
        tpu.vector_store_idx %arg35[%add3A_540], %mul3A_534 masked %ge3A_477 {add = true} : memref<36864xf32, #tpu.memory_space<vmem>>[vector<16xi32>], vector<16xf32>, vector<16xi1>
        %scan3A_541 = arith.constant 0 : i32
        scf.yield %scan3A_541 : i32
      }
      %scan3A_449 = arith.constant 100 : i32
      %scan3A_450 = arith.constant 0 : i32
      scf.yield %scan3A_450 : i32
    }
    %scan3A_64 = arith.constant 62 : i32
    %dma_wait3A = arith.constant 0 : i32
    %dma_wait3A_65 = tpu.memref_slice %arg2[%dma_wait3A] : memref<6400000xf32, #tpu.memory_space<hbm>> -> memref<1600xf32, #tpu.memory_space<hbm>>
    %dma_wait3A_66 = arith.constant 0 : i32
    %dma_wait3A_67 = tpu.memref_slice %arg2[%dma_wait3A_66] : memref<6400000xf32, #tpu.memory_space<hbm>> -> memref<1600xf32, #tpu.memory_space<hbm>>
    tpu.wait_dma2 semaphore(%arg45 : memref<!tpu.dma_semaphore, #tpu.memory_space<semaphore_mem>>) src(%dma_wait3A_67 : memref<1600xf32, #tpu.memory_space<hbm>>) dst(%arg13 : memref<1600xf32, #tpu.memory_space<vmem>>)
    %dma_wait3A_68 = arith.constant 0 : i32
    %dma_wait3A_69 = tpu.memref_slice %arg3[%dma_wait3A_68] : memref<6400000xf32, #tpu.memory_space<hbm>> -> memref<1600xf32, #tpu.memory_space<hbm>>
    %dma_wait3A_70 = arith.constant 0 : i32
    %dma_wait3A_71 = tpu.memref_slice %arg3[%dma_wait3A_70] : memref<6400000xf32, #tpu.memory_space<hbm>> -> memref<1600xf32, #tpu.memory_space<hbm>>
    tpu.wait_dma2 semaphore(%arg45 : memref<!tpu.dma_semaphore, #tpu.memory_space<semaphore_mem>>) src(%dma_wait3A_71 : memref<1600xf32, #tpu.memory_space<hbm>>) dst(%arg14 : memref<1600xf32, #tpu.memory_space<vmem>>)
    %dma_wait3A_72 = arith.constant 0 : i32
    %dma_wait3A_73 = tpu.memref_slice %arg4[%dma_wait3A_72] : memref<6400000xf32, #tpu.memory_space<hbm>> -> memref<1600xf32, #tpu.memory_space<hbm>>
    %dma_wait3A_74 = arith.constant 0 : i32
    %dma_wait3A_75 = tpu.memref_slice %arg4[%dma_wait3A_74] : memref<6400000xf32, #tpu.memory_space<hbm>> -> memref<1600xf32, #tpu.memory_space<hbm>>
    tpu.wait_dma2 semaphore(%arg45 : memref<!tpu.dma_semaphore, #tpu.memory_space<semaphore_mem>>) src(%dma_wait3A_75 : memref<1600xf32, #tpu.memory_space<hbm>>) dst(%arg15 : memref<1600xf32, #tpu.memory_space<vmem>>)
    %dma_wait3A_76 = arith.constant 0 : i32
    %dma_wait3A_77 = tpu.memref_slice %arg5[%dma_wait3A_76] : memref<6400000xi32, #tpu.memory_space<hbm>> -> memref<1600xi32, #tpu.memory_space<hbm>>
    %dma_wait3A_78 = arith.constant 0 : i32
    %dma_wait3A_79 = tpu.memref_slice %arg5[%dma_wait3A_78] : memref<6400000xi32, #tpu.memory_space<hbm>> -> memref<1600xi32, #tpu.memory_space<hbm>>
    tpu.wait_dma2 semaphore(%arg45 : memref<!tpu.dma_semaphore, #tpu.memory_space<semaphore_mem>>) src(%dma_wait3A_79 : memref<1600xi32, #tpu.memory_space<hbm>>) dst(%arg16 : memref<1600xi32, #tpu.memory_space<vmem>>)
    %dma_wait3A_80 = arith.constant 0 : i32
    %dma_wait3A_81 = tpu.memref_slice %arg6[%dma_wait3A_80] : memref<6400000xi32, #tpu.memory_space<hbm>> -> memref<1600xi32, #tpu.memory_space<hbm>>
    %dma_wait3A_82 = arith.constant 0 : i32
    %dma_wait3A_83 = tpu.memref_slice %arg6[%dma_wait3A_82] : memref<6400000xi32, #tpu.memory_space<hbm>> -> memref<1600xi32, #tpu.memory_space<hbm>>
    tpu.wait_dma2 semaphore(%arg45 : memref<!tpu.dma_semaphore, #tpu.memory_space<semaphore_mem>>) src(%dma_wait3A_83 : memref<1600xi32, #tpu.memory_space<hbm>>) dst(%arg17 : memref<1600xi32, #tpu.memory_space<vmem>>)
    %dma_wait3A_84 = arith.constant 0 : i32
    %dma_wait3A_85 = tpu.memref_slice %arg2[%dma_wait3A_84] : memref<6400000xf32, #tpu.memory_space<hbm>> -> memref<1600xf32, #tpu.memory_space<hbm>>
    %dma_wait3A_86 = arith.constant 0 : i32
    %dma_wait3A_87 = tpu.memref_slice %arg2[%dma_wait3A_86] : memref<6400000xf32, #tpu.memory_space<hbm>> -> memref<1600xf32, #tpu.memory_space<hbm>>
    tpu.wait_dma2 semaphore(%arg44 : memref<!tpu.dma_semaphore, #tpu.memory_space<semaphore_mem>>) src(%dma_wait3A_87 : memref<1600xf32, #tpu.memory_space<hbm>>) dst(%arg13 : memref<1600xf32, #tpu.memory_space<vmem>>)
    %dma_wait3A_88 = arith.constant 0 : i32
    %dma_wait3A_89 = tpu.memref_slice %arg2[%dma_wait3A_88] : memref<6400000xf32, #tpu.memory_space<hbm>> -> memref<1600xf32, #tpu.memory_space<hbm>>
    %dma_wait3A_90 = arith.constant 0 : i32
    %dma_wait3A_91 = tpu.memref_slice %arg2[%dma_wait3A_90] : memref<6400000xf32, #tpu.memory_space<hbm>> -> memref<1600xf32, #tpu.memory_space<hbm>>
    tpu.wait_dma2 semaphore(%arg44 : memref<!tpu.dma_semaphore, #tpu.memory_space<semaphore_mem>>) src(%dma_wait3A_91 : memref<1600xf32, #tpu.memory_space<hbm>>) dst(%arg13 : memref<1600xf32, #tpu.memory_space<vmem>>)
    %dma_wait3A_92 = arith.constant 0 : i32
    %dma_wait3A_93 = tpu.memref_slice %arg2[%dma_wait3A_92] : memref<6400000xf32, #tpu.memory_space<hbm>> -> memref<1600xf32, #tpu.memory_space<hbm>>
    %dma_wait3A_94 = arith.constant 0 : i32
    %dma_wait3A_95 = tpu.memref_slice %arg2[%dma_wait3A_94] : memref<6400000xf32, #tpu.memory_space<hbm>> -> memref<1600xf32, #tpu.memory_space<hbm>>
    tpu.wait_dma2 semaphore(%arg44 : memref<!tpu.dma_semaphore, #tpu.memory_space<semaphore_mem>>) src(%dma_wait3A_95 : memref<1600xf32, #tpu.memory_space<hbm>>) dst(%arg13 : memref<1600xf32, #tpu.memory_space<vmem>>)
    %dma_wait3A_96 = arith.constant 0 : i32
    %dma_wait3A_97 = tpu.memref_slice %arg2[%dma_wait3A_96] : memref<6400000xf32, #tpu.memory_space<hbm>> -> memref<1600xf32, #tpu.memory_space<hbm>>
    %dma_wait3A_98 = arith.constant 0 : i32
    %dma_wait3A_99 = tpu.memref_slice %arg2[%dma_wait3A_98] : memref<6400000xf32, #tpu.memory_space<hbm>> -> memref<1600xf32, #tpu.memory_space<hbm>>
    tpu.wait_dma2 semaphore(%arg44 : memref<!tpu.dma_semaphore, #tpu.memory_space<semaphore_mem>>) src(%dma_wait3A_99 : memref<1600xf32, #tpu.memory_space<hbm>>) dst(%arg13 : memref<1600xf32, #tpu.memory_space<vmem>>)
    %dma_wait3A_100 = arith.constant 0 : i32
    %dma_wait3A_101 = tpu.memref_slice %arg2[%dma_wait3A_100] : memref<6400000xf32, #tpu.memory_space<hbm>> -> memref<1600xf32, #tpu.memory_space<hbm>>
    %dma_wait3A_102 = arith.constant 0 : i32
    %dma_wait3A_103 = tpu.memref_slice %arg2[%dma_wait3A_102] : memref<6400000xf32, #tpu.memory_space<hbm>> -> memref<1600xf32, #tpu.memory_space<hbm>>
    tpu.wait_dma2 semaphore(%arg44 : memref<!tpu.dma_semaphore, #tpu.memory_space<semaphore_mem>>) src(%dma_wait3A_103 : memref<1600xf32, #tpu.memory_space<hbm>>) dst(%arg13 : memref<1600xf32, #tpu.memory_space<vmem>>)
    %dma_wait3A_104 = arith.constant 0 : i32
    %dma_wait3A_105 = tpu.memref_slice %arg2[%dma_wait3A_104] : memref<6400000xf32, #tpu.memory_space<hbm>> -> memref<1600xf32, #tpu.memory_space<hbm>>
    %dma_wait3A_106 = arith.constant 0 : i32
    %dma_wait3A_107 = tpu.memref_slice %arg2[%dma_wait3A_106] : memref<6400000xf32, #tpu.memory_space<hbm>> -> memref<1600xf32, #tpu.memory_space<hbm>>
    tpu.wait_dma2 semaphore(%arg44 : memref<!tpu.dma_semaphore, #tpu.memory_space<semaphore_mem>>) src(%dma_wait3A_107 : memref<1600xf32, #tpu.memory_space<hbm>>) dst(%arg13 : memref<1600xf32, #tpu.memory_space<vmem>>)
    %dma_start3A_108 = arith.constant 0 : i32
    %dma_start3A_109 = tpu.memref_slice %arg41[%dma_start3A_108] : memref<100096xi32, #tpu.memory_space<vmem_shared>> -> memref<100096xi32, #tpu.memory_space<vmem_shared>>
    tpu.enqueue_indirect_dma source(%dma_start3A_109 : memref<100096xi32, #tpu.memory_space<vmem_shared>>) target(%arg12 : memref<1600xi32, #tpu.memory_space<vmem>>) offsets(%arg16 : memref<1600xi32, #tpu.memory_space<vmem>>) semaphore(%arg43 : memref<!tpu.dma_semaphore, #tpu.memory_space<semaphore_mem>>)
    %scan3A_110 = arith.constant 0 : i32
    %scan3A_111 = arith.constant 0 : i32
    %scan3A_112 = arith.constant 100 : i32
    %scan3A_113 = arith.addi %scan3A_111, %scan3A_112 : i32
    %scan3A_114 = arith.constant 1 : i32
    %scan3A_115 = scf.for %scan3A_347 = %scan3A_111 to %scan3A_113 step %scan3A_114 iter_args(%scan3A_348 = %scan3A_110) -> (i32)  : i32 {
      %mul3A_349 = arith.constant 16 : i32
      %mul3A_350 = arith.muli %scan3A_347, %mul3A_349 : i32
      %get3A = arith.index_cast %mul3A_350 : i32 to index
      %get3A_351 = tpu.vector_load %arg13[%get3A] {strides = array<i32>} : memref<1600xf32, #tpu.memory_space<vmem>>, vector<16xf32>,
      %get3A_352 = arith.index_cast %mul3A_350 : i32 to index
      %get3A_353 = tpu.vector_load %arg14[%get3A_352] {strides = array<i32>} : memref<1600xf32, #tpu.memory_space<vmem>>, vector<16xf32>,
      %get3A_354 = arith.index_cast %mul3A_350 : i32 to index
      %get3A_355 = tpu.vector_load %arg15[%get3A_354] {strides = array<i32>} : memref<1600xf32, #tpu.memory_space<vmem>>, vector<16xf32>,
      %mul3A_356 = arith.mulf %get3A_351, %get3A_351 : vector<16xf32>
      %mul3A_357 = arith.mulf %get3A_353, %get3A_353 : vector<16xf32>
      %add3A_358 = arith.addf %mul3A_356, %mul3A_357 : vector<16xf32>
      %mul3A_359 = arith.mulf %get3A_355, %get3A_355 : vector<16xf32>
      %add3A_360 = arith.addf %add3A_358, %mul3A_359 : vector<16xf32>
      %mul3A_361 = arith.constant -5.000000e-01 : f32
      %mul3A_362 = vector.broadcast %mul3A_361 : f32 to vector<16xf32>
      %mul3A_363 = arith.mulf %mul3A_362, %add3A_360 : vector<16xf32>
      %exp3A = math.exp %mul3A_363 : vector<16xf32>
      %mul3A_364 = arith.mulf %get3A_351, %exp3A : vector<16xf32>
      %mul3A_365 = arith.mulf %get3A_353, %exp3A : vector<16xf32>
      %mul3A_366 = arith.mulf %get3A_355, %exp3A : vector<16xf32>
      %swap3A = arith.index_cast %mul3A_350 : i32 to index
      %swap3A_367 = tpu.vector_load %arg18[%swap3A] {strides = array<i32>} : memref<1600xf32, #tpu.memory_space<vmem>>, vector<16xf32>,
      tpu.vector_store %arg18[%swap3A], %mul3A_364 {strides = array<i32>} : memref<1600xf32, #tpu.memory_space<vmem>>, vector<16xf32>,
      %swap3A_368 = arith.index_cast %mul3A_350 : i32 to index
      %swap3A_369 = tpu.vector_load %arg19[%swap3A_368] {strides = array<i32>} : memref<1600xf32, #tpu.memory_space<vmem>>, vector<16xf32>,
      tpu.vector_store %arg19[%swap3A_368], %mul3A_365 {strides = array<i32>} : memref<1600xf32, #tpu.memory_space<vmem>>, vector<16xf32>,
      %swap3A_370 = arith.index_cast %mul3A_350 : i32 to index
      %swap3A_371 = tpu.vector_load %arg20[%swap3A_370] {strides = array<i32>} : memref<1600xf32, #tpu.memory_space<vmem>>, vector<16xf32>,
      tpu.vector_store %arg20[%swap3A_370], %mul3A_366 {strides = array<i32>} : memref<1600xf32, #tpu.memory_space<vmem>>, vector<16xf32>,
      %neg3A = arith.constant 0.000000e+00 : f32
      %neg3A_372 = vector.broadcast %neg3A : f32 to vector<16xf32>
      %neg3A_373 = arith.subf %neg3A_372, %mul3A_364 : vector<16xf32>
      %swap3A_374 = arith.index_cast %mul3A_350 : i32 to index
      %swap3A_375 = tpu.vector_load %arg21[%swap3A_374] {strides = array<i32>} : memref<1600xf32, #tpu.memory_space<vmem>>, vector<16xf32>,
      tpu.vector_store %arg21[%swap3A_374], %neg3A_373 {strides = array<i32>} : memref<1600xf32, #tpu.memory_space<vmem>>, vector<16xf32>,
      %neg3A_376 = arith.constant 0.000000e+00 : f32
      %neg3A_377 = vector.broadcast %neg3A_376 : f32 to vector<16xf32>
      %neg3A_378 = arith.subf %neg3A_377, %mul3A_365 : vector<16xf32>
      %swap3A_379 = arith.index_cast %mul3A_350 : i32 to index
      %swap3A_380 = tpu.vector_load %arg22[%swap3A_379] {strides = array<i32>} : memref<1600xf32, #tpu.memory_space<vmem>>, vector<16xf32>,
      tpu.vector_store %arg22[%swap3A_379], %neg3A_378 {strides = array<i32>} : memref<1600xf32, #tpu.memory_space<vmem>>, vector<16xf32>,
      %neg3A_381 = arith.constant 0.000000e+00 : f32
      %neg3A_382 = vector.broadcast %neg3A_381 : f32 to vector<16xf32>
      %neg3A_383 = arith.subf %neg3A_382, %mul3A_366 : vector<16xf32>
      %swap3A_384 = arith.index_cast %mul3A_350 : i32 to index
      %swap3A_385 = tpu.vector_load %arg23[%swap3A_384] {strides = array<i32>} : memref<1600xf32, #tpu.memory_space<vmem>>, vector<16xf32>,
      tpu.vector_store %arg23[%swap3A_384], %neg3A_383 {strides = array<i32>} : memref<1600xf32, #tpu.memory_space<vmem>>, vector<16xf32>,
      %scan3A_386 = arith.constant 0 : i32
      scf.yield %scan3A_386 : i32
    }
    %scan3A_116 = arith.constant 100 : i32
    %dma_start3A_117 = arith.constant 0 : i32
    %dma_start3A_118 = tpu.memref_slice %arg38[%dma_start3A_117] : memref<100096xf32, #tpu.memory_space<vmem_shared>> -> memref<100096xf32, #tpu.memory_space<vmem_shared>>
    tpu.enqueue_indirect_dma source(%arg21 : memref<1600xf32, #tpu.memory_space<vmem>>) target(%dma_start3A_118 : memref<100096xf32, #tpu.memory_space<vmem_shared>>) offsets(%arg16 : memref<1600xi32, #tpu.memory_space<vmem>>) semaphore(%arg44 : memref<!tpu.dma_semaphore, #tpu.memory_space<semaphore_mem>>) {add = true}
    %dma_start3A_119 = arith.constant 0 : i32
    %dma_start3A_120 = tpu.memref_slice %arg39[%dma_start3A_119] : memref<100096xf32, #tpu.memory_space<vmem_shared>> -> memref<100096xf32, #tpu.memory_space<vmem_shared>>
    tpu.enqueue_indirect_dma source(%arg22 : memref<1600xf32, #tpu.memory_space<vmem>>) target(%dma_start3A_120 : memref<100096xf32, #tpu.memory_space<vmem_shared>>) offsets(%arg16 : memref<1600xi32, #tpu.memory_space<vmem>>) semaphore(%arg44 : memref<!tpu.dma_semaphore, #tpu.memory_space<semaphore_mem>>) {add = true}
    %dma_start3A_121 = arith.constant 0 : i32
    %dma_start3A_122 = tpu.memref_slice %arg40[%dma_start3A_121] : memref<100096xf32, #tpu.memory_space<vmem_shared>> -> memref<100096xf32, #tpu.memory_space<vmem_shared>>
    tpu.enqueue_indirect_dma source(%arg23 : memref<1600xf32, #tpu.memory_space<vmem>>) target(%dma_start3A_122 : memref<100096xf32, #tpu.memory_space<vmem_shared>>) offsets(%arg16 : memref<1600xi32, #tpu.memory_space<vmem>>) semaphore(%arg44 : memref<!tpu.dma_semaphore, #tpu.memory_space<semaphore_mem>>) {add = true}
    %dma_start3A_123 = arith.constant 0 : i32
    %dma_start3A_124 = tpu.memref_slice %arg38[%dma_start3A_123] : memref<100096xf32, #tpu.memory_space<vmem_shared>> -> memref<100096xf32, #tpu.memory_space<vmem_shared>>
    tpu.enqueue_indirect_dma source(%arg18 : memref<1600xf32, #tpu.memory_space<vmem>>) target(%dma_start3A_124 : memref<100096xf32, #tpu.memory_space<vmem_shared>>) offsets(%arg17 : memref<1600xi32, #tpu.memory_space<vmem>>) semaphore(%arg44 : memref<!tpu.dma_semaphore, #tpu.memory_space<semaphore_mem>>) {add = true}
    %dma_start3A_125 = arith.constant 0 : i32
    %dma_start3A_126 = tpu.memref_slice %arg39[%dma_start3A_125] : memref<100096xf32, #tpu.memory_space<vmem_shared>> -> memref<100096xf32, #tpu.memory_space<vmem_shared>>
    tpu.enqueue_indirect_dma source(%arg19 : memref<1600xf32, #tpu.memory_space<vmem>>) target(%dma_start3A_126 : memref<100096xf32, #tpu.memory_space<vmem_shared>>) offsets(%arg17 : memref<1600xi32, #tpu.memory_space<vmem>>) semaphore(%arg44 : memref<!tpu.dma_semaphore, #tpu.memory_space<semaphore_mem>>) {add = true}
    %dma_start3A_127 = arith.constant 0 : i32
    %dma_start3A_128 = tpu.memref_slice %arg40[%dma_start3A_127] : memref<100096xf32, #tpu.memory_space<vmem_shared>> -> memref<100096xf32, #tpu.memory_space<vmem_shared>>
    tpu.enqueue_indirect_dma source(%arg20 : memref<1600xf32, #tpu.memory_space<vmem>>) target(%dma_start3A_128 : memref<100096xf32, #tpu.memory_space<vmem_shared>>) offsets(%arg17 : memref<1600xi32, #tpu.memory_space<vmem>>) semaphore(%arg44 : memref<!tpu.dma_semaphore, #tpu.memory_space<semaphore_mem>>) {add = true}
    %dma_wait3A_129 = arith.constant 0 : i32
    %dma_wait3A_130 = tpu.memref_slice %arg41[%dma_wait3A_129] : memref<100096xi32, #tpu.memory_space<vmem_shared>> -> memref<100096xi32, #tpu.memory_space<vmem_shared>>
    tpu.wait_indirect_dma semaphore(%arg43 : memref<!tpu.dma_semaphore, #tpu.memory_space<semaphore_mem>>) src(%dma_wait3A_130 : memref<100096xi32, #tpu.memory_space<vmem_shared>>) dst(%arg12 : memref<1600xi32, #tpu.memory_space<vmem>>)
    %scan3A_131 = arith.constant 0 : i32
    %scan3A_132 = arith.constant 0 : i32
    %scan3A_133 = arith.constant 100 : i32
    %scan3A_134 = arith.addi %scan3A_132, %scan3A_133 : i32
    %scan3A_135 = arith.constant 1 : i32
    %scan3A_136 = scf.for %scan3A_347 = %scan3A_132 to %scan3A_134 step %scan3A_135 iter_args(%scan3A_348 = %scan3A_131) -> (i32)  : i32 {
      %mul3A_349 = arith.constant 16 : i32
      %mul3A_350 = arith.muli %scan3A_347, %mul3A_349 : i32
      %get3A = arith.index_cast %mul3A_350 : i32 to index
      %get3A_351 = tpu.vector_load %arg13[%get3A] {strides = array<i32>} : memref<1600xf32, #tpu.memory_space<vmem>>, vector<16xf32>,
      %get3A_352 = arith.index_cast %mul3A_350 : i32 to index
      %get3A_353 = tpu.vector_load %arg14[%get3A_352] {strides = array<i32>} : memref<1600xf32, #tpu.memory_space<vmem>>, vector<16xf32>,
      %get3A_354 = arith.index_cast %mul3A_350 : i32 to index
      %get3A_355 = tpu.vector_load %arg15[%get3A_354] {strides = array<i32>} : memref<1600xf32, #tpu.memory_space<vmem>>, vector<16xf32>,
      %get3A_356 = arith.index_cast %mul3A_350 : i32 to index
      %get3A_357 = tpu.vector_load %arg21[%get3A_356] {strides = array<i32>} : memref<1600xf32, #tpu.memory_space<vmem>>, vector<16xf32>,
      %get3A_358 = arith.index_cast %mul3A_350 : i32 to index
      %get3A_359 = tpu.vector_load %arg22[%get3A_358] {strides = array<i32>} : memref<1600xf32, #tpu.memory_space<vmem>>, vector<16xf32>,
      %get3A_360 = arith.index_cast %mul3A_350 : i32 to index
      %get3A_361 = tpu.vector_load %arg23[%get3A_360] {strides = array<i32>} : memref<1600xf32, #tpu.memory_space<vmem>>, vector<16xf32>,
      %get3A_362 = arith.index_cast %mul3A_350 : i32 to index
      %get3A_363 = tpu.vector_load %arg12[%get3A_362] {strides = array<i32>} : memref<1600xi32, #tpu.memory_space<vmem>>, vector<16xi32>,
      %mul3A_364 = arith.constant 8 : i32
      %mul3A_365 = vector.broadcast %mul3A_364 : i32 to vector<16xi32>
      %mul3A_366 = arith.muli %get3A_363, %mul3A_365 : vector<16xi32>
      %and3A = arith.constant 7 : i32
      %and3A_367 = vector.broadcast %and3A : i32 to vector<16xi32>
      %and3A_368 = arith.andi %iota3A, %and3A_367 : vector<16xi32>
      %add3A_369 = arith.addi %mul3A_366, %and3A_368 : vector<16xi32>
      %lt3A = arith.constant 8 : i32
      %lt3A_370 = vector.broadcast %lt3A : i32 to vector<16xi32>
      %lt3A_371 = arith.cmpi slt, %iota3A, %lt3A_370 : vector<16xi32>
      %ge3A = arith.constant 8 : i32
      %ge3A_372 = vector.broadcast %ge3A : i32 to vector<16xi32>
      %ge3A_373 = arith.cmpi sge, %iota3A, %ge3A_372 : vector<16xi32>
      %mul3A_374 = arith.mulf %get3A_357, %get3A_351 : vector<16xf32>
      %add3A_375 = arith.constant 0 : i32
      %add3A_376 = vector.broadcast %add3A_375 : i32 to vector<16xi32>
      %add3A_377 = arith.addi %add3A_369, %add3A_376 : vector<16xi32>
      tpu.vector_store_idx %arg35[%add3A_377], %mul3A_374 masked %lt3A_371 {add = true} : memref<36864xf32, #tpu.memory_space<vmem>>[vector<16xi32>], vector<16xf32>, vector<16xi1>
      %add3A_378 = arith.constant 0 : i32
      %add3A_379 = vector.broadcast %add3A_378 : i32 to vector<16xi32>
      %add3A_380 = arith.addi %add3A_369, %add3A_379 : vector<16xi32>
      tpu.vector_store_idx %arg35[%add3A_380], %mul3A_374 masked %ge3A_373 {add = true} : memref<36864xf32, #tpu.memory_space<vmem>>[vector<16xi32>], vector<16xf32>, vector<16xi1>
      %mul3A_381 = arith.mulf %get3A_359, %get3A_351 : vector<16xf32>
      %add3A_382 = arith.constant 4096 : i32
      %add3A_383 = vector.broadcast %add3A_382 : i32 to vector<16xi32>
      %add3A_384 = arith.addi %add3A_369, %add3A_383 : vector<16xi32>
      tpu.vector_store_idx %arg35[%add3A_384], %mul3A_381 masked %lt3A_371 {add = true} : memref<36864xf32, #tpu.memory_space<vmem>>[vector<16xi32>], vector<16xf32>, vector<16xi1>
      %add3A_385 = arith.constant 4096 : i32
      %add3A_386 = vector.broadcast %add3A_385 : i32 to vector<16xi32>
      %add3A_387 = arith.addi %add3A_369, %add3A_386 : vector<16xi32>
      tpu.vector_store_idx %arg35[%add3A_387], %mul3A_381 masked %ge3A_373 {add = true} : memref<36864xf32, #tpu.memory_space<vmem>>[vector<16xi32>], vector<16xf32>, vector<16xi1>
      %mul3A_388 = arith.mulf %get3A_361, %get3A_351 : vector<16xf32>
      %add3A_389 = arith.constant 8192 : i32
      %add3A_390 = vector.broadcast %add3A_389 : i32 to vector<16xi32>
      %add3A_391 = arith.addi %add3A_369, %add3A_390 : vector<16xi32>
      tpu.vector_store_idx %arg35[%add3A_391], %mul3A_388 masked %lt3A_371 {add = true} : memref<36864xf32, #tpu.memory_space<vmem>>[vector<16xi32>], vector<16xf32>, vector<16xi1>
      %add3A_392 = arith.constant 8192 : i32
      %add3A_393 = vector.broadcast %add3A_392 : i32 to vector<16xi32>
      %add3A_394 = arith.addi %add3A_369, %add3A_393 : vector<16xi32>
      tpu.vector_store_idx %arg35[%add3A_394], %mul3A_388 masked %ge3A_373 {add = true} : memref<36864xf32, #tpu.memory_space<vmem>>[vector<16xi32>], vector<16xf32>, vector<16xi1>
      %mul3A_395 = arith.mulf %get3A_357, %get3A_353 : vector<16xf32>
      %add3A_396 = arith.constant 12288 : i32
      %add3A_397 = vector.broadcast %add3A_396 : i32 to vector<16xi32>
      %add3A_398 = arith.addi %add3A_369, %add3A_397 : vector<16xi32>
      tpu.vector_store_idx %arg35[%add3A_398], %mul3A_395 masked %lt3A_371 {add = true} : memref<36864xf32, #tpu.memory_space<vmem>>[vector<16xi32>], vector<16xf32>, vector<16xi1>
      %add3A_399 = arith.constant 12288 : i32
      %add3A_400 = vector.broadcast %add3A_399 : i32 to vector<16xi32>
      %add3A_401 = arith.addi %add3A_369, %add3A_400 : vector<16xi32>
      tpu.vector_store_idx %arg35[%add3A_401], %mul3A_395 masked %ge3A_373 {add = true} : memref<36864xf32, #tpu.memory_space<vmem>>[vector<16xi32>], vector<16xf32>, vector<16xi1>
      %mul3A_402 = arith.mulf %get3A_359, %get3A_353 : vector<16xf32>
      %add3A_403 = arith.constant 16384 : i32
      %add3A_404 = vector.broadcast %add3A_403 : i32 to vector<16xi32>
      %add3A_405 = arith.addi %add3A_369, %add3A_404 : vector<16xi32>
      tpu.vector_store_idx %arg35[%add3A_405], %mul3A_402 masked %lt3A_371 {add = true} : memref<36864xf32, #tpu.memory_space<vmem>>[vector<16xi32>], vector<16xf32>, vector<16xi1>
      %add3A_406 = arith.constant 16384 : i32
      %add3A_407 = vector.broadcast %add3A_406 : i32 to vector<16xi32>
      %add3A_408 = arith.addi %add3A_369, %add3A_407 : vector<16xi32>
      tpu.vector_store_idx %arg35[%add3A_408], %mul3A_402 masked %ge3A_373 {add = true} : memref<36864xf32, #tpu.memory_space<vmem>>[vector<16xi32>], vector<16xf32>, vector<16xi1>
      %mul3A_409 = arith.mulf %get3A_361, %get3A_353 : vector<16xf32>
      %add3A_410 = arith.constant 20480 : i32
      %add3A_411 = vector.broadcast %add3A_410 : i32 to vector<16xi32>
      %add3A_412 = arith.addi %add3A_369, %add3A_411 : vector<16xi32>
      tpu.vector_store_idx %arg35[%add3A_412], %mul3A_409 masked %lt3A_371 {add = true} : memref<36864xf32, #tpu.memory_space<vmem>>[vector<16xi32>], vector<16xf32>, vector<16xi1>
      %add3A_413 = arith.constant 20480 : i32
      %add3A_414 = vector.broadcast %add3A_413 : i32 to vector<16xi32>
      %add3A_415 = arith.addi %add3A_369, %add3A_414 : vector<16xi32>
      tpu.vector_store_idx %arg35[%add3A_415], %mul3A_409 masked %ge3A_373 {add = true} : memref<36864xf32, #tpu.memory_space<vmem>>[vector<16xi32>], vector<16xf32>, vector<16xi1>
      %mul3A_416 = arith.mulf %get3A_357, %get3A_355 : vector<16xf32>
      %add3A_417 = arith.constant 24576 : i32
      %add3A_418 = vector.broadcast %add3A_417 : i32 to vector<16xi32>
      %add3A_419 = arith.addi %add3A_369, %add3A_418 : vector<16xi32>
      tpu.vector_store_idx %arg35[%add3A_419], %mul3A_416 masked %lt3A_371 {add = true} : memref<36864xf32, #tpu.memory_space<vmem>>[vector<16xi32>], vector<16xf32>, vector<16xi1>
      %add3A_420 = arith.constant 24576 : i32
      %add3A_421 = vector.broadcast %add3A_420 : i32 to vector<16xi32>
      %add3A_422 = arith.addi %add3A_369, %add3A_421 : vector<16xi32>
      tpu.vector_store_idx %arg35[%add3A_422], %mul3A_416 masked %ge3A_373 {add = true} : memref<36864xf32, #tpu.memory_space<vmem>>[vector<16xi32>], vector<16xf32>, vector<16xi1>
      %mul3A_423 = arith.mulf %get3A_359, %get3A_355 : vector<16xf32>
      %add3A_424 = arith.constant 28672 : i32
      %add3A_425 = vector.broadcast %add3A_424 : i32 to vector<16xi32>
      %add3A_426 = arith.addi %add3A_369, %add3A_425 : vector<16xi32>
      tpu.vector_store_idx %arg35[%add3A_426], %mul3A_423 masked %lt3A_371 {add = true} : memref<36864xf32, #tpu.memory_space<vmem>>[vector<16xi32>], vector<16xf32>, vector<16xi1>
      %add3A_427 = arith.constant 28672 : i32
      %add3A_428 = vector.broadcast %add3A_427 : i32 to vector<16xi32>
      %add3A_429 = arith.addi %add3A_369, %add3A_428 : vector<16xi32>
      tpu.vector_store_idx %arg35[%add3A_429], %mul3A_423 masked %ge3A_373 {add = true} : memref<36864xf32, #tpu.memory_space<vmem>>[vector<16xi32>], vector<16xf32>, vector<16xi1>
      %mul3A_430 = arith.mulf %get3A_361, %get3A_355 : vector<16xf32>
      %add3A_431 = arith.constant 32768 : i32
      %add3A_432 = vector.broadcast %add3A_431 : i32 to vector<16xi32>
      %add3A_433 = arith.addi %add3A_369, %add3A_432 : vector<16xi32>
      tpu.vector_store_idx %arg35[%add3A_433], %mul3A_430 masked %lt3A_371 {add = true} : memref<36864xf32, #tpu.memory_space<vmem>>[vector<16xi32>], vector<16xf32>, vector<16xi1>
      %add3A_434 = arith.constant 32768 : i32
      %add3A_435 = vector.broadcast %add3A_434 : i32 to vector<16xi32>
      %add3A_436 = arith.addi %add3A_369, %add3A_435 : vector<16xi32>
      tpu.vector_store_idx %arg35[%add3A_436], %mul3A_430 masked %ge3A_373 {add = true} : memref<36864xf32, #tpu.memory_space<vmem>>[vector<16xi32>], vector<16xf32>, vector<16xi1>
      %scan3A_437 = arith.constant 0 : i32
      scf.yield %scan3A_437 : i32
    }
    %scan3A_137 = arith.constant 100 : i32
    %dma_wait3A_138 = arith.constant 0 : i32
    %dma_wait3A_139 = tpu.memref_slice %arg2[%dma_wait3A_138] : memref<6400000xf32, #tpu.memory_space<hbm>> -> memref<1600xf32, #tpu.memory_space<hbm>>
    %dma_wait3A_140 = arith.constant 0 : i32
    %dma_wait3A_141 = tpu.memref_slice %arg2[%dma_wait3A_140] : memref<6400000xf32, #tpu.memory_space<hbm>> -> memref<1600xf32, #tpu.memory_space<hbm>>
    tpu.wait_dma2 semaphore(%arg44 : memref<!tpu.dma_semaphore, #tpu.memory_space<semaphore_mem>>) src(%dma_wait3A_141 : memref<1600xf32, #tpu.memory_space<hbm>>) dst(%arg13 : memref<1600xf32, #tpu.memory_space<vmem>>)
    %dma_wait3A_142 = arith.constant 0 : i32
    %dma_wait3A_143 = tpu.memref_slice %arg2[%dma_wait3A_142] : memref<6400000xf32, #tpu.memory_space<hbm>> -> memref<1600xf32, #tpu.memory_space<hbm>>
    %dma_wait3A_144 = arith.constant 0 : i32
    %dma_wait3A_145 = tpu.memref_slice %arg2[%dma_wait3A_144] : memref<6400000xf32, #tpu.memory_space<hbm>> -> memref<1600xf32, #tpu.memory_space<hbm>>
    tpu.wait_dma2 semaphore(%arg44 : memref<!tpu.dma_semaphore, #tpu.memory_space<semaphore_mem>>) src(%dma_wait3A_145 : memref<1600xf32, #tpu.memory_space<hbm>>) dst(%arg13 : memref<1600xf32, #tpu.memory_space<vmem>>)
    %dma_wait3A_146 = arith.constant 0 : i32
    %dma_wait3A_147 = tpu.memref_slice %arg2[%dma_wait3A_146] : memref<6400000xf32, #tpu.memory_space<hbm>> -> memref<1600xf32, #tpu.memory_space<hbm>>
    %dma_wait3A_148 = arith.constant 0 : i32
    %dma_wait3A_149 = tpu.memref_slice %arg2[%dma_wait3A_148] : memref<6400000xf32, #tpu.memory_space<hbm>> -> memref<1600xf32, #tpu.memory_space<hbm>>
    tpu.wait_dma2 semaphore(%arg44 : memref<!tpu.dma_semaphore, #tpu.memory_space<semaphore_mem>>) src(%dma_wait3A_149 : memref<1600xf32, #tpu.memory_space<hbm>>) dst(%arg13 : memref<1600xf32, #tpu.memory_space<vmem>>)
    %dma_wait3A_150 = arith.constant 0 : i32
    %dma_wait3A_151 = tpu.memref_slice %arg2[%dma_wait3A_150] : memref<6400000xf32, #tpu.memory_space<hbm>> -> memref<1600xf32, #tpu.memory_space<hbm>>
    %dma_wait3A_152 = arith.constant 0 : i32
    %dma_wait3A_153 = tpu.memref_slice %arg2[%dma_wait3A_152] : memref<6400000xf32, #tpu.memory_space<hbm>> -> memref<1600xf32, #tpu.memory_space<hbm>>
    tpu.wait_dma2 semaphore(%arg44 : memref<!tpu.dma_semaphore, #tpu.memory_space<semaphore_mem>>) src(%dma_wait3A_153 : memref<1600xf32, #tpu.memory_space<hbm>>) dst(%arg13 : memref<1600xf32, #tpu.memory_space<vmem>>)
    %dma_wait3A_154 = arith.constant 0 : i32
    %dma_wait3A_155 = tpu.memref_slice %arg2[%dma_wait3A_154] : memref<6400000xf32, #tpu.memory_space<hbm>> -> memref<1600xf32, #tpu.memory_space<hbm>>
    %dma_wait3A_156 = arith.constant 0 : i32
    %dma_wait3A_157 = tpu.memref_slice %arg2[%dma_wait3A_156] : memref<6400000xf32, #tpu.memory_space<hbm>> -> memref<1600xf32, #tpu.memory_space<hbm>>
    tpu.wait_dma2 semaphore(%arg44 : memref<!tpu.dma_semaphore, #tpu.memory_space<semaphore_mem>>) src(%dma_wait3A_157 : memref<1600xf32, #tpu.memory_space<hbm>>) dst(%arg13 : memref<1600xf32, #tpu.memory_space<vmem>>)
    %dma_wait3A_158 = arith.constant 0 : i32
    %dma_wait3A_159 = tpu.memref_slice %arg2[%dma_wait3A_158] : memref<6400000xf32, #tpu.memory_space<hbm>> -> memref<1600xf32, #tpu.memory_space<hbm>>
    %dma_wait3A_160 = arith.constant 0 : i32
    %dma_wait3A_161 = tpu.memref_slice %arg2[%dma_wait3A_160] : memref<6400000xf32, #tpu.memory_space<hbm>> -> memref<1600xf32, #tpu.memory_space<hbm>>
    tpu.wait_dma2 semaphore(%arg44 : memref<!tpu.dma_semaphore, #tpu.memory_space<semaphore_mem>>) src(%dma_wait3A_161 : memref<1600xf32, #tpu.memory_space<hbm>>) dst(%arg13 : memref<1600xf32, #tpu.memory_space<vmem>>)
    %barrier3A_162 = arith.constant 0 : index
    tpu.barrier barrier_id(%barrier3A_162)
    %add3A_163 = arith.constant 0 : i32
    %add3A_164 = arith.addi %mul3A_9, %add3A_163 : i32
    "tpu.region"() ({
      %run_scoped3A = tpu.sem_alloc : memref<!tpu.dma_semaphore, #tpu.memory_space<semaphore_mem>>
      %dma_start3A_347 = arith.constant 0 : i32
      %dma_start3A_348 = tpu.memref_slice %arg36[%dma_start3A_347] : memref<4608xf32, #tpu.memory_space<vmem>> -> memref<4608xf32, #tpu.memory_space<vmem>>
      %dma_start3A_349 = tpu.memref_slice %arg38[%add3A_164] : memref<100096xf32, #tpu.memory_space<vmem_shared>> -> memref<4608xf32, #tpu.memory_space<vmem_shared>>
      %dma_start3A_350 = arith.constant 0 : i32
      %dma_start3A_351 = tpu.memref_slice %arg36[%dma_start3A_350] : memref<4608xf32, #tpu.memory_space<vmem>> -> memref<4608xf32, #tpu.memory_space<vmem>>
      %dma_start3A_352 = tpu.memref_slice %arg38[%add3A_164] : memref<100096xf32, #tpu.memory_space<vmem_shared>> -> memref<4608xf32, #tpu.memory_space<vmem_shared>>
      tpu.enqueue_dma source(%dma_start3A_352 : memref<4608xf32, #tpu.memory_space<vmem_shared>>) target(%dma_start3A_351 : memref<4608xf32, #tpu.memory_space<vmem>>) target_semaphore(%run_scoped3A : memref<!tpu.dma_semaphore, #tpu.memory_space<semaphore_mem>>)
      %dma_wait3A_353 = arith.constant 0 : i32
      %dma_wait3A_354 = tpu.memref_slice %arg36[%dma_wait3A_353] : memref<4608xf32, #tpu.memory_space<vmem>> -> memref<4608xf32, #tpu.memory_space<vmem>>
      %dma_wait3A_355 = tpu.memref_slice %arg38[%add3A_164] : memref<100096xf32, #tpu.memory_space<vmem_shared>> -> memref<4608xf32, #tpu.memory_space<vmem_shared>>
      %dma_wait3A_356 = arith.constant 0 : i32
      %dma_wait3A_357 = tpu.memref_slice %arg36[%dma_wait3A_356] : memref<4608xf32, #tpu.memory_space<vmem>> -> memref<4608xf32, #tpu.memory_space<vmem>>
      %dma_wait3A_358 = tpu.memref_slice %arg38[%add3A_164] : memref<100096xf32, #tpu.memory_space<vmem_shared>> -> memref<4608xf32, #tpu.memory_space<vmem_shared>>
      tpu.wait_dma2 semaphore(%run_scoped3A : memref<!tpu.dma_semaphore, #tpu.memory_space<semaphore_mem>>) src(%dma_wait3A_358 : memref<4608xf32, #tpu.memory_space<vmem_shared>>) dst(%dma_wait3A_357 : memref<4608xf32, #tpu.memory_space<vmem>>)
      tpu.yield
    }) : () -> ()
    %mul3A_165 = arith.constant 100096 : i32
    %mul3A_166 = arith.muli %arg0, %mul3A_165 : i32
    %add3A_167 = arith.addi %mul3A_166, %mul3A_9 : i32
    %add3A_168 = arith.constant 0 : i32
    %add3A_169 = arith.addi %add3A_167, %add3A_168 : i32
    "tpu.region"() ({
      %run_scoped3A = tpu.sem_alloc : memref<!tpu.dma_semaphore, #tpu.memory_space<semaphore_mem>>
      %dma_start3A_347 = arith.constant 0 : i32
      %dma_start3A_348 = tpu.memref_slice %arg36[%dma_start3A_347] : memref<4608xf32, #tpu.memory_space<vmem>> -> memref<4608xf32, #tpu.memory_space<vmem>>
      %dma_start3A_349 = tpu.memref_slice %arg8[%add3A_169] : memref<200192xf32, #tpu.memory_space<hbm>> -> memref<4608xf32, #tpu.memory_space<hbm>>
      %dma_start3A_350 = tpu.memref_slice %arg8[%add3A_169] : memref<200192xf32, #tpu.memory_space<hbm>> -> memref<4608xf32, #tpu.memory_space<hbm>>
      %dma_start3A_351 = arith.constant 0 : i32
      %dma_start3A_352 = tpu.memref_slice %arg36[%dma_start3A_351] : memref<4608xf32, #tpu.memory_space<vmem>> -> memref<4608xf32, #tpu.memory_space<vmem>>
      tpu.enqueue_dma source(%dma_start3A_352 : memref<4608xf32, #tpu.memory_space<vmem>>) target(%dma_start3A_350 : memref<4608xf32, #tpu.memory_space<hbm>>) target_semaphore(%run_scoped3A : memref<!tpu.dma_semaphore, #tpu.memory_space<semaphore_mem>>)
      %dma_wait3A_353 = arith.constant 0 : i32
      %dma_wait3A_354 = tpu.memref_slice %arg36[%dma_wait3A_353] : memref<4608xf32, #tpu.memory_space<vmem>> -> memref<4608xf32, #tpu.memory_space<vmem>>
      %dma_wait3A_355 = tpu.memref_slice %arg8[%add3A_169] : memref<200192xf32, #tpu.memory_space<hbm>> -> memref<4608xf32, #tpu.memory_space<hbm>>
      %dma_wait3A_356 = tpu.memref_slice %arg8[%add3A_169] : memref<200192xf32, #tpu.memory_space<hbm>> -> memref<4608xf32, #tpu.memory_space<hbm>>
      %dma_wait3A_357 = arith.constant 0 : i32
      %dma_wait3A_358 = tpu.memref_slice %arg36[%dma_wait3A_357] : memref<4608xf32, #tpu.memory_space<vmem>> -> memref<4608xf32, #tpu.memory_space<vmem>>
      tpu.wait_dma2 semaphore(%run_scoped3A : memref<!tpu.dma_semaphore, #tpu.memory_space<semaphore_mem>>) src(%dma_wait3A_358 : memref<4608xf32, #tpu.memory_space<vmem>>) dst(%dma_wait3A_356 : memref<4608xf32, #tpu.memory_space<hbm>>)
      tpu.yield
    }) : () -> ()
    %add3A_170 = arith.constant 4608 : i32
    %add3A_171 = arith.addi %mul3A_9, %add3A_170 : i32
    "tpu.region"() ({
      %run_scoped3A = tpu.sem_alloc : memref<!tpu.dma_semaphore, #tpu.memory_space<semaphore_mem>>
      %dma_start3A_347 = arith.constant 0 : i32
      %dma_start3A_348 = tpu.memref_slice %arg36[%dma_start3A_347] : memref<4608xf32, #tpu.memory_space<vmem>> -> memref<1648xf32, #tpu.memory_space<vmem>>
      %dma_start3A_349 = tpu.memref_slice %arg38[%add3A_171] : memref<100096xf32, #tpu.memory_space<vmem_shared>> -> memref<1648xf32, #tpu.memory_space<vmem_shared>>
      %dma_start3A_350 = arith.constant 0 : i32
      %dma_start3A_351 = tpu.memref_slice %arg36[%dma_start3A_350] : memref<4608xf32, #tpu.memory_space<vmem>> -> memref<1648xf32, #tpu.memory_space<vmem>>
      %dma_start3A_352 = tpu.memref_slice %arg38[%add3A_171] : memref<100096xf32, #tpu.memory_space<vmem_shared>> -> memref<1648xf32, #tpu.memory_space<vmem_shared>>
      tpu.enqueue_dma source(%dma_start3A_352 : memref<1648xf32, #tpu.memory_space<vmem_shared>>) target(%dma_start3A_351 : memref<1648xf32, #tpu.memory_space<vmem>>) target_semaphore(%run_scoped3A : memref<!tpu.dma_semaphore, #tpu.memory_space<semaphore_mem>>)
      %dma_wait3A_353 = arith.constant 0 : i32
      %dma_wait3A_354 = tpu.memref_slice %arg36[%dma_wait3A_353] : memref<4608xf32, #tpu.memory_space<vmem>> -> memref<1648xf32, #tpu.memory_space<vmem>>
      %dma_wait3A_355 = tpu.memref_slice %arg38[%add3A_171] : memref<100096xf32, #tpu.memory_space<vmem_shared>> -> memref<1648xf32, #tpu.memory_space<vmem_shared>>
      %dma_wait3A_356 = arith.constant 0 : i32
      %dma_wait3A_357 = tpu.memref_slice %arg36[%dma_wait3A_356] : memref<4608xf32, #tpu.memory_space<vmem>> -> memref<1648xf32, #tpu.memory_space<vmem>>
      %dma_wait3A_358 = tpu.memref_slice %arg38[%add3A_171] : memref<100096xf32, #tpu.memory_space<vmem_shared>> -> memref<1648xf32, #tpu.memory_space<vmem_shared>>
      tpu.wait_dma2 semaphore(%run_scoped3A : memref<!tpu.dma_semaphore, #tpu.memory_space<semaphore_mem>>) src(%dma_wait3A_358 : memref<1648xf32, #tpu.memory_space<vmem_shared>>) dst(%dma_wait3A_357 : memref<1648xf32, #tpu.memory_space<vmem>>)
      tpu.yield
    }) : () -> ()
    %mul3A_172 = arith.constant 100096 : i32
    %mul3A_173 = arith.muli %arg0, %mul3A_172 : i32
    %add3A_174 = arith.addi %mul3A_173, %mul3A_9 : i32
    %add3A_175 = arith.constant 4608 : i32
    %add3A_176 = arith.addi %add3A_174, %add3A_175 : i32
    "tpu.region"() ({
      %run_scoped3A = tpu.sem_alloc : memref<!tpu.dma_semaphore, #tpu.memory_space<semaphore_mem>>
      %dma_start3A_347 = arith.constant 0 : i32
      %dma_start3A_348 = tpu.memref_slice %arg36[%dma_start3A_347] : memref<4608xf32, #tpu.memory_space<vmem>> -> memref<1648xf32, #tpu.memory_space<vmem>>
      %dma_start3A_349 = tpu.memref_slice %arg8[%add3A_176] : memref<200192xf32, #tpu.memory_space<hbm>> -> memref<1648xf32, #tpu.memory_space<hbm>>
      %dma_start3A_350 = tpu.memref_slice %arg8[%add3A_176] : memref<200192xf32, #tpu.memory_space<hbm>> -> memref<1648xf32, #tpu.memory_space<hbm>>
      %dma_start3A_351 = arith.constant 0 : i32
      %dma_start3A_352 = tpu.memref_slice %arg36[%dma_start3A_351] : memref<4608xf32, #tpu.memory_space<vmem>> -> memref<1648xf32, #tpu.memory_space<vmem>>
      tpu.enqueue_dma source(%dma_start3A_352 : memref<1648xf32, #tpu.memory_space<vmem>>) target(%dma_start3A_350 : memref<1648xf32, #tpu.memory_space<hbm>>) target_semaphore(%run_scoped3A : memref<!tpu.dma_semaphore, #tpu.memory_space<semaphore_mem>>)
      %dma_wait3A_353 = arith.constant 0 : i32
      %dma_wait3A_354 = tpu.memref_slice %arg36[%dma_wait3A_353] : memref<4608xf32, #tpu.memory_space<vmem>> -> memref<1648xf32, #tpu.memory_space<vmem>>
      %dma_wait3A_355 = tpu.memref_slice %arg8[%add3A_176] : memref<200192xf32, #tpu.memory_space<hbm>> -> memref<1648xf32, #tpu.memory_space<hbm>>
      %dma_wait3A_356 = tpu.memref_slice %arg8[%add3A_176] : memref<200192xf32, #tpu.memory_space<hbm>> -> memref<1648xf32, #tpu.memory_space<hbm>>
      %dma_wait3A_357 = arith.constant 0 : i32
      %dma_wait3A_358 = tpu.memref_slice %arg36[%dma_wait3A_357] : memref<4608xf32, #tpu.memory_space<vmem>> -> memref<1648xf32, #tpu.memory_space<vmem>>
      tpu.wait_dma2 semaphore(%run_scoped3A : memref<!tpu.dma_semaphore, #tpu.memory_space<semaphore_mem>>) src(%dma_wait3A_358 : memref<1648xf32, #tpu.memory_space<vmem>>) dst(%dma_wait3A_356 : memref<1648xf32, #tpu.memory_space<hbm>>)
      tpu.yield
    }) : () -> ()
    %add3A_177 = arith.constant 0 : i32
    %add3A_178 = arith.addi %mul3A_9, %add3A_177 : i32
    "tpu.region"() ({
      %run_scoped3A = tpu.sem_alloc : memref<!tpu.dma_semaphore, #tpu.memory_space<semaphore_mem>>
      %dma_start3A_347 = arith.constant 0 : i32
      %dma_start3A_348 = tpu.memref_slice %arg36[%dma_start3A_347] : memref<4608xf32, #tpu.memory_space<vmem>> -> memref<4608xf32, #tpu.memory_space<vmem>>
      %dma_start3A_349 = tpu.memref_slice %arg39[%add3A_178] : memref<100096xf32, #tpu.memory_space<vmem_shared>> -> memref<4608xf32, #tpu.memory_space<vmem_shared>>
      %dma_start3A_350 = arith.constant 0 : i32
      %dma_start3A_351 = tpu.memref_slice %arg36[%dma_start3A_350] : memref<4608xf32, #tpu.memory_space<vmem>> -> memref<4608xf32, #tpu.memory_space<vmem>>
      %dma_start3A_352 = tpu.memref_slice %arg39[%add3A_178] : memref<100096xf32, #tpu.memory_space<vmem_shared>> -> memref<4608xf32, #tpu.memory_space<vmem_shared>>
      tpu.enqueue_dma source(%dma_start3A_352 : memref<4608xf32, #tpu.memory_space<vmem_shared>>) target(%dma_start3A_351 : memref<4608xf32, #tpu.memory_space<vmem>>) target_semaphore(%run_scoped3A : memref<!tpu.dma_semaphore, #tpu.memory_space<semaphore_mem>>)
      %dma_wait3A_353 = arith.constant 0 : i32
      %dma_wait3A_354 = tpu.memref_slice %arg36[%dma_wait3A_353] : memref<4608xf32, #tpu.memory_space<vmem>> -> memref<4608xf32, #tpu.memory_space<vmem>>
      %dma_wait3A_355 = tpu.memref_slice %arg39[%add3A_178] : memref<100096xf32, #tpu.memory_space<vmem_shared>> -> memref<4608xf32, #tpu.memory_space<vmem_shared>>
      %dma_wait3A_356 = arith.constant 0 : i32
      %dma_wait3A_357 = tpu.memref_slice %arg36[%dma_wait3A_356] : memref<4608xf32, #tpu.memory_space<vmem>> -> memref<4608xf32, #tpu.memory_space<vmem>>
      %dma_wait3A_358 = tpu.memref_slice %arg39[%add3A_178] : memref<100096xf32, #tpu.memory_space<vmem_shared>> -> memref<4608xf32, #tpu.memory_space<vmem_shared>>
      tpu.wait_dma2 semaphore(%run_scoped3A : memref<!tpu.dma_semaphore, #tpu.memory_space<semaphore_mem>>) src(%dma_wait3A_358 : memref<4608xf32, #tpu.memory_space<vmem_shared>>) dst(%dma_wait3A_357 : memref<4608xf32, #tpu.memory_space<vmem>>)
      tpu.yield
    }) : () -> ()
    %mul3A_179 = arith.constant 100096 : i32
    %mul3A_180 = arith.muli %arg0, %mul3A_179 : i32
    %add3A_181 = arith.addi %mul3A_180, %mul3A_9 : i32
    %add3A_182 = arith.constant 0 : i32
    %add3A_183 = arith.addi %add3A_181, %add3A_182 : i32
    "tpu.region"() ({
      %run_scoped3A = tpu.sem_alloc : memref<!tpu.dma_semaphore, #tpu.memory_space<semaphore_mem>>
      %dma_start3A_347 = arith.constant 0 : i32
      %dma_start3A_348 = tpu.memref_slice %arg36[%dma_start3A_347] : memref<4608xf32, #tpu.memory_space<vmem>> -> memref<4608xf32, #tpu.memory_space<vmem>>
      %dma_start3A_349 = tpu.memref_slice %arg9[%add3A_183] : memref<200192xf32, #tpu.memory_space<hbm>> -> memref<4608xf32, #tpu.memory_space<hbm>>
      %dma_start3A_350 = tpu.memref_slice %arg9[%add3A_183] : memref<200192xf32, #tpu.memory_space<hbm>> -> memref<4608xf32, #tpu.memory_space<hbm>>
      %dma_start3A_351 = arith.constant 0 : i32
      %dma_start3A_352 = tpu.memref_slice %arg36[%dma_start3A_351] : memref<4608xf32, #tpu.memory_space<vmem>> -> memref<4608xf32, #tpu.memory_space<vmem>>
      tpu.enqueue_dma source(%dma_start3A_352 : memref<4608xf32, #tpu.memory_space<vmem>>) target(%dma_start3A_350 : memref<4608xf32, #tpu.memory_space<hbm>>) target_semaphore(%run_scoped3A : memref<!tpu.dma_semaphore, #tpu.memory_space<semaphore_mem>>)
      %dma_wait3A_353 = arith.constant 0 : i32
      %dma_wait3A_354 = tpu.memref_slice %arg36[%dma_wait3A_353] : memref<4608xf32, #tpu.memory_space<vmem>> -> memref<4608xf32, #tpu.memory_space<vmem>>
      %dma_wait3A_355 = tpu.memref_slice %arg9[%add3A_183] : memref<200192xf32, #tpu.memory_space<hbm>> -> memref<4608xf32, #tpu.memory_space<hbm>>
      %dma_wait3A_356 = tpu.memref_slice %arg9[%add3A_183] : memref<200192xf32, #tpu.memory_space<hbm>> -> memref<4608xf32, #tpu.memory_space<hbm>>
      %dma_wait3A_357 = arith.constant 0 : i32
      %dma_wait3A_358 = tpu.memref_slice %arg36[%dma_wait3A_357] : memref<4608xf32, #tpu.memory_space<vmem>> -> memref<4608xf32, #tpu.memory_space<vmem>>
      tpu.wait_dma2 semaphore(%run_scoped3A : memref<!tpu.dma_semaphore, #tpu.memory_space<semaphore_mem>>) src(%dma_wait3A_358 : memref<4608xf32, #tpu.memory_space<vmem>>) dst(%dma_wait3A_356 : memref<4608xf32, #tpu.memory_space<hbm>>)
      tpu.yield
    }) : () -> ()
    %add3A_184 = arith.constant 4608 : i32
    %add3A_185 = arith.addi %mul3A_9, %add3A_184 : i32
    "tpu.region"() ({
      %run_scoped3A = tpu.sem_alloc : memref<!tpu.dma_semaphore, #tpu.memory_space<semaphore_mem>>
      %dma_start3A_347 = arith.constant 0 : i32
      %dma_start3A_348 = tpu.memref_slice %arg36[%dma_start3A_347] : memref<4608xf32, #tpu.memory_space<vmem>> -> memref<1648xf32, #tpu.memory_space<vmem>>
      %dma_start3A_349 = tpu.memref_slice %arg39[%add3A_185] : memref<100096xf32, #tpu.memory_space<vmem_shared>> -> memref<1648xf32, #tpu.memory_space<vmem_shared>>
      %dma_start3A_350 = arith.constant 0 : i32
      %dma_start3A_351 = tpu.memref_slice %arg36[%dma_start3A_350] : memref<4608xf32, #tpu.memory_space<vmem>> -> memref<1648xf32, #tpu.memory_space<vmem>>
      %dma_start3A_352 = tpu.memref_slice %arg39[%add3A_185] : memref<100096xf32, #tpu.memory_space<vmem_shared>> -> memref<1648xf32, #tpu.memory_space<vmem_shared>>
      tpu.enqueue_dma source(%dma_start3A_352 : memref<1648xf32, #tpu.memory_space<vmem_shared>>) target(%dma_start3A_351 : memref<1648xf32, #tpu.memory_space<vmem>>) target_semaphore(%run_scoped3A : memref<!tpu.dma_semaphore, #tpu.memory_space<semaphore_mem>>)
      %dma_wait3A_353 = arith.constant 0 : i32
      %dma_wait3A_354 = tpu.memref_slice %arg36[%dma_wait3A_353] : memref<4608xf32, #tpu.memory_space<vmem>> -> memref<1648xf32, #tpu.memory_space<vmem>>
      %dma_wait3A_355 = tpu.memref_slice %arg39[%add3A_185] : memref<100096xf32, #tpu.memory_space<vmem_shared>> -> memref<1648xf32, #tpu.memory_space<vmem_shared>>
      %dma_wait3A_356 = arith.constant 0 : i32
      %dma_wait3A_357 = tpu.memref_slice %arg36[%dma_wait3A_356] : memref<4608xf32, #tpu.memory_space<vmem>> -> memref<1648xf32, #tpu.memory_space<vmem>>
      %dma_wait3A_358 = tpu.memref_slice %arg39[%add3A_185] : memref<100096xf32, #tpu.memory_space<vmem_shared>> -> memref<1648xf32, #tpu.memory_space<vmem_shared>>
      tpu.wait_dma2 semaphore(%run_scoped3A : memref<!tpu.dma_semaphore, #tpu.memory_space<semaphore_mem>>) src(%dma_wait3A_358 : memref<1648xf32, #tpu.memory_space<vmem_shared>>) dst(%dma_wait3A_357 : memref<1648xf32, #tpu.memory_space<vmem>>)
      tpu.yield
    }) : () -> ()
    %mul3A_186 = arith.constant 100096 : i32
    %mul3A_187 = arith.muli %arg0, %mul3A_186 : i32
    %add3A_188 = arith.addi %mul3A_187, %mul3A_9 : i32
    %add3A_189 = arith.constant 4608 : i32
    %add3A_190 = arith.addi %add3A_188, %add3A_189 : i32
    "tpu.region"() ({
      %run_scoped3A = tpu.sem_alloc : memref<!tpu.dma_semaphore, #tpu.memory_space<semaphore_mem>>
      %dma_start3A_347 = arith.constant 0 : i32
      %dma_start3A_348 = tpu.memref_slice %arg36[%dma_start3A_347] : memref<4608xf32, #tpu.memory_space<vmem>> -> memref<1648xf32, #tpu.memory_space<vmem>>
      %dma_start3A_349 = tpu.memref_slice %arg9[%add3A_190] : memref<200192xf32, #tpu.memory_space<hbm>> -> memref<1648xf32, #tpu.memory_space<hbm>>
      %dma_start3A_350 = tpu.memref_slice %arg9[%add3A_190] : memref<200192xf32, #tpu.memory_space<hbm>> -> memref<1648xf32, #tpu.memory_space<hbm>>
      %dma_start3A_351 = arith.constant 0 : i32
      %dma_start3A_352 = tpu.memref_slice %arg36[%dma_start3A_351] : memref<4608xf32, #tpu.memory_space<vmem>> -> memref<1648xf32, #tpu.memory_space<vmem>>
      tpu.enqueue_dma source(%dma_start3A_352 : memref<1648xf32, #tpu.memory_space<vmem>>) target(%dma_start3A_350 : memref<1648xf32, #tpu.memory_space<hbm>>) target_semaphore(%run_scoped3A : memref<!tpu.dma_semaphore, #tpu.memory_space<semaphore_mem>>)
      %dma_wait3A_353 = arith.constant 0 : i32
      %dma_wait3A_354 = tpu.memref_slice %arg36[%dma_wait3A_353] : memref<4608xf32, #tpu.memory_space<vmem>> -> memref<1648xf32, #tpu.memory_space<vmem>>
      %dma_wait3A_355 = tpu.memref_slice %arg9[%add3A_190] : memref<200192xf32, #tpu.memory_space<hbm>> -> memref<1648xf32, #tpu.memory_space<hbm>>
      %dma_wait3A_356 = tpu.memref_slice %arg9[%add3A_190] : memref<200192xf32, #tpu.memory_space<hbm>> -> memref<1648xf32, #tpu.memory_space<hbm>>
      %dma_wait3A_357 = arith.constant 0 : i32
      %dma_wait3A_358 = tpu.memref_slice %arg36[%dma_wait3A_357] : memref<4608xf32, #tpu.memory_space<vmem>> -> memref<1648xf32, #tpu.memory_space<vmem>>
      tpu.wait_dma2 semaphore(%run_scoped3A : memref<!tpu.dma_semaphore, #tpu.memory_space<semaphore_mem>>) src(%dma_wait3A_358 : memref<1648xf32, #tpu.memory_space<vmem>>) dst(%dma_wait3A_356 : memref<1648xf32, #tpu.memory_space<hbm>>)
      tpu.yield
    }) : () -> ()
    %add3A_191 = arith.constant 0 : i32
    %add3A_192 = arith.addi %mul3A_9, %add3A_191 : i32
    "tpu.region"() ({
      %run_scoped3A = tpu.sem_alloc : memref<!tpu.dma_semaphore, #tpu.memory_space<semaphore_mem>>
      %dma_start3A_347 = arith.constant 0 : i32
      %dma_start3A_348 = tpu.memref_slice %arg36[%dma_start3A_347] : memref<4608xf32, #tpu.memory_space<vmem>> -> memref<4608xf32, #tpu.memory_space<vmem>>
      %dma_start3A_349 = tpu.memref_slice %arg40[%add3A_192] : memref<100096xf32, #tpu.memory_space<vmem_shared>> -> memref<4608xf32, #tpu.memory_space<vmem_shared>>
      %dma_start3A_350 = arith.constant 0 : i32
      %dma_start3A_351 = tpu.memref_slice %arg36[%dma_start3A_350] : memref<4608xf32, #tpu.memory_space<vmem>> -> memref<4608xf32, #tpu.memory_space<vmem>>
      %dma_start3A_352 = tpu.memref_slice %arg40[%add3A_192] : memref<100096xf32, #tpu.memory_space<vmem_shared>> -> memref<4608xf32, #tpu.memory_space<vmem_shared>>
      tpu.enqueue_dma source(%dma_start3A_352 : memref<4608xf32, #tpu.memory_space<vmem_shared>>) target(%dma_start3A_351 : memref<4608xf32, #tpu.memory_space<vmem>>) target_semaphore(%run_scoped3A : memref<!tpu.dma_semaphore, #tpu.memory_space<semaphore_mem>>)
      %dma_wait3A_353 = arith.constant 0 : i32
      %dma_wait3A_354 = tpu.memref_slice %arg36[%dma_wait3A_353] : memref<4608xf32, #tpu.memory_space<vmem>> -> memref<4608xf32, #tpu.memory_space<vmem>>
      %dma_wait3A_355 = tpu.memref_slice %arg40[%add3A_192] : memref<100096xf32, #tpu.memory_space<vmem_shared>> -> memref<4608xf32, #tpu.memory_space<vmem_shared>>
      %dma_wait3A_356 = arith.constant 0 : i32
      %dma_wait3A_357 = tpu.memref_slice %arg36[%dma_wait3A_356] : memref<4608xf32, #tpu.memory_space<vmem>> -> memref<4608xf32, #tpu.memory_space<vmem>>
      %dma_wait3A_358 = tpu.memref_slice %arg40[%add3A_192] : memref<100096xf32, #tpu.memory_space<vmem_shared>> -> memref<4608xf32, #tpu.memory_space<vmem_shared>>
      tpu.wait_dma2 semaphore(%run_scoped3A : memref<!tpu.dma_semaphore, #tpu.memory_space<semaphore_mem>>) src(%dma_wait3A_358 : memref<4608xf32, #tpu.memory_space<vmem_shared>>) dst(%dma_wait3A_357 : memref<4608xf32, #tpu.memory_space<vmem>>)
      tpu.yield
    }) : () -> ()
    %mul3A_193 = arith.constant 100096 : i32
    %mul3A_194 = arith.muli %arg0, %mul3A_193 : i32
    %add3A_195 = arith.addi %mul3A_194, %mul3A_9 : i32
    %add3A_196 = arith.constant 0 : i32
    %add3A_197 = arith.addi %add3A_195, %add3A_196 : i32
    "tpu.region"() ({
      %run_scoped3A = tpu.sem_alloc : memref<!tpu.dma_semaphore, #tpu.memory_space<semaphore_mem>>
      %dma_start3A_347 = arith.constant 0 : i32
      %dma_start3A_348 = tpu.memref_slice %arg36[%dma_start3A_347] : memref<4608xf32, #tpu.memory_space<vmem>> -> memref<4608xf32, #tpu.memory_space<vmem>>
      %dma_start3A_349 = tpu.memref_slice %arg10[%add3A_197] : memref<200192xf32, #tpu.memory_space<hbm>> -> memref<4608xf32, #tpu.memory_space<hbm>>
      %dma_start3A_350 = tpu.memref_slice %arg10[%add3A_197] : memref<200192xf32, #tpu.memory_space<hbm>> -> memref<4608xf32, #tpu.memory_space<hbm>>
      %dma_start3A_351 = arith.constant 0 : i32
      %dma_start3A_352 = tpu.memref_slice %arg36[%dma_start3A_351] : memref<4608xf32, #tpu.memory_space<vmem>> -> memref<4608xf32, #tpu.memory_space<vmem>>
      tpu.enqueue_dma source(%dma_start3A_352 : memref<4608xf32, #tpu.memory_space<vmem>>) target(%dma_start3A_350 : memref<4608xf32, #tpu.memory_space<hbm>>) target_semaphore(%run_scoped3A : memref<!tpu.dma_semaphore, #tpu.memory_space<semaphore_mem>>)
      %dma_wait3A_353 = arith.constant 0 : i32
      %dma_wait3A_354 = tpu.memref_slice %arg36[%dma_wait3A_353] : memref<4608xf32, #tpu.memory_space<vmem>> -> memref<4608xf32, #tpu.memory_space<vmem>>
      %dma_wait3A_355 = tpu.memref_slice %arg10[%add3A_197] : memref<200192xf32, #tpu.memory_space<hbm>> -> memref<4608xf32, #tpu.memory_space<hbm>>
      %dma_wait3A_356 = tpu.memref_slice %arg10[%add3A_197] : memref<200192xf32, #tpu.memory_space<hbm>> -> memref<4608xf32, #tpu.memory_space<hbm>>
      %dma_wait3A_357 = arith.constant 0 : i32
      %dma_wait3A_358 = tpu.memref_slice %arg36[%dma_wait3A_357] : memref<4608xf32, #tpu.memory_space<vmem>> -> memref<4608xf32, #tpu.memory_space<vmem>>
      tpu.wait_dma2 semaphore(%run_scoped3A : memref<!tpu.dma_semaphore, #tpu.memory_space<semaphore_mem>>) src(%dma_wait3A_358 : memref<4608xf32, #tpu.memory_space<vmem>>) dst(%dma_wait3A_356 : memref<4608xf32, #tpu.memory_space<hbm>>)
      tpu.yield
    }) : () -> ()
    %add3A_198 = arith.constant 4608 : i32
    %add3A_199 = arith.addi %mul3A_9, %add3A_198 : i32
    "tpu.region"() ({
      %run_scoped3A = tpu.sem_alloc : memref<!tpu.dma_semaphore, #tpu.memory_space<semaphore_mem>>
      %dma_start3A_347 = arith.constant 0 : i32
      %dma_start3A_348 = tpu.memref_slice %arg36[%dma_start3A_347] : memref<4608xf32, #tpu.memory_space<vmem>> -> memref<1648xf32, #tpu.memory_space<vmem>>
      %dma_start3A_349 = tpu.memref_slice %arg40[%add3A_199] : memref<100096xf32, #tpu.memory_space<vmem_shared>> -> memref<1648xf32, #tpu.memory_space<vmem_shared>>
      %dma_start3A_350 = arith.constant 0 : i32
      %dma_start3A_351 = tpu.memref_slice %arg36[%dma_start3A_350] : memref<4608xf32, #tpu.memory_space<vmem>> -> memref<1648xf32, #tpu.memory_space<vmem>>
      %dma_start3A_352 = tpu.memref_slice %arg40[%add3A_199] : memref<100096xf32, #tpu.memory_space<vmem_shared>> -> memref<1648xf32, #tpu.memory_space<vmem_shared>>
      tpu.enqueue_dma source(%dma_start3A_352 : memref<1648xf32, #tpu.memory_space<vmem_shared>>) target(%dma_start3A_351 : memref<1648xf32, #tpu.memory_space<vmem>>) target_semaphore(%run_scoped3A : memref<!tpu.dma_semaphore, #tpu.memory_space<semaphore_mem>>)
      %dma_wait3A_353 = arith.constant 0 : i32
      %dma_wait3A_354 = tpu.memref_slice %arg36[%dma_wait3A_353] : memref<4608xf32, #tpu.memory_space<vmem>> -> memref<1648xf32, #tpu.memory_space<vmem>>
      %dma_wait3A_355 = tpu.memref_slice %arg40[%add3A_199] : memref<100096xf32, #tpu.memory_space<vmem_shared>> -> memref<1648xf32, #tpu.memory_space<vmem_shared>>
      %dma_wait3A_356 = arith.constant 0 : i32
      %dma_wait3A_357 = tpu.memref_slice %arg36[%dma_wait3A_356] : memref<4608xf32, #tpu.memory_space<vmem>> -> memref<1648xf32, #tpu.memory_space<vmem>>
      %dma_wait3A_358 = tpu.memref_slice %arg40[%add3A_199] : memref<100096xf32, #tpu.memory_space<vmem_shared>> -> memref<1648xf32, #tpu.memory_space<vmem_shared>>
      tpu.wait_dma2 semaphore(%run_scoped3A : memref<!tpu.dma_semaphore, #tpu.memory_space<semaphore_mem>>) src(%dma_wait3A_358 : memref<1648xf32, #tpu.memory_space<vmem_shared>>) dst(%dma_wait3A_357 : memref<1648xf32, #tpu.memory_space<vmem>>)
      tpu.yield
    }) : () -> ()
    %mul3A_200 = arith.constant 100096 : i32
    %mul3A_201 = arith.muli %arg0, %mul3A_200 : i32
    %add3A_202 = arith.addi %mul3A_201, %mul3A_9 : i32
    %add3A_203 = arith.constant 4608 : i32
    %add3A_204 = arith.addi %add3A_202, %add3A_203 : i32
    "tpu.region"() ({
      %run_scoped3A = tpu.sem_alloc : memref<!tpu.dma_semaphore, #tpu.memory_space<semaphore_mem>>
      %dma_start3A_347 = arith.constant 0 : i32
      %dma_start3A_348 = tpu.memref_slice %arg36[%dma_start3A_347] : memref<4608xf32, #tpu.memory_space<vmem>> -> memref<1648xf32, #tpu.memory_space<vmem>>
      %dma_start3A_349 = tpu.memref_slice %arg10[%add3A_204] : memref<200192xf32, #tpu.memory_space<hbm>> -> memref<1648xf32, #tpu.memory_space<hbm>>
      %dma_start3A_350 = tpu.memref_slice %arg10[%add3A_204] : memref<200192xf32, #tpu.memory_space<hbm>> -> memref<1648xf32, #tpu.memory_space<hbm>>
      %dma_start3A_351 = arith.constant 0 : i32
      %dma_start3A_352 = tpu.memref_slice %arg36[%dma_start3A_351] : memref<4608xf32, #tpu.memory_space<vmem>> -> memref<1648xf32, #tpu.memory_space<vmem>>
      tpu.enqueue_dma source(%dma_start3A_352 : memref<1648xf32, #tpu.memory_space<vmem>>) target(%dma_start3A_350 : memref<1648xf32, #tpu.memory_space<hbm>>) target_semaphore(%run_scoped3A : memref<!tpu.dma_semaphore, #tpu.memory_space<semaphore_mem>>)
      %dma_wait3A_353 = arith.constant 0 : i32
      %dma_wait3A_354 = tpu.memref_slice %arg36[%dma_wait3A_353] : memref<4608xf32, #tpu.memory_space<vmem>> -> memref<1648xf32, #tpu.memory_space<vmem>>
      %dma_wait3A_355 = tpu.memref_slice %arg10[%add3A_204] : memref<200192xf32, #tpu.memory_space<hbm>> -> memref<1648xf32, #tpu.memory_space<hbm>>
      %dma_wait3A_356 = tpu.memref_slice %arg10[%add3A_204] : memref<200192xf32, #tpu.memory_space<hbm>> -> memref<1648xf32, #tpu.memory_space<hbm>>
      %dma_wait3A_357 = arith.constant 0 : i32
      %dma_wait3A_358 = tpu.memref_slice %arg36[%dma_wait3A_357] : memref<4608xf32, #tpu.memory_space<vmem>> -> memref<1648xf32, #tpu.memory_space<vmem>>
      tpu.wait_dma2 semaphore(%run_scoped3A : memref<!tpu.dma_semaphore, #tpu.memory_space<semaphore_mem>>) src(%dma_wait3A_358 : memref<1648xf32, #tpu.memory_space<vmem>>) dst(%dma_wait3A_356 : memref<1648xf32, #tpu.memory_space<hbm>>)
      tpu.yield
    }) : () -> ()
    %scan3A_205 = arith.constant 0 : i32
    %scan3A_206 = arith.constant 0 : i32
    %scan3A_207 = arith.constant 32 : i32
    %scan3A_208 = arith.addi %scan3A_206, %scan3A_207 : i32
    %scan3A_209 = arith.constant 1 : i32
    %scan3A_210 = scf.for %scan3A_347 = %scan3A_206 to %scan3A_208 step %scan3A_209 iter_args(%scan3A_348 = %scan3A_205) -> (i32)  : i32 {
      %mul3A_349 = arith.constant 128 : i32
      %mul3A_350 = arith.muli %scan3A_347, %mul3A_349 : i32
      %mul3A_351 = arith.constant 8 : i32
      %mul3A_352 = vector.broadcast %mul3A_351 : i32 to vector<16xi32>
      %mul3A_353 = arith.muli %iota3A, %mul3A_352 : vector<16xi32>
      %add3A_354 = vector.broadcast %mul3A_350 : i32 to vector<16xi32>
      %add3A_355 = arith.addi %add3A_354, %mul3A_353 : vector<16xi32>
      %add3A_356 = arith.constant 0 : i32
      %add3A_357 = vector.broadcast %add3A_356 : i32 to vector<16xi32>
      %add3A_358 = arith.addi %add3A_355, %add3A_357 : vector<16xi32>
      %gather3A = tpu.vector_load_idx %arg35[%add3A_358] : memref<36864xf32, #tpu.memory_space<vmem>>[vector<16xi32>], vector<16xf32>,
      %add3A_359 = arith.addf %broadcast_in_dim3A_1, %gather3A : vector<16xf32>
      %add3A_360 = arith.constant 1 : i32
      %add3A_361 = vector.broadcast %add3A_360 : i32 to vector<16xi32>
      %add3A_362 = arith.addi %add3A_355, %add3A_361 : vector<16xi32>
      %gather3A_363 = tpu.vector_load_idx %arg35[%add3A_362] : memref<36864xf32, #tpu.memory_space<vmem>>[vector<16xi32>], vector<16xf32>,
      %add3A_364 = arith.addf %add3A_359, %gather3A_363 : vector<16xf32>
      %add3A_365 = arith.constant 2 : i32
      %add3A_366 = vector.broadcast %add3A_365 : i32 to vector<16xi32>
      %add3A_367 = arith.addi %add3A_355, %add3A_366 : vector<16xi32>
      %gather3A_368 = tpu.vector_load_idx %arg35[%add3A_367] : memref<36864xf32, #tpu.memory_space<vmem>>[vector<16xi32>], vector<16xf32>,
      %add3A_369 = arith.addf %add3A_364, %gather3A_368 : vector<16xf32>
      %add3A_370 = arith.constant 3 : i32
      %add3A_371 = vector.broadcast %add3A_370 : i32 to vector<16xi32>
      %add3A_372 = arith.addi %add3A_355, %add3A_371 : vector<16xi32>
      %gather3A_373 = tpu.vector_load_idx %arg35[%add3A_372] : memref<36864xf32, #tpu.memory_space<vmem>>[vector<16xi32>], vector<16xf32>,
      %add3A_374 = arith.addf %add3A_369, %gather3A_373 : vector<16xf32>
      %add3A_375 = arith.constant 4 : i32
      %add3A_376 = vector.broadcast %add3A_375 : i32 to vector<16xi32>
      %add3A_377 = arith.addi %add3A_355, %add3A_376 : vector<16xi32>
      %gather3A_378 = tpu.vector_load_idx %arg35[%add3A_377] : memref<36864xf32, #tpu.memory_space<vmem>>[vector<16xi32>], vector<16xf32>,
      %add3A_379 = arith.addf %add3A_374, %gather3A_378 : vector<16xf32>
      %add3A_380 = arith.constant 5 : i32
      %add3A_381 = vector.broadcast %add3A_380 : i32 to vector<16xi32>
      %add3A_382 = arith.addi %add3A_355, %add3A_381 : vector<16xi32>
      %gather3A_383 = tpu.vector_load_idx %arg35[%add3A_382] : memref<36864xf32, #tpu.memory_space<vmem>>[vector<16xi32>], vector<16xf32>,
      %add3A_384 = arith.addf %add3A_379, %gather3A_383 : vector<16xf32>
      %add3A_385 = arith.constant 6 : i32
      %add3A_386 = vector.broadcast %add3A_385 : i32 to vector<16xi32>
      %add3A_387 = arith.addi %add3A_355, %add3A_386 : vector<16xi32>
      %gather3A_388 = tpu.vector_load_idx %arg35[%add3A_387] : memref<36864xf32, #tpu.memory_space<vmem>>[vector<16xi32>], vector<16xf32>,
      %add3A_389 = arith.addf %add3A_384, %gather3A_388 : vector<16xf32>
      %add3A_390 = arith.constant 7 : i32
      %add3A_391 = vector.broadcast %add3A_390 : i32 to vector<16xi32>
      %add3A_392 = arith.addi %add3A_355, %add3A_391 : vector<16xi32>
      %gather3A_393 = tpu.vector_load_idx %arg35[%add3A_392] : memref<36864xf32, #tpu.memory_space<vmem>>[vector<16xi32>], vector<16xf32>,
      %add3A_394 = arith.addf %add3A_389, %gather3A_393 : vector<16xf32>
      %mul3A_395 = arith.constant 16 : i32
      %mul3A_396 = arith.muli %scan3A_347, %mul3A_395 : i32
      %add3A_397 = arith.constant 0 : i32
      %add3A_398 = arith.addi %add3A_397, %mul3A_396 : i32
      %swap3A = arith.index_cast %add3A_398 : i32 to index
      %swap3A_399 = tpu.vector_load %arg36[%swap3A] {strides = array<i32>} : memref<4608xf32, #tpu.memory_space<vmem>>, vector<16xf32>,
      tpu.vector_store %arg36[%swap3A], %add3A_394 {strides = array<i32>} : memref<4608xf32, #tpu.memory_space<vmem>>, vector<16xf32>,
      %scan3A_400 = arith.constant 0 : i32
      scf.yield %scan3A_400 : i32
    }
    %scan3A_211 = arith.constant 32 : i32
    %scan3A_212 = arith.constant 0 : i32
    %scan3A_213 = arith.constant 0 : i32
    %scan3A_214 = arith.constant 32 : i32
    %scan3A_215 = arith.addi %scan3A_213, %scan3A_214 : i32
    %scan3A_216 = arith.constant 1 : i32
    %scan3A_217 = scf.for %scan3A_347 = %scan3A_213 to %scan3A_215 step %scan3A_216 iter_args(%scan3A_348 = %scan3A_212) -> (i32)  : i32 {
      %mul3A_349 = arith.constant 128 : i32
      %mul3A_350 = arith.muli %scan3A_347, %mul3A_349 : i32
      %mul3A_351 = arith.constant 8 : i32
      %mul3A_352 = vector.broadcast %mul3A_351 : i32 to vector<16xi32>
      %mul3A_353 = arith.muli %iota3A, %mul3A_352 : vector<16xi32>
      %add3A_354 = vector.broadcast %mul3A_350 : i32 to vector<16xi32>
      %add3A_355 = arith.addi %add3A_354, %mul3A_353 : vector<16xi32>
      %add3A_356 = arith.constant 4096 : i32
      %add3A_357 = vector.broadcast %add3A_356 : i32 to vector<16xi32>
      %add3A_358 = arith.addi %add3A_355, %add3A_357 : vector<16xi32>
      %gather3A = tpu.vector_load_idx %arg35[%add3A_358] : memref<36864xf32, #tpu.memory_space<vmem>>[vector<16xi32>], vector<16xf32>,
      %add3A_359 = arith.addf %broadcast_in_dim3A_1, %gather3A : vector<16xf32>
      %add3A_360 = arith.constant 4097 : i32
      %add3A_361 = vector.broadcast %add3A_360 : i32 to vector<16xi32>
      %add3A_362 = arith.addi %add3A_355, %add3A_361 : vector<16xi32>
      %gather3A_363 = tpu.vector_load_idx %arg35[%add3A_362] : memref<36864xf32, #tpu.memory_space<vmem>>[vector<16xi32>], vector<16xf32>,
      %add3A_364 = arith.addf %add3A_359, %gather3A_363 : vector<16xf32>
      %add3A_365 = arith.constant 4098 : i32
      %add3A_366 = vector.broadcast %add3A_365 : i32 to vector<16xi32>
      %add3A_367 = arith.addi %add3A_355, %add3A_366 : vector<16xi32>
      %gather3A_368 = tpu.vector_load_idx %arg35[%add3A_367] : memref<36864xf32, #tpu.memory_space<vmem>>[vector<16xi32>], vector<16xf32>,
      %add3A_369 = arith.addf %add3A_364, %gather3A_368 : vector<16xf32>
      %add3A_370 = arith.constant 4099 : i32
      %add3A_371 = vector.broadcast %add3A_370 : i32 to vector<16xi32>
      %add3A_372 = arith.addi %add3A_355, %add3A_371 : vector<16xi32>
      %gather3A_373 = tpu.vector_load_idx %arg35[%add3A_372] : memref<36864xf32, #tpu.memory_space<vmem>>[vector<16xi32>], vector<16xf32>,
      %add3A_374 = arith.addf %add3A_369, %gather3A_373 : vector<16xf32>
      %add3A_375 = arith.constant 4100 : i32
      %add3A_376 = vector.broadcast %add3A_375 : i32 to vector<16xi32>
      %add3A_377 = arith.addi %add3A_355, %add3A_376 : vector<16xi32>
      %gather3A_378 = tpu.vector_load_idx %arg35[%add3A_377] : memref<36864xf32, #tpu.memory_space<vmem>>[vector<16xi32>], vector<16xf32>,
      %add3A_379 = arith.addf %add3A_374, %gather3A_378 : vector<16xf32>
      %add3A_380 = arith.constant 4101 : i32
      %add3A_381 = vector.broadcast %add3A_380 : i32 to vector<16xi32>
      %add3A_382 = arith.addi %add3A_355, %add3A_381 : vector<16xi32>
      %gather3A_383 = tpu.vector_load_idx %arg35[%add3A_382] : memref<36864xf32, #tpu.memory_space<vmem>>[vector<16xi32>], vector<16xf32>,
      %add3A_384 = arith.addf %add3A_379, %gather3A_383 : vector<16xf32>
      %add3A_385 = arith.constant 4102 : i32
      %add3A_386 = vector.broadcast %add3A_385 : i32 to vector<16xi32>
      %add3A_387 = arith.addi %add3A_355, %add3A_386 : vector<16xi32>
      %gather3A_388 = tpu.vector_load_idx %arg35[%add3A_387] : memref<36864xf32, #tpu.memory_space<vmem>>[vector<16xi32>], vector<16xf32>,
      %add3A_389 = arith.addf %add3A_384, %gather3A_388 : vector<16xf32>
      %add3A_390 = arith.constant 4103 : i32
      %add3A_391 = vector.broadcast %add3A_390 : i32 to vector<16xi32>
      %add3A_392 = arith.addi %add3A_355, %add3A_391 : vector<16xi32>
      %gather3A_393 = tpu.vector_load_idx %arg35[%add3A_392] : memref<36864xf32, #tpu.memory_space<vmem>>[vector<16xi32>], vector<16xf32>,
      %add3A_394 = arith.addf %add3A_389, %gather3A_393 : vector<16xf32>
      %mul3A_395 = arith.constant 16 : i32
      %mul3A_396 = arith.muli %scan3A_347, %mul3A_395 : i32
      %add3A_397 = arith.constant 512 : i32
      %add3A_398 = arith.addi %add3A_397, %mul3A_396 : i32
      %swap3A = arith.index_cast %add3A_398 : i32 to index
      %swap3A_399 = tpu.vector_load %arg36[%swap3A] {strides = array<i32>} : memref<4608xf32, #tpu.memory_space<vmem>>, vector<16xf32>,
      tpu.vector_store %arg36[%swap3A], %add3A_394 {strides = array<i32>} : memref<4608xf32, #tpu.memory_space<vmem>>, vector<16xf32>,
      %scan3A_400 = arith.constant 0 : i32
      scf.yield %scan3A_400 : i32
    }
    %scan3A_218 = arith.constant 32 : i32
    %scan3A_219 = arith.constant 0 : i32
    %scan3A_220 = arith.constant 0 : i32
    %scan3A_221 = arith.constant 32 : i32
    %scan3A_222 = arith.addi %scan3A_220, %scan3A_221 : i32
    %scan3A_223 = arith.constant 1 : i32
    %scan3A_224 = scf.for %scan3A_347 = %scan3A_220 to %scan3A_222 step %scan3A_223 iter_args(%scan3A_348 = %scan3A_219) -> (i32)  : i32 {
      %mul3A_349 = arith.constant 128 : i32
      %mul3A_350 = arith.muli %scan3A_347, %mul3A_349 : i32
      %mul3A_351 = arith.constant 8 : i32
      %mul3A_352 = vector.broadcast %mul3A_351 : i32 to vector<16xi32>
      %mul3A_353 = arith.muli %iota3A, %mul3A_352 : vector<16xi32>
      %add3A_354 = vector.broadcast %mul3A_350 : i32 to vector<16xi32>
      %add3A_355 = arith.addi %add3A_354, %mul3A_353 : vector<16xi32>
      %add3A_356 = arith.constant 8192 : i32
      %add3A_357 = vector.broadcast %add3A_356 : i32 to vector<16xi32>
      %add3A_358 = arith.addi %add3A_355, %add3A_357 : vector<16xi32>
      %gather3A = tpu.vector_load_idx %arg35[%add3A_358] : memref<36864xf32, #tpu.memory_space<vmem>>[vector<16xi32>], vector<16xf32>,
      %add3A_359 = arith.addf %broadcast_in_dim3A_1, %gather3A : vector<16xf32>
      %add3A_360 = arith.constant 8193 : i32
      %add3A_361 = vector.broadcast %add3A_360 : i32 to vector<16xi32>
      %add3A_362 = arith.addi %add3A_355, %add3A_361 : vector<16xi32>
      %gather3A_363 = tpu.vector_load_idx %arg35[%add3A_362] : memref<36864xf32, #tpu.memory_space<vmem>>[vector<16xi32>], vector<16xf32>,
      %add3A_364 = arith.addf %add3A_359, %gather3A_363 : vector<16xf32>
      %add3A_365 = arith.constant 8194 : i32
      %add3A_366 = vector.broadcast %add3A_365 : i32 to vector<16xi32>
      %add3A_367 = arith.addi %add3A_355, %add3A_366 : vector<16xi32>
      %gather3A_368 = tpu.vector_load_idx %arg35[%add3A_367] : memref<36864xf32, #tpu.memory_space<vmem>>[vector<16xi32>], vector<16xf32>,
      %add3A_369 = arith.addf %add3A_364, %gather3A_368 : vector<16xf32>
      %add3A_370 = arith.constant 8195 : i32
      %add3A_371 = vector.broadcast %add3A_370 : i32 to vector<16xi32>
      %add3A_372 = arith.addi %add3A_355, %add3A_371 : vector<16xi32>
      %gather3A_373 = tpu.vector_load_idx %arg35[%add3A_372] : memref<36864xf32, #tpu.memory_space<vmem>>[vector<16xi32>], vector<16xf32>,
      %add3A_374 = arith.addf %add3A_369, %gather3A_373 : vector<16xf32>
      %add3A_375 = arith.constant 8196 : i32
      %add3A_376 = vector.broadcast %add3A_375 : i32 to vector<16xi32>
      %add3A_377 = arith.addi %add3A_355, %add3A_376 : vector<16xi32>
      %gather3A_378 = tpu.vector_load_idx %arg35[%add3A_377] : memref<36864xf32, #tpu.memory_space<vmem>>[vector<16xi32>], vector<16xf32>,
      %add3A_379 = arith.addf %add3A_374, %gather3A_378 : vector<16xf32>
      %add3A_380 = arith.constant 8197 : i32
      %add3A_381 = vector.broadcast %add3A_380 : i32 to vector<16xi32>
      %add3A_382 = arith.addi %add3A_355, %add3A_381 : vector<16xi32>
      %gather3A_383 = tpu.vector_load_idx %arg35[%add3A_382] : memref<36864xf32, #tpu.memory_space<vmem>>[vector<16xi32>], vector<16xf32>,
      %add3A_384 = arith.addf %add3A_379, %gather3A_383 : vector<16xf32>
      %add3A_385 = arith.constant 8198 : i32
      %add3A_386 = vector.broadcast %add3A_385 : i32 to vector<16xi32>
      %add3A_387 = arith.addi %add3A_355, %add3A_386 : vector<16xi32>
      %gather3A_388 = tpu.vector_load_idx %arg35[%add3A_387] : memref<36864xf32, #tpu.memory_space<vmem>>[vector<16xi32>], vector<16xf32>,
      %add3A_389 = arith.addf %add3A_384, %gather3A_388 : vector<16xf32>
      %add3A_390 = arith.constant 8199 : i32
      %add3A_391 = vector.broadcast %add3A_390 : i32 to vector<16xi32>
      %add3A_392 = arith.addi %add3A_355, %add3A_391 : vector<16xi32>
      %gather3A_393 = tpu.vector_load_idx %arg35[%add3A_392] : memref<36864xf32, #tpu.memory_space<vmem>>[vector<16xi32>], vector<16xf32>,
      %add3A_394 = arith.addf %add3A_389, %gather3A_393 : vector<16xf32>
      %mul3A_395 = arith.constant 16 : i32
      %mul3A_396 = arith.muli %scan3A_347, %mul3A_395 : i32
      %add3A_397 = arith.constant 1024 : i32
      %add3A_398 = arith.addi %add3A_397, %mul3A_396 : i32
      %swap3A = arith.index_cast %add3A_398 : i32 to index
      %swap3A_399 = tpu.vector_load %arg36[%swap3A] {strides = array<i32>} : memref<4608xf32, #tpu.memory_space<vmem>>, vector<16xf32>,
      tpu.vector_store %arg36[%swap3A], %add3A_394 {strides = array<i32>} : memref<4608xf32, #tpu.memory_space<vmem>>, vector<16xf32>,
      %scan3A_400 = arith.constant 0 : i32
      scf.yield %scan3A_400 : i32
    }
    %scan3A_225 = arith.constant 32 : i32
    %scan3A_226 = arith.constant 0 : i32
    %scan3A_227 = arith.constant 0 : i32
    %scan3A_228 = arith.constant 32 : i32
    %scan3A_229 = arith.addi %scan3A_227, %scan3A_228 : i32
    %scan3A_230 = arith.constant 1 : i32
    %scan3A_231 = scf.for %scan3A_347 = %scan3A_227 to %scan3A_229 step %scan3A_230 iter_args(%scan3A_348 = %scan3A_226) -> (i32)  : i32 {
      %mul3A_349 = arith.constant 128 : i32
      %mul3A_350 = arith.muli %scan3A_347, %mul3A_349 : i32
      %mul3A_351 = arith.constant 8 : i32
      %mul3A_352 = vector.broadcast %mul3A_351 : i32 to vector<16xi32>
      %mul3A_353 = arith.muli %iota3A, %mul3A_352 : vector<16xi32>
      %add3A_354 = vector.broadcast %mul3A_350 : i32 to vector<16xi32>
      %add3A_355 = arith.addi %add3A_354, %mul3A_353 : vector<16xi32>
      %add3A_356 = arith.constant 12288 : i32
      %add3A_357 = vector.broadcast %add3A_356 : i32 to vector<16xi32>
      %add3A_358 = arith.addi %add3A_355, %add3A_357 : vector<16xi32>
      %gather3A = tpu.vector_load_idx %arg35[%add3A_358] : memref<36864xf32, #tpu.memory_space<vmem>>[vector<16xi32>], vector<16xf32>,
      %add3A_359 = arith.addf %broadcast_in_dim3A_1, %gather3A : vector<16xf32>
      %add3A_360 = arith.constant 12289 : i32
      %add3A_361 = vector.broadcast %add3A_360 : i32 to vector<16xi32>
      %add3A_362 = arith.addi %add3A_355, %add3A_361 : vector<16xi32>
      %gather3A_363 = tpu.vector_load_idx %arg35[%add3A_362] : memref<36864xf32, #tpu.memory_space<vmem>>[vector<16xi32>], vector<16xf32>,
      %add3A_364 = arith.addf %add3A_359, %gather3A_363 : vector<16xf32>
      %add3A_365 = arith.constant 12290 : i32
      %add3A_366 = vector.broadcast %add3A_365 : i32 to vector<16xi32>
      %add3A_367 = arith.addi %add3A_355, %add3A_366 : vector<16xi32>
      %gather3A_368 = tpu.vector_load_idx %arg35[%add3A_367] : memref<36864xf32, #tpu.memory_space<vmem>>[vector<16xi32>], vector<16xf32>,
      %add3A_369 = arith.addf %add3A_364, %gather3A_368 : vector<16xf32>
      %add3A_370 = arith.constant 12291 : i32
      %add3A_371 = vector.broadcast %add3A_370 : i32 to vector<16xi32>
      %add3A_372 = arith.addi %add3A_355, %add3A_371 : vector<16xi32>
      %gather3A_373 = tpu.vector_load_idx %arg35[%add3A_372] : memref<36864xf32, #tpu.memory_space<vmem>>[vector<16xi32>], vector<16xf32>,
      %add3A_374 = arith.addf %add3A_369, %gather3A_373 : vector<16xf32>
      %add3A_375 = arith.constant 12292 : i32
      %add3A_376 = vector.broadcast %add3A_375 : i32 to vector<16xi32>
      %add3A_377 = arith.addi %add3A_355, %add3A_376 : vector<16xi32>
      %gather3A_378 = tpu.vector_load_idx %arg35[%add3A_377] : memref<36864xf32, #tpu.memory_space<vmem>>[vector<16xi32>], vector<16xf32>,
      %add3A_379 = arith.addf %add3A_374, %gather3A_378 : vector<16xf32>
      %add3A_380 = arith.constant 12293 : i32
      %add3A_381 = vector.broadcast %add3A_380 : i32 to vector<16xi32>
      %add3A_382 = arith.addi %add3A_355, %add3A_381 : vector<16xi32>
      %gather3A_383 = tpu.vector_load_idx %arg35[%add3A_382] : memref<36864xf32, #tpu.memory_space<vmem>>[vector<16xi32>], vector<16xf32>,
      %add3A_384 = arith.addf %add3A_379, %gather3A_383 : vector<16xf32>
      %add3A_385 = arith.constant 12294 : i32
      %add3A_386 = vector.broadcast %add3A_385 : i32 to vector<16xi32>
      %add3A_387 = arith.addi %add3A_355, %add3A_386 : vector<16xi32>
      %gather3A_388 = tpu.vector_load_idx %arg35[%add3A_387] : memref<36864xf32, #tpu.memory_space<vmem>>[vector<16xi32>], vector<16xf32>,
      %add3A_389 = arith.addf %add3A_384, %gather3A_388 : vector<16xf32>
      %add3A_390 = arith.constant 12295 : i32
      %add3A_391 = vector.broadcast %add3A_390 : i32 to vector<16xi32>
      %add3A_392 = arith.addi %add3A_355, %add3A_391 : vector<16xi32>
      %gather3A_393 = tpu.vector_load_idx %arg35[%add3A_392] : memref<36864xf32, #tpu.memory_space<vmem>>[vector<16xi32>], vector<16xf32>,
      %add3A_394 = arith.addf %add3A_389, %gather3A_393 : vector<16xf32>
      %mul3A_395 = arith.constant 16 : i32
      %mul3A_396 = arith.muli %scan3A_347, %mul3A_395 : i32
      %add3A_397 = arith.constant 1536 : i32
      %add3A_398 = arith.addi %add3A_397, %mul3A_396 : i32
      %swap3A = arith.index_cast %add3A_398 : i32 to index
      %swap3A_399 = tpu.vector_load %arg36[%swap3A] {strides = array<i32>} : memref<4608xf32, #tpu.memory_space<vmem>>, vector<16xf32>,
      tpu.vector_store %arg36[%swap3A], %add3A_394 {strides = array<i32>} : memref<4608xf32, #tpu.memory_space<vmem>>, vector<16xf32>,
      %scan3A_400 = arith.constant 0 : i32
      scf.yield %scan3A_400 : i32
    }
    %scan3A_232 = arith.constant 32 : i32
    %scan3A_233 = arith.constant 0 : i32
    %scan3A_234 = arith.constant 0 : i32
    %scan3A_235 = arith.constant 32 : i32
    %scan3A_236 = arith.addi %scan3A_234, %scan3A_235 : i32
    %scan3A_237 = arith.constant 1 : i32
    %scan3A_238 = scf.for %scan3A_347 = %scan3A_234 to %scan3A_236 step %scan3A_237 iter_args(%scan3A_348 = %scan3A_233) -> (i32)  : i32 {
      %mul3A_349 = arith.constant 128 : i32
      %mul3A_350 = arith.muli %scan3A_347, %mul3A_349 : i32
      %mul3A_351 = arith.constant 8 : i32
      %mul3A_352 = vector.broadcast %mul3A_351 : i32 to vector<16xi32>
      %mul3A_353 = arith.muli %iota3A, %mul3A_352 : vector<16xi32>
      %add3A_354 = vector.broadcast %mul3A_350 : i32 to vector<16xi32>
      %add3A_355 = arith.addi %add3A_354, %mul3A_353 : vector<16xi32>
      %add3A_356 = arith.constant 16384 : i32
      %add3A_357 = vector.broadcast %add3A_356 : i32 to vector<16xi32>
      %add3A_358 = arith.addi %add3A_355, %add3A_357 : vector<16xi32>
      %gather3A = tpu.vector_load_idx %arg35[%add3A_358] : memref<36864xf32, #tpu.memory_space<vmem>>[vector<16xi32>], vector<16xf32>,
      %add3A_359 = arith.addf %broadcast_in_dim3A_1, %gather3A : vector<16xf32>
      %add3A_360 = arith.constant 16385 : i32
      %add3A_361 = vector.broadcast %add3A_360 : i32 to vector<16xi32>
      %add3A_362 = arith.addi %add3A_355, %add3A_361 : vector<16xi32>
      %gather3A_363 = tpu.vector_load_idx %arg35[%add3A_362] : memref<36864xf32, #tpu.memory_space<vmem>>[vector<16xi32>], vector<16xf32>,
      %add3A_364 = arith.addf %add3A_359, %gather3A_363 : vector<16xf32>
      %add3A_365 = arith.constant 16386 : i32
      %add3A_366 = vector.broadcast %add3A_365 : i32 to vector<16xi32>
      %add3A_367 = arith.addi %add3A_355, %add3A_366 : vector<16xi32>
      %gather3A_368 = tpu.vector_load_idx %arg35[%add3A_367] : memref<36864xf32, #tpu.memory_space<vmem>>[vector<16xi32>], vector<16xf32>,
      %add3A_369 = arith.addf %add3A_364, %gather3A_368 : vector<16xf32>
      %add3A_370 = arith.constant 16387 : i32
      %add3A_371 = vector.broadcast %add3A_370 : i32 to vector<16xi32>
      %add3A_372 = arith.addi %add3A_355, %add3A_371 : vector<16xi32>
      %gather3A_373 = tpu.vector_load_idx %arg35[%add3A_372] : memref<36864xf32, #tpu.memory_space<vmem>>[vector<16xi32>], vector<16xf32>,
      %add3A_374 = arith.addf %add3A_369, %gather3A_373 : vector<16xf32>
      %add3A_375 = arith.constant 16388 : i32
      %add3A_376 = vector.broadcast %add3A_375 : i32 to vector<16xi32>
      %add3A_377 = arith.addi %add3A_355, %add3A_376 : vector<16xi32>
      %gather3A_378 = tpu.vector_load_idx %arg35[%add3A_377] : memref<36864xf32, #tpu.memory_space<vmem>>[vector<16xi32>], vector<16xf32>,
      %add3A_379 = arith.addf %add3A_374, %gather3A_378 : vector<16xf32>
      %add3A_380 = arith.constant 16389 : i32
      %add3A_381 = vector.broadcast %add3A_380 : i32 to vector<16xi32>
      %add3A_382 = arith.addi %add3A_355, %add3A_381 : vector<16xi32>
      %gather3A_383 = tpu.vector_load_idx %arg35[%add3A_382] : memref<36864xf32, #tpu.memory_space<vmem>>[vector<16xi32>], vector<16xf32>,
      %add3A_384 = arith.addf %add3A_379, %gather3A_383 : vector<16xf32>
      %add3A_385 = arith.constant 16390 : i32
      %add3A_386 = vector.broadcast %add3A_385 : i32 to vector<16xi32>
      %add3A_387 = arith.addi %add3A_355, %add3A_386 : vector<16xi32>
      %gather3A_388 = tpu.vector_load_idx %arg35[%add3A_387] : memref<36864xf32, #tpu.memory_space<vmem>>[vector<16xi32>], vector<16xf32>,
      %add3A_389 = arith.addf %add3A_384, %gather3A_388 : vector<16xf32>
      %add3A_390 = arith.constant 16391 : i32
      %add3A_391 = vector.broadcast %add3A_390 : i32 to vector<16xi32>
      %add3A_392 = arith.addi %add3A_355, %add3A_391 : vector<16xi32>
      %gather3A_393 = tpu.vector_load_idx %arg35[%add3A_392] : memref<36864xf32, #tpu.memory_space<vmem>>[vector<16xi32>], vector<16xf32>,
      %add3A_394 = arith.addf %add3A_389, %gather3A_393 : vector<16xf32>
      %mul3A_395 = arith.constant 16 : i32
      %mul3A_396 = arith.muli %scan3A_347, %mul3A_395 : i32
      %add3A_397 = arith.constant 2048 : i32
      %add3A_398 = arith.addi %add3A_397, %mul3A_396 : i32
      %swap3A = arith.index_cast %add3A_398 : i32 to index
      %swap3A_399 = tpu.vector_load %arg36[%swap3A] {strides = array<i32>} : memref<4608xf32, #tpu.memory_space<vmem>>, vector<16xf32>,
      tpu.vector_store %arg36[%swap3A], %add3A_394 {strides = array<i32>} : memref<4608xf32, #tpu.memory_space<vmem>>, vector<16xf32>,
      %scan3A_400 = arith.constant 0 : i32
      scf.yield %scan3A_400 : i32
    }
    %scan3A_239 = arith.constant 32 : i32
    %scan3A_240 = arith.constant 0 : i32
    %scan3A_241 = arith.constant 0 : i32
    %scan3A_242 = arith.constant 32 : i32
    %scan3A_243 = arith.addi %scan3A_241, %scan3A_242 : i32
    %scan3A_244 = arith.constant 1 : i32
    %scan3A_245 = scf.for %scan3A_347 = %scan3A_241 to %scan3A_243 step %scan3A_244 iter_args(%scan3A_348 = %scan3A_240) -> (i32)  : i32 {
      %mul3A_349 = arith.constant 128 : i32
      %mul3A_350 = arith.muli %scan3A_347, %mul3A_349 : i32
      %mul3A_351 = arith.constant 8 : i32
      %mul3A_352 = vector.broadcast %mul3A_351 : i32 to vector<16xi32>
      %mul3A_353 = arith.muli %iota3A, %mul3A_352 : vector<16xi32>
      %add3A_354 = vector.broadcast %mul3A_350 : i32 to vector<16xi32>
      %add3A_355 = arith.addi %add3A_354, %mul3A_353 : vector<16xi32>
      %add3A_356 = arith.constant 20480 : i32
      %add3A_357 = vector.broadcast %add3A_356 : i32 to vector<16xi32>
      %add3A_358 = arith.addi %add3A_355, %add3A_357 : vector<16xi32>
      %gather3A = tpu.vector_load_idx %arg35[%add3A_358] : memref<36864xf32, #tpu.memory_space<vmem>>[vector<16xi32>], vector<16xf32>,
      %add3A_359 = arith.addf %broadcast_in_dim3A_1, %gather3A : vector<16xf32>
      %add3A_360 = arith.constant 20481 : i32
      %add3A_361 = vector.broadcast %add3A_360 : i32 to vector<16xi32>
      %add3A_362 = arith.addi %add3A_355, %add3A_361 : vector<16xi32>
      %gather3A_363 = tpu.vector_load_idx %arg35[%add3A_362] : memref<36864xf32, #tpu.memory_space<vmem>>[vector<16xi32>], vector<16xf32>,
      %add3A_364 = arith.addf %add3A_359, %gather3A_363 : vector<16xf32>
      %add3A_365 = arith.constant 20482 : i32
      %add3A_366 = vector.broadcast %add3A_365 : i32 to vector<16xi32>
      %add3A_367 = arith.addi %add3A_355, %add3A_366 : vector<16xi32>
      %gather3A_368 = tpu.vector_load_idx %arg35[%add3A_367] : memref<36864xf32, #tpu.memory_space<vmem>>[vector<16xi32>], vector<16xf32>,
      %add3A_369 = arith.addf %add3A_364, %gather3A_368 : vector<16xf32>
      %add3A_370 = arith.constant 20483 : i32
      %add3A_371 = vector.broadcast %add3A_370 : i32 to vector<16xi32>
      %add3A_372 = arith.addi %add3A_355, %add3A_371 : vector<16xi32>
      %gather3A_373 = tpu.vector_load_idx %arg35[%add3A_372] : memref<36864xf32, #tpu.memory_space<vmem>>[vector<16xi32>], vector<16xf32>,
      %add3A_374 = arith.addf %add3A_369, %gather3A_373 : vector<16xf32>
      %add3A_375 = arith.constant 20484 : i32
      %add3A_376 = vector.broadcast %add3A_375 : i32 to vector<16xi32>
      %add3A_377 = arith.addi %add3A_355, %add3A_376 : vector<16xi32>
      %gather3A_378 = tpu.vector_load_idx %arg35[%add3A_377] : memref<36864xf32, #tpu.memory_space<vmem>>[vector<16xi32>], vector<16xf32>,
      %add3A_379 = arith.addf %add3A_374, %gather3A_378 : vector<16xf32>
      %add3A_380 = arith.constant 20485 : i32
      %add3A_381 = vector.broadcast %add3A_380 : i32 to vector<16xi32>
      %add3A_382 = arith.addi %add3A_355, %add3A_381 : vector<16xi32>
      %gather3A_383 = tpu.vector_load_idx %arg35[%add3A_382] : memref<36864xf32, #tpu.memory_space<vmem>>[vector<16xi32>], vector<16xf32>,
      %add3A_384 = arith.addf %add3A_379, %gather3A_383 : vector<16xf32>
      %add3A_385 = arith.constant 20486 : i32
      %add3A_386 = vector.broadcast %add3A_385 : i32 to vector<16xi32>
      %add3A_387 = arith.addi %add3A_355, %add3A_386 : vector<16xi32>
      %gather3A_388 = tpu.vector_load_idx %arg35[%add3A_387] : memref<36864xf32, #tpu.memory_space<vmem>>[vector<16xi32>], vector<16xf32>,
      %add3A_389 = arith.addf %add3A_384, %gather3A_388 : vector<16xf32>
      %add3A_390 = arith.constant 20487 : i32
      %add3A_391 = vector.broadcast %add3A_390 : i32 to vector<16xi32>
      %add3A_392 = arith.addi %add3A_355, %add3A_391 : vector<16xi32>
      %gather3A_393 = tpu.vector_load_idx %arg35[%add3A_392] : memref<36864xf32, #tpu.memory_space<vmem>>[vector<16xi32>], vector<16xf32>,
      %add3A_394 = arith.addf %add3A_389, %gather3A_393 : vector<16xf32>
      %mul3A_395 = arith.constant 16 : i32
      %mul3A_396 = arith.muli %scan3A_347, %mul3A_395 : i32
      %add3A_397 = arith.constant 2560 : i32
      %add3A_398 = arith.addi %add3A_397, %mul3A_396 : i32
      %swap3A = arith.index_cast %add3A_398 : i32 to index
      %swap3A_399 = tpu.vector_load %arg36[%swap3A] {strides = array<i32>} : memref<4608xf32, #tpu.memory_space<vmem>>, vector<16xf32>,
      tpu.vector_store %arg36[%swap3A], %add3A_394 {strides = array<i32>} : memref<4608xf32, #tpu.memory_space<vmem>>, vector<16xf32>,
      %scan3A_400 = arith.constant 0 : i32
      scf.yield %scan3A_400 : i32
    }
    %scan3A_246 = arith.constant 32 : i32
    %scan3A_247 = arith.constant 0 : i32
    %scan3A_248 = arith.constant 0 : i32
    %scan3A_249 = arith.constant 32 : i32
    %scan3A_250 = arith.addi %scan3A_248, %scan3A_249 : i32
    %scan3A_251 = arith.constant 1 : i32
    %scan3A_252 = scf.for %scan3A_347 = %scan3A_248 to %scan3A_250 step %scan3A_251 iter_args(%scan3A_348 = %scan3A_247) -> (i32)  : i32 {
      %mul3A_349 = arith.constant 128 : i32
      %mul3A_350 = arith.muli %scan3A_347, %mul3A_349 : i32
      %mul3A_351 = arith.constant 8 : i32
      %mul3A_352 = vector.broadcast %mul3A_351 : i32 to vector<16xi32>
      %mul3A_353 = arith.muli %iota3A, %mul3A_352 : vector<16xi32>
      %add3A_354 = vector.broadcast %mul3A_350 : i32 to vector<16xi32>
      %add3A_355 = arith.addi %add3A_354, %mul3A_353 : vector<16xi32>
      %add3A_356 = arith.constant 24576 : i32
      %add3A_357 = vector.broadcast %add3A_356 : i32 to vector<16xi32>
      %add3A_358 = arith.addi %add3A_355, %add3A_357 : vector<16xi32>
      %gather3A = tpu.vector_load_idx %arg35[%add3A_358] : memref<36864xf32, #tpu.memory_space<vmem>>[vector<16xi32>], vector<16xf32>,
      %add3A_359 = arith.addf %broadcast_in_dim3A_1, %gather3A : vector<16xf32>
      %add3A_360 = arith.constant 24577 : i32
      %add3A_361 = vector.broadcast %add3A_360 : i32 to vector<16xi32>
      %add3A_362 = arith.addi %add3A_355, %add3A_361 : vector<16xi32>
      %gather3A_363 = tpu.vector_load_idx %arg35[%add3A_362] : memref<36864xf32, #tpu.memory_space<vmem>>[vector<16xi32>], vector<16xf32>,
      %add3A_364 = arith.addf %add3A_359, %gather3A_363 : vector<16xf32>
      %add3A_365 = arith.constant 24578 : i32
      %add3A_366 = vector.broadcast %add3A_365 : i32 to vector<16xi32>
      %add3A_367 = arith.addi %add3A_355, %add3A_366 : vector<16xi32>
      %gather3A_368 = tpu.vector_load_idx %arg35[%add3A_367] : memref<36864xf32, #tpu.memory_space<vmem>>[vector<16xi32>], vector<16xf32>,
      %add3A_369 = arith.addf %add3A_364, %gather3A_368 : vector<16xf32>
      %add3A_370 = arith.constant 24579 : i32
      %add3A_371 = vector.broadcast %add3A_370 : i32 to vector<16xi32>
      %add3A_372 = arith.addi %add3A_355, %add3A_371 : vector<16xi32>
      %gather3A_373 = tpu.vector_load_idx %arg35[%add3A_372] : memref<36864xf32, #tpu.memory_space<vmem>>[vector<16xi32>], vector<16xf32>,
      %add3A_374 = arith.addf %add3A_369, %gather3A_373 : vector<16xf32>
      %add3A_375 = arith.constant 24580 : i32
      %add3A_376 = vector.broadcast %add3A_375 : i32 to vector<16xi32>
      %add3A_377 = arith.addi %add3A_355, %add3A_376 : vector<16xi32>
      %gather3A_378 = tpu.vector_load_idx %arg35[%add3A_377] : memref<36864xf32, #tpu.memory_space<vmem>>[vector<16xi32>], vector<16xf32>,
      %add3A_379 = arith.addf %add3A_374, %gather3A_378 : vector<16xf32>
      %add3A_380 = arith.constant 24581 : i32
      %add3A_381 = vector.broadcast %add3A_380 : i32 to vector<16xi32>
      %add3A_382 = arith.addi %add3A_355, %add3A_381 : vector<16xi32>
      %gather3A_383 = tpu.vector_load_idx %arg35[%add3A_382] : memref<36864xf32, #tpu.memory_space<vmem>>[vector<16xi32>], vector<16xf32>,
      %add3A_384 = arith.addf %add3A_379, %gather3A_383 : vector<16xf32>
      %add3A_385 = arith.constant 24582 : i32
      %add3A_386 = vector.broadcast %add3A_385 : i32 to vector<16xi32>
      %add3A_387 = arith.addi %add3A_355, %add3A_386 : vector<16xi32>
      %gather3A_388 = tpu.vector_load_idx %arg35[%add3A_387] : memref<36864xf32, #tpu.memory_space<vmem>>[vector<16xi32>], vector<16xf32>,
      %add3A_389 = arith.addf %add3A_384, %gather3A_388 : vector<16xf32>
      %add3A_390 = arith.constant 24583 : i32
      %add3A_391 = vector.broadcast %add3A_390 : i32 to vector<16xi32>
      %add3A_392 = arith.addi %add3A_355, %add3A_391 : vector<16xi32>
      %gather3A_393 = tpu.vector_load_idx %arg35[%add3A_392] : memref<36864xf32, #tpu.memory_space<vmem>>[vector<16xi32>], vector<16xf32>,
      %add3A_394 = arith.addf %add3A_389, %gather3A_393 : vector<16xf32>
      %mul3A_395 = arith.constant 16 : i32
      %mul3A_396 = arith.muli %scan3A_347, %mul3A_395 : i32
      %add3A_397 = arith.constant 3072 : i32
      %add3A_398 = arith.addi %add3A_397, %mul3A_396 : i32
      %swap3A = arith.index_cast %add3A_398 : i32 to index
      %swap3A_399 = tpu.vector_load %arg36[%swap3A] {strides = array<i32>} : memref<4608xf32, #tpu.memory_space<vmem>>, vector<16xf32>,
      tpu.vector_store %arg36[%swap3A], %add3A_394 {strides = array<i32>} : memref<4608xf32, #tpu.memory_space<vmem>>, vector<16xf32>,
      %scan3A_400 = arith.constant 0 : i32
      scf.yield %scan3A_400 : i32
    }
    %scan3A_253 = arith.constant 32 : i32
    %scan3A_254 = arith.constant 0 : i32
    %scan3A_255 = arith.constant 0 : i32
    %scan3A_256 = arith.constant 32 : i32
    %scan3A_257 = arith.addi %scan3A_255, %scan3A_256 : i32
    %scan3A_258 = arith.constant 1 : i32
    %scan3A_259 = scf.for %scan3A_347 = %scan3A_255 to %scan3A_257 step %scan3A_258 iter_args(%scan3A_348 = %scan3A_254) -> (i32)  : i32 {
      %mul3A_349 = arith.constant 128 : i32
      %mul3A_350 = arith.muli %scan3A_347, %mul3A_349 : i32
      %mul3A_351 = arith.constant 8 : i32
      %mul3A_352 = vector.broadcast %mul3A_351 : i32 to vector<16xi32>
      %mul3A_353 = arith.muli %iota3A, %mul3A_352 : vector<16xi32>
      %add3A_354 = vector.broadcast %mul3A_350 : i32 to vector<16xi32>
      %add3A_355 = arith.addi %add3A_354, %mul3A_353 : vector<16xi32>
      %add3A_356 = arith.constant 28672 : i32
      %add3A_357 = vector.broadcast %add3A_356 : i32 to vector<16xi32>
      %add3A_358 = arith.addi %add3A_355, %add3A_357 : vector<16xi32>
      %gather3A = tpu.vector_load_idx %arg35[%add3A_358] : memref<36864xf32, #tpu.memory_space<vmem>>[vector<16xi32>], vector<16xf32>,
      %add3A_359 = arith.addf %broadcast_in_dim3A_1, %gather3A : vector<16xf32>
      %add3A_360 = arith.constant 28673 : i32
      %add3A_361 = vector.broadcast %add3A_360 : i32 to vector<16xi32>
      %add3A_362 = arith.addi %add3A_355, %add3A_361 : vector<16xi32>
      %gather3A_363 = tpu.vector_load_idx %arg35[%add3A_362] : memref<36864xf32, #tpu.memory_space<vmem>>[vector<16xi32>], vector<16xf32>,
      %add3A_364 = arith.addf %add3A_359, %gather3A_363 : vector<16xf32>
      %add3A_365 = arith.constant 28674 : i32
      %add3A_366 = vector.broadcast %add3A_365 : i32 to vector<16xi32>
      %add3A_367 = arith.addi %add3A_355, %add3A_366 : vector<16xi32>
      %gather3A_368 = tpu.vector_load_idx %arg35[%add3A_367] : memref<36864xf32, #tpu.memory_space<vmem>>[vector<16xi32>], vector<16xf32>,
      %add3A_369 = arith.addf %add3A_364, %gather3A_368 : vector<16xf32>
      %add3A_370 = arith.constant 28675 : i32
      %add3A_371 = vector.broadcast %add3A_370 : i32 to vector<16xi32>
      %add3A_372 = arith.addi %add3A_355, %add3A_371 : vector<16xi32>
      %gather3A_373 = tpu.vector_load_idx %arg35[%add3A_372] : memref<36864xf32, #tpu.memory_space<vmem>>[vector<16xi32>], vector<16xf32>,
      %add3A_374 = arith.addf %add3A_369, %gather3A_373 : vector<16xf32>
      %add3A_375 = arith.constant 28676 : i32
      %add3A_376 = vector.broadcast %add3A_375 : i32 to vector<16xi32>
      %add3A_377 = arith.addi %add3A_355, %add3A_376 : vector<16xi32>
      %gather3A_378 = tpu.vector_load_idx %arg35[%add3A_377] : memref<36864xf32, #tpu.memory_space<vmem>>[vector<16xi32>], vector<16xf32>,
      %add3A_379 = arith.addf %add3A_374, %gather3A_378 : vector<16xf32>
      %add3A_380 = arith.constant 28677 : i32
      %add3A_381 = vector.broadcast %add3A_380 : i32 to vector<16xi32>
      %add3A_382 = arith.addi %add3A_355, %add3A_381 : vector<16xi32>
      %gather3A_383 = tpu.vector_load_idx %arg35[%add3A_382] : memref<36864xf32, #tpu.memory_space<vmem>>[vector<16xi32>], vector<16xf32>,
      %add3A_384 = arith.addf %add3A_379, %gather3A_383 : vector<16xf32>
      %add3A_385 = arith.constant 28678 : i32
      %add3A_386 = vector.broadcast %add3A_385 : i32 to vector<16xi32>
      %add3A_387 = arith.addi %add3A_355, %add3A_386 : vector<16xi32>
      %gather3A_388 = tpu.vector_load_idx %arg35[%add3A_387] : memref<36864xf32, #tpu.memory_space<vmem>>[vector<16xi32>], vector<16xf32>,
      %add3A_389 = arith.addf %add3A_384, %gather3A_388 : vector<16xf32>
      %add3A_390 = arith.constant 28679 : i32
      %add3A_391 = vector.broadcast %add3A_390 : i32 to vector<16xi32>
      %add3A_392 = arith.addi %add3A_355, %add3A_391 : vector<16xi32>
      %gather3A_393 = tpu.vector_load_idx %arg35[%add3A_392] : memref<36864xf32, #tpu.memory_space<vmem>>[vector<16xi32>], vector<16xf32>,
      %add3A_394 = arith.addf %add3A_389, %gather3A_393 : vector<16xf32>
      %mul3A_395 = arith.constant 16 : i32
      %mul3A_396 = arith.muli %scan3A_347, %mul3A_395 : i32
      %add3A_397 = arith.constant 3584 : i32
      %add3A_398 = arith.addi %add3A_397, %mul3A_396 : i32
      %swap3A = arith.index_cast %add3A_398 : i32 to index
      %swap3A_399 = tpu.vector_load %arg36[%swap3A] {strides = array<i32>} : memref<4608xf32, #tpu.memory_space<vmem>>, vector<16xf32>,
      tpu.vector_store %arg36[%swap3A], %add3A_394 {strides = array<i32>} : memref<4608xf32, #tpu.memory_space<vmem>>, vector<16xf32>,
      %scan3A_400 = arith.constant 0 : i32
      scf.yield %scan3A_400 : i32
    }
    %scan3A_260 = arith.constant 32 : i32
    %scan3A_261 = arith.constant 0 : i32
    %scan3A_262 = arith.constant 0 : i32
    %scan3A_263 = arith.constant 32 : i32
    %scan3A_264 = arith.addi %scan3A_262, %scan3A_263 : i32
    %scan3A_265 = arith.constant 1 : i32
    %scan3A_266 = scf.for %scan3A_347 = %scan3A_262 to %scan3A_264 step %scan3A_265 iter_args(%scan3A_348 = %scan3A_261) -> (i32)  : i32 {
      %mul3A_349 = arith.constant 128 : i32
      %mul3A_350 = arith.muli %scan3A_347, %mul3A_349 : i32
      %mul3A_351 = arith.constant 8 : i32
      %mul3A_352 = vector.broadcast %mul3A_351 : i32 to vector<16xi32>
      %mul3A_353 = arith.muli %iota3A, %mul3A_352 : vector<16xi32>
      %add3A_354 = vector.broadcast %mul3A_350 : i32 to vector<16xi32>
      %add3A_355 = arith.addi %add3A_354, %mul3A_353 : vector<16xi32>
      %add3A_356 = arith.constant 32768 : i32
      %add3A_357 = vector.broadcast %add3A_356 : i32 to vector<16xi32>
      %add3A_358 = arith.addi %add3A_355, %add3A_357 : vector<16xi32>
      %gather3A = tpu.vector_load_idx %arg35[%add3A_358] : memref<36864xf32, #tpu.memory_space<vmem>>[vector<16xi32>], vector<16xf32>,
      %add3A_359 = arith.addf %broadcast_in_dim3A_1, %gather3A : vector<16xf32>
      %add3A_360 = arith.constant 32769 : i32
      %add3A_361 = vector.broadcast %add3A_360 : i32 to vector<16xi32>
      %add3A_362 = arith.addi %add3A_355, %add3A_361 : vector<16xi32>
      %gather3A_363 = tpu.vector_load_idx %arg35[%add3A_362] : memref<36864xf32, #tpu.memory_space<vmem>>[vector<16xi32>], vector<16xf32>,
      %add3A_364 = arith.addf %add3A_359, %gather3A_363 : vector<16xf32>
      %add3A_365 = arith.constant 32770 : i32
      %add3A_366 = vector.broadcast %add3A_365 : i32 to vector<16xi32>
      %add3A_367 = arith.addi %add3A_355, %add3A_366 : vector<16xi32>
      %gather3A_368 = tpu.vector_load_idx %arg35[%add3A_367] : memref<36864xf32, #tpu.memory_space<vmem>>[vector<16xi32>], vector<16xf32>,
      %add3A_369 = arith.addf %add3A_364, %gather3A_368 : vector<16xf32>
      %add3A_370 = arith.constant 32771 : i32
      %add3A_371 = vector.broadcast %add3A_370 : i32 to vector<16xi32>
      %add3A_372 = arith.addi %add3A_355, %add3A_371 : vector<16xi32>
      %gather3A_373 = tpu.vector_load_idx %arg35[%add3A_372] : memref<36864xf32, #tpu.memory_space<vmem>>[vector<16xi32>], vector<16xf32>,
      %add3A_374 = arith.addf %add3A_369, %gather3A_373 : vector<16xf32>
      %add3A_375 = arith.constant 32772 : i32
      %add3A_376 = vector.broadcast %add3A_375 : i32 to vector<16xi32>
      %add3A_377 = arith.addi %add3A_355, %add3A_376 : vector<16xi32>
      %gather3A_378 = tpu.vector_load_idx %arg35[%add3A_377] : memref<36864xf32, #tpu.memory_space<vmem>>[vector<16xi32>], vector<16xf32>,
      %add3A_379 = arith.addf %add3A_374, %gather3A_378 : vector<16xf32>
      %add3A_380 = arith.constant 32773 : i32
      %add3A_381 = vector.broadcast %add3A_380 : i32 to vector<16xi32>
      %add3A_382 = arith.addi %add3A_355, %add3A_381 : vector<16xi32>
      %gather3A_383 = tpu.vector_load_idx %arg35[%add3A_382] : memref<36864xf32, #tpu.memory_space<vmem>>[vector<16xi32>], vector<16xf32>,
      %add3A_384 = arith.addf %add3A_379, %gather3A_383 : vector<16xf32>
      %add3A_385 = arith.constant 32774 : i32
      %add3A_386 = vector.broadcast %add3A_385 : i32 to vector<16xi32>
      %add3A_387 = arith.addi %add3A_355, %add3A_386 : vector<16xi32>
      %gather3A_388 = tpu.vector_load_idx %arg35[%add3A_387] : memref<36864xf32, #tpu.memory_space<vmem>>[vector<16xi32>], vector<16xf32>,
      %add3A_389 = arith.addf %add3A_384, %gather3A_388 : vector<16xf32>
      %add3A_390 = arith.constant 32775 : i32
      %add3A_391 = vector.broadcast %add3A_390 : i32 to vector<16xi32>
      %add3A_392 = arith.addi %add3A_355, %add3A_391 : vector<16xi32>
      %gather3A_393 = tpu.vector_load_idx %arg35[%add3A_392] : memref<36864xf32, #tpu.memory_space<vmem>>[vector<16xi32>], vector<16xf32>,
      %add3A_394 = arith.addf %add3A_389, %gather3A_393 : vector<16xf32>
      %mul3A_395 = arith.constant 16 : i32
      %mul3A_396 = arith.muli %scan3A_347, %mul3A_395 : i32
      %add3A_397 = arith.constant 4096 : i32
      %add3A_398 = arith.addi %add3A_397, %mul3A_396 : i32
      %swap3A = arith.index_cast %add3A_398 : i32 to index
      %swap3A_399 = tpu.vector_load %arg36[%swap3A] {strides = array<i32>} : memref<4608xf32, #tpu.memory_space<vmem>>, vector<16xf32>,
      tpu.vector_store %arg36[%swap3A], %add3A_394 {strides = array<i32>} : memref<4608xf32, #tpu.memory_space<vmem>>, vector<16xf32>,
      %scan3A_400 = arith.constant 0 : i32
      scf.yield %scan3A_400 : i32
    }
    %scan3A_267 = arith.constant 32 : i32
    %mul3A_268 = arith.constant 4608 : i32
    %mul3A_269 = arith.muli %arg1, %mul3A_268 : i32
    "tpu.region"() ({
      %run_scoped3A = tpu.sem_alloc : memref<!tpu.dma_semaphore, #tpu.memory_space<semaphore_mem>>
      %dma_start3A_347 = tpu.memref_slice %arg42[%mul3A_269] : memref<73728xf32, #tpu.memory_space<vmem_shared>> -> memref<4608xf32, #tpu.memory_space<vmem_shared>>
      %dma_start3A_348 = tpu.memref_slice %arg42[%mul3A_269] : memref<73728xf32, #tpu.memory_space<vmem_shared>> -> memref<4608xf32, #tpu.memory_space<vmem_shared>>
      tpu.enqueue_dma source(%arg36 : memref<4608xf32, #tpu.memory_space<vmem>>) target(%dma_start3A_348 : memref<4608xf32, #tpu.memory_space<vmem_shared>>) target_semaphore(%run_scoped3A : memref<!tpu.dma_semaphore, #tpu.memory_space<semaphore_mem>>)
      %dma_wait3A_349 = tpu.memref_slice %arg42[%mul3A_269] : memref<73728xf32, #tpu.memory_space<vmem_shared>> -> memref<4608xf32, #tpu.memory_space<vmem_shared>>
      %dma_wait3A_350 = tpu.memref_slice %arg42[%mul3A_269] : memref<73728xf32, #tpu.memory_space<vmem_shared>> -> memref<4608xf32, #tpu.memory_space<vmem_shared>>
      tpu.wait_dma2 semaphore(%run_scoped3A : memref<!tpu.dma_semaphore, #tpu.memory_space<semaphore_mem>>) src(%arg36 : memref<4608xf32, #tpu.memory_space<vmem>>) dst(%dma_wait3A_350 : memref<4608xf32, #tpu.memory_space<vmem_shared>>)
      tpu.yield
    }) : () -> ()
    %barrier3A_270 = arith.constant 0 : index
    tpu.barrier barrier_id(%barrier3A_270)
    %mul3A_271 = arith.constant 288 : i32
    %mul3A_272 = arith.muli %arg1, %mul3A_271 : i32
    %add3A_273 = arith.constant 0 : i32
    %add3A_274 = arith.addi %add3A_273, %mul3A_272 : i32
    "tpu.region"() ({
      %run_scoped3A = tpu.sem_alloc : memref<!tpu.dma_semaphore, #tpu.memory_space<semaphore_mem>>
      %dma_start3A_347 = arith.constant 0 : i32
      %dma_start3A_348 = tpu.memref_slice %arg36[%dma_start3A_347] : memref<4608xf32, #tpu.memory_space<vmem>> -> memref<288xf32, #tpu.memory_space<vmem>>
      %dma_start3A_349 = tpu.memref_slice %arg42[%add3A_274] : memref<73728xf32, #tpu.memory_space<vmem_shared>> -> memref<288xf32, #tpu.memory_space<vmem_shared>>
      %dma_start3A_350 = arith.constant 0 : i32
      %dma_start3A_351 = tpu.memref_slice %arg36[%dma_start3A_350] : memref<4608xf32, #tpu.memory_space<vmem>> -> memref<288xf32, #tpu.memory_space<vmem>>
      %dma_start3A_352 = tpu.memref_slice %arg42[%add3A_274] : memref<73728xf32, #tpu.memory_space<vmem_shared>> -> memref<288xf32, #tpu.memory_space<vmem_shared>>
      tpu.enqueue_dma source(%dma_start3A_352 : memref<288xf32, #tpu.memory_space<vmem_shared>>) target(%dma_start3A_351 : memref<288xf32, #tpu.memory_space<vmem>>) target_semaphore(%run_scoped3A : memref<!tpu.dma_semaphore, #tpu.memory_space<semaphore_mem>>)
      %dma_wait3A_353 = arith.constant 0 : i32
      %dma_wait3A_354 = tpu.memref_slice %arg36[%dma_wait3A_353] : memref<4608xf32, #tpu.memory_space<vmem>> -> memref<288xf32, #tpu.memory_space<vmem>>
      %dma_wait3A_355 = tpu.memref_slice %arg42[%add3A_274] : memref<73728xf32, #tpu.memory_space<vmem_shared>> -> memref<288xf32, #tpu.memory_space<vmem_shared>>
      %dma_wait3A_356 = arith.constant 0 : i32
      %dma_wait3A_357 = tpu.memref_slice %arg36[%dma_wait3A_356] : memref<4608xf32, #tpu.memory_space<vmem>> -> memref<288xf32, #tpu.memory_space<vmem>>
      %dma_wait3A_358 = tpu.memref_slice %arg42[%add3A_274] : memref<73728xf32, #tpu.memory_space<vmem_shared>> -> memref<288xf32, #tpu.memory_space<vmem_shared>>
      tpu.wait_dma2 semaphore(%run_scoped3A : memref<!tpu.dma_semaphore, #tpu.memory_space<semaphore_mem>>) src(%dma_wait3A_358 : memref<288xf32, #tpu.memory_space<vmem_shared>>) dst(%dma_wait3A_357 : memref<288xf32, #tpu.memory_space<vmem>>)
      tpu.yield
    }) : () -> ()
    %mul3A_275 = arith.constant 288 : i32
    %mul3A_276 = arith.muli %arg1, %mul3A_275 : i32
    %add3A_277 = arith.constant 4608 : i32
    %add3A_278 = arith.addi %add3A_277, %mul3A_276 : i32
    "tpu.region"() ({
      %run_scoped3A = tpu.sem_alloc : memref<!tpu.dma_semaphore, #tpu.memory_space<semaphore_mem>>
      %dma_start3A_347 = arith.constant 288 : i32
      %dma_start3A_348 = tpu.memref_slice %arg36[%dma_start3A_347] : memref<4608xf32, #tpu.memory_space<vmem>> -> memref<288xf32, #tpu.memory_space<vmem>>
      %dma_start3A_349 = tpu.memref_slice %arg42[%add3A_278] : memref<73728xf32, #tpu.memory_space<vmem_shared>> -> memref<288xf32, #tpu.memory_space<vmem_shared>>
      %dma_start3A_350 = arith.constant 288 : i32
      %dma_start3A_351 = tpu.memref_slice %arg36[%dma_start3A_350] : memref<4608xf32, #tpu.memory_space<vmem>> -> memref<288xf32, #tpu.memory_space<vmem>>
      %dma_start3A_352 = tpu.memref_slice %arg42[%add3A_278] : memref<73728xf32, #tpu.memory_space<vmem_shared>> -> memref<288xf32, #tpu.memory_space<vmem_shared>>
      tpu.enqueue_dma source(%dma_start3A_352 : memref<288xf32, #tpu.memory_space<vmem_shared>>) target(%dma_start3A_351 : memref<288xf32, #tpu.memory_space<vmem>>) target_semaphore(%run_scoped3A : memref<!tpu.dma_semaphore, #tpu.memory_space<semaphore_mem>>)
      %dma_wait3A_353 = arith.constant 288 : i32
      %dma_wait3A_354 = tpu.memref_slice %arg36[%dma_wait3A_353] : memref<4608xf32, #tpu.memory_space<vmem>> -> memref<288xf32, #tpu.memory_space<vmem>>
      %dma_wait3A_355 = tpu.memref_slice %arg42[%add3A_278] : memref<73728xf32, #tpu.memory_space<vmem_shared>> -> memref<288xf32, #tpu.memory_space<vmem_shared>>
      %dma_wait3A_356 = arith.constant 288 : i32
      %dma_wait3A_357 = tpu.memref_slice %arg36[%dma_wait3A_356] : memref<4608xf32, #tpu.memory_space<vmem>> -> memref<288xf32, #tpu.memory_space<vmem>>
      %dma_wait3A_358 = tpu.memref_slice %arg42[%add3A_278] : memref<73728xf32, #tpu.memory_space<vmem_shared>> -> memref<288xf32, #tpu.memory_space<vmem_shared>>
      tpu.wait_dma2 semaphore(%run_scoped3A : memref<!tpu.dma_semaphore, #tpu.memory_space<semaphore_mem>>) src(%dma_wait3A_358 : memref<288xf32, #tpu.memory_space<vmem_shared>>) dst(%dma_wait3A_357 : memref<288xf32, #tpu.memory_space<vmem>>)
      tpu.yield
    }) : () -> ()
    %mul3A_279 = arith.constant 288 : i32
    %mul3A_280 = arith.muli %arg1, %mul3A_279 : i32
    %add3A_281 = arith.constant 9216 : i32
    %add3A_282 = arith.addi %add3A_281, %mul3A_280 : i32
    "tpu.region"() ({
      %run_scoped3A = tpu.sem_alloc : memref<!tpu.dma_semaphore, #tpu.memory_space<semaphore_mem>>
      %dma_start3A_347 = arith.constant 576 : i32
      %dma_start3A_348 = tpu.memref_slice %arg36[%dma_start3A_347] : memref<4608xf32, #tpu.memory_space<vmem>> -> memref<288xf32, #tpu.memory_space<vmem>>
      %dma_start3A_349 = tpu.memref_slice %arg42[%add3A_282] : memref<73728xf32, #tpu.memory_space<vmem_shared>> -> memref<288xf32, #tpu.memory_space<vmem_shared>>
      %dma_start3A_350 = arith.constant 576 : i32
      %dma_start3A_351 = tpu.memref_slice %arg36[%dma_start3A_350] : memref<4608xf32, #tpu.memory_space<vmem>> -> memref<288xf32, #tpu.memory_space<vmem>>
      %dma_start3A_352 = tpu.memref_slice %arg42[%add3A_282] : memref<73728xf32, #tpu.memory_space<vmem_shared>> -> memref<288xf32, #tpu.memory_space<vmem_shared>>
      tpu.enqueue_dma source(%dma_start3A_352 : memref<288xf32, #tpu.memory_space<vmem_shared>>) target(%dma_start3A_351 : memref<288xf32, #tpu.memory_space<vmem>>) target_semaphore(%run_scoped3A : memref<!tpu.dma_semaphore, #tpu.memory_space<semaphore_mem>>)
      %dma_wait3A_353 = arith.constant 576 : i32
      %dma_wait3A_354 = tpu.memref_slice %arg36[%dma_wait3A_353] : memref<4608xf32, #tpu.memory_space<vmem>> -> memref<288xf32, #tpu.memory_space<vmem>>
      %dma_wait3A_355 = tpu.memref_slice %arg42[%add3A_282] : memref<73728xf32, #tpu.memory_space<vmem_shared>> -> memref<288xf32, #tpu.memory_space<vmem_shared>>
      %dma_wait3A_356 = arith.constant 576 : i32
      %dma_wait3A_357 = tpu.memref_slice %arg36[%dma_wait3A_356] : memref<4608xf32, #tpu.memory_space<vmem>> -> memref<288xf32, #tpu.memory_space<vmem>>
      %dma_wait3A_358 = tpu.memref_slice %arg42[%add3A_282] : memref<73728xf32, #tpu.memory_space<vmem_shared>> -> memref<288xf32, #tpu.memory_space<vmem_shared>>
      tpu.wait_dma2 semaphore(%run_scoped3A : memref<!tpu.dma_semaphore, #tpu.memory_space<semaphore_mem>>) src(%dma_wait3A_358 : memref<288xf32, #tpu.memory_space<vmem_shared>>) dst(%dma_wait3A_357 : memref<288xf32, #tpu.memory_space<vmem>>)
      tpu.yield
    }) : () -> ()
    %mul3A_283 = arith.constant 288 : i32
    %mul3A_284 = arith.muli %arg1, %mul3A_283 : i32
    %add3A_285 = arith.constant 13824 : i32
    %add3A_286 = arith.addi %add3A_285, %mul3A_284 : i32
    "tpu.region"() ({
      %run_scoped3A = tpu.sem_alloc : memref<!tpu.dma_semaphore, #tpu.memory_space<semaphore_mem>>
      %dma_start3A_347 = arith.constant 864 : i32
      %dma_start3A_348 = tpu.memref_slice %arg36[%dma_start3A_347] : memref<4608xf32, #tpu.memory_space<vmem>> -> memref<288xf32, #tpu.memory_space<vmem>>
      %dma_start3A_349 = tpu.memref_slice %arg42[%add3A_286] : memref<73728xf32, #tpu.memory_space<vmem_shared>> -> memref<288xf32, #tpu.memory_space<vmem_shared>>
      %dma_start3A_350 = arith.constant 864 : i32
      %dma_start3A_351 = tpu.memref_slice %arg36[%dma_start3A_350] : memref<4608xf32, #tpu.memory_space<vmem>> -> memref<288xf32, #tpu.memory_space<vmem>>
      %dma_start3A_352 = tpu.memref_slice %arg42[%add3A_286] : memref<73728xf32, #tpu.memory_space<vmem_shared>> -> memref<288xf32, #tpu.memory_space<vmem_shared>>
      tpu.enqueue_dma source(%dma_start3A_352 : memref<288xf32, #tpu.memory_space<vmem_shared>>) target(%dma_start3A_351 : memref<288xf32, #tpu.memory_space<vmem>>) target_semaphore(%run_scoped3A : memref<!tpu.dma_semaphore, #tpu.memory_space<semaphore_mem>>)
      %dma_wait3A_353 = arith.constant 864 : i32
      %dma_wait3A_354 = tpu.memref_slice %arg36[%dma_wait3A_353] : memref<4608xf32, #tpu.memory_space<vmem>> -> memref<288xf32, #tpu.memory_space<vmem>>
      %dma_wait3A_355 = tpu.memref_slice %arg42[%add3A_286] : memref<73728xf32, #tpu.memory_space<vmem_shared>> -> memref<288xf32, #tpu.memory_space<vmem_shared>>
      %dma_wait3A_356 = arith.constant 864 : i32
      %dma_wait3A_357 = tpu.memref_slice %arg36[%dma_wait3A_356] : memref<4608xf32, #tpu.memory_space<vmem>> -> memref<288xf32, #tpu.memory_space<vmem>>
      %dma_wait3A_358 = tpu.memref_slice %arg42[%add3A_286] : memref<73728xf32, #tpu.memory_space<vmem_shared>> -> memref<288xf32, #tpu.memory_space<vmem_shared>>
      tpu.wait_dma2 semaphore(%run_scoped3A : memref<!tpu.dma_semaphore, #tpu.memory_space<semaphore_mem>>) src(%dma_wait3A_358 : memref<288xf32, #tpu.memory_space<vmem_shared>>) dst(%dma_wait3A_357 : memref<288xf32, #tpu.memory_space<vmem>>)
      tpu.yield
    }) : () -> ()
    %mul3A_287 = arith.constant 288 : i32
    %mul3A_288 = arith.muli %arg1, %mul3A_287 : i32
    %add3A_289 = arith.constant 18432 : i32
    %add3A_290 = arith.addi %add3A_289, %mul3A_288 : i32
    "tpu.region"() ({
      %run_scoped3A = tpu.sem_alloc : memref<!tpu.dma_semaphore, #tpu.memory_space<semaphore_mem>>
      %dma_start3A_347 = arith.constant 1152 : i32
      %dma_start3A_348 = tpu.memref_slice %arg36[%dma_start3A_347] : memref<4608xf32, #tpu.memory_space<vmem>> -> memref<288xf32, #tpu.memory_space<vmem>>
      %dma_start3A_349 = tpu.memref_slice %arg42[%add3A_290] : memref<73728xf32, #tpu.memory_space<vmem_shared>> -> memref<288xf32, #tpu.memory_space<vmem_shared>>
      %dma_start3A_350 = arith.constant 1152 : i32
      %dma_start3A_351 = tpu.memref_slice %arg36[%dma_start3A_350] : memref<4608xf32, #tpu.memory_space<vmem>> -> memref<288xf32, #tpu.memory_space<vmem>>
      %dma_start3A_352 = tpu.memref_slice %arg42[%add3A_290] : memref<73728xf32, #tpu.memory_space<vmem_shared>> -> memref<288xf32, #tpu.memory_space<vmem_shared>>
      tpu.enqueue_dma source(%dma_start3A_352 : memref<288xf32, #tpu.memory_space<vmem_shared>>) target(%dma_start3A_351 : memref<288xf32, #tpu.memory_space<vmem>>) target_semaphore(%run_scoped3A : memref<!tpu.dma_semaphore, #tpu.memory_space<semaphore_mem>>)
      %dma_wait3A_353 = arith.constant 1152 : i32
      %dma_wait3A_354 = tpu.memref_slice %arg36[%dma_wait3A_353] : memref<4608xf32, #tpu.memory_space<vmem>> -> memref<288xf32, #tpu.memory_space<vmem>>
      %dma_wait3A_355 = tpu.memref_slice %arg42[%add3A_290] : memref<73728xf32, #tpu.memory_space<vmem_shared>> -> memref<288xf32, #tpu.memory_space<vmem_shared>>
      %dma_wait3A_356 = arith.constant 1152 : i32
      %dma_wait3A_357 = tpu.memref_slice %arg36[%dma_wait3A_356] : memref<4608xf32, #tpu.memory_space<vmem>> -> memref<288xf32, #tpu.memory_space<vmem>>
      %dma_wait3A_358 = tpu.memref_slice %arg42[%add3A_290] : memref<73728xf32, #tpu.memory_space<vmem_shared>> -> memref<288xf32, #tpu.memory_space<vmem_shared>>
      tpu.wait_dma2 semaphore(%run_scoped3A : memref<!tpu.dma_semaphore, #tpu.memory_space<semaphore_mem>>) src(%dma_wait3A_358 : memref<288xf32, #tpu.memory_space<vmem_shared>>) dst(%dma_wait3A_357 : memref<288xf32, #tpu.memory_space<vmem>>)
      tpu.yield
    }) : () -> ()
    %mul3A_291 = arith.constant 288 : i32
    %mul3A_292 = arith.muli %arg1, %mul3A_291 : i32
    %add3A_293 = arith.constant 23040 : i32
    %add3A_294 = arith.addi %add3A_293, %mul3A_292 : i32
    "tpu.region"() ({
      %run_scoped3A = tpu.sem_alloc : memref<!tpu.dma_semaphore, #tpu.memory_space<semaphore_mem>>
      %dma_start3A_347 = arith.constant 1440 : i32
      %dma_start3A_348 = tpu.memref_slice %arg36[%dma_start3A_347] : memref<4608xf32, #tpu.memory_space<vmem>> -> memref<288xf32, #tpu.memory_space<vmem>>
      %dma_start3A_349 = tpu.memref_slice %arg42[%add3A_294] : memref<73728xf32, #tpu.memory_space<vmem_shared>> -> memref<288xf32, #tpu.memory_space<vmem_shared>>
      %dma_start3A_350 = arith.constant 1440 : i32
      %dma_start3A_351 = tpu.memref_slice %arg36[%dma_start3A_350] : memref<4608xf32, #tpu.memory_space<vmem>> -> memref<288xf32, #tpu.memory_space<vmem>>
      %dma_start3A_352 = tpu.memref_slice %arg42[%add3A_294] : memref<73728xf32, #tpu.memory_space<vmem_shared>> -> memref<288xf32, #tpu.memory_space<vmem_shared>>
      tpu.enqueue_dma source(%dma_start3A_352 : memref<288xf32, #tpu.memory_space<vmem_shared>>) target(%dma_start3A_351 : memref<288xf32, #tpu.memory_space<vmem>>) target_semaphore(%run_scoped3A : memref<!tpu.dma_semaphore, #tpu.memory_space<semaphore_mem>>)
      %dma_wait3A_353 = arith.constant 1440 : i32
      %dma_wait3A_354 = tpu.memref_slice %arg36[%dma_wait3A_353] : memref<4608xf32, #tpu.memory_space<vmem>> -> memref<288xf32, #tpu.memory_space<vmem>>
      %dma_wait3A_355 = tpu.memref_slice %arg42[%add3A_294] : memref<73728xf32, #tpu.memory_space<vmem_shared>> -> memref<288xf32, #tpu.memory_space<vmem_shared>>
      %dma_wait3A_356 = arith.constant 1440 : i32
      %dma_wait3A_357 = tpu.memref_slice %arg36[%dma_wait3A_356] : memref<4608xf32, #tpu.memory_space<vmem>> -> memref<288xf32, #tpu.memory_space<vmem>>
      %dma_wait3A_358 = tpu.memref_slice %arg42[%add3A_294] : memref<73728xf32, #tpu.memory_space<vmem_shared>> -> memref<288xf32, #tpu.memory_space<vmem_shared>>
      tpu.wait_dma2 semaphore(%run_scoped3A : memref<!tpu.dma_semaphore, #tpu.memory_space<semaphore_mem>>) src(%dma_wait3A_358 : memref<288xf32, #tpu.memory_space<vmem_shared>>) dst(%dma_wait3A_357 : memref<288xf32, #tpu.memory_space<vmem>>)
      tpu.yield
    }) : () -> ()
    %mul3A_295 = arith.constant 288 : i32
    %mul3A_296 = arith.muli %arg1, %mul3A_295 : i32
    %add3A_297 = arith.constant 27648 : i32
    %add3A_298 = arith.addi %add3A_297, %mul3A_296 : i32
    "tpu.region"() ({
      %run_scoped3A = tpu.sem_alloc : memref<!tpu.dma_semaphore, #tpu.memory_space<semaphore_mem>>
      %dma_start3A_347 = arith.constant 1728 : i32
      %dma_start3A_348 = tpu.memref_slice %arg36[%dma_start3A_347] : memref<4608xf32, #tpu.memory_space<vmem>> -> memref<288xf32, #tpu.memory_space<vmem>>
      %dma_start3A_349 = tpu.memref_slice %arg42[%add3A_298] : memref<73728xf32, #tpu.memory_space<vmem_shared>> -> memref<288xf32, #tpu.memory_space<vmem_shared>>
      %dma_start3A_350 = arith.constant 1728 : i32
      %dma_start3A_351 = tpu.memref_slice %arg36[%dma_start3A_350] : memref<4608xf32, #tpu.memory_space<vmem>> -> memref<288xf32, #tpu.memory_space<vmem>>
      %dma_start3A_352 = tpu.memref_slice %arg42[%add3A_298] : memref<73728xf32, #tpu.memory_space<vmem_shared>> -> memref<288xf32, #tpu.memory_space<vmem_shared>>
      tpu.enqueue_dma source(%dma_start3A_352 : memref<288xf32, #tpu.memory_space<vmem_shared>>) target(%dma_start3A_351 : memref<288xf32, #tpu.memory_space<vmem>>) target_semaphore(%run_scoped3A : memref<!tpu.dma_semaphore, #tpu.memory_space<semaphore_mem>>)
      %dma_wait3A_353 = arith.constant 1728 : i32
      %dma_wait3A_354 = tpu.memref_slice %arg36[%dma_wait3A_353] : memref<4608xf32, #tpu.memory_space<vmem>> -> memref<288xf32, #tpu.memory_space<vmem>>
      %dma_wait3A_355 = tpu.memref_slice %arg42[%add3A_298] : memref<73728xf32, #tpu.memory_space<vmem_shared>> -> memref<288xf32, #tpu.memory_space<vmem_shared>>
      %dma_wait3A_356 = arith.constant 1728 : i32
      %dma_wait3A_357 = tpu.memref_slice %arg36[%dma_wait3A_356] : memref<4608xf32, #tpu.memory_space<vmem>> -> memref<288xf32, #tpu.memory_space<vmem>>
      %dma_wait3A_358 = tpu.memref_slice %arg42[%add3A_298] : memref<73728xf32, #tpu.memory_space<vmem_shared>> -> memref<288xf32, #tpu.memory_space<vmem_shared>>
      tpu.wait_dma2 semaphore(%run_scoped3A : memref<!tpu.dma_semaphore, #tpu.memory_space<semaphore_mem>>) src(%dma_wait3A_358 : memref<288xf32, #tpu.memory_space<vmem_shared>>) dst(%dma_wait3A_357 : memref<288xf32, #tpu.memory_space<vmem>>)
      tpu.yield
    }) : () -> ()
    %mul3A_299 = arith.constant 288 : i32
    %mul3A_300 = arith.muli %arg1, %mul3A_299 : i32
    %add3A_301 = arith.constant 32256 : i32
    %add3A_302 = arith.addi %add3A_301, %mul3A_300 : i32
    "tpu.region"() ({
      %run_scoped3A = tpu.sem_alloc : memref<!tpu.dma_semaphore, #tpu.memory_space<semaphore_mem>>
      %dma_start3A_347 = arith.constant 2016 : i32
      %dma_start3A_348 = tpu.memref_slice %arg36[%dma_start3A_347] : memref<4608xf32, #tpu.memory_space<vmem>> -> memref<288xf32, #tpu.memory_space<vmem>>
      %dma_start3A_349 = tpu.memref_slice %arg42[%add3A_302] : memref<73728xf32, #tpu.memory_space<vmem_shared>> -> memref<288xf32, #tpu.memory_space<vmem_shared>>
      %dma_start3A_350 = arith.constant 2016 : i32
      %dma_start3A_351 = tpu.memref_slice %arg36[%dma_start3A_350] : memref<4608xf32, #tpu.memory_space<vmem>> -> memref<288xf32, #tpu.memory_space<vmem>>
      %dma_start3A_352 = tpu.memref_slice %arg42[%add3A_302] : memref<73728xf32, #tpu.memory_space<vmem_shared>> -> memref<288xf32, #tpu.memory_space<vmem_shared>>
      tpu.enqueue_dma source(%dma_start3A_352 : memref<288xf32, #tpu.memory_space<vmem_shared>>) target(%dma_start3A_351 : memref<288xf32, #tpu.memory_space<vmem>>) target_semaphore(%run_scoped3A : memref<!tpu.dma_semaphore, #tpu.memory_space<semaphore_mem>>)
      %dma_wait3A_353 = arith.constant 2016 : i32
      %dma_wait3A_354 = tpu.memref_slice %arg36[%dma_wait3A_353] : memref<4608xf32, #tpu.memory_space<vmem>> -> memref<288xf32, #tpu.memory_space<vmem>>
      %dma_wait3A_355 = tpu.memref_slice %arg42[%add3A_302] : memref<73728xf32, #tpu.memory_space<vmem_shared>> -> memref<288xf32, #tpu.memory_space<vmem_shared>>
      %dma_wait3A_356 = arith.constant 2016 : i32
      %dma_wait3A_357 = tpu.memref_slice %arg36[%dma_wait3A_356] : memref<4608xf32, #tpu.memory_space<vmem>> -> memref<288xf32, #tpu.memory_space<vmem>>
      %dma_wait3A_358 = tpu.memref_slice %arg42[%add3A_302] : memref<73728xf32, #tpu.memory_space<vmem_shared>> -> memref<288xf32, #tpu.memory_space<vmem_shared>>
      tpu.wait_dma2 semaphore(%run_scoped3A : memref<!tpu.dma_semaphore, #tpu.memory_space<semaphore_mem>>) src(%dma_wait3A_358 : memref<288xf32, #tpu.memory_space<vmem_shared>>) dst(%dma_wait3A_357 : memref<288xf32, #tpu.memory_space<vmem>>)
      tpu.yield
    }) : () -> ()
    %mul3A_303 = arith.constant 288 : i32
    %mul3A_304 = arith.muli %arg1, %mul3A_303 : i32
    %add3A_305 = arith.constant 36864 : i32
    %add3A_306 = arith.addi %add3A_305, %mul3A_304 : i32
    "tpu.region"() ({
      %run_scoped3A = tpu.sem_alloc : memref<!tpu.dma_semaphore, #tpu.memory_space<semaphore_mem>>
      %dma_start3A_347 = arith.constant 2304 : i32
      %dma_start3A_348 = tpu.memref_slice %arg36[%dma_start3A_347] : memref<4608xf32, #tpu.memory_space<vmem>> -> memref<288xf32, #tpu.memory_space<vmem>>
      %dma_start3A_349 = tpu.memref_slice %arg42[%add3A_306] : memref<73728xf32, #tpu.memory_space<vmem_shared>> -> memref<288xf32, #tpu.memory_space<vmem_shared>>
      %dma_start3A_350 = arith.constant 2304 : i32
      %dma_start3A_351 = tpu.memref_slice %arg36[%dma_start3A_350] : memref<4608xf32, #tpu.memory_space<vmem>> -> memref<288xf32, #tpu.memory_space<vmem>>
      %dma_start3A_352 = tpu.memref_slice %arg42[%add3A_306] : memref<73728xf32, #tpu.memory_space<vmem_shared>> -> memref<288xf32, #tpu.memory_space<vmem_shared>>
      tpu.enqueue_dma source(%dma_start3A_352 : memref<288xf32, #tpu.memory_space<vmem_shared>>) target(%dma_start3A_351 : memref<288xf32, #tpu.memory_space<vmem>>) target_semaphore(%run_scoped3A : memref<!tpu.dma_semaphore, #tpu.memory_space<semaphore_mem>>)
      %dma_wait3A_353 = arith.constant 2304 : i32
      %dma_wait3A_354 = tpu.memref_slice %arg36[%dma_wait3A_353] : memref<4608xf32, #tpu.memory_space<vmem>> -> memref<288xf32, #tpu.memory_space<vmem>>
      %dma_wait3A_355 = tpu.memref_slice %arg42[%add3A_306] : memref<73728xf32, #tpu.memory_space<vmem_shared>> -> memref<288xf32, #tpu.memory_space<vmem_shared>>
      %dma_wait3A_356 = arith.constant 2304 : i32
      %dma_wait3A_357 = tpu.memref_slice %arg36[%dma_wait3A_356] : memref<4608xf32, #tpu.memory_space<vmem>> -> memref<288xf32, #tpu.memory_space<vmem>>
      %dma_wait3A_358 = tpu.memref_slice %arg42[%add3A_306] : memref<73728xf32, #tpu.memory_space<vmem_shared>> -> memref<288xf32, #tpu.memory_space<vmem_shared>>
      tpu.wait_dma2 semaphore(%run_scoped3A : memref<!tpu.dma_semaphore, #tpu.memory_space<semaphore_mem>>) src(%dma_wait3A_358 : memref<288xf32, #tpu.memory_space<vmem_shared>>) dst(%dma_wait3A_357 : memref<288xf32, #tpu.memory_space<vmem>>)
      tpu.yield
    }) : () -> ()
    %mul3A_307 = arith.constant 288 : i32
    %mul3A_308 = arith.muli %arg1, %mul3A_307 : i32
    %add3A_309 = arith.constant 41472 : i32
    %add3A_310 = arith.addi %add3A_309, %mul3A_308 : i32
    "tpu.region"() ({
      %run_scoped3A = tpu.sem_alloc : memref<!tpu.dma_semaphore, #tpu.memory_space<semaphore_mem>>
      %dma_start3A_347 = arith.constant 2592 : i32
      %dma_start3A_348 = tpu.memref_slice %arg36[%dma_start3A_347] : memref<4608xf32, #tpu.memory_space<vmem>> -> memref<288xf32, #tpu.memory_space<vmem>>
      %dma_start3A_349 = tpu.memref_slice %arg42[%add3A_310] : memref<73728xf32, #tpu.memory_space<vmem_shared>> -> memref<288xf32, #tpu.memory_space<vmem_shared>>
      %dma_start3A_350 = arith.constant 2592 : i32
      %dma_start3A_351 = tpu.memref_slice %arg36[%dma_start3A_350] : memref<4608xf32, #tpu.memory_space<vmem>> -> memref<288xf32, #tpu.memory_space<vmem>>
      %dma_start3A_352 = tpu.memref_slice %arg42[%add3A_310] : memref<73728xf32, #tpu.memory_space<vmem_shared>> -> memref<288xf32, #tpu.memory_space<vmem_shared>>
      tpu.enqueue_dma source(%dma_start3A_352 : memref<288xf32, #tpu.memory_space<vmem_shared>>) target(%dma_start3A_351 : memref<288xf32, #tpu.memory_space<vmem>>) target_semaphore(%run_scoped3A : memref<!tpu.dma_semaphore, #tpu.memory_space<semaphore_mem>>)
      %dma_wait3A_353 = arith.constant 2592 : i32
      %dma_wait3A_354 = tpu.memref_slice %arg36[%dma_wait3A_353] : memref<4608xf32, #tpu.memory_space<vmem>> -> memref<288xf32, #tpu.memory_space<vmem>>
      %dma_wait3A_355 = tpu.memref_slice %arg42[%add3A_310] : memref<73728xf32, #tpu.memory_space<vmem_shared>> -> memref<288xf32, #tpu.memory_space<vmem_shared>>
      %dma_wait3A_356 = arith.constant 2592 : i32
      %dma_wait3A_357 = tpu.memref_slice %arg36[%dma_wait3A_356] : memref<4608xf32, #tpu.memory_space<vmem>> -> memref<288xf32, #tpu.memory_space<vmem>>
      %dma_wait3A_358 = tpu.memref_slice %arg42[%add3A_310] : memref<73728xf32, #tpu.memory_space<vmem_shared>> -> memref<288xf32, #tpu.memory_space<vmem_shared>>
      tpu.wait_dma2 semaphore(%run_scoped3A : memref<!tpu.dma_semaphore, #tpu.memory_space<semaphore_mem>>) src(%dma_wait3A_358 : memref<288xf32, #tpu.memory_space<vmem_shared>>) dst(%dma_wait3A_357 : memref<288xf32, #tpu.memory_space<vmem>>)
      tpu.yield
    }) : () -> ()
    %mul3A_311 = arith.constant 288 : i32
    %mul3A_312 = arith.muli %arg1, %mul3A_311 : i32
    %add3A_313 = arith.constant 46080 : i32
    %add3A_314 = arith.addi %add3A_313, %mul3A_312 : i32
    "tpu.region"() ({
      %run_scoped3A = tpu.sem_alloc : memref<!tpu.dma_semaphore, #tpu.memory_space<semaphore_mem>>
      %dma_start3A_347 = arith.constant 2880 : i32
      %dma_start3A_348 = tpu.memref_slice %arg36[%dma_start3A_347] : memref<4608xf32, #tpu.memory_space<vmem>> -> memref<288xf32, #tpu.memory_space<vmem>>
      %dma_start3A_349 = tpu.memref_slice %arg42[%add3A_314] : memref<73728xf32, #tpu.memory_space<vmem_shared>> -> memref<288xf32, #tpu.memory_space<vmem_shared>>
      %dma_start3A_350 = arith.constant 2880 : i32
      %dma_start3A_351 = tpu.memref_slice %arg36[%dma_start3A_350] : memref<4608xf32, #tpu.memory_space<vmem>> -> memref<288xf32, #tpu.memory_space<vmem>>
      %dma_start3A_352 = tpu.memref_slice %arg42[%add3A_314] : memref<73728xf32, #tpu.memory_space<vmem_shared>> -> memref<288xf32, #tpu.memory_space<vmem_shared>>
      tpu.enqueue_dma source(%dma_start3A_352 : memref<288xf32, #tpu.memory_space<vmem_shared>>) target(%dma_start3A_351 : memref<288xf32, #tpu.memory_space<vmem>>) target_semaphore(%run_scoped3A : memref<!tpu.dma_semaphore, #tpu.memory_space<semaphore_mem>>)
      %dma_wait3A_353 = arith.constant 2880 : i32
      %dma_wait3A_354 = tpu.memref_slice %arg36[%dma_wait3A_353] : memref<4608xf32, #tpu.memory_space<vmem>> -> memref<288xf32, #tpu.memory_space<vmem>>
      %dma_wait3A_355 = tpu.memref_slice %arg42[%add3A_314] : memref<73728xf32, #tpu.memory_space<vmem_shared>> -> memref<288xf32, #tpu.memory_space<vmem_shared>>
      %dma_wait3A_356 = arith.constant 2880 : i32
      %dma_wait3A_357 = tpu.memref_slice %arg36[%dma_wait3A_356] : memref<4608xf32, #tpu.memory_space<vmem>> -> memref<288xf32, #tpu.memory_space<vmem>>
      %dma_wait3A_358 = tpu.memref_slice %arg42[%add3A_314] : memref<73728xf32, #tpu.memory_space<vmem_shared>> -> memref<288xf32, #tpu.memory_space<vmem_shared>>
      tpu.wait_dma2 semaphore(%run_scoped3A : memref<!tpu.dma_semaphore, #tpu.memory_space<semaphore_mem>>) src(%dma_wait3A_358 : memref<288xf32, #tpu.memory_space<vmem_shared>>) dst(%dma_wait3A_357 : memref<288xf32, #tpu.memory_space<vmem>>)
      tpu.yield
    }) : () -> ()
    %mul3A_315 = arith.constant 288 : i32
    %mul3A_316 = arith.muli %arg1, %mul3A_315 : i32
    %add3A_317 = arith.constant 50688 : i32
    %add3A_318 = arith.addi %add3A_317, %mul3A_316 : i32
    "tpu.region"() ({
      %run_scoped3A = tpu.sem_alloc : memref<!tpu.dma_semaphore, #tpu.memory_space<semaphore_mem>>
      %dma_start3A_347 = arith.constant 3168 : i32
      %dma_start3A_348 = tpu.memref_slice %arg36[%dma_start3A_347] : memref<4608xf32, #tpu.memory_space<vmem>> -> memref<288xf32, #tpu.memory_space<vmem>>
      %dma_start3A_349 = tpu.memref_slice %arg42[%add3A_318] : memref<73728xf32, #tpu.memory_space<vmem_shared>> -> memref<288xf32, #tpu.memory_space<vmem_shared>>
      %dma_start3A_350 = arith.constant 3168 : i32
      %dma_start3A_351 = tpu.memref_slice %arg36[%dma_start3A_350] : memref<4608xf32, #tpu.memory_space<vmem>> -> memref<288xf32, #tpu.memory_space<vmem>>
      %dma_start3A_352 = tpu.memref_slice %arg42[%add3A_318] : memref<73728xf32, #tpu.memory_space<vmem_shared>> -> memref<288xf32, #tpu.memory_space<vmem_shared>>
      tpu.enqueue_dma source(%dma_start3A_352 : memref<288xf32, #tpu.memory_space<vmem_shared>>) target(%dma_start3A_351 : memref<288xf32, #tpu.memory_space<vmem>>) target_semaphore(%run_scoped3A : memref<!tpu.dma_semaphore, #tpu.memory_space<semaphore_mem>>)
      %dma_wait3A_353 = arith.constant 3168 : i32
      %dma_wait3A_354 = tpu.memref_slice %arg36[%dma_wait3A_353] : memref<4608xf32, #tpu.memory_space<vmem>> -> memref<288xf32, #tpu.memory_space<vmem>>
      %dma_wait3A_355 = tpu.memref_slice %arg42[%add3A_318] : memref<73728xf32, #tpu.memory_space<vmem_shared>> -> memref<288xf32, #tpu.memory_space<vmem_shared>>
      %dma_wait3A_356 = arith.constant 3168 : i32
      %dma_wait3A_357 = tpu.memref_slice %arg36[%dma_wait3A_356] : memref<4608xf32, #tpu.memory_space<vmem>> -> memref<288xf32, #tpu.memory_space<vmem>>
      %dma_wait3A_358 = tpu.memref_slice %arg42[%add3A_318] : memref<73728xf32, #tpu.memory_space<vmem_shared>> -> memref<288xf32, #tpu.memory_space<vmem_shared>>
      tpu.wait_dma2 semaphore(%run_scoped3A : memref<!tpu.dma_semaphore, #tpu.memory_space<semaphore_mem>>) src(%dma_wait3A_358 : memref<288xf32, #tpu.memory_space<vmem_shared>>) dst(%dma_wait3A_357 : memref<288xf32, #tpu.memory_space<vmem>>)
      tpu.yield
    }) : () -> ()
    %mul3A_319 = arith.constant 288 : i32
    %mul3A_320 = arith.muli %arg1, %mul3A_319 : i32
    %add3A_321 = arith.constant 55296 : i32
    %add3A_322 = arith.addi %add3A_321, %mul3A_320 : i32
    "tpu.region"() ({
      %run_scoped3A = tpu.sem_alloc : memref<!tpu.dma_semaphore, #tpu.memory_space<semaphore_mem>>
      %dma_start3A_347 = arith.constant 3456 : i32
      %dma_start3A_348 = tpu.memref_slice %arg36[%dma_start3A_347] : memref<4608xf32, #tpu.memory_space<vmem>> -> memref<288xf32, #tpu.memory_space<vmem>>
      %dma_start3A_349 = tpu.memref_slice %arg42[%add3A_322] : memref<73728xf32, #tpu.memory_space<vmem_shared>> -> memref<288xf32, #tpu.memory_space<vmem_shared>>
      %dma_start3A_350 = arith.constant 3456 : i32
      %dma_start3A_351 = tpu.memref_slice %arg36[%dma_start3A_350] : memref<4608xf32, #tpu.memory_space<vmem>> -> memref<288xf32, #tpu.memory_space<vmem>>
      %dma_start3A_352 = tpu.memref_slice %arg42[%add3A_322] : memref<73728xf32, #tpu.memory_space<vmem_shared>> -> memref<288xf32, #tpu.memory_space<vmem_shared>>
      tpu.enqueue_dma source(%dma_start3A_352 : memref<288xf32, #tpu.memory_space<vmem_shared>>) target(%dma_start3A_351 : memref<288xf32, #tpu.memory_space<vmem>>) target_semaphore(%run_scoped3A : memref<!tpu.dma_semaphore, #tpu.memory_space<semaphore_mem>>)
      %dma_wait3A_353 = arith.constant 3456 : i32
      %dma_wait3A_354 = tpu.memref_slice %arg36[%dma_wait3A_353] : memref<4608xf32, #tpu.memory_space<vmem>> -> memref<288xf32, #tpu.memory_space<vmem>>
      %dma_wait3A_355 = tpu.memref_slice %arg42[%add3A_322] : memref<73728xf32, #tpu.memory_space<vmem_shared>> -> memref<288xf32, #tpu.memory_space<vmem_shared>>
      %dma_wait3A_356 = arith.constant 3456 : i32
      %dma_wait3A_357 = tpu.memref_slice %arg36[%dma_wait3A_356] : memref<4608xf32, #tpu.memory_space<vmem>> -> memref<288xf32, #tpu.memory_space<vmem>>
      %dma_wait3A_358 = tpu.memref_slice %arg42[%add3A_322] : memref<73728xf32, #tpu.memory_space<vmem_shared>> -> memref<288xf32, #tpu.memory_space<vmem_shared>>
      tpu.wait_dma2 semaphore(%run_scoped3A : memref<!tpu.dma_semaphore, #tpu.memory_space<semaphore_mem>>) src(%dma_wait3A_358 : memref<288xf32, #tpu.memory_space<vmem_shared>>) dst(%dma_wait3A_357 : memref<288xf32, #tpu.memory_space<vmem>>)
      tpu.yield
    }) : () -> ()
    %mul3A_323 = arith.constant 288 : i32
    %mul3A_324 = arith.muli %arg1, %mul3A_323 : i32
    %add3A_325 = arith.constant 59904 : i32
    %add3A_326 = arith.addi %add3A_325, %mul3A_324 : i32
    "tpu.region"() ({
      %run_scoped3A = tpu.sem_alloc : memref<!tpu.dma_semaphore, #tpu.memory_space<semaphore_mem>>
      %dma_start3A_347 = arith.constant 3744 : i32
      %dma_start3A_348 = tpu.memref_slice %arg36[%dma_start3A_347] : memref<4608xf32, #tpu.memory_space<vmem>> -> memref<288xf32, #tpu.memory_space<vmem>>
      %dma_start3A_349 = tpu.memref_slice %arg42[%add3A_326] : memref<73728xf32, #tpu.memory_space<vmem_shared>> -> memref<288xf32, #tpu.memory_space<vmem_shared>>
      %dma_start3A_350 = arith.constant 3744 : i32
      %dma_start3A_351 = tpu.memref_slice %arg36[%dma_start3A_350] : memref<4608xf32, #tpu.memory_space<vmem>> -> memref<288xf32, #tpu.memory_space<vmem>>
      %dma_start3A_352 = tpu.memref_slice %arg42[%add3A_326] : memref<73728xf32, #tpu.memory_space<vmem_shared>> -> memref<288xf32, #tpu.memory_space<vmem_shared>>
      tpu.enqueue_dma source(%dma_start3A_352 : memref<288xf32, #tpu.memory_space<vmem_shared>>) target(%dma_start3A_351 : memref<288xf32, #tpu.memory_space<vmem>>) target_semaphore(%run_scoped3A : memref<!tpu.dma_semaphore, #tpu.memory_space<semaphore_mem>>)
      %dma_wait3A_353 = arith.constant 3744 : i32
      %dma_wait3A_354 = tpu.memref_slice %arg36[%dma_wait3A_353] : memref<4608xf32, #tpu.memory_space<vmem>> -> memref<288xf32, #tpu.memory_space<vmem>>
      %dma_wait3A_355 = tpu.memref_slice %arg42[%add3A_326] : memref<73728xf32, #tpu.memory_space<vmem_shared>> -> memref<288xf32, #tpu.memory_space<vmem_shared>>
      %dma_wait3A_356 = arith.constant 3744 : i32
      %dma_wait3A_357 = tpu.memref_slice %arg36[%dma_wait3A_356] : memref<4608xf32, #tpu.memory_space<vmem>> -> memref<288xf32, #tpu.memory_space<vmem>>
      %dma_wait3A_358 = tpu.memref_slice %arg42[%add3A_326] : memref<73728xf32, #tpu.memory_space<vmem_shared>> -> memref<288xf32, #tpu.memory_space<vmem_shared>>
      tpu.wait_dma2 semaphore(%run_scoped3A : memref<!tpu.dma_semaphore, #tpu.memory_space<semaphore_mem>>) src(%dma_wait3A_358 : memref<288xf32, #tpu.memory_space<vmem_shared>>) dst(%dma_wait3A_357 : memref<288xf32, #tpu.memory_space<vmem>>)
      tpu.yield
    }) : () -> ()
    %mul3A_327 = arith.constant 288 : i32
    %mul3A_328 = arith.muli %arg1, %mul3A_327 : i32
    %add3A_329 = arith.constant 64512 : i32
    %add3A_330 = arith.addi %add3A_329, %mul3A_328 : i32
    "tpu.region"() ({
      %run_scoped3A = tpu.sem_alloc : memref<!tpu.dma_semaphore, #tpu.memory_space<semaphore_mem>>
      %dma_start3A_347 = arith.constant 4032 : i32
      %dma_start3A_348 = tpu.memref_slice %arg36[%dma_start3A_347] : memref<4608xf32, #tpu.memory_space<vmem>> -> memref<288xf32, #tpu.memory_space<vmem>>
      %dma_start3A_349 = tpu.memref_slice %arg42[%add3A_330] : memref<73728xf32, #tpu.memory_space<vmem_shared>> -> memref<288xf32, #tpu.memory_space<vmem_shared>>
      %dma_start3A_350 = arith.constant 4032 : i32
      %dma_start3A_351 = tpu.memref_slice %arg36[%dma_start3A_350] : memref<4608xf32, #tpu.memory_space<vmem>> -> memref<288xf32, #tpu.memory_space<vmem>>
      %dma_start3A_352 = tpu.memref_slice %arg42[%add3A_330] : memref<73728xf32, #tpu.memory_space<vmem_shared>> -> memref<288xf32, #tpu.memory_space<vmem_shared>>
      tpu.enqueue_dma source(%dma_start3A_352 : memref<288xf32, #tpu.memory_space<vmem_shared>>) target(%dma_start3A_351 : memref<288xf32, #tpu.memory_space<vmem>>) target_semaphore(%run_scoped3A : memref<!tpu.dma_semaphore, #tpu.memory_space<semaphore_mem>>)
      %dma_wait3A_353 = arith.constant 4032 : i32
      %dma_wait3A_354 = tpu.memref_slice %arg36[%dma_wait3A_353] : memref<4608xf32, #tpu.memory_space<vmem>> -> memref<288xf32, #tpu.memory_space<vmem>>
      %dma_wait3A_355 = tpu.memref_slice %arg42[%add3A_330] : memref<73728xf32, #tpu.memory_space<vmem_shared>> -> memref<288xf32, #tpu.memory_space<vmem_shared>>
      %dma_wait3A_356 = arith.constant 4032 : i32
      %dma_wait3A_357 = tpu.memref_slice %arg36[%dma_wait3A_356] : memref<4608xf32, #tpu.memory_space<vmem>> -> memref<288xf32, #tpu.memory_space<vmem>>
      %dma_wait3A_358 = tpu.memref_slice %arg42[%add3A_330] : memref<73728xf32, #tpu.memory_space<vmem_shared>> -> memref<288xf32, #tpu.memory_space<vmem_shared>>
      tpu.wait_dma2 semaphore(%run_scoped3A : memref<!tpu.dma_semaphore, #tpu.memory_space<semaphore_mem>>) src(%dma_wait3A_358 : memref<288xf32, #tpu.memory_space<vmem_shared>>) dst(%dma_wait3A_357 : memref<288xf32, #tpu.memory_space<vmem>>)
      tpu.yield
    }) : () -> ()
    %mul3A_331 = arith.constant 288 : i32
    %mul3A_332 = arith.muli %arg1, %mul3A_331 : i32
    %add3A_333 = arith.constant 69120 : i32
    %add3A_334 = arith.addi %add3A_333, %mul3A_332 : i32
    "tpu.region"() ({
      %run_scoped3A = tpu.sem_alloc : memref<!tpu.dma_semaphore, #tpu.memory_space<semaphore_mem>>
      %dma_start3A_347 = arith.constant 4320 : i32
      %dma_start3A_348 = tpu.memref_slice %arg36[%dma_start3A_347] : memref<4608xf32, #tpu.memory_space<vmem>> -> memref<288xf32, #tpu.memory_space<vmem>>
      %dma_start3A_349 = tpu.memref_slice %arg42[%add3A_334] : memref<73728xf32, #tpu.memory_space<vmem_shared>> -> memref<288xf32, #tpu.memory_space<vmem_shared>>
      %dma_start3A_350 = arith.constant 4320 : i32
      %dma_start3A_351 = tpu.memref_slice %arg36[%dma_start3A_350] : memref<4608xf32, #tpu.memory_space<vmem>> -> memref<288xf32, #tpu.memory_space<vmem>>
      %dma_start3A_352 = tpu.memref_slice %arg42[%add3A_334] : memref<73728xf32, #tpu.memory_space<vmem_shared>> -> memref<288xf32, #tpu.memory_space<vmem_shared>>
      tpu.enqueue_dma source(%dma_start3A_352 : memref<288xf32, #tpu.memory_space<vmem_shared>>) target(%dma_start3A_351 : memref<288xf32, #tpu.memory_space<vmem>>) target_semaphore(%run_scoped3A : memref<!tpu.dma_semaphore, #tpu.memory_space<semaphore_mem>>)
      %dma_wait3A_353 = arith.constant 4320 : i32
      %dma_wait3A_354 = tpu.memref_slice %arg36[%dma_wait3A_353] : memref<4608xf32, #tpu.memory_space<vmem>> -> memref<288xf32, #tpu.memory_space<vmem>>
      %dma_wait3A_355 = tpu.memref_slice %arg42[%add3A_334] : memref<73728xf32, #tpu.memory_space<vmem_shared>> -> memref<288xf32, #tpu.memory_space<vmem_shared>>
      %dma_wait3A_356 = arith.constant 4320 : i32
      %dma_wait3A_357 = tpu.memref_slice %arg36[%dma_wait3A_356] : memref<4608xf32, #tpu.memory_space<vmem>> -> memref<288xf32, #tpu.memory_space<vmem>>
      %dma_wait3A_358 = tpu.memref_slice %arg42[%add3A_334] : memref<73728xf32, #tpu.memory_space<vmem_shared>> -> memref<288xf32, #tpu.memory_space<vmem_shared>>
      tpu.wait_dma2 semaphore(%run_scoped3A : memref<!tpu.dma_semaphore, #tpu.memory_space<semaphore_mem>>) src(%dma_wait3A_358 : memref<288xf32, #tpu.memory_space<vmem_shared>>) dst(%dma_wait3A_357 : memref<288xf32, #tpu.memory_space<vmem>>)
      tpu.yield
    }) : () -> ()
    %scan3A_335 = arith.constant 0 : i32
    %scan3A_336 = arith.constant 0 : i32
    %scan3A_337 = arith.constant 18 : i32
    %scan3A_338 = arith.addi %scan3A_336, %scan3A_337 : i32
    %scan3A_339 = arith.constant 1 : i32
    %scan3A_340 = scf.for %scan3A_347 = %scan3A_336 to %scan3A_338 step %scan3A_339 iter_args(%scan3A_348 = %scan3A_335) -> (i32)  : i32 {
      %mul3A_349 = arith.constant 16 : i32
      %mul3A_350 = arith.muli %scan3A_347, %mul3A_349 : i32
      %add3A_351 = arith.constant 0 : i32
      %add3A_352 = arith.addi %add3A_351, %mul3A_350 : i32
      %get3A = arith.index_cast %add3A_352 : i32 to index
      %get3A_353 = tpu.vector_load %arg36[%get3A] {strides = array<i32>} : memref<4608xf32, #tpu.memory_space<vmem>>, vector<16xf32>,
      %add3A_354 = arith.addf %broadcast_in_dim3A_1, %get3A_353 : vector<16xf32>
      %mul3A_355 = arith.constant 16 : i32
      %mul3A_356 = arith.muli %scan3A_347, %mul3A_355 : i32
      %add3A_357 = arith.constant 288 : i32
      %add3A_358 = arith.addi %add3A_357, %mul3A_356 : i32
      %get3A_359 = arith.index_cast %add3A_358 : i32 to index
      %get3A_360 = tpu.vector_load %arg36[%get3A_359] {strides = array<i32>} : memref<4608xf32, #tpu.memory_space<vmem>>, vector<16xf32>,
      %add3A_361 = arith.addf %add3A_354, %get3A_360 : vector<16xf32>
      %mul3A_362 = arith.constant 16 : i32
      %mul3A_363 = arith.muli %scan3A_347, %mul3A_362 : i32
      %add3A_364 = arith.constant 576 : i32
      %add3A_365 = arith.addi %add3A_364, %mul3A_363 : i32
      %get3A_366 = arith.index_cast %add3A_365 : i32 to index
      %get3A_367 = tpu.vector_load %arg36[%get3A_366] {strides = array<i32>} : memref<4608xf32, #tpu.memory_space<vmem>>, vector<16xf32>,
      %add3A_368 = arith.addf %add3A_361, %get3A_367 : vector<16xf32>
      %mul3A_369 = arith.constant 16 : i32
      %mul3A_370 = arith.muli %scan3A_347, %mul3A_369 : i32
      %add3A_371 = arith.constant 864 : i32
      %add3A_372 = arith.addi %add3A_371, %mul3A_370 : i32
      %get3A_373 = arith.index_cast %add3A_372 : i32 to index
      %get3A_374 = tpu.vector_load %arg36[%get3A_373] {strides = array<i32>} : memref<4608xf32, #tpu.memory_space<vmem>>, vector<16xf32>,
      %add3A_375 = arith.addf %add3A_368, %get3A_374 : vector<16xf32>
      %mul3A_376 = arith.constant 16 : i32
      %mul3A_377 = arith.muli %scan3A_347, %mul3A_376 : i32
      %add3A_378 = arith.constant 1152 : i32
      %add3A_379 = arith.addi %add3A_378, %mul3A_377 : i32
      %get3A_380 = arith.index_cast %add3A_379 : i32 to index
      %get3A_381 = tpu.vector_load %arg36[%get3A_380] {strides = array<i32>} : memref<4608xf32, #tpu.memory_space<vmem>>, vector<16xf32>,
      %add3A_382 = arith.addf %add3A_375, %get3A_381 : vector<16xf32>
      %mul3A_383 = arith.constant 16 : i32
      %mul3A_384 = arith.muli %scan3A_347, %mul3A_383 : i32
      %add3A_385 = arith.constant 1440 : i32
      %add3A_386 = arith.addi %add3A_385, %mul3A_384 : i32
      %get3A_387 = arith.index_cast %add3A_386 : i32 to index
      %get3A_388 = tpu.vector_load %arg36[%get3A_387] {strides = array<i32>} : memref<4608xf32, #tpu.memory_space<vmem>>, vector<16xf32>,
      %add3A_389 = arith.addf %add3A_382, %get3A_388 : vector<16xf32>
      %mul3A_390 = arith.constant 16 : i32
      %mul3A_391 = arith.muli %scan3A_347, %mul3A_390 : i32
      %add3A_392 = arith.constant 1728 : i32
      %add3A_393 = arith.addi %add3A_392, %mul3A_391 : i32
      %get3A_394 = arith.index_cast %add3A_393 : i32 to index
      %get3A_395 = tpu.vector_load %arg36[%get3A_394] {strides = array<i32>} : memref<4608xf32, #tpu.memory_space<vmem>>, vector<16xf32>,
      %add3A_396 = arith.addf %add3A_389, %get3A_395 : vector<16xf32>
      %mul3A_397 = arith.constant 16 : i32
      %mul3A_398 = arith.muli %scan3A_347, %mul3A_397 : i32
      %add3A_399 = arith.constant 2016 : i32
      %add3A_400 = arith.addi %add3A_399, %mul3A_398 : i32
      %get3A_401 = arith.index_cast %add3A_400 : i32 to index
      %get3A_402 = tpu.vector_load %arg36[%get3A_401] {strides = array<i32>} : memref<4608xf32, #tpu.memory_space<vmem>>, vector<16xf32>,
      %add3A_403 = arith.addf %add3A_396, %get3A_402 : vector<16xf32>
      %mul3A_404 = arith.constant 16 : i32
      %mul3A_405 = arith.muli %scan3A_347, %mul3A_404 : i32
      %add3A_406 = arith.constant 2304 : i32
      %add3A_407 = arith.addi %add3A_406, %mul3A_405 : i32
      %get3A_408 = arith.index_cast %add3A_407 : i32 to index
      %get3A_409 = tpu.vector_load %arg36[%get3A_408] {strides = array<i32>} : memref<4608xf32, #tpu.memory_space<vmem>>, vector<16xf32>,
      %add3A_410 = arith.addf %add3A_403, %get3A_409 : vector<16xf32>
      %mul3A_411 = arith.constant 16 : i32
      %mul3A_412 = arith.muli %scan3A_347, %mul3A_411 : i32
      %add3A_413 = arith.constant 2592 : i32
      %add3A_414 = arith.addi %add3A_413, %mul3A_412 : i32
      %get3A_415 = arith.index_cast %add3A_414 : i32 to index
      %get3A_416 = tpu.vector_load %arg36[%get3A_415] {strides = array<i32>} : memref<4608xf32, #tpu.memory_space<vmem>>, vector<16xf32>,
      %add3A_417 = arith.addf %add3A_410, %get3A_416 : vector<16xf32>
      %mul3A_418 = arith.constant 16 : i32
      %mul3A_419 = arith.muli %scan3A_347, %mul3A_418 : i32
      %add3A_420 = arith.constant 2880 : i32
      %add3A_421 = arith.addi %add3A_420, %mul3A_419 : i32
      %get3A_422 = arith.index_cast %add3A_421 : i32 to index
      %get3A_423 = tpu.vector_load %arg36[%get3A_422] {strides = array<i32>} : memref<4608xf32, #tpu.memory_space<vmem>>, vector<16xf32>,
      %add3A_424 = arith.addf %add3A_417, %get3A_423 : vector<16xf32>
      %mul3A_425 = arith.constant 16 : i32
      %mul3A_426 = arith.muli %scan3A_347, %mul3A_425 : i32
      %add3A_427 = arith.constant 3168 : i32
      %add3A_428 = arith.addi %add3A_427, %mul3A_426 : i32
      %get3A_429 = arith.index_cast %add3A_428 : i32 to index
      %get3A_430 = tpu.vector_load %arg36[%get3A_429] {strides = array<i32>} : memref<4608xf32, #tpu.memory_space<vmem>>, vector<16xf32>,
      %add3A_431 = arith.addf %add3A_424, %get3A_430 : vector<16xf32>
      %mul3A_432 = arith.constant 16 : i32
      %mul3A_433 = arith.muli %scan3A_347, %mul3A_432 : i32
      %add3A_434 = arith.constant 3456 : i32
      %add3A_435 = arith.addi %add3A_434, %mul3A_433 : i32
      %get3A_436 = arith.index_cast %add3A_435 : i32 to index
      %get3A_437 = tpu.vector_load %arg36[%get3A_436] {strides = array<i32>} : memref<4608xf32, #tpu.memory_space<vmem>>, vector<16xf32>,
      %add3A_438 = arith.addf %add3A_431, %get3A_437 : vector<16xf32>
      %mul3A_439 = arith.constant 16 : i32
      %mul3A_440 = arith.muli %scan3A_347, %mul3A_439 : i32
      %add3A_441 = arith.constant 3744 : i32
      %add3A_442 = arith.addi %add3A_441, %mul3A_440 : i32
      %get3A_443 = arith.index_cast %add3A_442 : i32 to index
      %get3A_444 = tpu.vector_load %arg36[%get3A_443] {strides = array<i32>} : memref<4608xf32, #tpu.memory_space<vmem>>, vector<16xf32>,
      %add3A_445 = arith.addf %add3A_438, %get3A_444 : vector<16xf32>
      %mul3A_446 = arith.constant 16 : i32
      %mul3A_447 = arith.muli %scan3A_347, %mul3A_446 : i32
      %add3A_448 = arith.constant 4032 : i32
      %add3A_449 = arith.addi %add3A_448, %mul3A_447 : i32
      %get3A_450 = arith.index_cast %add3A_449 : i32 to index
      %get3A_451 = tpu.vector_load %arg36[%get3A_450] {strides = array<i32>} : memref<4608xf32, #tpu.memory_space<vmem>>, vector<16xf32>,
      %add3A_452 = arith.addf %add3A_445, %get3A_451 : vector<16xf32>
      %mul3A_453 = arith.constant 16 : i32
      %mul3A_454 = arith.muli %scan3A_347, %mul3A_453 : i32
      %add3A_455 = arith.constant 4320 : i32
      %add3A_456 = arith.addi %add3A_455, %mul3A_454 : i32
      %get3A_457 = arith.index_cast %add3A_456 : i32 to index
      %get3A_458 = tpu.vector_load %arg36[%get3A_457] {strides = array<i32>} : memref<4608xf32, #tpu.memory_space<vmem>>, vector<16xf32>,
      %add3A_459 = arith.addf %add3A_452, %get3A_458 : vector<16xf32>
      %mul3A_460 = arith.constant 16 : i32
      %mul3A_461 = arith.muli %scan3A_347, %mul3A_460 : i32
      %swap3A = arith.index_cast %mul3A_461 : i32 to index
      %swap3A_462 = tpu.vector_load %arg37[%swap3A] {strides = array<i32>} : memref<288xf32, #tpu.memory_space<vmem>>, vector<16xf32>,
      tpu.vector_store %arg37[%swap3A], %add3A_459 {strides = array<i32>} : memref<288xf32, #tpu.memory_space<vmem>>, vector<16xf32>,
      %scan3A_463 = arith.constant 0 : i32
      scf.yield %scan3A_463 : i32
    }
    %scan3A_341 = arith.constant 18 : i32
    %mul3A_342 = arith.constant 4608 : i32
    %mul3A_343 = arith.muli %arg0, %mul3A_342 : i32
    %mul3A_344 = arith.constant 288 : i32
    %mul3A_345 = arith.muli %arg1, %mul3A_344 : i32
    %add3A_346 = arith.addi %mul3A_343, %mul3A_345 : i32
    "tpu.region"() ({
      %run_scoped3A = tpu.sem_alloc : memref<!tpu.dma_semaphore, #tpu.memory_space<semaphore_mem>>
      %dma_start3A_347 = tpu.memref_slice %arg11[%add3A_346] : memref<9216xf32, #tpu.memory_space<hbm>> -> memref<288xf32, #tpu.memory_space<hbm>>
      %dma_start3A_348 = tpu.memref_slice %arg11[%add3A_346] : memref<9216xf32, #tpu.memory_space<hbm>> -> memref<288xf32, #tpu.memory_space<hbm>>
      tpu.enqueue_dma source(%arg37 : memref<288xf32, #tpu.memory_space<vmem>>) target(%dma_start3A_348 : memref<288xf32, #tpu.memory_space<hbm>>) target_semaphore(%run_scoped3A : memref<!tpu.dma_semaphore, #tpu.memory_space<semaphore_mem>>)
      %dma_wait3A_349 = tpu.memref_slice %arg11[%add3A_346] : memref<9216xf32, #tpu.memory_space<hbm>> -> memref<288xf32, #tpu.memory_space<hbm>>
      %dma_wait3A_350 = tpu.memref_slice %arg11[%add3A_346] : memref<9216xf32, #tpu.memory_space<hbm>> -> memref<288xf32, #tpu.memory_space<hbm>>
      tpu.wait_dma2 semaphore(%run_scoped3A : memref<!tpu.dma_semaphore, #tpu.memory_space<semaphore_mem>>) src(%arg37 : memref<288xf32, #tpu.memory_space<vmem>>) dst(%dma_wait3A_350 : memref<288xf32, #tpu.memory_space<hbm>>)
      tpu.yield
    }) : () -> ()
    return
  }
}

</mosaic_0001>

<sc_bundles>
// kernel: kernel.3.cloned.1.call-start
scs
__scs_entry_jumppad:
0x0: {  	(pc) =	sbr.rel $0x88, $3  }
0x1: {  	(tag) =	ssettag $0x0;
	lr =	simm.s32 $0x1  }
0x2: {  	[smem:$0x3F9C] =	sst lr;
	_ =	strace $0xD0000000  }
0x3: {  	_ = 	snop  }
0x4: {  	_ = 	snop  }
0x5: {  	_ = 	snop  }
0x6: {  	_ = 	snop  }
0x7: {  	_ = 	snop  }
__scs_overlays_trampoline_lowered:
0x8: {  	[smem:$0x3FAB] =	sst s0  }
0x9: {  	[smem:$0x3FAC] =	sst s1  }
0xa: {  	[smem:$0x3FAD] =	sst s2  }
0xb: {  	[smem:$0x3FAE] =	sst s3  }
0xc: {  	[smem:$0x3FAF] =	sst s4  }
0xd: {  	[smem:$0x3FB0] =	sst s5  }
0xe: {  	[smem:$0x3FB1] =	sst s6  }
0xf: {  	[smem:$0x3FB2] =	sst s7  }
0x10: {  	[smem:$0x3FB3] =	sst s8  }
0x11: {  	[smem:$0x3FB4] =	sst s9;
	s0 =	simm.s32 @!p0 $0x0  }
0x12: {  	s1 =	sld [smem:$0x3F9A];
	s0 =	simm.s32 @p0 $0x1  }
0x13: {  	[smem:$0x3FB5] =	sst s0;
	s0 =	simm.s32 @!p1 $0x0  }
0x14: {  	s2 =	sld [smem:$0x3F99];
	s0 =	simm.s32 @p1 $0x1  }
0x15: {  	[smem:$0x3FB6] =	sst s0;
	s0 =	simm.s32 @!p2 $0x0  }
0x16: {  	s3 =	sld [smem:$0x3FDB];
	s0 =	simm.s32 @p2 $0x1  }
0x17: {  	s4 =	simm.s32 $0x1BF5;
	[smem:$0x3FB8] =	sst s0  }
0x18: {  	s0 =	sld [smem:$0x3F9B];
	_ =	swait.ge [sflag:s4], $0x0  }
0x19: {  	s7 =	sld [smem:$0x3F9C]  }
0x1a: {  	s8 =	sadd.s32 $0xFFFFE003, lr  }
0x1b: {  	s9 =	sadd.s32 $0xFFFFFEF7, lr;
	s5 =	simm.s32 $0xFFFFFFFF;
	p2 =	slt.u32 s8, $0xFFFFF086  }
0x1c: {  	p1 =	slt.u32 s9, $0xF7A;
	s5 =	simm.s32 @!p2 $0x0  }
0x1d: {  	s5 =	simm.s32 @p1 $0x1;
	p0 =	seq.s32 s7, s2  }
0x1e: {  	s7 =	smul.u32 @!p0 $0xF7A, s2;
	p2 =	seq.s32 @!p0 s5, $0x0  }
0x1f: {  	s9 =	smul.u32 $0xF7A, s1;
	s8 =	simm.s32 @!p0 $0x1BF5;
	p2 =	por !p2, p0  }
0x20: {  	[sflag:s8] =	ssyncset.s32 @!p0 $0xFFFFF086;
	s6 =	sadd.s32 @!p0 s3, s7;
	s7 =	simm.s32 @!p0 $0x108  }
0x21: {  	s3 =	sadd.s32 s3, s9;
	s6 =	sadd.s32 @!p0 $0x88, s6;
	s7 =	simm.s32 @p2 $0x1082  }
0x22: {  	[simem:s7], [sflag:s8] =	dma.local @!p0 [hbm:s6], $0xF7A  }
0x23: {  	s9 =	sor.u32 $0xD0000000, s2;
	s6 =	simm.s32 $0x108;
	_ =	swait.ge @!p0 [sflag:s8], $0x0  }
0x24: {  	s3 =	sadd.s32 $0x88, s3;
	s6 =	simm.s32 @!p1 $0x1082;
	[sflag:s4] =	ssyncset.s32 $0xFFFFF086  }
0x25: {  	[simem:s6], [sflag:s4] =	dma.local [hbm:s3], $0xF7A  }
0x26: {  	[smem:$0x3F9C] =	sst s1;
	(tag) =	ssettag s2;
	_ =	strace s9  }
0x27: {  	s1 =	sld [smem:$0x3FAC]  }
0x28: {  	s2 =	sld [smem:$0x3FAD]  }
0x29: {  	s4 =	sld [smem:$0x3FAF]  }
0x2a: {  	p0 =	seq.s32 s5, $0x0;
	s5 =	sld [smem:$0x3FB0]  }
0x2b: {  	s6 =	sld [smem:$0x3FB1]  }
0x2c: {  	s7 =	sld [smem:$0x3FB2]  }
0x2d: {  	s3 =	simm.s32 $0x108;
	s8 =	sld [smem:$0x3FB3]  }
0x2e: {  	s3 =	simm.s32 @!p0 $0x1082;
	s9 =	sld [smem:$0x3FB4]  }
0x2f: {  	lr =	sadd.s32 s0, s3;
	s0 =	sld [smem:$0x3FAB]  }
0x30: {  	s3 =	sld [smem:$0x3FAE]  }
0x31: {  	[smem:$0x3FB7] =	sst s10  }
0x32: {  	s10 =	sld [smem:$0x3FB5];
	_ =	sdelay $0x3  }
0x33: {  	p0 =	seq.s32 s10, $0x1;
	s10 =	sld [smem:$0x3FB7];
	_ =	sdelay $0x3  }
0x34: {  	[smem:$0x3FB7] =	sst s10  }
0x35: {  	s10 =	sld [smem:$0x3FB6];
	_ =	sdelay $0x3  }
0x36: {  	p1 =	seq.s32 s10, $0x1;
	s10 =	sld [smem:$0x3FB7];
	_ =	sdelay $0x3  }
0x37: {  	[smem:$0x3FB7] =	sst s10  }
0x38: {  	s10 =	sld [smem:$0x3FB8]  }
0x39: {  	_ = 	snop;
	(pc) =	sbr.ind lr, $3  }
0x3a: {  	_ = 	snop  }
0x3b: {  	_ = 	snop  }
0x3c: {  	p2 =	seq.s32 s10, $0x1;
	s10 =	sld [smem:$0x3FB7]  }
0x3d: {  	_ =	shalt  }
0x3e: {  	_ =	shalt  }
0x3f: {  	_ =	shalt  }
0x40: {  	_ =	shalt  }
0x41: {  	_ =	shalt  }
0x42: {  	_ =	shalt  }
0x43: {  	_ =	shalt  }
0x44: {  	_ =	shalt  }
0x45: {  	_ =	shalt  }
0x46: {  	_ =	shalt  }
0x47: {  	_ =	shalt  }
0x48: {  	_ =	shalt  }
0x49: {  	_ =	shalt  }
0x4a: {  	_ =	shalt  }
0x4b: {  	_ =	shalt  }
0x4c: {  	_ =	shalt  }
0x4d: {  	_ =	shalt  }
0x4e: {  	_ =	shalt  }
0x4f: {  	_ =	shalt  }
0x50: {  	_ =	shalt  }
0x51: {  	_ =	shalt  }
0x52: {  	_ =	shalt  }
0x53: {  	_ =	shalt  }
0x54: {  	_ =	shalt  }
0x55: {  	_ =	shalt  }
0x56: {  	_ =	shalt  }
0x57: {  	_ =	shalt  }
0x58: {  	_ =	shalt  }
0x59: {  	_ =	shalt  }
0x5a: {  	_ =	shalt  }
0x5b: {  	_ =	shalt  }
0x5c: {  	_ =	shalt  }
0x5d: {  	_ =	shalt  }
0x5e: {  	_ =	shalt  }
0x5f: {  	_ =	shalt  }
0x60: {  	_ =	shalt  }
0x61: {  	_ =	shalt  }
0x62: {  	_ =	shalt  }
0x63: {  	_ =	shalt  }
0x64: {  	_ =	shalt  }
0x65: {  	_ =	shalt  }
0x66: {  	_ =	shalt  }
0x67: {  	_ =	shalt  }
0x68: {  	_ =	shalt  }
0x69: {  	_ =	shalt  }
0x6a: {  	_ =	shalt  }
0x6b: {  	_ =	shalt  }
0x6c: {  	_ =	shalt  }
0x6d: {  	_ =	shalt  }
0x6e: {  	_ =	shalt  }
0x6f: {  	_ =	shalt  }
0x70: {  	_ =	shalt  }
0x71: {  	_ =	shalt  }
0x72: {  	_ =	shalt  }
0x73: {  	_ =	shalt  }
0x74: {  	_ =	shalt  }
0x75: {  	_ =	shalt  }
0x76: {  	_ =	shalt  }
0x77: {  	_ =	shalt  }
0x78: {  	_ =	shalt  }
0x79: {  	_ =	shalt  }
0x7a: {  	_ =	shalt  }
0x7b: {  	_ =	shalt  }
0x7c: {  	_ =	shalt  }
0x7d: {  	_ =	shalt  }
0x7e: {  	_ =	shalt  }
0x7f: {  	_ =	shalt  }
0x80: {  	_ =	shalt  }
0x81: {  	_ =	shalt  }
0x82: {  	_ =	shalt  }
0x83: {  	_ =	shalt  }
0x84: {  	_ =	shalt  }
0x85: {  	_ =	shalt  }
0x86: {  	_ =	shalt  }
0x87: {  	_ =	shalt  }
.Lfunc_end0:
.L_simem_size_0:
called_computation_lowered:
.L_overlay_start_0:
0x88: {  	s2 =	sld [smem:$0x3FD9]  }
0x89: {  	s3 =	sld [smem:$0x3FFE];
	_ =	sdelay $0x1  }
0x8a: {  	s1 =	srdreg.scid  }
0x8b: {  	s0 =	sand.u32 $0x1, s1  }
0x8c: {  	s14 =	sshll.u32 s0, $0xA;
	s2 =	sadd.s32 s3, s2  }
0x8d: {  	s2 =	sadd.s32 s2, s14  }
0x8e: {  	[smem:$0x3FC3] =	sst s2  }
0x8f: {  	_ = 	snop  }
0x90: {  	s2 =	sld [smem:$0x3FD0];
	_ =	sdelay $0x1  }
0x91: {  	s15 =	sld [smem:$0x3FC8]  }
0x92: {  	s5 =	simm.s32 $0xA;
	s6 =	simm.s32 $0x10;
	s4 =	sld [smem:$0x3FC7]  }
0x93: {  	[smem:s6], [sflag:s5] =	dma.local [hbm:s2], $0x1  }
0x94: {  	_ =	swait.eq [sflag:s5], $0x1  }
0x95: {  	[sflag:s5] =	ssyncset.done $0x0  }
0x96: {  	[sflag:s5] =	ssyncadd.s32 $0xFFFFFFFF  }
0x97: {  	s16 =	sld [smem:$0x10];
	(tm) =	ssettm $0x1  }
0x98: {  	s17 =	sld [smem:$0x3FFB];
	_ =	sdelay $0x3  }
0x99: {  	_ =	strace s17  }
0x9a: {  	s5 =	sld [smem:$0x3FFC];
	_ =	sdelay $0x3  }
0x9b: {  	_ =	strace s5  }
0x9c: {  	s5 =	sld [smem:$0x3FFD];
	_ =	sdelay $0x3  }
0x9d: {  	_ =	strace s5  }
0x9e: {  	_ =	strace $0x8FFFFFFF  }
0x9f: {  	s18 =	sld [smem:$0x3FDB];
	_ =	sdelay $0x1  }
0xa0: {  	s19 =	simm.s32 $_scs_section_size  }
0xa1: {  	s7 =	simm.s32 $_size__tile_overlayer_lowered;
	s8 =	simm.s32 $_tile_overlayer_lowered  }
0xa2: {  	s22 =	simm.s32 $0x1BFF;
	s21 =	sshll.u32 s8, $0x1;
	s5 =	sadd.s32 s19, s18  }
0xa3: {  	s9 =	simm.s32 $0x0;
	s20 =	sshll.u32 s7, $0x1;
	s7 =	sadd.s32 s21, s5  }
0xa4: {  	[timem:s9], [sflag:s22] =	dma.local [hbm:s7], s20  }
0xa5: {  	_ =	swait.ge [sflag:s22], s20  }
0xa6: {  	s6 =	ssub.s32 $0x0, s20;
	[sflag:s22] =	ssyncset.done $0x0  }
0xa7: {  	[sflag:s22] =	ssyncadd.s32 s6;
	_ =	sdelay $0x1  }
0xa8: {  	s23 =	simm.s32 $0x1B8B  }
0xa9: {  	_ =	swait.ge [sflag:s23], $0x1  }
0xaa: {  	[sflag:s23] =	ssyncset.done $0x0  }
0xab: {  	s25 =	simm.s32 $0x1B8E;
	s24 =	sld [smem:$0x3FFE];
	[sflag:s23] =	ssyncadd.s32 $0xFFFFFFFF  }
0xac: {  	s26 =	simm.s32 $execute0_lowered;
	[smem:$0x3FD2] =	sst s25  }
0xad: {  	s7 =	sshll.u32 s26, $0x1;
	_ =	strace $0x80000046;
	[dreg:$0x1] =	wrdreg $0xFFFFFFFF  }
0xae: {  	s28 =	simm.s32 $_size_execute0_lowered;
	s5 =	sadd.s32 s5, s7;
	[dreg:$0x0] =	wrdreg $0x0  }
0xaf: {  	s7 =	sshll.u32 s28, $0x1;
	[dreg:$0x2] =	wrdreg s5  }
0xb0: {  	[dreg:$0x3] =	wrdreg s7  }
0xb1: {  	[dreg:$0x4] =	wrdreg $0xC0  }
0xb2: {  	_ =	task [dreg:s9], $0x5FFFF  }
0xb3: {  	[dreg:$0x1] =	wrdreg $0xFFFFFFFF  }
0xb4: {  	[dreg:$0x0] =	wrdreg $0x60  }
0xb5: {  	[dreg:$0x2] =	wrdreg s24  }
0xb6: {  	[dreg:$0x3] =	wrdreg s15  }
0xb7: {  	[dreg:$0x4] =	wrdreg s4  }
0xb8: {  	[dreg:$0x5] =	wrdreg s16  }
0xb9: {  	[dreg:$0x6] =	wrdreg $0x139000  }
0xba: {  	[dreg:$0x7] =	wrdreg $0x151700  }
0xbb: {  	[dreg:$0x8] =	wrdreg $0x169E00  }
0xbc: {  	[dreg:$0x9] =	wrdreg $0x182500  }
0xbd: {  	[dreg:$0xa] =	wrdreg $0x19AC00  }
0xbe: {  	[dreg:$0xb] =	wrdreg $0x9  }
0xbf: {  	_ =	task.clear_ibuf [dreg:s9], $0xCFFFF;
	_ =	strace $0x90000046  }
0xc0: {  	s29 =	simm.s32 $0x9;
	_ =	strace $0x80000048  }
0xc1: {  	_ =	swait.ge [sflag:s29], $0x1  }
0xc2: {  	[sflag:s29] =	ssyncadd.s32 $0xFFFFFFFF  }
0xc3: {  	_ =	strace $0x90000048  }
0xc4: {  	_ =	sfence  }
0xc5: {  	s30 =	sld [smem:$0x0];
	_ =	sdelay $0x2  }
0xc6: {  	s31 =	sshll.u32 s1, $0xD;
	s1 =	sshrl.u32 s1, $0x2  }
0xc7: {  	s3 =	sand.u32 $0x4000, s31;
	s1 =	sadd.s32 s1, s30  }
0xc8: {  	s0 =	sor.u32 s3, s0;
	s1 =	sshll.u32 s1, $0x11  }
0xc9: {  	s0 =	sor.u32 s1, s0  }
0xca: {  	s0 =	sadd.s32 $0x8F2B, s0  }
0xcb: {  	[sflag:s0] =	ssyncadd.remote.s32 $0x1  }
0xcc: {  	_ =	sfence.sel $0xFFFF  }
0xcd: {  	[dreg:$0x0] =	wrdreg $0xFFFFFFFF;
	(pc) =	sbr.abs _section_cstart, $3  }
0xce: {  	[dreg:$0x1] =	wrdreg $0xFFFFFFFF  }
0xcf: {  	_ =	task.clear_ibuf [dreg:s9], $0x2FFFF;
	_ =	strace $0x9FFFFFFF  }
0xd0: {  	(tm) =	ssettm $0x7FFFFFFF  }
0xd1: {  	_ =	shalt  }
tec
execute0_lowered:
.L_overlay_start_1:
0x0: {  	(tag) =	ssettag $0x1  }
0x1: {  	s0 =	rddreg [dreg:$0x0]  }
0x2: {  	s1 =	rddreg [dreg:$0x1]  }
0x3: {  	s2 =	rddreg [dreg:$0x2]  }
0x4: {  	s6 =	rddreg [dreg:$0x3]  }
0x5: {  	s3 =	rddreg [dreg:$0x4]  }
0x6: {  	s4 =	rddreg [dreg:$0x5]  }
0x7: {  	s5 =	rddreg [dreg:$0x6]  }
0x8: {  	s7 =	simm.s32 $0x0;
	s18 =	srdreg.scid;
	s20 =	stileid.u32  }
0x9: {  	[smem:$0x7FF] =	sst s7;
	s7 =	sand.u32 $0x1, s18;
	s11 =	smul.u32 $0x1870, s20  }
0xa: {  	s8 =	sadd.s32 $0x24A200, s0;
	s9 =	sadd.s32 $0x24D400, s0;
	s10 =	ssub.s32 $0x2, s7  }
0xb: {  	s17 =	smul.u32 $0x18700, s7;
	s14 =	sshrl.u32 s10, $0x1;
	s15 =	sshrl.u32 s11, $0x3  }
0xc: {  	s16 =	sadd.s32 $0x640, s11;
	s14 =	ssub.s32 s10, s14;
	s19 =	sadd.s32 s8, s15  }
0xd: {  	s21 =	sshrl.u32 s16, $0x3;
	s22 =	sadd.s32 s11, s17;
	[dreg:$0xa] =	wrdreg s19  }
0xe: {  	s10 =	sadd.s32 s8, s21;
	s15 =	sshrl.u32 s22, $0x3;
	s21 =	rddreg [dreg:$0x8]  }
0xf: {  	s12 =	sadd.s32 $0x253600, s0;
	[dreg:$0xb] =	wrdreg s10;
	s25 =	sadd.s32 s6, s15  }
0x10: {  	s19 =	sadd.s32 $0x240, s15;
	s26 =	sadd.s32 s9, s15;
	[dreg:$0xe] =	wrdreg s25  }
0x11: {  	s31 =	smul.u32 $0x4800, s20;
	s6 =	sadd.s32 s6, s19;
	[dreg:$0x10] =	wrdreg s26  }
0x12: {  	s18 =	sadd.s32 $0x12C0, s11;
	s28 =	sadd.s32 s9, s19;
	[dreg:$0xf] =	wrdreg s6  }
0x13: {  	s10 =	sadd.s32 $0xC80, s11;
	s9 =	sadd.s32 s12, s15;
	[dreg:$0x11] =	wrdreg s28  }
0x14: {  	s23 =	sshrl.u32 s10, $0x3;
	s19 =	sadd.s32 s12, s19;
	[dreg:$0x12] =	wrdreg s9  }
0x15: {  	s24 =	sshrl.u32 s18, $0x3;
	s17 =	sadd.s32 s8, s23;
	[dreg:$0x13] =	wrdreg s19  }
0x16: {  	s8 =	sadd.s32 s8, s24;
	[dreg:$0xc] =	wrdreg s17  }
0x17: {  	s6 =	sshrl.u32 s31, $0x2;
	[dreg:$0xd] =	wrdreg s8  }
0x18: {  	s24 =	sadd.s32 $0x1200, s11;
	s17 =	rddreg [dreg:$0x7];
	s6 =	sadd.s32 s6, s21  }
0x19: {  	s15 =	smul.u32 $0x1200, s7;
	s25 =	sadd.s32 s24, s3;
	[dreg:$0x14] =	wrdreg s6  }
0x1a: {  	s26 =	sadd.s32 s24, s4;
	_ =	strace $0x80000047;
	[dreg:$0x16] =	wrdreg s25  }
0x1b: {  	s23 =	sshll.u32 s7, $0x4;
	s7 =	sadd.s32 s24, s5;
	[dreg:$0x17] =	wrdreg s26  }
0x1c: {  	s28 =	sadd.s32 s11, s3;
	[dreg:$0x18] =	wrdreg s7  }
0x1d: {  	s31 =	sadd.s32 s11, s4;
	[dreg:$0x19] =	wrdreg s28  }
0x1e: {  	s9 =	sadd.s32 s11, s5;
	[dreg:$0x1a] =	wrdreg s31  }
0x1f: {  	s13 =	smul.u32 $0x120, s20;
	s11 =	sadd.s32 s11, s17;
	[dreg:$0x1b] =	wrdreg s9  }
0x20: {  	s12 =	sadd.s32 s16, s17;
	[dreg:$0x1c] =	wrdreg s11  }
0x21: {  	s8 =	sadd.s32 s13, s15;
	s15 =	sadd.s32 s10, s17;
	[dreg:$0x1d] =	wrdreg s12  }
0x22: {  	s13 =	sadd.s32 s13, s21;
	s16 =	sadd.s32 s18, s17;
	[dreg:$0x1e] =	wrdreg s15  }
0x23: {  	s22 =	sshrl.u32 s8, $0x3;
	s6 =	sor.u32 s20, s23;
	[dreg:$0x1f] =	wrdreg s16  }
0x24: {  	s8 =	sadd.s32 s22, s0;
	s12 =	sadd.s32 $0x1200, s13;
	[dreg:$0x15] =	wrdreg s13  }
0x25: {  	s9 =	smul.u32 $0x30D40, s6;
	s15 =	sadd.s32 $0x3600, s13;
	[smem:$0x7EF] =	sst s12  }
0x26: {  	s6 =	sadd.s32 $0x186C00, s0;
	s16 =	sadd.s32 $0x4800, s13;
	[smem:$0x7F1] =	sst s15  }
0x27: {  	s8 =	sadd.s32 $0x259800, s8;
	[smem:$0x7F2] =	sst s16;
	s18 =	sshrl.u32 s9, $0x3  }
0x28: {  	s7 =	sadd.s32 $0xC3600, s0;
	[smem:$0x7ED] =	sst s8;
	s19 =	sadd.s32 s6, s18  }
0x29: {  	s20 =	sadd.s32 s7, s18;
	[smem:$0x7E3] =	sst s19  }
0x2a: {  	s21 =	sadd.s32 s0, s18;
	[smem:$0x7E4] =	sst s20  }
0x2b: {  	s22 =	sadd.s32 s1, s18;
	[smem:$0x7E5] =	sst s21  }
0x2c: {  	s10 =	sadd.s32 $0x640, s9;
	s11 =	sadd.s32 s2, s18;
	[smem:$0x7E6] =	sst s22  }
0x2d: {  	s23 =	sshrl.u32 s10, $0x3;
	s18 =	sadd.s32 $0x5A00, s13;
	[smem:$0x7E7] =	sst s11  }
0x2e: {  	s24 =	sadd.s32 s6, s23;
	[smem:$0x7F3] =	sst s18  }
0x2f: {  	s25 =	sadd.s32 s7, s23;
	[smem:$0x7E8] =	sst s24  }
0x30: {  	s26 =	sadd.s32 s0, s23;
	[smem:$0x7E9] =	sst s25  }
0x31: {  	s28 =	sadd.s32 s1, s23;
	[smem:$0x7EA] =	sst s26  }
0x32: {  	s31 =	sadd.s32 s2, s23;
	[smem:$0x7EB] =	sst s28  }
0x33: {  	s11 =	smax.u32 s14, $0x1;
	[smem:$0x7EC] =	sst s31  }
0x34: {  	s14 =	sadd.s32 $0x2400, s13;
	[smem:$0x7EE] =	sst s11  }
0x35: {  	s19 =	sadd.s32 $0x6C00, s13;
	[smem:$0x7F0] =	sst s14  }
0x36: {  	s30 =	simm.s32 $0x3;
	s20 =	sadd.s32 $0x7E00, s13;
	[smem:$0x7F4] =	sst s19  }
0x37: {  	s16 =	simm.s32 $0x12580;
	s21 =	sadd.s32 $0x9000, s13;
	[smem:$0x7F5] =	sst s20  }
0x38: {  	s29 =	sadd.s32 $0xC80, s9;
	s22 =	sadd.s32 $0xA200, s13;
	[smem:$0x7F6] =	sst s21  }
0x39: {  	s8 =	simm.s32 $0x1A00;
	s23 =	sadd.s32 $0xB400, s13;
	[smem:$0x7F7] =	sst s22  }
0x3a: {  	s18 =	simm.s32 $0x4;
	[smem:$0x7F8] =	sst s23;
	s24 =	sadd.s32 $0xC600, s13  }
0x3b: {  	s25 =	sadd.s32 $0xD800, s13;
	s26 =	sadd.s32 $0xEA00, s13;
	[smem:$0x7F9] =	sst s24  }
0x3c: {  	v0 =	vlaneseq.u32;
	vm0 =	vcmask $0x3F20;
	s28 =	sadd.s32 $0xFC00, s13;
	s31 =	sadd.s32 $0x10E00, s13;
	[smem:$0x7FA] =	sst s25  }
0x3d: {  	v2 =	vand.u32 $0x7, v0;
	s13 =	simm.s32 $0x2080;
	s19 =	simm.s32 $0x3400;
	[smem:$0x7FB] =	sst s26  }
0x3e: {  	v1 =	vimm.f32 $0.0e+00;
	v3 =	vor.u32 $0x1000, v2;
	v4 =	vor.u32 $0x2000, v2;
	s20 =	simm.s32 $0x1;
	s21 =	simm.s32 $0x9580;
	[smem:$0x7FC] =	sst s28  }
0x3f: {  	v5 =	vor.u32 $0x3000, v2;
	v6 =	vor.u32 $0x4000, v2;
	v7 =	vor.u32 $0x5000, v2;
	s22 =	simm.s32 $0x2;
	s23 =	simm.s32 $0x0;
	[smem:$0x7FD] =	sst s31  }
0x40: {  	v8 =	vor.u32 $0x6000, v2;
	v9 =	vor.u32 $0x7000, v2;
	v10 =	vor.u32 $0x8000, v2;
	s24 =	simm.s32 $0x6180;
	s25 =	simm.s32 $0x6800;
	s26 =	simm.s32 $0x640  }
.LBB2_1:
0x41: {  	s9 =	simm.s32 $0x40;
	s11 =	simm.s32 $0x0  }
.LBB2_2:
0x42: {  	p0 =	sne.s32 s9, $0x47C0;
	[tilespmem:s11+$0x12580] =	vst v1;
	s11 =	smov.u32 s9;
	s9 =	sadd.s32 $0x40, s9  }
.Ltmp0:
0x43: {  	(pc) =	sbr.rel @p0 .LBB2_2-.Ltmp0, $2  }
0x44: {  	_ =	sdelay $0x2  }
0x45: {  	s11 =	sshra.s32 s11, $0x2  }
0x46: {  	[smem:$0x7E2] =	sst s23  }
0x47: {  	[tilespmem:s11+$0x12580] =	vst v1;
	s9 =	rddreg [dreg:$0x19]  }
0x48: {  	[spmem:s9] =	stream.linear.scatter [tilespmem:s16], [sflag:$0x4], $0x1200, $0x38;
	[tilespmem:$0x1ACC0] =	vst v63  }
0x49: {  	_ =	swait.ge [sflag:s18], $0x1200  }
0x4a: {  	[sflag:s18] =	ssyncset.done $0x0  }
0x4b: {  	s12 =	rddreg [dreg:$0x16];
	[sflag:s18] =	ssyncadd.s32 $0xFFFFEE00  }
0x4c: {  	[spmem:s12] =	stream.linear.scatter [tilespmem:s16], [sflag:$0x4], $0x670, $0x38;
	[tilespmem:$0x1ACC0] =	vst v63  }
0x4d: {  	_ =	swait.ge [sflag:s18], $0x670  }
0x4e: {  	[sflag:s18] =	ssyncset.done $0x0  }
0x4f: {  	s14 =	rddreg [dreg:$0x1a];
	[sflag:s18] =	ssyncadd.s32 $0xFFFFF990  }
0x50: {  	[spmem:s14] =	stream.linear.scatter [tilespmem:s16], [sflag:$0x4], $0x1200, $0x38;
	[tilespmem:$0x1ACC0] =	vst v63  }
0x51: {  	_ =	swait.ge [sflag:s18], $0x1200  }
0x52: {  	[sflag:s18] =	ssyncset.done $0x0  }
0x53: {  	s15 =	rddreg [dreg:$0x17];
	[sflag:s18] =	ssyncadd.s32 $0xFFFFEE00  }
0x54: {  	[spmem:s15] =	stream.linear.scatter [tilespmem:s16], [sflag:$0x4], $0x670, $0x38;
	[tilespmem:$0x1ACC0] =	vst v63  }
0x55: {  	_ =	swait.ge [sflag:s18], $0x670  }
0x56: {  	[sflag:s18] =	ssyncset.done $0x0  }
0x57: {  	s23 =	rddreg [dreg:$0x1b];
	[sflag:s18] =	ssyncadd.s32 $0xFFFFF990  }
0x58: {  	[spmem:s23] =	stream.linear.scatter [tilespmem:s16], [sflag:$0x4], $0x1200, $0x38;
	[tilespmem:$0x1ACC0] =	vst v63  }
0x59: {  	_ =	swait.ge [sflag:s18], $0x1200  }
0x5a: {  	[sflag:s18] =	ssyncset.done $0x0  }
0x5b: {  	s28 =	rddreg [dreg:$0x18];
	[sflag:s18] =	ssyncadd.s32 $0xFFFFEE00  }
0x5c: {  	[spmem:s28] =	stream.linear.scatter [tilespmem:s16], [sflag:$0x4], $0x670, $0x38;
	[tilespmem:$0x1ACC0] =	vst v63  }
0x5d: {  	_ =	swait.ge [sflag:s18], $0x670  }
0x5e: {  	[sflag:s18] =	ssyncset.done $0x0  }
0x5f: {  	s9 =	simm.s32 $0x0;
	s31 =	rddreg [dreg:$0xa];
	[sflag:s18] =	ssyncadd.s32 $0xFFFFF990  }
0x60: {  	[tilespmem:s8], [sflag:$0x4] =	stream.linear.gather [hbm4b:s31+s9], $0x640, $0x38;
	[tilespmem:$0x1ACC0] =	vst v63  }
0x61: {  	_ =	swait.ge [sflag:s18], $0x640  }
0x62: {  	[sflag:s18] =	ssyncset.done $0x0  }
0x63: {  	s12 =	rddreg [dreg:$0x1c];
	[sflag:s18] =	ssyncadd.s32 $0xFFFFF9C0  }
0x64: {  	[spmem:s12] =	stream.linear.scatter [tilespmem:s8], [sflag:$0x4], $0x640, $0x38;
	[tilespmem:$0x1ACC0] =	vst v63  }
0x65: {  	_ =	swait.ge [sflag:s18], $0x640  }
0x66: {  	[sflag:s18] =	ssyncset.done $0x0  }
0x67: {  	s14 =	rddreg [dreg:$0xb];
	[sflag:s18] =	ssyncadd.s32 $0xFFFFF9C0  }
0x68: {  	[tilespmem:s8], [sflag:$0x4] =	stream.linear.gather [hbm4b:s14+s9], $0x640, $0x38;
	[tilespmem:$0x1ACC0] =	vst v63  }
0x69: {  	_ =	swait.ge [sflag:s18], $0x640  }
0x6a: {  	[sflag:s18] =	ssyncset.done $0x0  }
0x6b: {  	s15 =	rddreg [dreg:$0x1d];
	[sflag:s18] =	ssyncadd.s32 $0xFFFFF9C0  }
0x6c: {  	[spmem:s15] =	stream.linear.scatter [tilespmem:s8], [sflag:$0x4], $0x640, $0x38;
	[tilespmem:$0x1ACC0] =	vst v63  }
0x6d: {  	_ =	swait.ge [sflag:s18], $0x640  }
0x6e: {  	[sflag:s18] =	ssyncset.done $0x0  }
0x6f: {  	s16 =	rddreg [dreg:$0xc];
	[sflag:s18] =	ssyncadd.s32 $0xFFFFF9C0  }
0x70: {  	[tilespmem:s8], [sflag:$0x4] =	stream.linear.gather [hbm4b:s16+s9], $0x640, $0x38;
	[tilespmem:$0x1ACC0] =	vst v63  }
0x71: {  	_ =	swait.ge [sflag:s18], $0x640  }
0x72: {  	[sflag:s18] =	ssyncset.done $0x0  }
0x73: {  	s23 =	rddreg [dreg:$0x1e];
	[sflag:s18] =	ssyncadd.s32 $0xFFFFF9C0  }
0x74: {  	[spmem:s23] =	stream.linear.scatter [tilespmem:s8], [sflag:$0x4], $0x640, $0x38;
	[tilespmem:$0x1ACC0] =	vst v63  }
0x75: {  	_ =	swait.ge [sflag:s18], $0x640  }
0x76: {  	[sflag:s18] =	ssyncset.done $0x0  }
0x77: {  	s28 =	rddreg [dreg:$0xd];
	[sflag:s18] =	ssyncadd.s32 $0xFFFFF9C0  }
0x78: {  	[tilespmem:s8], [sflag:$0x4] =	stream.linear.gather [hbm4b:s28+s9], $0x5B0, $0x38;
	[tilespmem:$0x1ACC0] =	vst v63  }
0x79: {  	_ =	swait.ge [sflag:s18], $0x5B0  }
0x7a: {  	[sflag:s18] =	ssyncset.done $0x0  }
0x7b: {  	s31 =	rddreg [dreg:$0x1f];
	[sflag:s18] =	ssyncadd.s32 $0xFFFFFA50  }
0x7c: {  	[spmem:s31] =	stream.linear.scatter [tilespmem:s8], [sflag:$0x4], $0x5B0, $0x38;
	[tilespmem:$0x1ACC0] =	vst v63  }
0x7d: {  	_ =	swait.ge [sflag:s18], $0x5B0  }
0x7e: {  	[sflag:s18] =	ssyncset.done $0x0  }
0x7f: {  	s11 =	simm.s32 $0x9580;
	[sflag:s18] =	ssyncadd.s32 $0xFFFFFA50  }
0x80: {  	s12 =	simm.s32 $0x10;
	s9 =	sand.u32 $0xFF0, s9;
	[tilespmem:s11+$0x0] =	vst v1  }
.LBB2_4:
0x81: {  	p0 =	sne.s32 s12, $0xFF0;
	[tilespmem:s9+$0xA580] =	vst v1  }
0x82: {  	[tilespmem:s9+$0xB580] =	vst v1  }
0x83: {  	[tilespmem:s9+$0xC580] =	vst v1  }
0x84: {  	[tilespmem:s9+$0xD580] =	vst v1  }
.Ltmp1:
0x85: {  	[tilespmem:s9+$0xE580] =	vst v1;
	(pc) =	sbr.rel @p0 .LBB2_4-.Ltmp1, $4  }
0x86: {  	[tilespmem:s9+$0xF580] =	vst v1  }
0x87: {  	[tilespmem:s9+$0x10580] =	vst v1  }
0x88: {  	s11 =	sadd.s32 $0x10, s11;
	[tilespmem:s9+$0x11580] =	vst v1  }
0x89: {  	s9 =	sand.u32 $0xFF0, s12;
	s12 =	sadd.s32 $0x10, s12;
	[tilespmem:s11+$0x0] =	vst v1  }
0x8a: {  	[tilespmem:s9+$0xA580] =	vst v1  }
0x8b: {  	[tilespmem:s9+$0xB580] =	vst v1  }
0x8c: {  	[tilespmem:s9+$0xC580] =	vst v1  }
0x8d: {  	[tilespmem:s9+$0xD580] =	vst v1  }
0x8e: {  	[tilespmem:s9+$0xE580] =	vst v1  }
0x8f: {  	[tilespmem:s9+$0xF580] =	vst v1  }
0x90: {  	[tilespmem:s9+$0x10580] =	vst v1  }
0x91: {  	[tilespmem:s9+$0x11580] =	vst v1  }
0x92: {  	[bflag:$0x0] =	sbarrier.arrive $0xFFFF  }
0x93: {  	s31 =	sld [smem:$0x7E3];
	_ =	sdelay $0x1  }
0x94: {  	s23 =	simm.s32 $0x0;
	s11 =	simm.s32 $0x680;
	s12 =	sld [smem:$0x7E4]  }
0x95: {  	[tilespmem:s11], [sflag:$0x3] =	stream.linear.gather [hbm4b:s31+s23], $0x640, $0x38;
	[tilespmem:$0x1ACC0] =	vst v63  }
0x96: {  	s14 =	simm.s32 $0xD00;
	s15 =	sld [smem:$0x7E5]  }
0x97: {  	[tilespmem:s14], [sflag:$0x3] =	stream.linear.gather [hbm4b:s12+s23], $0x640, $0x38;
	[tilespmem:$0x1ACC0] =	vst v63  }
0x98: {  	s16 =	simm.s32 $0x1380;
	s28 =	sld [smem:$0x7E6]  }
0x99: {  	[tilespmem:s16], [sflag:$0x3] =	stream.linear.gather [hbm4b:s15+s23], $0x640, $0x38;
	[tilespmem:$0x1ACC0] =	vst v63  }
0x9a: {  	s31 =	sld [smem:$0x7E7]  }
0x9b: {  	[tilespmem:s8], [sflag:$0x3] =	stream.linear.gather [hbm4b:s28+s23], $0x640, $0x38;
	[tilespmem:$0x1ACC0] =	vst v63  }
0x9c: {  	_ = 	snop  }
0x9d: {  	[tilespmem:s13], [sflag:$0x3] =	stream.linear.gather [hbm4b:s31+s23], $0x640, $0x38;
	[tilespmem:$0x1ACC0] =	vst v63  }
.LBB2_6:
0x9e: {  	_ =	swait.ge [sflag:s30], $0x640  }
0x9f: {  	[sflag:s30] =	ssyncset.done $0x0  }
0xa0: {  	[sflag:s30] =	ssyncadd.s32 $0xFFFFF9C0  }
0xa1: {  	_ =	swait.ge [sflag:s30], $0x640  }
0xa2: {  	[sflag:s30] =	ssyncset.done $0x0  }
0xa3: {  	[sflag:s30] =	ssyncadd.s32 $0xFFFFF9C0  }
0xa4: {  	_ =	swait.ge [sflag:s30], $0x640  }
0xa5: {  	[sflag:s30] =	ssyncset.done $0x0  }
0xa6: {  	[sflag:s30] =	ssyncadd.s32 $0xFFFFF9C0  }
0xa7: {  	p0 =	sne.s32 s23, $0x0;
	_ =	swait.ge [sflag:s30], $0x640  }
.Ltmp2:
0xa8: {  	[sflag:s30] =	ssyncset.done $0x0;
	(pc) =	sbr.rel @!p0 .LBB2_7-.Ltmp2, $4  }
0xa9: {  	[sflag:s30] =	ssyncadd.s32 $0xFFFFF9C0  }
0xaa: {  	_ =	swait.ge [sflag:s30], $0x640  }
0xab: {  	[sflag:s30] =	ssyncset.done $0x0  }
0xac: {  	[sflag:s30] =	ssyncadd.s32 $0xFFFFF9C0  }
0xad: {  	_ =	swait.ge [sflag:s22], $0x640  }
0xae: {  	[sflag:s22] =	ssyncset.done $0x0  }
0xaf: {  	[sflag:s22] =	ssyncadd.s32 $0xFFFFF9C0  }
0xb0: {  	_ =	swait.ge [sflag:s22], $0x640  }
0xb1: {  	[sflag:s22] =	ssyncset.done $0x0  }
0xb2: {  	[sflag:s22] =	ssyncadd.s32 $0xFFFFF9C0  }
0xb3: {  	_ =	swait.ge [sflag:s22], $0x640  }
0xb4: {  	[sflag:s22] =	ssyncset.done $0x0  }
0xb5: {  	[sflag:s22] =	ssyncadd.s32 $0xFFFFF9C0  }
0xb6: {  	_ =	swait.ge [sflag:s22], $0x640  }
0xb7: {  	[sflag:s22] =	ssyncset.done $0x0  }
0xb8: {  	[sflag:s22] =	ssyncadd.s32 $0xFFFFF9C0  }
0xb9: {  	_ =	swait.ge [sflag:s22], $0x640  }
0xba: {  	s9 =	smul.u32 $0xC80, s23;
	[sflag:s22] =	ssyncset.done $0x0  }
0xbb: {  	[sflag:s22] =	ssyncadd.s32 $0xFFFFF9C0  }
0xbc: {  	s11 =	sadd.s32 s9, s10;
	_ =	swait.ge [sflag:s22], $0x640  }
0xbd: {  	s14 =	simm.s32 $0x0;
	s11 =	sshrl.u32 s11, $0x3;
	[sflag:s22] =	ssyncset.done $0x0  }
0xbe: {  	s15 =	simm.s32 $0x4E00;
	s12 =	sadd.s32 s6, s11;
	[sflag:s22] =	ssyncadd.s32 $0xFFFFF9C0  }
0xbf: {  	[tilespmem:s15], [sflag:$0x3] =	stream.linear.gather [hbm4b:s12+s14], $0x640, $0x38;
	[tilespmem:$0x1ACC0] =	vst v63  }
0xc0: {  	s16 =	simm.s32 $0x5480;
	s15 =	sadd.s32 s7, s11  }
0xc1: {  	[tilespmem:s16], [sflag:$0x3] =	stream.linear.gather [hbm4b:s15+s14], $0x640, $0x38;
	[tilespmem:$0x1ACC0] =	vst v63  }
0xc2: {  	s15 =	sadd.s32 s0, s11;
	s16 =	simm.s32 $0x5B00  }
0xc3: {  	[tilespmem:s16], [sflag:$0x3] =	stream.linear.gather [hbm4b:s15+s14], $0x640, $0x38;
	[tilespmem:$0x1ACC0] =	vst v63  }
0xc4: {  	s16 =	sadd.s32 s1, s11  }
0xc5: {  	[tilespmem:s24], [sflag:$0x3] =	stream.linear.gather [hbm4b:s16+s14], $0x640, $0x38;
	[tilespmem:$0x1ACC0] =	vst v63  }
0xc6: {  	s11 =	sadd.s32 s2, s11  }
0xc7: {  	[tilespmem:s25], [sflag:$0x3] =	stream.linear.gather [hbm4b:s11+s14], $0x640, $0x38;
	[tilespmem:$0x1ACC0] =	vst v63  }
0xc8: {  	_ = 	snop  }
0xc9: {  	[tilespmem:s14], [sflag:$0x1] =	stream.indirect.gather [spmem:s17], $0x1, s8, s26, $0xb8;
	[tilespmem:$0x1ACC0] =	vst v63  }
0xca: {  	s14 =	simm.s32 $0x0  }
0xcb: {  	v23 =	vld [tilespmem:s14+$0x680]  }
0xcc: {  	v25 =	vld [tilespmem:s14+$0xD00];
	_ =	sdelay $0x1  }
0xcd: {  	v18 =	vld [tilespmem:s14+$0x1380];
	_ =	sdelay $0x2  }
0xce: {  	v11 =	vmul.f32 v23, v23;
	v12 =	vmul.f32 v25, v25  }
0xcf: {  	s31 =	simm.s32 $0x10  }
0xd0: {  	v22 =	vld [tilespmem:s31+$0xD00];
	v13 =	vmul.f32 v18, v18;
	v11 =	vadd.f32 v12, v11  }
0xd1: {  	v20 =	vld [tilespmem:s31+$0x680]  }
0xd2: {  	s11 =	simm.s32 $0x20;
	v21 =	vld [tilespmem:s31+$0x1380];
	v11 =	vadd.f32 v13, v11  }
0xd3: {  	v17 =	vld [tilespmem:s11+$0xD00]  }
0xd4: {  	v12 =	vld [tilespmem:s11+$0x680];
	v11 =	vmul.f32 $-5.000000000e-01, v11  }
0xd5: {  	v14 =	vmul.f32 v22, v22  }
0xd6: {  	v19 =	vld [tilespmem:s11+$0x1380];
	v13 =	vmul.f32 v20, v20;
	v11 =	vmul.f32 $1.442695020e+00, v11;
	_ =	sdelay $0x1  }
0xd7: {  	v13 =	vadd.f32 v14, v13;
	(erf) = vpow2.f32 v11;
	v11 =	vmul.f32 v21, v21  }
0xd8: {  	v24 =	vmul.f32 v17, v17;
	v14 =	vmul.f32 v12, v12  }
0xd9: {  	v13 =	vadd.f32 v11, v13  }
0xda: {  	s28 =	simm.s32 $0x30;
	v26 =	vmul.f32 v19, v19;
	v14 =	vadd.f32 v24, v14  }
0xdb: {  	v16 =	vld [tilespmem:s28+$0x680];
	v13 =	vmul.f32 $-5.000000000e-01, v13  }
0xdc: {  	v14 =	vadd.f32 v26, v14;
	v11 =	vld [tilespmem:s28+$0xD00]  }
0xdd: {  	v13 =	vmul.f32 $1.442695020e+00, v13  }
0xde: {  	v15 =	vld [tilespmem:s28+$0x1380];
	v27 =	vmul.f32 $-5.000000000e-01, v14  }
0xdf: {  	(erf) = vpow2.f32 v13  }
0xe0: {  	s12 =	simm.s32 $0x40;
	v27 =	vmul.f32 $1.442695020e+00, v27  }
0xe1: {  	v24 =	vmul.f32 v16, v16;
	v26 =	vmul.f32 v11, v11;
	v13 =	vld [tilespmem:s12+$0x680]  }
0xe2: {  	v14 =	vld [tilespmem:s12+$0xD00];
	v29 =	vpop (erf);
	(erf) = vpow2.f32 v27  }
0xe3: {  	v28 =	vmul.f32 v15, v15;
	v26 =	vadd.f32 v26, v24;
	v30 =	vmul.f32 v29, v18;
	v18 =	vld [tilespmem:s12+$0x1380]  }
0xe4: {  	v24 =	vmul.f32 v29, v23;
	v23 =	vmul.f32 v29, v25  }
0xe5: {  	s15 =	simm.s32 $0x140;
	v25 =	vadd.f32 v28, v26;
	[tilespmem:s14+$0x3400] =	vst v30;
	v26 =	vsub.f32 $0.0e+00, v30  }
.LBB2_13:
0xe6: {  	s16 =	sshra.s32 s15, $0x2;
	v27 =	vmul.f32 v13, v13;
	[tilespmem:s14+$0x2700] =	vst v24;
	v24 =	vsub.f32 $0.0e+00, v24;
	v28 =	vsub.f32 $0.0e+00, v23;
	v29 =	vmovc v13;
	v30 =	vmovc v17;
	p0 =	sne.s32 s15, $0x18C0  }
.Ltmp3:
0xe7: {  	s15 =	sadd.s32 $0x40, s15;
	v17 =	vmovc v11;
	v13 =	vld [tilespmem:s16+$0x680];
	v31 =	vmul.f32 v14, v14;
	v25 =	vmul.f32 $-5.000000000e-01, v25;
	[tilespmem:s14+$0x4780] =	vst v26;
	v11 =	vmovc v14;
	v26 =	vmov v19;
	(pc) =	sbr.rel @p0 .LBB2_13-.Ltmp3, $4  }
0xe8: {  	v19 =	vmov v15;
	v14 =	vld [tilespmem:s16+$0xD00];
	v32 =	vmul.f32 v18, v18;
	v33 =	vpop (erf);
	[tilespmem:s14+$0x3A80] =	vst v24;
	v15 =	vmov v18  }
0xe9: {  	v18 =	vld [tilespmem:s16+$0x1380];
	v27 =	vadd.f32 v31, v27;
	v31 =	vmul.f32 $1.442695020e+00, v25;
	v34 =	vmul.f32 v33, v21;
	[tilespmem:s14+$0x4100] =	vst v28;
	v21 =	vmovc v26  }
0xea: {  	v24 =	vmul.f32 v33, v20;
	v20 =	vmovc v12;
	v12 =	vmov v16;
	[tilespmem:s14+$0x2D80] =	vst v23;
	v23 =	vmul.f32 v33, v22;
	s14 =	smov.u32 s31;
	s31 =	smov.u32 s11;
	s11 =	smov.u32 s28  }
0xeb: {  	v16 =	vmovc v29;
	v22 =	vmovc v30;
	s28 =	smov.u32 s12;
	s12 =	smov.u32 s16;
	v25 =	vadd.f32 v32, v27;
	(erf) = vpow2.f32 v31;
	[tilespmem:s14+$0x3400] =	vst v34;
	v26 =	vsub.f32 $0.0e+00, v34  }
0xec: {  	[tilespmem:s14+$0x2700] =	vst v24  }
0xed: {  	v42 =	vsub.f32 $0.0e+00, v24;
	[tilespmem:s14+$0x2D80] =	vst v23;
	v25 =	vmul.f32 $-5.000000000e-01, v25  }
0xee: {  	v27 =	vmul.f32 v13, v13;
	v28 =	vsub.f32 $0.0e+00, v23;
	v30 =	vpop (erf);
	v29 =	vmul.f32 v14, v14;
	[tilespmem:s14+$0x4780] =	vst v26  }
0xef: {  	v21 =	vmul.f32 v30, v21;
	[tilespmem:s14+$0x3A80] =	vst v42;
	v25 =	vmul.f32 $1.442695020e+00, v25  }
0xf0: {  	v20 =	vmul.f32 v30, v20;
	v43 =	vmul.f32 v18, v18;
	[tilespmem:s14+$0x4100] =	vst v28;
	v44 =	vadd.f32 v29, v27  }
0xf1: {  	v22 =	vmul.f32 v30, v22;
	[tilespmem:s31+$0x3400] =	vst v21;
	(erf) = vpow2.f32 v25  }
0xf2: {  	v21 =	vsub.f32 $0.0e+00, v21;
	[tilespmem:s31+$0x2700] =	vst v20;
	v45 =	vadd.f32 v43, v44  }
0xf3: {  	v20 =	vsub.f32 $0.0e+00, v20;
	[tilespmem:s31+$0x2D80] =	vst v22  }
0xf4: {  	v46 =	vsub.f32 $0.0e+00, v22;
	[tilespmem:s31+$0x4780] =	vst v21;
	v23 =	vmul.f32 $-5.000000000e-01, v45;
	v47 =	vpop (erf)  }
0xf5: {  	[tilespmem:s31+$0x3A80] =	vst v20;
	v19 =	vmul.f32 v47, v19  }
0xf6: {  	[tilespmem:s31+$0x4100] =	vst v46;
	v48 =	vmul.f32 $1.442695020e+00, v23;
	v12 =	vmul.f32 v47, v12  }
0xf7: {  	v17 =	vmul.f32 v47, v17;
	[tilespmem:s11+$0x3400] =	vst v19  }
0xf8: {  	(erf) = vpow2.f32 v48;
	v19 =	vsub.f32 $0.0e+00, v19;
	[tilespmem:s11+$0x2700] =	vst v12  }
0xf9: {  	v12 =	vsub.f32 $0.0e+00, v12;
	[tilespmem:s11+$0x2D80] =	vst v17  }
0xfa: {  	v49 =	vsub.f32 $0.0e+00, v17;
	[tilespmem:s11+$0x4780] =	vst v19;
	v50 =	vpop (erf)  }
0xfb: {  	[tilespmem:s11+$0x3A80] =	vst v12;
	v12 =	vmul.f32 v50, v15  }
0xfc: {  	[tilespmem:s11+$0x4100] =	vst v49  }
0xfd: {  	v15 =	vmul.f32 v50, v16;
	[tilespmem:s28+$0x3400] =	vst v12;
	v12 =	vsub.f32 $0.0e+00, v12  }
0xfe: {  	v11 =	vmul.f32 v50, v11  }
0xff: {  	[tilespmem:s28+$0x2700] =	vst v15  }
0x100: {  	v15 =	vsub.f32 $0.0e+00, v15;
	[tilespmem:s28+$0x2D80] =	vst v11  }
0x101: {  	v51 =	vsub.f32 $0.0e+00, v11;
	[tilespmem:s28+$0x4780] =	vst v12;
	v12 =	vpop (erf)  }
0x102: {  	[tilespmem:s28+$0x3A80] =	vst v15;
	v15 =	vmul.f32 v12, v18  }
0x103: {  	[tilespmem:s28+$0x4100] =	vst v51;
	v13 =	vmul.f32 v12, v13  }
0x104: {  	v11 =	vmul.f32 v12, v14;
	[tilespmem:s12+$0x3400] =	vst v15  }
0x105: {  	v12 =	vsub.f32 $0.0e+00, v15;
	[tilespmem:s12+$0x2700] =	vst v13  }
0x106: {  	v13 =	vsub.f32 $0.0e+00, v13;
	[tilespmem:s12+$0x2D80] =	vst v11  }
0x107: {  	v14 =	vsub.f32 $0.0e+00, v11;
	[tilespmem:s12+$0x4780] =	vst v12  }
0x108: {  	[tilespmem:s12+$0x3A80] =	vst v13  }
0x109: {  	[tilespmem:s12+$0x4100] =	vst v14;
	s12 =	simm.s32 $0x3A80  }
0x10a: {  	[spmem:s3] =	stream.indirect.scatter.add.f32 [tilespmem:s12], [sflag:$0x2], $0x1, s8, s26, $0xb8;
	[tilespmem:$0x1ACC0] =	vst v63  }
0x10b: {  	s14 =	simm.s32 $0x4100  }
0x10c: {  	[spmem:s4] =	stream.indirect.scatter.add.f32 [tilespmem:s14], [sflag:$0x2], $0x1, s8, s26, $0xb8;
	[tilespmem:$0x1ACC0] =	vst v63  }
0x10d: {  	s15 =	simm.s32 $0x4780  }
0x10e: {  	[spmem:s5] =	stream.indirect.scatter.add.f32 [tilespmem:s15], [sflag:$0x2], $0x1, s8, s26, $0xb8;
	[tilespmem:$0x1ACC0] =	vst v63  }
0x10f: {  	s16 =	simm.s32 $0x2700  }
0x110: {  	[spmem:s3] =	stream.indirect.scatter.add.f32 [tilespmem:s16], [sflag:$0x2], $0x1, s13, s26, $0xb8;
	[tilespmem:$0x1ACC0] =	vst v63  }
0x111: {  	s28 =	simm.s32 $0x2D80  }
0x112: {  	[spmem:s4] =	stream.indirect.scatter.add.f32 [tilespmem:s28], [sflag:$0x2], $0x1, s13, s26, $0xb8;
	[tilespmem:$0x1ACC0] =	vst v63  }
0x113: {  	_ = 	snop  }
0x114: {  	[spmem:s5] =	stream.indirect.scatter.add.f32 [tilespmem:s19], [sflag:$0x2], $0x1, s13, s26, $0xb8;
	[tilespmem:$0x1ACC0] =	vst v63  }
0x115: {  	_ =	swait.ge [sflag:s20], $0x640  }
0x116: {  	[sflag:s20] =	ssyncset.done $0x0  }
0x117: {  	s31 =	simm.s32 $0x0;
	[sflag:s20] =	ssyncadd.s32 $0xFFFFF9C0  }
0x118: {  	v11 =	vld [tilespmem:s31+$0x0];
	_ =	sdelay $0x2  }
0x119: {  	v12 =	vld [tilespmem:s31+$0x3A80]  }
0x11a: {  	v13 =	vld [tilespmem:s31+$0x680]  }
0x11b: {  	v11 =	vshll.u32 v11, $0x3  }
0x11c: {  	v14 =	vld [tilespmem:s31+$0x4100];
	v15 =	vor.u32 v2, v11;
	_ =	sdelay $0x1  }
0x11d: {  	v52 =	vld [tilespmem:s31+$0x4780];
	v53 =	vadd.s32 v3, v11  }
0x11e: {  	v54 =	vld [tilespmem:s31+$0x1380];
	v55 =	vmul.f32 v12, v13  }
0x11f: {  	v56 =	vld [tilespmem:s31+$0xD00];
	v57 =	vadd.s32 v4, v11  }
0x120: {  	v58 =	vmul.f32 v14, v13;
	[tilespmem:v15+s21+$0x0] =	vst.idx.add.f32.msk $0xff, v55  }
0x121: {  	[tilespmem:v15+s21+$0x0] =	vst.idx.add.f32.msk vm0, v55;
	v15 =	vadd.s32 v5, v11  }
0x122: {  	v13 =	vmul.f32 v52, v13;
	[tilespmem:v53+s21+$0x0] =	vst.idx.add.f32.msk $0xff, v58  }
0x123: {  	v59 =	vadd.s32 v6, v11;
	[tilespmem:v53+s21+$0x0] =	vst.idx.add.f32.msk vm0, v58  }
0x124: {  	v60 =	vmul.f32 v12, v56;
	[tilespmem:v57+s21+$0x0] =	vst.idx.add.f32.msk $0xff, v13  }
0x125: {  	[tilespmem:v57+s21+$0x0] =	vst.idx.add.f32.msk vm0, v13;
	v13 =	vadd.s32 v7, v11  }
0x126: {  	v61 =	vmul.f32 v14, v56;
	[tilespmem:v15+s21+$0x0] =	vst.idx.add.f32.msk $0xff, v60  }
0x127: {  	[tilespmem:v15+s21+$0x0] =	vst.idx.add.f32.msk vm0, v60;
	v15 =	vadd.s32 v8, v11  }
0x128: {  	v62 =	vmul.f32 v52, v56;
	[tilespmem:v59+s21+$0x0] =	vst.idx.add.f32.msk $0xff, v61  }
0x129: {  	v63 =	vadd.s32 v9, v11;
	[tilespmem:v59+s21+$0x0] =	vst.idx.add.f32.msk vm0, v61  }
0x12a: {  	v12 =	vmul.f32 v12, v54;
	[tilespmem:v13+s21+$0x0] =	vst.idx.add.f32.msk $0xff, v62  }
0x12b: {  	v11 =	vadd.s32 v10, v11;
	[tilespmem:v13+s21+$0x0] =	vst.idx.add.f32.msk vm0, v62  }
0x12c: {  	v13 =	vmul.f32 v14, v54;
	[tilespmem:v15+s21+$0x0] =	vst.idx.add.f32.msk $0xff, v12  }
0x12d: {  	[tilespmem:v15+s21+$0x0] =	vst.idx.add.f32.msk vm0, v12  }
0x12e: {  	v12 =	vmul.f32 v52, v54;
	[tilespmem:v63+s21+$0x0] =	vst.idx.add.f32.msk $0xff, v13  }
0x12f: {  	[tilespmem:v63+s21+$0x0] =	vst.idx.add.f32.msk vm0, v13  }
0x130: {  	s11 =	simm.s32 $0x40;
	s12 =	simm.s32 $0x80;
	[tilespmem:v11+s21+$0x0] =	vst.idx.add.f32.msk $0xff, v12  }
.LBB2_15:
0x131: {  	p0 =	sne.s32 s12, $0x18C0  }
0x132: {  	s14 =	sshra.s32 s11, $0x2;
	[tilespmem:v11+s21+$0x0] =	vst.idx.add.f32.msk vm0, v12;
	s11 =	smov.u32 s12;
	s12 =	sadd.s32 $0x40, s12  }
0x133: {  	v11 =	vld [tilespmem:s14+$0x0];
	_ =	sdelay $0x2  }
0x134: {  	v12 =	vld [tilespmem:s14+$0x3A80]  }
0x135: {  	v13 =	vld [tilespmem:s14+$0x680]  }
0x136: {  	v11 =	vshll.u32 v11, $0x3  }
0x137: {  	v14 =	vld [tilespmem:s14+$0x4100];
	v15 =	vor.u32 v2, v11;
	_ =	sdelay $0x1  }
0x138: {  	v17 =	vadd.s32 v3, v11;
	v16 =	vld [tilespmem:s14+$0x4780]  }
0x139: {  	v18 =	vld [tilespmem:s14+$0x1380];
	v19 =	vmul.f32 v12, v13  }
0x13a: {  	v21 =	vadd.s32 v4, v11;
	v20 =	vld [tilespmem:s14+$0xD00]  }
0x13b: {  	[tilespmem:v15+s21+$0x0] =	vst.idx.add.f32.msk $0xff, v19;
	v22 =	vmul.f32 v14, v13  }
0x13c: {  	[tilespmem:v15+s21+$0x0] =	vst.idx.add.f32.msk vm0, v19;
	v15 =	vadd.s32 v5, v11  }
0x13d: {  	[tilespmem:v17+s21+$0x0] =	vst.idx.add.f32.msk $0xff, v22;
	v13 =	vmul.f32 v16, v13  }
0x13e: {  	[tilespmem:v17+s21+$0x0] =	vst.idx.add.f32.msk vm0, v22;
	v17 =	vadd.s32 v6, v11  }
0x13f: {  	[tilespmem:v21+s21+$0x0] =	vst.idx.add.f32.msk $0xff, v13;
	v19 =	vmul.f32 v12, v20  }
0x140: {  	[tilespmem:v21+s21+$0x0] =	vst.idx.add.f32.msk vm0, v13;
	v13 =	vadd.s32 v7, v11  }
0x141: {  	v21 =	vmul.f32 v14, v20;
	[tilespmem:v15+s21+$0x0] =	vst.idx.add.f32.msk $0xff, v19  }
0x142: {  	[tilespmem:v15+s21+$0x0] =	vst.idx.add.f32.msk vm0, v19;
	v15 =	vadd.s32 v8, v11  }
0x143: {  	v19 =	vmul.f32 v16, v20;
	[tilespmem:v17+s21+$0x0] =	vst.idx.add.f32.msk $0xff, v21  }
0x144: {  	[tilespmem:v17+s21+$0x0] =	vst.idx.add.f32.msk vm0, v21;
	v17 =	vadd.s32 v9, v11  }
0x145: {  	v12 =	vmul.f32 v12, v18;
	[tilespmem:v13+s21+$0x0] =	vst.idx.add.f32.msk $0xff, v19  }
0x146: {  	v11 =	vadd.s32 v10, v11;
	[tilespmem:v13+s21+$0x0] =	vst.idx.add.f32.msk vm0, v19  }
.Ltmp4:
0x147: {  	v13 =	vmul.f32 v14, v18;
	[tilespmem:v15+s21+$0x0] =	vst.idx.add.f32.msk $0xff, v12;
	(pc) =	sbr.rel @p0 .LBB2_15-.Ltmp4, $4  }
0x148: {  	[tilespmem:v15+s21+$0x0] =	vst.idx.add.f32.msk vm0, v12  }
0x149: {  	v12 =	vmul.f32 v16, v18;
	[tilespmem:v17+s21+$0x0] =	vst.idx.add.f32.msk $0xff, v13  }
0x14a: {  	[tilespmem:v17+s21+$0x0] =	vst.idx.add.f32.msk vm0, v13  }
0x14b: {  	[tilespmem:v11+s21+$0x0] =	vst.idx.add.f32.msk $0xff, v12  }
0x14c: {  	_ =	sdelay $0x4  }
0x14d: {  	s11 =	sshra.s32 s11, $0x2;
	[tilespmem:v11+s21+$0x0] =	vst.idx.add.f32.msk vm0, v12  }
0x14e: {  	v11 =	vld [tilespmem:s11+$0x0];
	_ =	sdelay $0x2  }
0x14f: {  	v12 =	vld [tilespmem:s11+$0x3A80]  }
0x150: {  	v13 =	vld [tilespmem:s11+$0x680]  }
0x151: {  	v11 =	vshll.u32 v11, $0x3  }
0x152: {  	v14 =	vld [tilespmem:s11+$0x4100];
	v15 =	vor.u32 v2, v11;
	_ =	sdelay $0x1  }
0x153: {  	v16 =	vld [tilespmem:s11+$0x4780];
	v17 =	vadd.s32 v3, v11  }
0x154: {  	v18 =	vld [tilespmem:s11+$0x1380];
	v19 =	vmul.f32 v12, v13  }
0x155: {  	v20 =	vld [tilespmem:s11+$0xD00];
	v21 =	vadd.s32 v4, v11  }
0x156: {  	v22 =	vmul.f32 v14, v13;
	[tilespmem:v15+s21+$0x0] =	vst.idx.add.f32.msk $0xff, v19  }
0x157: {  	v54 =	vadd.s32 v5, v11;
	[tilespmem:v15+s21+$0x0] =	vst.idx.add.f32.msk vm0, v19  }
0x158: {  	v13 =	vmul.f32 v16, v13;
	[tilespmem:v17+s21+$0x0] =	vst.idx.add.f32.msk $0xff, v22  }
0x159: {  	v55 =	vadd.s32 v6, v11;
	[tilespmem:v17+s21+$0x0] =	vst.idx.add.f32.msk vm0, v22  }
0x15a: {  	v56 =	vmul.f32 v12, v20;
	[tilespmem:v21+s21+$0x0] =	vst.idx.add.f32.msk $0xff, v13  }
0x15b: {  	v57 =	vadd.s32 v7, v11;
	[tilespmem:v21+s21+$0x0] =	vst.idx.add.f32.msk vm0, v13  }
0x15c: {  	v58 =	vmul.f32 v14, v20;
	[tilespmem:v54+s21+$0x0] =	vst.idx.add.f32.msk $0xff, v56  }
0x15d: {  	v59 =	vadd.s32 v8, v11;
	[tilespmem:v54+s21+$0x0] =	vst.idx.add.f32.msk vm0, v56  }
0x15e: {  	v60 =	vmul.f32 v16, v20;
	[tilespmem:v55+s21+$0x0] =	vst.idx.add.f32.msk $0xff, v58  }
0x15f: {  	v61 =	vadd.s32 v9, v11;
	[tilespmem:v55+s21+$0x0] =	vst.idx.add.f32.msk vm0, v58  }
0x160: {  	v12 =	vmul.f32 v12, v18;
	[tilespmem:v57+s21+$0x0] =	vst.idx.add.f32.msk $0xff, v60  }
0x161: {  	v11 =	vadd.s32 v10, v11;
	[tilespmem:v57+s21+$0x0] =	vst.idx.add.f32.msk vm0, v60  }
0x162: {  	v62 =	vmul.f32 v14, v18;
	[tilespmem:v59+s21+$0x0] =	vst.idx.add.f32.msk $0xff, v12  }
.Ltmp5:
0x163: {  	[tilespmem:v59+s21+$0x0] =	vst.idx.add.f32.msk vm0, v12;
	(pc) =	sbr.rel .LBB2_17-.Ltmp5, $4  }
0x164: {  	v63 =	vmul.f32 v16, v18;
	[tilespmem:v61+s21+$0x0] =	vst.idx.add.f32.msk $0xff, v62  }
0x165: {  	[tilespmem:v61+s21+$0x0] =	vst.idx.add.f32.msk vm0, v62  }
0x166: {  	[tilespmem:v11+s21+$0x0] =	vst.idx.add.f32.msk $0xff, v63  }
0x167: {  	[tilespmem:v11+s21+$0x0] =	vst.idx.add.f32.msk vm0, v63  }
.LBB2_7:
0x168: {  	s11 =	sld [smem:$0x7E8];
	_ =	sdelay $0x1  }
0x169: {  	s9 =	simm.s32 $0x0;
	s12 =	simm.s32 $0x4E00;
	s15 =	sld [smem:$0x7E9]  }
0x16a: {  	[tilespmem:s12], [sflag:$0x3] =	stream.linear.gather [hbm4b:s11+s9], $0x640, $0x38;
	[tilespmem:$0x1ACC0] =	vst v63  }
0x16b: {  	s16 =	simm.s32 $0x5480;
	s12 =	sld [smem:$0x7EA]  }
0x16c: {  	[tilespmem:s16], [sflag:$0x3] =	stream.linear.gather [hbm4b:s15+s9], $0x640, $0x38;
	[tilespmem:$0x1ACC0] =	vst v63  }
0x16d: {  	s14 =	simm.s32 $0x5B00;
	s15 =	sld [smem:$0x7EB]  }
0x16e: {  	[tilespmem:s14], [sflag:$0x3] =	stream.linear.gather [hbm4b:s12+s9], $0x640, $0x38;
	[tilespmem:$0x1ACC0] =	vst v63  }
0x16f: {  	s16 =	sld [smem:$0x7EC]  }
0x170: {  	[tilespmem:s24], [sflag:$0x3] =	stream.linear.gather [hbm4b:s15+s9], $0x640, $0x38;
	[tilespmem:$0x1ACC0] =	vst v63  }
0x171: {  	_ = 	snop  }
0x172: {  	[tilespmem:s25], [sflag:$0x3] =	stream.linear.gather [hbm4b:s16+s9], $0x640, $0x38;
	[tilespmem:$0x1ACC0] =	vst v63  }
0x173: {  	s31 =	simm.s32 $0x0  }
0x174: {  	[tilespmem:s9], [sflag:$0x1] =	stream.indirect.gather [spmem:s17], $0x1, s8, s26, $0xb8;
	[tilespmem:$0x1ACC0] =	vst v63  }
0x175: {  	v23 =	vld [tilespmem:s31+$0x680]  }
0x176: {  	v25 =	vld [tilespmem:s31+$0xD00];
	_ =	sdelay $0x1  }
0x177: {  	v18 =	vld [tilespmem:s31+$0x1380];
	_ =	sdelay $0x2  }
0x178: {  	v11 =	vmul.f32 v23, v23;
	v12 =	vmul.f32 v25, v25  }
0x179: {  	s28 =	simm.s32 $0x10  }
0x17a: {  	v22 =	vld [tilespmem:s28+$0xD00];
	v13 =	vmul.f32 v18, v18;
	v11 =	vadd.f32 v12, v11  }
0x17b: {  	v20 =	vld [tilespmem:s28+$0x680]  }
0x17c: {  	s9 =	simm.s32 $0x20;
	v21 =	vld [tilespmem:s28+$0x1380];
	v11 =	vadd.f32 v13, v11  }
0x17d: {  	v17 =	vld [tilespmem:s9+$0xD00]  }
0x17e: {  	v12 =	vld [tilespmem:s9+$0x680];
	v11 =	vmul.f32 $-5.000000000e-01, v11  }
0x17f: {  	v14 =	vmul.f32 v22, v22  }
0x180: {  	v19 =	vld [tilespmem:s9+$0x1380];
	v13 =	vmul.f32 v20, v20;
	v11 =	vmul.f32 $1.442695020e+00, v11;
	_ =	sdelay $0x1  }
0x181: {  	v13 =	vadd.f32 v14, v13;
	(erf) = vpow2.f32 v11;
	v11 =	vmul.f32 v21, v21  }
0x182: {  	v24 =	vmul.f32 v17, v17;
	v14 =	vmul.f32 v12, v12  }
0x183: {  	v13 =	vadd.f32 v11, v13  }
0x184: {  	s12 =	simm.s32 $0x30;
	v26 =	vmul.f32 v19, v19;
	v14 =	vadd.f32 v24, v14  }
0x185: {  	v16 =	vld [tilespmem:s12+$0x680];
	v13 =	vmul.f32 $-5.000000000e-01, v13  }
0x186: {  	v14 =	vadd.f32 v26, v14;
	v11 =	vld [tilespmem:s12+$0xD00]  }
0x187: {  	v13 =	vmul.f32 $1.442695020e+00, v13  }
0x188: {  	v15 =	vld [tilespmem:s12+$0x1380];
	v27 =	vmul.f32 $-5.000000000e-01, v14  }
0x189: {  	(erf) = vpow2.f32 v13  }
0x18a: {  	s11 =	simm.s32 $0x40;
	v27 =	vmul.f32 $1.442695020e+00, v27  }
0x18b: {  	v24 =	vmul.f32 v16, v16;
	v26 =	vmul.f32 v11, v11;
	v13 =	vld [tilespmem:s11+$0x680]  }
0x18c: {  	v14 =	vld [tilespmem:s11+$0xD00];
	v29 =	vpop (erf);
	(erf) = vpow2.f32 v27  }
0x18d: {  	v28 =	vmul.f32 v15, v15;
	v26 =	vadd.f32 v26, v24;
	v30 =	vmul.f32 v29, v18;
	v18 =	vld [tilespmem:s11+$0x1380]  }
0x18e: {  	v24 =	vmul.f32 v29, v23;
	v23 =	vmul.f32 v29, v25  }
0x18f: {  	s14 =	simm.s32 $0x140;
	v25 =	vadd.f32 v28, v26;
	[tilespmem:s31+$0x3400] =	vst v30;
	v26 =	vsub.f32 $0.0e+00, v30  }
.LBB2_8:
0x190: {  	s15 =	sshra.s32 s14, $0x2;
	v27 =	vmul.f32 v13, v13;
	[tilespmem:s31+$0x2700] =	vst v24;
	v24 =	vsub.f32 $0.0e+00, v24;
	v28 =	vsub.f32 $0.0e+00, v23;
	v29 =	vmovc v13;
	v30 =	vmovc v17;
	p0 =	sne.s32 s14, $0x18C0  }
.Ltmp6:
0x191: {  	s14 =	sadd.s32 $0x40, s14;
	v17 =	vmovc v11;
	v13 =	vld [tilespmem:s15+$0x680];
	v31 =	vmul.f32 v14, v14;
	v25 =	vmul.f32 $-5.000000000e-01, v25;
	[tilespmem:s31+$0x4780] =	vst v26;
	v11 =	vmovc v14;
	v26 =	vmov v19;
	(pc) =	sbr.rel @p0 .LBB2_8-.Ltmp6, $4  }
0x192: {  	v19 =	vmov v15;
	v14 =	vld [tilespmem:s15+$0xD00];
	v32 =	vmul.f32 v18, v18;
	v33 =	vpop (erf);
	[tilespmem:s31+$0x3A80] =	vst v24;
	v15 =	vmov v18  }
0x193: {  	v18 =	vld [tilespmem:s15+$0x1380];
	v27 =	vadd.f32 v31, v27;
	v31 =	vmul.f32 $1.442695020e+00, v25;
	v34 =	vmul.f32 v33, v21;
	[tilespmem:s31+$0x4100] =	vst v28;
	v21 =	vmovc v26  }
0x194: {  	v24 =	vmul.f32 v33, v20;
	v20 =	vmovc v12;
	v12 =	vmov v16;
	[tilespmem:s31+$0x2D80] =	vst v23;
	v23 =	vmul.f32 v33, v22;
	s31 =	smov.u32 s28;
	s28 =	smov.u32 s9;
	s9 =	smov.u32 s12  }
0x195: {  	v16 =	vmovc v29;
	v22 =	vmovc v30;
	s12 =	smov.u32 s11;
	s11 =	smov.u32 s15;
	v25 =	vadd.f32 v32, v27;
	(erf) = vpow2.f32 v31;
	[tilespmem:s31+$0x3400] =	vst v34;
	v26 =	vsub.f32 $0.0e+00, v34  }
0x196: {  	[tilespmem:s31+$0x2700] =	vst v24  }
0x197: {  	v42 =	vsub.f32 $0.0e+00, v24;
	[tilespmem:s31+$0x2D80] =	vst v23;
	v25 =	vmul.f32 $-5.000000000e-01, v25  }
0x198: {  	v27 =	vmul.f32 v13, v13;
	v28 =	vsub.f32 $0.0e+00, v23;
	v30 =	vpop (erf);
	v29 =	vmul.f32 v14, v14;
	[tilespmem:s31+$0x4780] =	vst v26  }
0x199: {  	v21 =	vmul.f32 v30, v21;
	[tilespmem:s31+$0x3A80] =	vst v42;
	v25 =	vmul.f32 $1.442695020e+00, v25  }
0x19a: {  	v20 =	vmul.f32 v30, v20;
	v43 =	vmul.f32 v18, v18;
	[tilespmem:s31+$0x4100] =	vst v28;
	v44 =	vadd.f32 v29, v27  }
0x19b: {  	v22 =	vmul.f32 v30, v22;
	[tilespmem:s28+$0x3400] =	vst v21;
	(erf) = vpow2.f32 v25  }
0x19c: {  	v21 =	vsub.f32 $0.0e+00, v21;
	[tilespmem:s28+$0x2700] =	vst v20;
	v45 =	vadd.f32 v43, v44  }
0x19d: {  	v20 =	vsub.f32 $0.0e+00, v20;
	[tilespmem:s28+$0x2D80] =	vst v22  }
0x19e: {  	v46 =	vsub.f32 $0.0e+00, v22;
	[tilespmem:s28+$0x4780] =	vst v21;
	v23 =	vmul.f32 $-5.000000000e-01, v45;
	v47 =	vpop (erf)  }
0x19f: {  	[tilespmem:s28+$0x3A80] =	vst v20;
	v19 =	vmul.f32 v47, v19  }
0x1a0: {  	[tilespmem:s28+$0x4100] =	vst v46;
	v48 =	vmul.f32 $1.442695020e+00, v23;
	v12 =	vmul.f32 v47, v12  }
0x1a1: {  	v17 =	vmul.f32 v47, v17;
	[tilespmem:s9+$0x3400] =	vst v19  }
0x1a2: {  	(erf) = vpow2.f32 v48;
	v19 =	vsub.f32 $0.0e+00, v19;
	[tilespmem:s9+$0x2700] =	vst v12  }
0x1a3: {  	v12 =	vsub.f32 $0.0e+00, v12;
	[tilespmem:s9+$0x2D80] =	vst v17  }
0x1a4: {  	v49 =	vsub.f32 $0.0e+00, v17;
	[tilespmem:s9+$0x4780] =	vst v19;
	v50 =	vpop (erf)  }
0x1a5: {  	[tilespmem:s9+$0x3A80] =	vst v12;
	v12 =	vmul.f32 v50, v15  }
0x1a6: {  	[tilespmem:s9+$0x4100] =	vst v49  }
0x1a7: {  	v15 =	vmul.f32 v50, v16;
	[tilespmem:s12+$0x3400] =	vst v12;
	v12 =	vsub.f32 $0.0e+00, v12  }
0x1a8: {  	v11 =	vmul.f32 v50, v11  }
0x1a9: {  	[tilespmem:s12+$0x2700] =	vst v15  }
0x1aa: {  	v15 =	vsub.f32 $0.0e+00, v15;
	[tilespmem:s12+$0x2D80] =	vst v11  }
0x1ab: {  	v51 =	vsub.f32 $0.0e+00, v11;
	[tilespmem:s12+$0x4780] =	vst v12;
	v12 =	vpop (erf)  }
0x1ac: {  	[tilespmem:s12+$0x3A80] =	vst v15;
	v15 =	vmul.f32 v12, v18  }
0x1ad: {  	[tilespmem:s12+$0x4100] =	vst v51;
	v13 =	vmul.f32 v12, v13  }
0x1ae: {  	v11 =	vmul.f32 v12, v14;
	[tilespmem:s11+$0x3400] =	vst v15  }
0x1af: {  	v12 =	vsub.f32 $0.0e+00, v15;
	[tilespmem:s11+$0x2700] =	vst v13  }
0x1b0: {  	v13 =	vsub.f32 $0.0e+00, v13;
	[tilespmem:s11+$0x2D80] =	vst v11  }
0x1b1: {  	v14 =	vsub.f32 $0.0e+00, v11;
	[tilespmem:s11+$0x4780] =	vst v12  }
0x1b2: {  	[tilespmem:s11+$0x3A80] =	vst v13  }
0x1b3: {  	s12 =	simm.s32 $0x3A80;
	[tilespmem:s11+$0x4100] =	vst v14  }
0x1b4: {  	[spmem:s3] =	stream.indirect.scatter.add.f32 [tilespmem:s12], [sflag:$0x2], $0x1, s8, s26, $0xb8;
	[tilespmem:$0x1ACC0] =	vst v63  }
0x1b5: {  	s14 =	simm.s32 $0x4100  }
0x1b6: {  	[spmem:s4] =	stream.indirect.scatter.add.f32 [tilespmem:s14], [sflag:$0x2], $0x1, s8, s26, $0xb8;
	[tilespmem:$0x1ACC0] =	vst v63  }
0x1b7: {  	s15 =	simm.s32 $0x4780  }
0x1b8: {  	[spmem:s5] =	stream.indirect.scatter.add.f32 [tilespmem:s15], [sflag:$0x2], $0x1, s8, s26, $0xb8;
	[tilespmem:$0x1ACC0] =	vst v63  }
0x1b9: {  	s16 =	simm.s32 $0x2700  }
0x1ba: {  	[spmem:s3] =	stream.indirect.scatter.add.f32 [tilespmem:s16], [sflag:$0x2], $0x1, s13, s26, $0xb8;
	[tilespmem:$0x1ACC0] =	vst v63  }
0x1bb: {  	s28 =	simm.s32 $0x2D80  }
0x1bc: {  	[spmem:s4] =	stream.indirect.scatter.add.f32 [tilespmem:s28], [sflag:$0x2], $0x1, s13, s26, $0xb8;
	[tilespmem:$0x1ACC0] =	vst v63  }
0x1bd: {  	_ = 	snop  }
0x1be: {  	[spmem:s5] =	stream.indirect.scatter.add.f32 [tilespmem:s19], [sflag:$0x2], $0x1, s13, s26, $0xb8;
	[tilespmem:$0x1ACC0] =	vst v63  }
0x1bf: {  	_ =	swait.ge [sflag:s20], $0x640  }
0x1c0: {  	[sflag:s20] =	ssyncset.done $0x0  }
0x1c1: {  	s31 =	simm.s32 $0x0;
	[sflag:s20] =	ssyncadd.s32 $0xFFFFF9C0  }
0x1c2: {  	v11 =	vld [tilespmem:s31+$0x0];
	_ =	sdelay $0x2  }
0x1c3: {  	v12 =	vld [tilespmem:s31+$0x3A80]  }
0x1c4: {  	v13 =	vld [tilespmem:s31+$0x680]  }
0x1c5: {  	v11 =	vshll.u32 v11, $0x3  }
0x1c6: {  	v14 =	vld [tilespmem:s31+$0x4100];
	v15 =	vor.u32 v2, v11;
	_ =	sdelay $0x1  }
0x1c7: {  	v52 =	vld [tilespmem:s31+$0x4780];
	v53 =	vadd.s32 v3, v11  }
0x1c8: {  	v54 =	vld [tilespmem:s31+$0x1380];
	v55 =	vmul.f32 v12, v13  }
0x1c9: {  	v56 =	vld [tilespmem:s31+$0xD00];
	v57 =	vadd.s32 v4, v11  }
0x1ca: {  	v58 =	vmul.f32 v14, v13;
	[tilespmem:v15+s21+$0x0] =	vst.idx.add.f32.msk $0xff, v55  }
0x1cb: {  	[tilespmem:v15+s21+$0x0] =	vst.idx.add.f32.msk vm0, v55;
	v15 =	vadd.s32 v5, v11  }
0x1cc: {  	v13 =	vmul.f32 v52, v13;
	[tilespmem:v53+s21+$0x0] =	vst.idx.add.f32.msk $0xff, v58  }
0x1cd: {  	v59 =	vadd.s32 v6, v11;
	[tilespmem:v53+s21+$0x0] =	vst.idx.add.f32.msk vm0, v58  }
0x1ce: {  	v60 =	vmul.f32 v12, v56;
	[tilespmem:v57+s21+$0x0] =	vst.idx.add.f32.msk $0xff, v13  }
0x1cf: {  	[tilespmem:v57+s21+$0x0] =	vst.idx.add.f32.msk vm0, v13;
	v13 =	vadd.s32 v7, v11  }
0x1d0: {  	v61 =	vmul.f32 v14, v56;
	[tilespmem:v15+s21+$0x0] =	vst.idx.add.f32.msk $0xff, v60  }
0x1d1: {  	[tilespmem:v15+s21+$0x0] =	vst.idx.add.f32.msk vm0, v60;
	v15 =	vadd.s32 v8, v11  }
0x1d2: {  	v62 =	vmul.f32 v52, v56;
	[tilespmem:v59+s21+$0x0] =	vst.idx.add.f32.msk $0xff, v61  }
0x1d3: {  	v63 =	vadd.s32 v9, v11;
	[tilespmem:v59+s21+$0x0] =	vst.idx.add.f32.msk vm0, v61  }
0x1d4: {  	v12 =	vmul.f32 v12, v54;
	[tilespmem:v13+s21+$0x0] =	vst.idx.add.f32.msk $0xff, v62  }
0x1d5: {  	v11 =	vadd.s32 v10, v11;
	[tilespmem:v13+s21+$0x0] =	vst.idx.add.f32.msk vm0, v62  }
0x1d6: {  	v13 =	vmul.f32 v14, v54;
	[tilespmem:v15+s21+$0x0] =	vst.idx.add.f32.msk $0xff, v12  }
0x1d7: {  	[tilespmem:v15+s21+$0x0] =	vst.idx.add.f32.msk vm0, v12  }
0x1d8: {  	v12 =	vmul.f32 v52, v54;
	[tilespmem:v63+s21+$0x0] =	vst.idx.add.f32.msk $0xff, v13  }
0x1d9: {  	[tilespmem:v63+s21+$0x0] =	vst.idx.add.f32.msk vm0, v13  }
0x1da: {  	s9 =	simm.s32 $0x0;
	s11 =	simm.s32 $0x40;
	s12 =	simm.s32 $0x80;
	[tilespmem:v11+s21+$0x0] =	vst.idx.add.f32.msk $0xff, v12  }
.LBB2_10:
0x1db: {  	p0 =	seq.s32 s12, $0x18C0  }
0x1dc: {  	s14 =	sshra.s32 s11, $0x2;
	[tilespmem:v11+s21+$0x0] =	vst.idx.add.f32.msk vm0, v12;
	s11 =	smov.u32 s12;
	s12 =	sadd.s32 $0x40, s12  }
0x1dd: {  	v11 =	vld [tilespmem:s14+$0x0];
	_ =	sdelay $0x2  }
0x1de: {  	v12 =	vld [tilespmem:s14+$0x3A80]  }
0x1df: {  	v13 =	vld [tilespmem:s14+$0x680]  }
0x1e0: {  	v11 =	vshll.u32 v11, $0x3  }
0x1e1: {  	v14 =	vld [tilespmem:s14+$0x4100];
	v15 =	vor.u32 v2, v11;
	_ =	sdelay $0x1  }
0x1e2: {  	v17 =	vadd.s32 v3, v11;
	v16 =	vld [tilespmem:s14+$0x4780]  }
0x1e3: {  	v18 =	vld [tilespmem:s14+$0x1380];
	v19 =	vmul.f32 v12, v13  }
0x1e4: {  	v21 =	vadd.s32 v4, v11;
	v20 =	vld [tilespmem:s14+$0xD00]  }
0x1e5: {  	[tilespmem:v15+s21+$0x0] =	vst.idx.add.f32.msk $0xff, v19;
	v22 =	vmul.f32 v14, v13  }
0x1e6: {  	[tilespmem:v15+s21+$0x0] =	vst.idx.add.f32.msk vm0, v19;
	v15 =	vadd.s32 v5, v11  }
0x1e7: {  	[tilespmem:v17+s21+$0x0] =	vst.idx.add.f32.msk $0xff, v22;
	v13 =	vmul.f32 v16, v13  }
0x1e8: {  	[tilespmem:v17+s21+$0x0] =	vst.idx.add.f32.msk vm0, v22;
	v17 =	vadd.s32 v6, v11  }
0x1e9: {  	[tilespmem:v21+s21+$0x0] =	vst.idx.add.f32.msk $0xff, v13;
	v19 =	vmul.f32 v12, v20  }
0x1ea: {  	[tilespmem:v21+s21+$0x0] =	vst.idx.add.f32.msk vm0, v13;
	v13 =	vadd.s32 v7, v11  }
0x1eb: {  	v21 =	vmul.f32 v14, v20;
	[tilespmem:v15+s21+$0x0] =	vst.idx.add.f32.msk $0xff, v19  }
0x1ec: {  	[tilespmem:v15+s21+$0x0] =	vst.idx.add.f32.msk vm0, v19;
	v15 =	vadd.s32 v8, v11  }
0x1ed: {  	v19 =	vmul.f32 v16, v20;
	[tilespmem:v17+s21+$0x0] =	vst.idx.add.f32.msk $0xff, v21  }
0x1ee: {  	[tilespmem:v17+s21+$0x0] =	vst.idx.add.f32.msk vm0, v21;
	v17 =	vadd.s32 v9, v11  }
0x1ef: {  	v12 =	vmul.f32 v12, v18;
	[tilespmem:v13+s21+$0x0] =	vst.idx.add.f32.msk $0xff, v19  }
0x1f0: {  	v11 =	vadd.s32 v10, v11;
	[tilespmem:v13+s21+$0x0] =	vst.idx.add.f32.msk vm0, v19  }
.Ltmp7:
0x1f1: {  	v13 =	vmul.f32 v14, v18;
	[tilespmem:v15+s21+$0x0] =	vst.idx.add.f32.msk $0xff, v12;
	(pc) =	sbr.rel @!p0 .LBB2_10-.Ltmp7, $4  }
0x1f2: {  	[tilespmem:v15+s21+$0x0] =	vst.idx.add.f32.msk vm0, v12  }
0x1f3: {  	v12 =	vmul.f32 v16, v18;
	[tilespmem:v17+s21+$0x0] =	vst.idx.add.f32.msk $0xff, v13  }
0x1f4: {  	[tilespmem:v17+s21+$0x0] =	vst.idx.add.f32.msk vm0, v13  }
0x1f5: {  	[tilespmem:v11+s21+$0x0] =	vst.idx.add.f32.msk $0xff, v12  }
0x1f6: {  	_ =	sdelay $0x4  }
0x1f7: {  	s11 =	sshra.s32 s11, $0x2;
	[tilespmem:v11+s21+$0x0] =	vst.idx.add.f32.msk vm0, v12  }
0x1f8: {  	v11 =	vld [tilespmem:s11+$0x0];
	_ =	sdelay $0x2  }
0x1f9: {  	v12 =	vld [tilespmem:s11+$0x3A80]  }
0x1fa: {  	v13 =	vld [tilespmem:s11+$0x680]  }
0x1fb: {  	v11 =	vshll.u32 v11, $0x3  }
0x1fc: {  	v14 =	vld [tilespmem:s11+$0x4100];
	v15 =	vor.u32 v2, v11;
	_ =	sdelay $0x1  }
0x1fd: {  	v16 =	vld [tilespmem:s11+$0x4780];
	v17 =	vadd.s32 v3, v11  }
0x1fe: {  	v18 =	vld [tilespmem:s11+$0x1380];
	v19 =	vmul.f32 v12, v13  }
0x1ff: {  	v20 =	vld [tilespmem:s11+$0xD00];
	v21 =	vadd.s32 v4, v11  }
0x200: {  	v22 =	vmul.f32 v14, v13;
	[tilespmem:v15+s21+$0x0] =	vst.idx.add.f32.msk $0xff, v19  }
0x201: {  	v54 =	vadd.s32 v5, v11;
	[tilespmem:v15+s21+$0x0] =	vst.idx.add.f32.msk vm0, v19  }
0x202: {  	v13 =	vmul.f32 v16, v13;
	[tilespmem:v17+s21+$0x0] =	vst.idx.add.f32.msk $0xff, v22  }
0x203: {  	v55 =	vadd.s32 v6, v11;
	[tilespmem:v17+s21+$0x0] =	vst.idx.add.f32.msk vm0, v22  }
0x204: {  	v56 =	vmul.f32 v12, v20;
	[tilespmem:v21+s21+$0x0] =	vst.idx.add.f32.msk $0xff, v13  }
0x205: {  	v57 =	vadd.s32 v7, v11;
	[tilespmem:v21+s21+$0x0] =	vst.idx.add.f32.msk vm0, v13  }
0x206: {  	v58 =	vmul.f32 v14, v20;
	[tilespmem:v54+s21+$0x0] =	vst.idx.add.f32.msk $0xff, v56  }
0x207: {  	v59 =	vadd.s32 v8, v11;
	[tilespmem:v54+s21+$0x0] =	vst.idx.add.f32.msk vm0, v56  }
0x208: {  	v60 =	vmul.f32 v16, v20;
	[tilespmem:v55+s21+$0x0] =	vst.idx.add.f32.msk $0xff, v58  }
0x209: {  	v61 =	vadd.s32 v9, v11;
	[tilespmem:v55+s21+$0x0] =	vst.idx.add.f32.msk vm0, v58  }
0x20a: {  	v12 =	vmul.f32 v12, v18;
	[tilespmem:v57+s21+$0x0] =	vst.idx.add.f32.msk $0xff, v60  }
0x20b: {  	v11 =	vadd.s32 v10, v11;
	[tilespmem:v57+s21+$0x0] =	vst.idx.add.f32.msk vm0, v60  }
0x20c: {  	v62 =	vmul.f32 v14, v18;
	[tilespmem:v59+s21+$0x0] =	vst.idx.add.f32.msk $0xff, v12  }
0x20d: {  	[tilespmem:v59+s21+$0x0] =	vst.idx.add.f32.msk vm0, v12  }
0x20e: {  	v63 =	vmul.f32 v16, v18;
	[tilespmem:v61+s21+$0x0] =	vst.idx.add.f32.msk $0xff, v62  }
0x20f: {  	[tilespmem:v61+s21+$0x0] =	vst.idx.add.f32.msk vm0, v62  }
0x210: {  	[tilespmem:v11+s21+$0x0] =	vst.idx.add.f32.msk $0xff, v63  }
0x211: {  	[tilespmem:v11+s21+$0x0] =	vst.idx.add.f32.msk vm0, v63  }
.LBB2_17:
0x212: {  	_ =	swait.ge [sflag:s30], $0x640  }
0x213: {  	[sflag:s30] =	ssyncset.done $0x0  }
0x214: {  	[sflag:s30] =	ssyncadd.s32 $0xFFFFF9C0  }
0x215: {  	_ =	swait.ge [sflag:s30], $0x640  }
0x216: {  	[sflag:s30] =	ssyncset.done $0x0  }
0x217: {  	[sflag:s30] =	ssyncadd.s32 $0xFFFFF9C0  }
0x218: {  	_ =	swait.ge [sflag:s30], $0x640  }
0x219: {  	[sflag:s30] =	ssyncset.done $0x0  }
0x21a: {  	[sflag:s30] =	ssyncadd.s32 $0xFFFFF9C0  }
0x21b: {  	_ =	swait.ge [sflag:s30], $0x640  }
0x21c: {  	[sflag:s30] =	ssyncset.done $0x0  }
0x21d: {  	[sflag:s30] =	ssyncadd.s32 $0xFFFFF9C0  }
0x21e: {  	_ =	swait.ge [sflag:s30], $0x640  }
0x21f: {  	[sflag:s30] =	ssyncset.done $0x0  }
0x220: {  	[sflag:s30] =	ssyncadd.s32 $0xFFFFF9C0  }
0x221: {  	_ =	swait.ge [sflag:s22], $0x640  }
0x222: {  	[sflag:s22] =	ssyncset.done $0x0  }
0x223: {  	[sflag:s22] =	ssyncadd.s32 $0xFFFFF9C0  }
0x224: {  	_ =	swait.ge [sflag:s22], $0x640  }
0x225: {  	[sflag:s22] =	ssyncset.done $0x0  }
0x226: {  	[sflag:s22] =	ssyncadd.s32 $0xFFFFF9C0  }
0x227: {  	_ =	swait.ge [sflag:s22], $0x640  }
0x228: {  	[sflag:s22] =	ssyncset.done $0x0  }
0x229: {  	[sflag:s22] =	ssyncadd.s32 $0xFFFFF9C0  }
0x22a: {  	_ =	swait.ge [sflag:s22], $0x640  }
0x22b: {  	[sflag:s22] =	ssyncset.done $0x0  }
0x22c: {  	[sflag:s22] =	ssyncadd.s32 $0xFFFFF9C0  }
0x22d: {  	_ =	swait.ge [sflag:s22], $0x640  }
0x22e: {  	[sflag:s22] =	ssyncset.done $0x0  }
0x22f: {  	[sflag:s22] =	ssyncadd.s32 $0xFFFFF9C0  }
0x230: {  	s9 =	sadd.s32 s9, s29;
	_ =	swait.ge [sflag:s22], $0x640  }
0x231: {  	s12 =	simm.s32 $0x0;
	s9 =	sshrl.u32 s9, $0x3;
	[sflag:s22] =	ssyncset.done $0x0  }
0x232: {  	s14 =	simm.s32 $0x680;
	s11 =	sadd.s32 s6, s9;
	[sflag:s22] =	ssyncadd.s32 $0xFFFFF9C0  }
0x233: {  	[tilespmem:s14], [sflag:$0x3] =	stream.linear.gather [hbm4b:s11+s12], $0x640, $0x38;
	[tilespmem:$0x1ACC0] =	vst v63  }
0x234: {  	s31 =	simm.s32 $0xD00;
	s16 =	sadd.s32 s7, s9  }
0x235: {  	[tilespmem:s31], [sflag:$0x3] =	stream.linear.gather [hbm4b:s16+s12], $0x640, $0x38;
	[tilespmem:$0x1ACC0] =	vst v63  }
0x236: {  	s15 =	sadd.s32 s0, s9;
	s16 =	simm.s32 $0x1380  }
0x237: {  	[tilespmem:s16], [sflag:$0x3] =	stream.linear.gather [hbm4b:s15+s12], $0x640, $0x38;
	[tilespmem:$0x1ACC0] =	vst v63  }
0x238: {  	s31 =	sadd.s32 s1, s9  }
0x239: {  	[tilespmem:s8], [sflag:$0x3] =	stream.linear.gather [hbm4b:s31+s12], $0x640, $0x38;
	[tilespmem:$0x1ACC0] =	vst v63  }
0x23a: {  	s9 =	sadd.s32 s2, s9  }
0x23b: {  	[tilespmem:s13], [sflag:$0x3] =	stream.linear.gather [hbm4b:s9+s12], $0x640, $0x38;
	[tilespmem:$0x1ACC0] =	vst v63  }
0x23c: {  	s14 =	simm.s32 $0x0  }
0x23d: {  	[tilespmem:s12], [sflag:$0x1] =	stream.indirect.gather [spmem:s17], $0x1, s24, s26, $0xb8;
	[tilespmem:$0x1ACC0] =	vst v63  }
0x23e: {  	v23 =	vld [tilespmem:s14+$0x4E00]  }
0x23f: {  	v25 =	vld [tilespmem:s14+$0x5480];
	_ =	sdelay $0x1  }
0x240: {  	v18 =	vld [tilespmem:s14+$0x5B00];
	_ =	sdelay $0x2  }
0x241: {  	v11 =	vmul.f32 v23, v23;
	v12 =	vmul.f32 v25, v25  }
0x242: {  	s28 =	simm.s32 $0x10  }
0x243: {  	v22 =	vld [tilespmem:s28+$0x5480];
	v13 =	vmul.f32 v18, v18;
	v11 =	vadd.f32 v12, v11  }
0x244: {  	v20 =	vld [tilespmem:s28+$0x4E00]  }
0x245: {  	s9 =	simm.s32 $0x20;
	v21 =	vld [tilespmem:s28+$0x5B00];
	v11 =	vadd.f32 v13, v11  }
0x246: {  	v17 =	vld [tilespmem:s9+$0x5480]  }
0x247: {  	v12 =	vld [tilespmem:s9+$0x4E00];
	v11 =	vmul.f32 $-5.000000000e-01, v11  }
0x248: {  	v14 =	vmul.f32 v22, v22  }
0x249: {  	v19 =	vld [tilespmem:s9+$0x5B00];
	v13 =	vmul.f32 v20, v20;
	v11 =	vmul.f32 $1.442695020e+00, v11;
	_ =	sdelay $0x1  }
0x24a: {  	v13 =	vadd.f32 v14, v13;
	(erf) = vpow2.f32 v11;
	v11 =	vmul.f32 v21, v21  }
0x24b: {  	v24 =	vmul.f32 v17, v17;
	v14 =	vmul.f32 v12, v12  }
0x24c: {  	v13 =	vadd.f32 v11, v13  }
0x24d: {  	s12 =	simm.s32 $0x30;
	v26 =	vmul.f32 v19, v19;
	v14 =	vadd.f32 v24, v14  }
0x24e: {  	v16 =	vld [tilespmem:s12+$0x4E00];
	v13 =	vmul.f32 $-5.000000000e-01, v13  }
0x24f: {  	v14 =	vadd.f32 v26, v14;
	v11 =	vld [tilespmem:s12+$0x5480]  }
0x250: {  	v13 =	vmul.f32 $1.442695020e+00, v13  }
0x251: {  	v15 =	vld [tilespmem:s12+$0x5B00];
	v27 =	vmul.f32 $-5.000000000e-01, v14  }
0x252: {  	(erf) = vpow2.f32 v13  }
0x253: {  	s11 =	simm.s32 $0x40;
	v27 =	vmul.f32 $1.442695020e+00, v27  }
0x254: {  	v24 =	vmul.f32 v16, v16;
	v26 =	vmul.f32 v11, v11;
	v13 =	vld [tilespmem:s11+$0x4E00]  }
0x255: {  	v14 =	vld [tilespmem:s11+$0x5480];
	v29 =	vpop (erf);
	(erf) = vpow2.f32 v27  }
0x256: {  	v28 =	vmul.f32 v15, v15;
	v26 =	vadd.f32 v26, v24;
	v30 =	vmul.f32 v29, v18;
	v18 =	vld [tilespmem:s11+$0x5B00]  }
0x257: {  	v24 =	vmul.f32 v29, v23;
	v23 =	vmul.f32 v29, v25  }
0x258: {  	s15 =	simm.s32 $0x140;
	v25 =	vadd.f32 v28, v26;
	[tilespmem:s14+$0x7B80] =	vst v30;
	v26 =	vsub.f32 $0.0e+00, v30  }
.LBB2_18:
0x259: {  	s16 =	sshra.s32 s15, $0x2;
	v27 =	vmul.f32 v13, v13;
	[tilespmem:s14+$0x6E80] =	vst v24;
	v24 =	vsub.f32 $0.0e+00, v24;
	v28 =	vsub.f32 $0.0e+00, v23;
	v29 =	vmovc v13;
	v30 =	vmovc v17;
	p0 =	sne.s32 s15, $0x18C0  }
.Ltmp8:
0x25a: {  	s15 =	sadd.s32 $0x40, s15;
	v17 =	vmovc v11;
	v13 =	vld [tilespmem:s16+$0x4E00];
	v31 =	vmul.f32 v14, v14;
	v25 =	vmul.f32 $-5.000000000e-01, v25;
	[tilespmem:s14+$0x8F00] =	vst v26;
	v11 =	vmovc v14;
	v26 =	vmov v19;
	(pc) =	sbr.rel @p0 .LBB2_18-.Ltmp8, $4  }
0x25b: {  	v19 =	vmov v15;
	v14 =	vld [tilespmem:s16+$0x5480];
	v32 =	vmul.f32 v18, v18;
	v33 =	vpop (erf);
	[tilespmem:s14+$0x8200] =	vst v24;
	v15 =	vmov v18  }
0x25c: {  	v18 =	vld [tilespmem:s16+$0x5B00];
	v27 =	vadd.f32 v31, v27;
	v31 =	vmul.f32 $1.442695020e+00, v25;
	v34 =	vmul.f32 v33, v21;
	[tilespmem:s14+$0x8880] =	vst v28;
	v21 =	vmovc v26  }
0x25d: {  	v24 =	vmul.f32 v33, v20;
	v20 =	vmovc v12;
	v12 =	vmov v16;
	[tilespmem:s14+$0x7500] =	vst v23;
	v23 =	vmul.f32 v33, v22;
	s14 =	smov.u32 s28;
	s28 =	smov.u32 s9;
	s9 =	smov.u32 s12  }
0x25e: {  	v16 =	vmovc v29;
	v22 =	vmovc v30;
	s12 =	smov.u32 s11;
	s11 =	smov.u32 s16;
	v25 =	vadd.f32 v32, v27;
	(erf) = vpow2.f32 v31;
	[tilespmem:s14+$0x7B80] =	vst v34;
	v26 =	vsub.f32 $0.0e+00, v34  }
0x25f: {  	[tilespmem:s14+$0x6E80] =	vst v24  }
0x260: {  	v42 =	vsub.f32 $0.0e+00, v24;
	[tilespmem:s14+$0x7500] =	vst v23;
	v25 =	vmul.f32 $-5.000000000e-01, v25  }
0x261: {  	v27 =	vmul.f32 v13, v13;
	v28 =	vsub.f32 $0.0e+00, v23;
	v30 =	vpop (erf);
	v29 =	vmul.f32 v14, v14;
	[tilespmem:s14+$0x8F00] =	vst v26  }
0x262: {  	v21 =	vmul.f32 v30, v21;
	[tilespmem:s14+$0x8200] =	vst v42;
	v25 =	vmul.f32 $1.442695020e+00, v25  }
0x263: {  	v20 =	vmul.f32 v30, v20;
	v43 =	vmul.f32 v18, v18;
	[tilespmem:s14+$0x8880] =	vst v28;
	v44 =	vadd.f32 v29, v27  }
0x264: {  	v22 =	vmul.f32 v30, v22;
	[tilespmem:s28+$0x7B80] =	vst v21;
	(erf) = vpow2.f32 v25  }
0x265: {  	v21 =	vsub.f32 $0.0e+00, v21;
	[tilespmem:s28+$0x6E80] =	vst v20;
	v45 =	vadd.f32 v43, v44  }
0x266: {  	v20 =	vsub.f32 $0.0e+00, v20;
	[tilespmem:s28+$0x7500] =	vst v22  }
0x267: {  	v46 =	vsub.f32 $0.0e+00, v22;
	[tilespmem:s28+$0x8F00] =	vst v21;
	v23 =	vmul.f32 $-5.000000000e-01, v45;
	v47 =	vpop (erf)  }
0x268: {  	[tilespmem:s28+$0x8200] =	vst v20;
	v19 =	vmul.f32 v47, v19  }
0x269: {  	[tilespmem:s28+$0x8880] =	vst v46;
	v48 =	vmul.f32 $1.442695020e+00, v23;
	v12 =	vmul.f32 v47, v12  }
0x26a: {  	v17 =	vmul.f32 v47, v17;
	[tilespmem:s9+$0x7B80] =	vst v19  }
0x26b: {  	(erf) = vpow2.f32 v48;
	v19 =	vsub.f32 $0.0e+00, v19;
	[tilespmem:s9+$0x6E80] =	vst v12  }
0x26c: {  	v12 =	vsub.f32 $0.0e+00, v12;
	[tilespmem:s9+$0x7500] =	vst v17  }
0x26d: {  	v49 =	vsub.f32 $0.0e+00, v17;
	[tilespmem:s9+$0x8F00] =	vst v19;
	v50 =	vpop (erf)  }
0x26e: {  	[tilespmem:s9+$0x8200] =	vst v12;
	v12 =	vmul.f32 v50, v15  }
0x26f: {  	[tilespmem:s9+$0x8880] =	vst v49  }
0x270: {  	v15 =	vmul.f32 v50, v16;
	[tilespmem:s12+$0x7B80] =	vst v12;
	v12 =	vsub.f32 $0.0e+00, v12  }
0x271: {  	v11 =	vmul.f32 v50, v11  }
0x272: {  	[tilespmem:s12+$0x6E80] =	vst v15  }
0x273: {  	v15 =	vsub.f32 $0.0e+00, v15;
	[tilespmem:s12+$0x7500] =	vst v11  }
0x274: {  	v51 =	vsub.f32 $0.0e+00, v11;
	[tilespmem:s12+$0x8F00] =	vst v12;
	v12 =	vpop (erf)  }
0x275: {  	[tilespmem:s12+$0x8200] =	vst v15;
	v15 =	vmul.f32 v12, v18  }
0x276: {  	[tilespmem:s12+$0x8880] =	vst v51;
	v13 =	vmul.f32 v12, v13  }
0x277: {  	v11 =	vmul.f32 v12, v14;
	[tilespmem:s11+$0x7B80] =	vst v15  }
0x278: {  	v12 =	vsub.f32 $0.0e+00, v15;
	[tilespmem:s11+$0x6E80] =	vst v13  }
0x279: {  	v13 =	vsub.f32 $0.0e+00, v13;
	[tilespmem:s11+$0x7500] =	vst v11  }
0x27a: {  	v14 =	vsub.f32 $0.0e+00, v11;
	[tilespmem:s11+$0x8F00] =	vst v12  }
0x27b: {  	[tilespmem:s11+$0x8200] =	vst v13  }
0x27c: {  	[tilespmem:s11+$0x8880] =	vst v14;
	s11 =	simm.s32 $0x8200  }
0x27d: {  	[spmem:s3] =	stream.indirect.scatter.add.f32 [tilespmem:s11], [sflag:$0x2], $0x1, s24, s26, $0xb8;
	[tilespmem:$0x1ACC0] =	vst v63  }
0x27e: {  	s12 =	simm.s32 $0x8880  }
0x27f: {  	[spmem:s4] =	stream.indirect.scatter.add.f32 [tilespmem:s12], [sflag:$0x2], $0x1, s24, s26, $0xb8;
	[tilespmem:$0x1ACC0] =	vst v63  }
0x280: {  	s14 =	simm.s32 $0x8F00  }
0x281: {  	[spmem:s5] =	stream.indirect.scatter.add.f32 [tilespmem:s14], [sflag:$0x2], $0x1, s24, s26, $0xb8;
	[tilespmem:$0x1ACC0] =	vst v63  }
0x282: {  	s15 =	simm.s32 $0x6E80  }
0x283: {  	[spmem:s3] =	stream.indirect.scatter.add.f32 [tilespmem:s15], [sflag:$0x2], $0x1, s25, s26, $0xb8;
	[tilespmem:$0x1ACC0] =	vst v63  }
0x284: {  	s16 =	simm.s32 $0x7500  }
0x285: {  	[spmem:s4] =	stream.indirect.scatter.add.f32 [tilespmem:s16], [sflag:$0x2], $0x1, s25, s26, $0xb8;
	[tilespmem:$0x1ACC0] =	vst v63  }
0x286: {  	s28 =	simm.s32 $0x7B80  }
0x287: {  	[spmem:s5] =	stream.indirect.scatter.add.f32 [tilespmem:s28], [sflag:$0x2], $0x1, s25, s26, $0xb8;
	[tilespmem:$0x1ACC0] =	vst v63  }
0x288: {  	_ =	swait.ge [sflag:s20], $0x640  }
0x289: {  	[sflag:s20] =	ssyncset.done $0x0  }
0x28a: {  	s31 =	simm.s32 $0x0;
	[sflag:s20] =	ssyncadd.s32 $0xFFFFF9C0  }
0x28b: {  	v11 =	vld [tilespmem:s31+$0x0];
	_ =	sdelay $0x2  }
0x28c: {  	v12 =	vld [tilespmem:s31+$0x8200]  }
0x28d: {  	v13 =	vld [tilespmem:s31+$0x4E00]  }
0x28e: {  	v11 =	vshll.u32 v11, $0x3  }
0x28f: {  	v14 =	vld [tilespmem:s31+$0x8880];
	v15 =	vor.u32 v2, v11;
	_ =	sdelay $0x1  }
0x290: {  	v52 =	vld [tilespmem:s31+$0x8F00];
	v53 =	vadd.s32 v3, v11  }
0x291: {  	v54 =	vld [tilespmem:s31+$0x5B00];
	v55 =	vmul.f32 v12, v13  }
0x292: {  	v56 =	vld [tilespmem:s31+$0x5480];
	v57 =	vadd.s32 v4, v11  }
0x293: {  	v58 =	vmul.f32 v14, v13;
	[tilespmem:v15+s21+$0x0] =	vst.idx.add.f32.msk $0xff, v55  }
0x294: {  	[tilespmem:v15+s21+$0x0] =	vst.idx.add.f32.msk vm0, v55;
	v15 =	vadd.s32 v5, v11  }
0x295: {  	v13 =	vmul.f32 v52, v13;
	[tilespmem:v53+s21+$0x0] =	vst.idx.add.f32.msk $0xff, v58  }
0x296: {  	v59 =	vadd.s32 v6, v11;
	[tilespmem:v53+s21+$0x0] =	vst.idx.add.f32.msk vm0, v58  }
0x297: {  	v60 =	vmul.f32 v12, v56;
	[tilespmem:v57+s21+$0x0] =	vst.idx.add.f32.msk $0xff, v13  }
0x298: {  	[tilespmem:v57+s21+$0x0] =	vst.idx.add.f32.msk vm0, v13;
	v13 =	vadd.s32 v7, v11  }
0x299: {  	v61 =	vmul.f32 v14, v56;
	[tilespmem:v15+s21+$0x0] =	vst.idx.add.f32.msk $0xff, v60  }
0x29a: {  	[tilespmem:v15+s21+$0x0] =	vst.idx.add.f32.msk vm0, v60;
	v15 =	vadd.s32 v8, v11  }
0x29b: {  	v62 =	vmul.f32 v52, v56;
	[tilespmem:v59+s21+$0x0] =	vst.idx.add.f32.msk $0xff, v61  }
0x29c: {  	v63 =	vadd.s32 v9, v11;
	[tilespmem:v59+s21+$0x0] =	vst.idx.add.f32.msk vm0, v61  }
0x29d: {  	v12 =	vmul.f32 v12, v54;
	[tilespmem:v13+s21+$0x0] =	vst.idx.add.f32.msk $0xff, v62  }
0x29e: {  	v11 =	vadd.s32 v10, v11;
	[tilespmem:v13+s21+$0x0] =	vst.idx.add.f32.msk vm0, v62  }
0x29f: {  	v13 =	vmul.f32 v14, v54;
	[tilespmem:v15+s21+$0x0] =	vst.idx.add.f32.msk $0xff, v12  }
0x2a0: {  	[tilespmem:v15+s21+$0x0] =	vst.idx.add.f32.msk vm0, v12  }
0x2a1: {  	v12 =	vmul.f32 v52, v54;
	[tilespmem:v63+s21+$0x0] =	vst.idx.add.f32.msk $0xff, v13  }
0x2a2: {  	[tilespmem:v63+s21+$0x0] =	vst.idx.add.f32.msk vm0, v13  }
0x2a3: {  	s9 =	simm.s32 $0x40;
	s11 =	simm.s32 $0x80;
	[tilespmem:v11+s21+$0x0] =	vst.idx.add.f32.msk $0xff, v12  }
.LBB2_20:
0x2a4: {  	p0 =	sne.s32 s11, $0x18C0  }
0x2a5: {  	s12 =	sshra.s32 s9, $0x2;
	[tilespmem:v11+s21+$0x0] =	vst.idx.add.f32.msk vm0, v12;
	s9 =	smov.u32 s11;
	s11 =	sadd.s32 $0x40, s11  }
0x2a6: {  	v11 =	vld [tilespmem:s12+$0x0];
	_ =	sdelay $0x2  }
0x2a7: {  	v12 =	vld [tilespmem:s12+$0x8200]  }
0x2a8: {  	v13 =	vld [tilespmem:s12+$0x4E00]  }
0x2a9: {  	v11 =	vshll.u32 v11, $0x3  }
0x2aa: {  	v14 =	vld [tilespmem:s12+$0x8880];
	v15 =	vor.u32 v2, v11;
	_ =	sdelay $0x1  }
0x2ab: {  	v17 =	vadd.s32 v3, v11;
	v16 =	vld [tilespmem:s12+$0x8F00]  }
0x2ac: {  	v18 =	vld [tilespmem:s12+$0x5B00];
	v19 =	vmul.f32 v12, v13  }
0x2ad: {  	v21 =	vadd.s32 v4, v11;
	v20 =	vld [tilespmem:s12+$0x5480]  }
0x2ae: {  	[tilespmem:v15+s21+$0x0] =	vst.idx.add.f32.msk $0xff, v19;
	v22 =	vmul.f32 v14, v13  }
0x2af: {  	[tilespmem:v15+s21+$0x0] =	vst.idx.add.f32.msk vm0, v19;
	v15 =	vadd.s32 v5, v11  }
0x2b0: {  	[tilespmem:v17+s21+$0x0] =	vst.idx.add.f32.msk $0xff, v22;
	v13 =	vmul.f32 v16, v13  }
0x2b1: {  	[tilespmem:v17+s21+$0x0] =	vst.idx.add.f32.msk vm0, v22;
	v17 =	vadd.s32 v6, v11  }
0x2b2: {  	[tilespmem:v21+s21+$0x0] =	vst.idx.add.f32.msk $0xff, v13;
	v19 =	vmul.f32 v12, v20  }
0x2b3: {  	[tilespmem:v21+s21+$0x0] =	vst.idx.add.f32.msk vm0, v13;
	v13 =	vadd.s32 v7, v11  }
0x2b4: {  	v21 =	vmul.f32 v14, v20;
	[tilespmem:v15+s21+$0x0] =	vst.idx.add.f32.msk $0xff, v19  }
0x2b5: {  	[tilespmem:v15+s21+$0x0] =	vst.idx.add.f32.msk vm0, v19;
	v15 =	vadd.s32 v8, v11  }
0x2b6: {  	v19 =	vmul.f32 v16, v20;
	[tilespmem:v17+s21+$0x0] =	vst.idx.add.f32.msk $0xff, v21  }
0x2b7: {  	[tilespmem:v17+s21+$0x0] =	vst.idx.add.f32.msk vm0, v21;
	v17 =	vadd.s32 v9, v11  }
0x2b8: {  	v12 =	vmul.f32 v12, v18;
	[tilespmem:v13+s21+$0x0] =	vst.idx.add.f32.msk $0xff, v19  }
0x2b9: {  	v11 =	vadd.s32 v10, v11;
	[tilespmem:v13+s21+$0x0] =	vst.idx.add.f32.msk vm0, v19  }
.Ltmp9:
0x2ba: {  	v13 =	vmul.f32 v14, v18;
	[tilespmem:v15+s21+$0x0] =	vst.idx.add.f32.msk $0xff, v12;
	(pc) =	sbr.rel @p0 .LBB2_20-.Ltmp9, $4  }
0x2bb: {  	[tilespmem:v15+s21+$0x0] =	vst.idx.add.f32.msk vm0, v12  }
0x2bc: {  	v12 =	vmul.f32 v16, v18;
	[tilespmem:v17+s21+$0x0] =	vst.idx.add.f32.msk $0xff, v13  }
0x2bd: {  	[tilespmem:v17+s21+$0x0] =	vst.idx.add.f32.msk vm0, v13  }
0x2be: {  	[tilespmem:v11+s21+$0x0] =	vst.idx.add.f32.msk $0xff, v12  }
0x2bf: {  	_ =	sdelay $0x4  }
0x2c0: {  	s9 =	sshra.s32 s9, $0x2;
	[tilespmem:v11+s21+$0x0] =	vst.idx.add.f32.msk vm0, v12  }
0x2c1: {  	v11 =	vld [tilespmem:s9+$0x0];
	_ =	sdelay $0x2  }
0x2c2: {  	v12 =	vld [tilespmem:s9+$0x8200]  }
0x2c3: {  	v13 =	vld [tilespmem:s9+$0x4E00]  }
0x2c4: {  	v11 =	vshll.u32 v11, $0x3  }
0x2c5: {  	v14 =	vld [tilespmem:s9+$0x8880];
	v15 =	vor.u32 v2, v11;
	_ =	sdelay $0x1  }
0x2c6: {  	v16 =	vld [tilespmem:s9+$0x8F00];
	v17 =	vadd.s32 v3, v11  }
0x2c7: {  	v18 =	vld [tilespmem:s9+$0x5B00];
	v19 =	vmul.f32 v12, v13  }
0x2c8: {  	v20 =	vld [tilespmem:s9+$0x5480];
	v21 =	vadd.s32 v4, v11  }
0x2c9: {  	v22 =	vmul.f32 v14, v13;
	[tilespmem:v15+s21+$0x0] =	vst.idx.add.f32.msk $0xff, v19  }
0x2ca: {  	v54 =	vadd.s32 v5, v11;
	[tilespmem:v15+s21+$0x0] =	vst.idx.add.f32.msk vm0, v19  }
0x2cb: {  	v13 =	vmul.f32 v16, v13;
	[tilespmem:v17+s21+$0x0] =	vst.idx.add.f32.msk $0xff, v22  }
0x2cc: {  	v55 =	vadd.s32 v6, v11;
	[tilespmem:v17+s21+$0x0] =	vst.idx.add.f32.msk vm0, v22  }
0x2cd: {  	v56 =	vmul.f32 v12, v20;
	[tilespmem:v21+s21+$0x0] =	vst.idx.add.f32.msk $0xff, v13  }
0x2ce: {  	v57 =	vadd.s32 v7, v11;
	[tilespmem:v21+s21+$0x0] =	vst.idx.add.f32.msk vm0, v13  }
0x2cf: {  	v58 =	vmul.f32 v14, v20;
	[tilespmem:v54+s21+$0x0] =	vst.idx.add.f32.msk $0xff, v56  }
0x2d0: {  	v59 =	vadd.s32 v8, v11;
	[tilespmem:v54+s21+$0x0] =	vst.idx.add.f32.msk vm0, v56  }
0x2d1: {  	v60 =	vmul.f32 v16, v20;
	[tilespmem:v55+s21+$0x0] =	vst.idx.add.f32.msk $0xff, v58  }
0x2d2: {  	v61 =	vadd.s32 v9, v11;
	[tilespmem:v55+s21+$0x0] =	vst.idx.add.f32.msk vm0, v58  }
0x2d3: {  	v12 =	vmul.f32 v12, v18;
	[tilespmem:v57+s21+$0x0] =	vst.idx.add.f32.msk $0xff, v60  }
0x2d4: {  	s23 =	sadd.s32 $0x1, s23;
	v11 =	vadd.s32 v10, v11;
	[tilespmem:v57+s21+$0x0] =	vst.idx.add.f32.msk vm0, v60  }
0x2d5: {  	p0 =	sne.s32 s23, $0x3E;
	v62 =	vmul.f32 v14, v18;
	[tilespmem:v59+s21+$0x0] =	vst.idx.add.f32.msk $0xff, v12  }
.Ltmp10:
0x2d6: {  	[tilespmem:v59+s21+$0x0] =	vst.idx.add.f32.msk vm0, v12;
	(pc) =	sbr.rel @p0 .LBB2_6-.Ltmp10, $4  }
0x2d7: {  	v63 =	vmul.f32 v16, v18;
	[tilespmem:v61+s21+$0x0] =	vst.idx.add.f32.msk $0xff, v62  }
0x2d8: {  	[tilespmem:v61+s21+$0x0] =	vst.idx.add.f32.msk vm0, v62  }
0x2d9: {  	[tilespmem:v11+s21+$0x0] =	vst.idx.add.f32.msk $0xff, v63  }
0x2da: {  	[tilespmem:v11+s21+$0x0] =	vst.idx.add.f32.msk vm0, v63  }
0x2db: {  	_ =	swait.ge [sflag:s30], $0x640  }
0x2dc: {  	[sflag:s30] =	ssyncset.done $0x0  }
0x2dd: {  	[sflag:s30] =	ssyncadd.s32 $0xFFFFF9C0  }
0x2de: {  	_ =	swait.ge [sflag:s30], $0x640  }
0x2df: {  	[sflag:s30] =	ssyncset.done $0x0  }
0x2e0: {  	[sflag:s30] =	ssyncadd.s32 $0xFFFFF9C0  }
0x2e1: {  	_ =	swait.ge [sflag:s30], $0x640  }
0x2e2: {  	[sflag:s30] =	ssyncset.done $0x0  }
0x2e3: {  	[sflag:s30] =	ssyncadd.s32 $0xFFFFF9C0  }
0x2e4: {  	_ =	swait.ge [sflag:s30], $0x640  }
0x2e5: {  	[sflag:s30] =	ssyncset.done $0x0  }
0x2e6: {  	[sflag:s30] =	ssyncadd.s32 $0xFFFFF9C0  }
0x2e7: {  	_ =	swait.ge [sflag:s30], $0x640  }
0x2e8: {  	[sflag:s30] =	ssyncset.done $0x0  }
0x2e9: {  	[sflag:s30] =	ssyncadd.s32 $0xFFFFF9C0  }
0x2ea: {  	_ =	swait.ge [sflag:s22], $0x640  }
0x2eb: {  	[sflag:s22] =	ssyncset.done $0x0  }
0x2ec: {  	[sflag:s22] =	ssyncadd.s32 $0xFFFFF9C0  }
0x2ed: {  	_ =	swait.ge [sflag:s22], $0x640  }
0x2ee: {  	[sflag:s22] =	ssyncset.done $0x0  }
0x2ef: {  	[sflag:s22] =	ssyncadd.s32 $0xFFFFF9C0  }
0x2f0: {  	_ =	swait.ge [sflag:s22], $0x640  }
0x2f1: {  	[sflag:s22] =	ssyncset.done $0x0  }
0x2f2: {  	[sflag:s22] =	ssyncadd.s32 $0xFFFFF9C0  }
0x2f3: {  	_ =	swait.ge [sflag:s22], $0x640  }
0x2f4: {  	[sflag:s22] =	ssyncset.done $0x0  }
0x2f5: {  	[sflag:s22] =	ssyncadd.s32 $0xFFFFF9C0  }
0x2f6: {  	_ =	swait.ge [sflag:s22], $0x640  }
0x2f7: {  	[sflag:s22] =	ssyncset.done $0x0  }
0x2f8: {  	[sflag:s22] =	ssyncadd.s32 $0xFFFFF9C0  }
0x2f9: {  	_ =	swait.ge [sflag:s22], $0x640  }
0x2fa: {  	[sflag:s22] =	ssyncset.done $0x0  }
0x2fb: {  	s9 =	simm.s32 $0x0;
	s14 =	simm.s32 $0x0;
	[sflag:s22] =	ssyncadd.s32 $0xFFFFF9C0  }
0x2fc: {  	[tilespmem:s9], [sflag:$0x1] =	stream.indirect.gather [spmem:s17], $0x1, s8, s26, $0xb8;
	[tilespmem:$0x1ACC0] =	vst v63  }
0x2fd: {  	v23 =	vld [tilespmem:s14+$0x680]  }
0x2fe: {  	v25 =	vld [tilespmem:s14+$0xD00];
	_ =	sdelay $0x1  }
0x2ff: {  	v18 =	vld [tilespmem:s14+$0x1380];
	_ =	sdelay $0x2  }
0x300: {  	v11 =	vmul.f32 v23, v23;
	v12 =	vmul.f32 v25, v25  }
0x301: {  	s23 =	simm.s32 $0x10  }
0x302: {  	v22 =	vld [tilespmem:s23+$0xD00];
	v13 =	vmul.f32 v18, v18;
	v11 =	vadd.f32 v12, v11  }
0x303: {  	v20 =	vld [tilespmem:s23+$0x680]  }
0x304: {  	s9 =	simm.s32 $0x20;
	v21 =	vld [tilespmem:s23+$0x1380];
	v11 =	vadd.f32 v13, v11  }
0x305: {  	v17 =	vld [tilespmem:s9+$0xD00]  }
0x306: {  	v12 =	vld [tilespmem:s9+$0x680];
	v11 =	vmul.f32 $-5.000000000e-01, v11  }
0x307: {  	v14 =	vmul.f32 v22, v22  }
0x308: {  	v19 =	vld [tilespmem:s9+$0x1380];
	v13 =	vmul.f32 v20, v20;
	v11 =	vmul.f32 $1.442695020e+00, v11;
	_ =	sdelay $0x1  }
0x309: {  	v13 =	vadd.f32 v14, v13;
	(erf) = vpow2.f32 v11;
	v11 =	vmul.f32 v21, v21  }
0x30a: {  	v24 =	vmul.f32 v17, v17;
	v14 =	vmul.f32 v12, v12  }
0x30b: {  	v13 =	vadd.f32 v11, v13  }
0x30c: {  	s12 =	simm.s32 $0x30;
	v26 =	vmul.f32 v19, v19;
	v14 =	vadd.f32 v24, v14  }
0x30d: {  	v16 =	vld [tilespmem:s12+$0x680];
	v13 =	vmul.f32 $-5.000000000e-01, v13  }
0x30e: {  	v14 =	vadd.f32 v26, v14;
	v11 =	vld [tilespmem:s12+$0xD00]  }
0x30f: {  	v13 =	vmul.f32 $1.442695020e+00, v13  }
0x310: {  	v15 =	vld [tilespmem:s12+$0x1380];
	v27 =	vmul.f32 $-5.000000000e-01, v14  }
0x311: {  	(erf) = vpow2.f32 v13  }
0x312: {  	s11 =	simm.s32 $0x40;
	v27 =	vmul.f32 $1.442695020e+00, v27  }
0x313: {  	v24 =	vmul.f32 v16, v16;
	v26 =	vmul.f32 v11, v11;
	v13 =	vld [tilespmem:s11+$0x680]  }
0x314: {  	v14 =	vld [tilespmem:s11+$0xD00];
	v29 =	vpop (erf);
	(erf) = vpow2.f32 v27  }
0x315: {  	v28 =	vmul.f32 v15, v15;
	v26 =	vadd.f32 v26, v24;
	v30 =	vmul.f32 v29, v18;
	v18 =	vld [tilespmem:s11+$0x1380]  }
0x316: {  	v24 =	vmul.f32 v29, v23;
	v23 =	vmul.f32 v29, v25  }
0x317: {  	s15 =	simm.s32 $0x140;
	v25 =	vadd.f32 v28, v26;
	[tilespmem:s14+$0x3400] =	vst v30;
	v26 =	vsub.f32 $0.0e+00, v30  }
.LBB2_23:
0x318: {  	s16 =	sshra.s32 s15, $0x2;
	v27 =	vmul.f32 v13, v13;
	[tilespmem:s14+$0x2700] =	vst v24;
	v24 =	vsub.f32 $0.0e+00, v24;
	v28 =	vsub.f32 $0.0e+00, v23;
	v29 =	vmovc v13;
	v30 =	vmovc v17;
	p0 =	sne.s32 s15, $0x18C0  }
.Ltmp11:
0x319: {  	s15 =	sadd.s32 $0x40, s15;
	v17 =	vmovc v11;
	v13 =	vld [tilespmem:s16+$0x680];
	v31 =	vmul.f32 v14, v14;
	v25 =	vmul.f32 $-5.000000000e-01, v25;
	[tilespmem:s14+$0x4780] =	vst v26;
	v11 =	vmovc v14;
	v26 =	vmov v19;
	(pc) =	sbr.rel @p0 .LBB2_23-.Ltmp11, $4  }
0x31a: {  	v19 =	vmov v15;
	v14 =	vld [tilespmem:s16+$0xD00];
	v32 =	vmul.f32 v18, v18;
	v33 =	vpop (erf);
	[tilespmem:s14+$0x3A80] =	vst v24;
	v15 =	vmov v18  }
0x31b: {  	v18 =	vld [tilespmem:s16+$0x1380];
	v27 =	vadd.f32 v31, v27;
	v31 =	vmul.f32 $1.442695020e+00, v25;
	v34 =	vmul.f32 v33, v21;
	[tilespmem:s14+$0x4100] =	vst v28;
	v21 =	vmovc v26  }
0x31c: {  	v24 =	vmul.f32 v33, v20;
	v20 =	vmovc v12;
	v12 =	vmov v16;
	[tilespmem:s14+$0x2D80] =	vst v23;
	v23 =	vmul.f32 v33, v22;
	s14 =	smov.u32 s23;
	s23 =	smov.u32 s9;
	s9 =	smov.u32 s12  }
0x31d: {  	v16 =	vmovc v29;
	v22 =	vmovc v30;
	s12 =	smov.u32 s11;
	s11 =	smov.u32 s16;
	v25 =	vadd.f32 v32, v27;
	(erf) = vpow2.f32 v31;
	[tilespmem:s14+$0x3400] =	vst v34;
	v26 =	vsub.f32 $0.0e+00, v34  }
0x31e: {  	[tilespmem:s14+$0x2700] =	vst v24  }
0x31f: {  	v42 =	vsub.f32 $0.0e+00, v24;
	[tilespmem:s14+$0x2D80] =	vst v23;
	v25 =	vmul.f32 $-5.000000000e-01, v25  }
0x320: {  	v27 =	vmul.f32 v13, v13;
	v28 =	vsub.f32 $0.0e+00, v23;
	v30 =	vpop (erf);
	v29 =	vmul.f32 v14, v14;
	[tilespmem:s14+$0x4780] =	vst v26  }
0x321: {  	v21 =	vmul.f32 v30, v21;
	[tilespmem:s14+$0x3A80] =	vst v42;
	v25 =	vmul.f32 $1.442695020e+00, v25  }
0x322: {  	v20 =	vmul.f32 v30, v20;
	v43 =	vmul.f32 v18, v18;
	[tilespmem:s14+$0x4100] =	vst v28;
	v44 =	vadd.f32 v29, v27  }
0x323: {  	v22 =	vmul.f32 v30, v22;
	[tilespmem:s23+$0x3400] =	vst v21;
	(erf) = vpow2.f32 v25  }
0x324: {  	v21 =	vsub.f32 $0.0e+00, v21;
	[tilespmem:s23+$0x2700] =	vst v20;
	v45 =	vadd.f32 v43, v44  }
0x325: {  	v20 =	vsub.f32 $0.0e+00, v20;
	[tilespmem:s23+$0x2D80] =	vst v22  }
0x326: {  	v46 =	vsub.f32 $0.0e+00, v22;
	[tilespmem:s23+$0x4780] =	vst v21;
	v23 =	vmul.f32 $-5.000000000e-01, v45;
	v47 =	vpop (erf)  }
0x327: {  	[tilespmem:s23+$0x3A80] =	vst v20;
	v19 =	vmul.f32 v47, v19  }
0x328: {  	[tilespmem:s23+$0x4100] =	vst v46;
	v48 =	vmul.f32 $1.442695020e+00, v23;
	v12 =	vmul.f32 v47, v12  }
0x329: {  	v17 =	vmul.f32 v47, v17;
	[tilespmem:s9+$0x3400] =	vst v19  }
0x32a: {  	(erf) = vpow2.f32 v48;
	v19 =	vsub.f32 $0.0e+00, v19;
	[tilespmem:s9+$0x2700] =	vst v12  }
0x32b: {  	v12 =	vsub.f32 $0.0e+00, v12;
	[tilespmem:s9+$0x2D80] =	vst v17  }
0x32c: {  	v49 =	vsub.f32 $0.0e+00, v17;
	[tilespmem:s9+$0x4780] =	vst v19;
	v50 =	vpop (erf)  }
0x32d: {  	[tilespmem:s9+$0x3A80] =	vst v12;
	v12 =	vmul.f32 v50, v15  }
0x32e: {  	[tilespmem:s9+$0x4100] =	vst v49  }
0x32f: {  	v15 =	vmul.f32 v50, v16;
	[tilespmem:s12+$0x3400] =	vst v12;
	v12 =	vsub.f32 $0.0e+00, v12  }
0x330: {  	v11 =	vmul.f32 v50, v11  }
0x331: {  	[tilespmem:s12+$0x2700] =	vst v15  }
0x332: {  	v15 =	vsub.f32 $0.0e+00, v15;
	[tilespmem:s12+$0x2D80] =	vst v11  }
0x333: {  	v51 =	vsub.f32 $0.0e+00, v11;
	[tilespmem:s12+$0x4780] =	vst v12;
	v12 =	vpop (erf)  }
0x334: {  	[tilespmem:s12+$0x3A80] =	vst v15;
	v15 =	vmul.f32 v12, v18  }
0x335: {  	[tilespmem:s12+$0x4100] =	vst v51;
	v13 =	vmul.f32 v12, v13  }
0x336: {  	v11 =	vmul.f32 v12, v14;
	[tilespmem:s11+$0x3400] =	vst v15  }
0x337: {  	v12 =	vsub.f32 $0.0e+00, v15;
	[tilespmem:s11+$0x2700] =	vst v13  }
0x338: {  	v13 =	vsub.f32 $0.0e+00, v13;
	[tilespmem:s11+$0x2D80] =	vst v11  }
0x339: {  	v14 =	vsub.f32 $0.0e+00, v11;
	[tilespmem:s11+$0x4780] =	vst v12  }
0x33a: {  	[tilespmem:s11+$0x3A80] =	vst v13  }
0x33b: {  	s14 =	simm.s32 $0x3A80;
	[tilespmem:s11+$0x4100] =	vst v14  }
0x33c: {  	[spmem:s3] =	stream.indirect.scatter.add.f32 [tilespmem:s14], [sflag:$0x2], $0x1, s8, s26, $0xb8;
	[tilespmem:$0x1ACC0] =	vst v63  }
0x33d: {  	s15 =	simm.s32 $0x4100  }
0x33e: {  	[spmem:s4] =	stream.indirect.scatter.add.f32 [tilespmem:s15], [sflag:$0x2], $0x1, s8, s26, $0xb8;
	[tilespmem:$0x1ACC0] =	vst v63  }
0x33f: {  	s16 =	simm.s32 $0x4780  }
0x340: {  	[spmem:s5] =	stream.indirect.scatter.add.f32 [tilespmem:s16], [sflag:$0x2], $0x1, s8, s26, $0xb8;
	[tilespmem:$0x1ACC0] =	vst v63  }
0x341: {  	s23 =	simm.s32 $0x2700  }
0x342: {  	[spmem:s3] =	stream.indirect.scatter.add.f32 [tilespmem:s23], [sflag:$0x2], $0x1, s13, s26, $0xb8;
	[tilespmem:$0x1ACC0] =	vst v63  }
0x343: {  	s28 =	simm.s32 $0x2D80  }
0x344: {  	[spmem:s4] =	stream.indirect.scatter.add.f32 [tilespmem:s28], [sflag:$0x2], $0x1, s13, s26, $0xb8;
	[tilespmem:$0x1ACC0] =	vst v63  }
0x345: {  	_ = 	snop  }
0x346: {  	[spmem:s5] =	stream.indirect.scatter.add.f32 [tilespmem:s19], [sflag:$0x2], $0x1, s13, s26, $0xb8;
	[tilespmem:$0x1ACC0] =	vst v63  }
0x347: {  	_ =	swait.ge [sflag:s20], $0x640  }
0x348: {  	[sflag:s20] =	ssyncset.done $0x0  }
0x349: {  	s31 =	simm.s32 $0x0;
	[sflag:s20] =	ssyncadd.s32 $0xFFFFF9C0  }
0x34a: {  	v11 =	vld [tilespmem:s31+$0x0];
	_ =	sdelay $0x2  }
0x34b: {  	v12 =	vld [tilespmem:s31+$0x3A80]  }
0x34c: {  	v13 =	vld [tilespmem:s31+$0x680]  }
0x34d: {  	v11 =	vshll.u32 v11, $0x3  }
0x34e: {  	v14 =	vld [tilespmem:s31+$0x4100];
	v15 =	vor.u32 v2, v11;
	_ =	sdelay $0x1  }
0x34f: {  	v52 =	vld [tilespmem:s31+$0x4780];
	v53 =	vadd.s32 v3, v11  }
0x350: {  	v54 =	vld [tilespmem:s31+$0x1380];
	v55 =	vmul.f32 v12, v13  }
0x351: {  	v56 =	vld [tilespmem:s31+$0xD00];
	v57 =	vadd.s32 v4, v11  }
0x352: {  	v58 =	vmul.f32 v14, v13;
	[tilespmem:v15+s21+$0x0] =	vst.idx.add.f32.msk $0xff, v55  }
0x353: {  	[tilespmem:v15+s21+$0x0] =	vst.idx.add.f32.msk vm0, v55;
	v15 =	vadd.s32 v5, v11  }
0x354: {  	v13 =	vmul.f32 v52, v13;
	[tilespmem:v53+s21+$0x0] =	vst.idx.add.f32.msk $0xff, v58  }
0x355: {  	v59 =	vadd.s32 v6, v11;
	[tilespmem:v53+s21+$0x0] =	vst.idx.add.f32.msk vm0, v58  }
0x356: {  	v60 =	vmul.f32 v12, v56;
	[tilespmem:v57+s21+$0x0] =	vst.idx.add.f32.msk $0xff, v13  }
0x357: {  	[tilespmem:v57+s21+$0x0] =	vst.idx.add.f32.msk vm0, v13;
	v13 =	vadd.s32 v7, v11  }
0x358: {  	v61 =	vmul.f32 v14, v56;
	[tilespmem:v15+s21+$0x0] =	vst.idx.add.f32.msk $0xff, v60  }
0x359: {  	[tilespmem:v15+s21+$0x0] =	vst.idx.add.f32.msk vm0, v60;
	v15 =	vadd.s32 v8, v11  }
0x35a: {  	v62 =	vmul.f32 v52, v56;
	[tilespmem:v59+s21+$0x0] =	vst.idx.add.f32.msk $0xff, v61  }
0x35b: {  	v63 =	vadd.s32 v9, v11;
	[tilespmem:v59+s21+$0x0] =	vst.idx.add.f32.msk vm0, v61  }
0x35c: {  	v12 =	vmul.f32 v12, v54;
	[tilespmem:v13+s21+$0x0] =	vst.idx.add.f32.msk $0xff, v62  }
0x35d: {  	v11 =	vadd.s32 v10, v11;
	[tilespmem:v13+s21+$0x0] =	vst.idx.add.f32.msk vm0, v62  }
0x35e: {  	v13 =	vmul.f32 v14, v54;
	[tilespmem:v15+s21+$0x0] =	vst.idx.add.f32.msk $0xff, v12  }
0x35f: {  	[tilespmem:v15+s21+$0x0] =	vst.idx.add.f32.msk vm0, v12  }
0x360: {  	v12 =	vmul.f32 v52, v54;
	[tilespmem:v63+s21+$0x0] =	vst.idx.add.f32.msk $0xff, v13  }
0x361: {  	[tilespmem:v63+s21+$0x0] =	vst.idx.add.f32.msk vm0, v13  }
0x362: {  	s9 =	simm.s32 $0x40;
	s11 =	simm.s32 $0x80;
	[tilespmem:v11+s21+$0x0] =	vst.idx.add.f32.msk $0xff, v12  }
.LBB2_25:
0x363: {  	p0 =	sne.s32 s11, $0x18C0  }
0x364: {  	s12 =	sshra.s32 s9, $0x2;
	[tilespmem:v11+s21+$0x0] =	vst.idx.add.f32.msk vm0, v12;
	s9 =	smov.u32 s11;
	s11 =	sadd.s32 $0x40, s11  }
0x365: {  	v11 =	vld [tilespmem:s12+$0x0];
	_ =	sdelay $0x2  }
0x366: {  	v12 =	vld [tilespmem:s12+$0x3A80]  }
0x367: {  	v13 =	vld [tilespmem:s12+$0x680]  }
0x368: {  	v11 =	vshll.u32 v11, $0x3  }
0x369: {  	v14 =	vld [tilespmem:s12+$0x4100];
	v15 =	vor.u32 v2, v11;
	_ =	sdelay $0x1  }
0x36a: {  	v17 =	vadd.s32 v3, v11;
	v16 =	vld [tilespmem:s12+$0x4780]  }
0x36b: {  	v18 =	vld [tilespmem:s12+$0x1380];
	v19 =	vmul.f32 v12, v13  }
0x36c: {  	v21 =	vadd.s32 v4, v11;
	v20 =	vld [tilespmem:s12+$0xD00]  }
0x36d: {  	[tilespmem:v15+s21+$0x0] =	vst.idx.add.f32.msk $0xff, v19;
	v22 =	vmul.f32 v14, v13  }
0x36e: {  	[tilespmem:v15+s21+$0x0] =	vst.idx.add.f32.msk vm0, v19;
	v15 =	vadd.s32 v5, v11  }
0x36f: {  	[tilespmem:v17+s21+$0x0] =	vst.idx.add.f32.msk $0xff, v22;
	v13 =	vmul.f32 v16, v13  }
0x370: {  	[tilespmem:v17+s21+$0x0] =	vst.idx.add.f32.msk vm0, v22;
	v17 =	vadd.s32 v6, v11  }
0x371: {  	[tilespmem:v21+s21+$0x0] =	vst.idx.add.f32.msk $0xff, v13;
	v19 =	vmul.f32 v12, v20  }
0x372: {  	[tilespmem:v21+s21+$0x0] =	vst.idx.add.f32.msk vm0, v13;
	v13 =	vadd.s32 v7, v11  }
0x373: {  	v21 =	vmul.f32 v14, v20;
	[tilespmem:v15+s21+$0x0] =	vst.idx.add.f32.msk $0xff, v19  }
0x374: {  	[tilespmem:v15+s21+$0x0] =	vst.idx.add.f32.msk vm0, v19;
	v15 =	vadd.s32 v8, v11  }
0x375: {  	v19 =	vmul.f32 v16, v20;
	[tilespmem:v17+s21+$0x0] =	vst.idx.add.f32.msk $0xff, v21  }
0x376: {  	[tilespmem:v17+s21+$0x0] =	vst.idx.add.f32.msk vm0, v21;
	v17 =	vadd.s32 v9, v11  }
0x377: {  	v12 =	vmul.f32 v12, v18;
	[tilespmem:v13+s21+$0x0] =	vst.idx.add.f32.msk $0xff, v19  }
0x378: {  	v11 =	vadd.s32 v10, v11;
	[tilespmem:v13+s21+$0x0] =	vst.idx.add.f32.msk vm0, v19  }
.Ltmp12:
0x379: {  	v13 =	vmul.f32 v14, v18;
	[tilespmem:v15+s21+$0x0] =	vst.idx.add.f32.msk $0xff, v12;
	(pc) =	sbr.rel @p0 .LBB2_25-.Ltmp12, $4  }
0x37a: {  	[tilespmem:v15+s21+$0x0] =	vst.idx.add.f32.msk vm0, v12  }
0x37b: {  	v12 =	vmul.f32 v16, v18;
	[tilespmem:v17+s21+$0x0] =	vst.idx.add.f32.msk $0xff, v13  }
0x37c: {  	[tilespmem:v17+s21+$0x0] =	vst.idx.add.f32.msk vm0, v13  }
0x37d: {  	[tilespmem:v11+s21+$0x0] =	vst.idx.add.f32.msk $0xff, v12  }
0x37e: {  	_ =	sdelay $0x4  }
0x37f: {  	s9 =	sshra.s32 s9, $0x2;
	[tilespmem:v11+s21+$0x0] =	vst.idx.add.f32.msk vm0, v12  }
0x380: {  	v11 =	vld [tilespmem:s9+$0x0];
	_ =	sdelay $0x2  }
0x381: {  	v12 =	vld [tilespmem:s9+$0x3A80]  }
0x382: {  	v13 =	vld [tilespmem:s9+$0x680]  }
0x383: {  	v11 =	vshll.u32 v11, $0x3  }
0x384: {  	v14 =	vld [tilespmem:s9+$0x4100];
	v15 =	vor.u32 v2, v11;
	_ =	sdelay $0x1  }
0x385: {  	v16 =	vld [tilespmem:s9+$0x4780];
	v17 =	vadd.s32 v3, v11  }
0x386: {  	v18 =	vld [tilespmem:s9+$0x1380];
	v19 =	vmul.f32 v12, v13  }
0x387: {  	v20 =	vld [tilespmem:s9+$0xD00];
	v21 =	vadd.s32 v4, v11  }
0x388: {  	v22 =	vmul.f32 v14, v13;
	[tilespmem:v15+s21+$0x0] =	vst.idx.add.f32.msk $0xff, v19  }
0x389: {  	[tilespmem:v15+s21+$0x0] =	vst.idx.add.f32.msk vm0, v19;
	v15 =	vadd.s32 v5, v11  }
0x38a: {  	v13 =	vmul.f32 v16, v13;
	[tilespmem:v17+s21+$0x0] =	vst.idx.add.f32.msk $0xff, v22  }
0x38b: {  	[tilespmem:v17+s21+$0x0] =	vst.idx.add.f32.msk vm0, v22;
	v17 =	vadd.s32 v6, v11  }
0x38c: {  	v19 =	vmul.f32 v12, v20;
	[tilespmem:v21+s21+$0x0] =	vst.idx.add.f32.msk $0xff, v13  }
0x38d: {  	[tilespmem:v21+s21+$0x0] =	vst.idx.add.f32.msk vm0, v13;
	v13 =	vadd.s32 v7, v11  }
0x38e: {  	v21 =	vmul.f32 v14, v20;
	[tilespmem:v15+s21+$0x0] =	vst.idx.add.f32.msk $0xff, v19  }
0x38f: {  	[tilespmem:v15+s21+$0x0] =	vst.idx.add.f32.msk vm0, v19;
	v15 =	vadd.s32 v8, v11  }
0x390: {  	v19 =	vmul.f32 v16, v20;
	[tilespmem:v17+s21+$0x0] =	vst.idx.add.f32.msk $0xff, v21  }
0x391: {  	[tilespmem:v17+s21+$0x0] =	vst.idx.add.f32.msk vm0, v21;
	v17 =	vadd.s32 v9, v11  }
0x392: {  	v12 =	vmul.f32 v12, v18;
	[tilespmem:v13+s21+$0x0] =	vst.idx.add.f32.msk $0xff, v19  }
0x393: {  	v11 =	vadd.s32 v10, v11;
	[tilespmem:v13+s21+$0x0] =	vst.idx.add.f32.msk vm0, v19  }
0x394: {  	v13 =	vmul.f32 v14, v18;
	[tilespmem:v15+s21+$0x0] =	vst.idx.add.f32.msk $0xff, v12  }
0x395: {  	[tilespmem:v15+s21+$0x0] =	vst.idx.add.f32.msk vm0, v12  }
0x396: {  	v12 =	vmul.f32 v16, v18;
	[tilespmem:v17+s21+$0x0] =	vst.idx.add.f32.msk $0xff, v13  }
0x397: {  	[tilespmem:v17+s21+$0x0] =	vst.idx.add.f32.msk vm0, v13  }
0x398: {  	[tilespmem:v11+s21+$0x0] =	vst.idx.add.f32.msk $0xff, v12  }
0x399: {  	[tilespmem:v11+s21+$0x0] =	vst.idx.add.f32.msk vm0, v12  }
0x39a: {  	_ =	swait.ge [sflag:s22], $0x640  }
0x39b: {  	[sflag:s22] =	ssyncset.done $0x0  }
0x39c: {  	[sflag:s22] =	ssyncadd.s32 $0xFFFFF9C0  }
0x39d: {  	_ =	swait.ge [sflag:s22], $0x640  }
0x39e: {  	[sflag:s22] =	ssyncset.done $0x0  }
0x39f: {  	[sflag:s22] =	ssyncadd.s32 $0xFFFFF9C0  }
0x3a0: {  	_ =	swait.ge [sflag:s22], $0x640  }
0x3a1: {  	[sflag:s22] =	ssyncset.done $0x0  }
0x3a2: {  	[sflag:s22] =	ssyncadd.s32 $0xFFFFF9C0  }
0x3a3: {  	_ =	swait.ge [sflag:s22], $0x640  }
0x3a4: {  	[sflag:s22] =	ssyncset.done $0x0  }
0x3a5: {  	[sflag:s22] =	ssyncadd.s32 $0xFFFFF9C0  }
0x3a6: {  	_ =	swait.ge [sflag:s22], $0x640  }
0x3a7: {  	[sflag:s22] =	ssyncset.done $0x0  }
0x3a8: {  	[sflag:s22] =	ssyncadd.s32 $0xFFFFF9C0  }
0x3a9: {  	_ =	swait.ge [sflag:s22], $0x640  }
0x3aa: {  	[sflag:s22] =	ssyncset.done $0x0  }
0x3ab: {  	[sflag:s22] =	ssyncadd.s32 $0xFFFFF9C0  }
0x3ac: {  	[bflag:$0x0] =	sbarrier.arrive $0xFFFF  }
0x3ad: {  	s11 =	simm.s32 $0x12580;
	s12 =	rddreg [dreg:$0x19]  }
0x3ae: {  	[tilespmem:s11], [sflag:$0x4] =	stream.linear.gather [spmem:s12], $0x1200, $0x38;
	[tilespmem:$0x1ACC0] =	vst v63  }
0x3af: {  	_ =	swait.ge [sflag:s18], $0x1200  }
0x3b0: {  	[sflag:s18] =	ssyncset.done $0x0  }
0x3b1: {  	s9 =	simm.s32 $0x0;
	s12 =	rddreg [dreg:$0xe];
	[sflag:s18] =	ssyncadd.s32 $0xFFFFEE00  }
0x3b2: {  	[hbm4b:s12+s9] =	stream.linear.scatter [tilespmem:s11], [sflag:$0x4], $0x1200, $0x38;
	[tilespmem:$0x1ACC0] =	vst v63  }
0x3b3: {  	_ =	swait.ge [sflag:s18], $0x1200  }
0x3b4: {  	[sflag:s18] =	ssyncset.done $0x0  }
0x3b5: {  	s14 =	rddreg [dreg:$0x16];
	[sflag:s18] =	ssyncadd.s32 $0xFFFFEE00  }
0x3b6: {  	[tilespmem:s11], [sflag:$0x4] =	stream.linear.gather [spmem:s14], $0x670, $0x38;
	[tilespmem:$0x1ACC0] =	vst v63  }
0x3b7: {  	_ =	swait.ge [sflag:s18], $0x670  }
0x3b8: {  	[sflag:s18] =	ssyncset.done $0x0  }
0x3b9: {  	s15 =	rddreg [dreg:$0xf];
	[sflag:s18] =	ssyncadd.s32 $0xFFFFF990  }
0x3ba: {  	[hbm4b:s15+s9] =	stream.linear.scatter [tilespmem:s11], [sflag:$0x4], $0x670, $0x38;
	[tilespmem:$0x1ACC0] =	vst v63  }
0x3bb: {  	_ =	swait.ge [sflag:s18], $0x670  }
0x3bc: {  	[sflag:s18] =	ssyncset.done $0x0  }
0x3bd: {  	s16 =	rddreg [dreg:$0x1a];
	[sflag:s18] =	ssyncadd.s32 $0xFFFFF990  }
0x3be: {  	[tilespmem:s11], [sflag:$0x4] =	stream.linear.gather [spmem:s16], $0x1200, $0x38;
	[tilespmem:$0x1ACC0] =	vst v63  }
0x3bf: {  	_ =	swait.ge [sflag:s18], $0x1200  }
0x3c0: {  	[sflag:s18] =	ssyncset.done $0x0  }
0x3c1: {  	s23 =	rddreg [dreg:$0x10];
	[sflag:s18] =	ssyncadd.s32 $0xFFFFEE00  }
0x3c2: {  	[hbm4b:s23+s9] =	stream.linear.scatter [tilespmem:s11], [sflag:$0x4], $0x1200, $0x38;
	[tilespmem:$0x1ACC0] =	vst v63  }
0x3c3: {  	_ =	swait.ge [sflag:s18], $0x1200  }
0x3c4: {  	[sflag:s18] =	ssyncset.done $0x0  }
0x3c5: {  	s31 =	rddreg [dreg:$0x17];
	[sflag:s18] =	ssyncadd.s32 $0xFFFFEE00  }
0x3c6: {  	[tilespmem:s11], [sflag:$0x4] =	stream.linear.gather [spmem:s31], $0x670, $0x38;
	[tilespmem:$0x1ACC0] =	vst v63  }
0x3c7: {  	_ =	swait.ge [sflag:s18], $0x670  }
0x3c8: {  	[sflag:s18] =	ssyncset.done $0x0  }
0x3c9: {  	s14 =	rddreg [dreg:$0x11];
	[sflag:s18] =	ssyncadd.s32 $0xFFFFF990  }
0x3ca: {  	[hbm4b:s14+s9] =	stream.linear.scatter [tilespmem:s11], [sflag:$0x4], $0x670, $0x38;
	[tilespmem:$0x1ACC0] =	vst v63  }
0x3cb: {  	_ =	swait.ge [sflag:s18], $0x670  }
0x3cc: {  	[sflag:s18] =	ssyncset.done $0x0  }
0x3cd: {  	s15 =	rddreg [dreg:$0x1b];
	[sflag:s18] =	ssyncadd.s32 $0xFFFFF990  }
0x3ce: {  	[tilespmem:s11], [sflag:$0x4] =	stream.linear.gather [spmem:s15], $0x1200, $0x38;
	[tilespmem:$0x1ACC0] =	vst v63  }
0x3cf: {  	_ =	swait.ge [sflag:s18], $0x1200  }
0x3d0: {  	[sflag:s18] =	ssyncset.done $0x0  }
0x3d1: {  	s16 =	rddreg [dreg:$0x12];
	[sflag:s18] =	ssyncadd.s32 $0xFFFFEE00  }
0x3d2: {  	[hbm4b:s16+s9] =	stream.linear.scatter [tilespmem:s11], [sflag:$0x4], $0x1200, $0x38;
	[tilespmem:$0x1ACC0] =	vst v63  }
0x3d3: {  	_ =	swait.ge [sflag:s18], $0x1200  }
0x3d4: {  	[sflag:s18] =	ssyncset.done $0x0  }
0x3d5: {  	s23 =	rddreg [dreg:$0x18];
	[sflag:s18] =	ssyncadd.s32 $0xFFFFEE00  }
0x3d6: {  	[tilespmem:s11], [sflag:$0x4] =	stream.linear.gather [spmem:s23], $0x670, $0x38;
	[tilespmem:$0x1ACC0] =	vst v63  }
0x3d7: {  	v11 =	vmul.u32 $0x8, v0;
	_ =	swait.ge [sflag:s18], $0x670  }
0x3d8: {  	[sflag:s18] =	ssyncset.done $0x0  }
0x3d9: {  	v14 =	vor.u32 s9, v11;
	s31 =	rddreg [dreg:$0x13];
	[sflag:s18] =	ssyncadd.s32 $0xFFFFF990  }
0x3da: {  	v12 =	vor.u32 $0x1, v11;
	[hbm4b:s31+s9] =	stream.linear.scatter [tilespmem:s11], [sflag:$0x4], $0x670, $0x38;
	[tilespmem:$0x1ACC0] =	vst v63  }
0x3db: {  	v15 =	vor.u32 s9, v12;
	_ =	swait.ge [sflag:s18], $0x670  }
0x3dc: {  	v13 =	vor.u32 $0x2, v11;
	[sflag:s18] =	ssyncset.done $0x0  }
0x3dd: {  	v16 =	vor.u32 s9, v13;
	[sflag:s18] =	ssyncadd.s32 $0xFFFFF990  }
0x3de: {  	v17 =	vld.idx.msk [tilespmem:v14+s21+$0x0], $0xffff;
	v14 =	vor.u32 $0x3, v11  }
0x3df: {  	v18 =	vor.u32 s9, v14  }
0x3e0: {  	v19 =	vld.idx.msk [tilespmem:v15+s21+$0x0], $0xffff;
	v15 =	vor.u32 $0x4, v11  }
0x3e1: {  	v20 =	vor.u32 s9, v15  }
0x3e2: {  	v21 =	vld.idx.msk [tilespmem:v16+s21+$0x0], $0xffff;
	v16 =	vor.u32 $0x5, v11  }
0x3e3: {  	v22 =	vor.u32 s9, v16;
	v23 =	vadd.f32 $0.0e+00, v17  }
0x3e4: {  	v17 =	vor.u32 $0x6, v11;
	v24 =	vld.idx.msk [tilespmem:v18+s21+$0x0], $0xffff  }
0x3e5: {  	v25 =	vor.u32 s9, v17;
	v19 =	vadd.f32 v19, v23  }
0x3e6: {  	v20 =	vld.idx.msk [tilespmem:v20+s21+$0x0], $0xffff;
	v18 =	vor.u32 $0x7, v11  }
0x3e7: {  	v23 =	vor.u32 s9, v18;
	v19 =	vadd.f32 v21, v19  }
0x3e8: {  	v21 =	vld.idx.msk [tilespmem:v22+s21+$0x0], $0xffff  }
0x3e9: {  	v19 =	vadd.f32 v24, v19  }
0x3ea: {  	v22 =	vld.idx.msk [tilespmem:v25+s21+$0x0], $0xffff  }
0x3eb: {  	v19 =	vadd.f32 v20, v19  }
0x3ec: {  	v20 =	vld.idx.msk [tilespmem:v23+s21+$0x0], $0xffff  }
0x3ed: {  	v19 =	vadd.f32 v21, v19  }
0x3ee: {  	s12 =	simm.s32 $0x80  }
0x3ef: {  	v21 =	vor.u32 s12, v11;
	v19 =	vadd.f32 v22, v19;
	_ =	sdelay $0x1  }
0x3f0: {  	v22 =	vor.u32 s12, v12;
	v19 =	vadd.f32 v20, v19;
	_ =	sdelay $0x1  }
0x3f1: {  	v20 =	vor.u32 s12, v13;
	[tilespmem:s11+$0x0] =	vst v19  }
0x3f2: {  	v19 =	vld.idx.msk [tilespmem:v21+s21+$0x0], $0xffff  }
0x3f3: {  	v21 =	vor.u32 s12, v14  }
0x3f4: {  	v23 =	vor.u32 s12, v15;
	v22 =	vld.idx.msk [tilespmem:v22+s21+$0x0], $0xffff;
	_ =	sdelay $0x1  }
0x3f5: {  	v20 =	vld.idx.msk [tilespmem:v20+s21+$0x0], $0xffff  }
0x3f6: {  	v62 =	vor.u32 s12, v16;
	v19 =	vadd.f32 $0.0e+00, v19  }
0x3f7: {  	v21 =	vld.idx.msk [tilespmem:v21+s21+$0x0], $0xffff  }
0x3f8: {  	v19 =	vadd.f32 v22, v19;
	v22 =	vld.idx.msk [tilespmem:v23+s21+$0x0], $0xffff;
	v23 =	vor.u32 s12, v17;
	_ =	sdelay $0x1  }
0x3f9: {  	v63 =	vor.u32 s12, v18;
	v19 =	vadd.f32 v20, v19  }
0x3fa: {  	v24 =	vld.idx.msk [tilespmem:v62+s21+$0x0], $0xffff  }
0x3fb: {  	v19 =	vadd.f32 v21, v19  }
0x3fc: {  	v20 =	vld.idx.msk [tilespmem:v23+s21+$0x0], $0xffff  }
0x3fd: {  	v21 =	vadd.f32 v22, v19  }
0x3fe: {  	v19 =	vld.idx.msk [tilespmem:v63+s21+$0x0], $0xffff  }
0x3ff: {  	s28 =	simm.s32 $0x180;
	s14 =	simm.s32 $0x100;
	s23 =	simm.s32 $0x100;
	v21 =	vadd.f32 v24, v21  }
.LBB2_27:
0x400: {  	p0 =	sne.s32 s28, $0xF80  }
0x401: {  	v22 =	vor.u32 s14, v11;
	v20 =	vadd.f32 v20, v21  }
0x402: {  	v21 =	vor.u32 $0x1, v11  }
0x403: {  	v21 =	vor.u32 s14, v21;
	v19 =	vadd.f32 v19, v20  }
0x404: {  	s11 =	sadd.s32 $0x10, s11;
	v20 =	vor.u32 $0x2, v11  }
0x405: {  	v20 =	vor.u32 s14, v20;
	[tilespmem:s11+$0x0] =	vst v19  }
0x406: {  	v19 =	vld.idx.msk [tilespmem:v22+s21+$0x0], $0xffff;
	v22 =	vor.u32 $0x3, v11  }
0x407: {  	v22 =	vor.u32 s14, v22  }
0x408: {  	v23 =	vor.u32 $0x4, v11;
	v21 =	vld.idx.msk [tilespmem:v21+s21+$0x0], $0xffff  }
0x409: {  	v23 =	vor.u32 s14, v23  }
0x40a: {  	v24 =	vor.u32 $0x5, v11;
	v20 =	vld.idx.msk [tilespmem:v20+s21+$0x0], $0xffff  }
0x40b: {  	v24 =	vor.u32 s14, v24  }
0x40c: {  	v25 =	vor.u32 $0x6, v11;
	v19 =	vadd.f32 $0.0e+00, v19;
	v22 =	vld.idx.msk [tilespmem:v22+s21+$0x0], $0xffff  }
0x40d: {  	v25 =	vor.u32 s14, v25  }
0x40e: {  	v19 =	vadd.f32 v21, v19;
	v21 =	vld.idx.msk [tilespmem:v23+s21+$0x0], $0xffff;
	v23 =	vor.u32 $0x7, v11  }
0x40f: {  	v23 =	vor.u32 s14, v23;
	s14 =	smov.u32 s28  }
0x410: {  	v19 =	vadd.f32 v20, v19;
	v24 =	vld.idx.msk [tilespmem:v24+s21+$0x0], $0xffff;
	_ =	sdelay $0x1  }
.Ltmp13:
0x411: {  	v19 =	vadd.f32 v22, v19;
	v20 =	vld.idx.msk [tilespmem:v25+s21+$0x0], $0xffff;
	(pc) =	sbr.rel @p0 .LBB2_27-.Ltmp13, $3  }
0x412: {  	_ = 	snop  }
0x413: {  	v21 =	vadd.f32 v21, v19;
	v19 =	vld.idx.msk [tilespmem:v23+s21+$0x0], $0xffff;
	_ =	sdelay $0x1  }
0x414: {  	s28 =	sadd.s32 $0x80, s28;
	v21 =	vadd.f32 v24, v21  }
0x415: {  	_ = 	snop  }
0x416: {  	v22 =	vor.u32 s14, v11;
	v20 =	vadd.f32 v20, v21;
	_ =	sdelay $0x1  }
0x417: {  	v12 =	vor.u32 s14, v12;
	v19 =	vadd.f32 v19, v20  }
0x418: {  	s11 =	sadd.s32 $0x10, s11  }
0x419: {  	v13 =	vor.u32 s14, v13;
	[tilespmem:s11+$0x0] =	vst v19  }
0x41a: {  	v19 =	vld.idx.msk [tilespmem:v22+s21+$0x0], $0xffff  }
0x41b: {  	v14 =	vor.u32 s14, v14  }
0x41c: {  	v12 =	vld.idx.msk [tilespmem:v12+s21+$0x0], $0xffff  }
0x41d: {  	v15 =	vor.u32 s14, v15  }
0x41e: {  	v13 =	vld.idx.msk [tilespmem:v13+s21+$0x0], $0xffff  }
0x41f: {  	v16 =	vor.u32 s14, v16;
	v19 =	vadd.f32 $0.0e+00, v19  }
0x420: {  	v14 =	vld.idx.msk [tilespmem:v14+s21+$0x0], $0xffff  }
0x421: {  	v17 =	vor.u32 s14, v17;
	v12 =	vadd.f32 v12, v19  }
0x422: {  	v15 =	vld.idx.msk [tilespmem:v15+s21+$0x0], $0xffff  }
0x423: {  	v18 =	vor.u32 s14, v18;
	v12 =	vadd.f32 v13, v12  }
0x424: {  	v13 =	vld.idx.msk [tilespmem:v16+s21+$0x0], $0xffff  }
0x425: {  	v12 =	vadd.f32 v14, v12  }
0x426: {  	v14 =	vld.idx.msk [tilespmem:v17+s21+$0x0], $0xffff  }
0x427: {  	v12 =	vadd.f32 v15, v12  }
0x428: {  	v15 =	vld.idx.msk [tilespmem:v18+s21+$0x0], $0xffff  }
0x429: {  	v13 =	vadd.f32 v13, v12  }
0x42a: {  	v12 =	vor.u32 $0x1000, v11  }
0x42b: {  	v16 =	vor.u32 s9, v12;
	v14 =	vadd.f32 v14, v13  }
0x42c: {  	v13 =	vor.u32 $0x1001, v11  }
0x42d: {  	v17 =	vor.u32 s9, v13;
	v15 =	vadd.f32 v15, v14  }
0x42e: {  	s11 =	sadd.s32 $0x10, s11;
	v14 =	vor.u32 $0x1002, v11  }
0x42f: {  	v18 =	vor.u32 s9, v14;
	[tilespmem:s11+$0x0] =	vst v15  }
0x430: {  	v15 =	vor.u32 $0x1003, v11;
	v19 =	vld.idx.msk [tilespmem:v16+s21+$0x0], $0xffff  }
0x431: {  	v20 =	vor.u32 s9, v15  }
0x432: {  	v16 =	vor.u32 $0x1004, v11;
	v21 =	vld.idx.msk [tilespmem:v17+s21+$0x0], $0xffff  }
0x433: {  	v22 =	vor.u32 s9, v16  }
0x434: {  	v17 =	vor.u32 $0x1005, v11;
	v23 =	vld.idx.msk [tilespmem:v18+s21+$0x0], $0xffff  }
0x435: {  	v24 =	vor.u32 s9, v17;
	v19 =	vadd.f32 $0.0e+00, v19  }
0x436: {  	v18 =	vor.u32 $0x1006, v11;
	v20 =	vld.idx.msk [tilespmem:v20+s21+$0x0], $0xffff  }
0x437: {  	v25 =	vor.u32 s9, v18;
	v21 =	vadd.f32 v21, v19  }
0x438: {  	v22 =	vld.idx.msk [tilespmem:v22+s21+$0x0], $0xffff;
	v19 =	vor.u32 $0x1007, v11  }
0x439: {  	v26 =	vor.u32 s9, v19;
	v21 =	vadd.f32 v23, v21  }
0x43a: {  	v23 =	vld.idx.msk [tilespmem:v24+s21+$0x0], $0xffff  }
0x43b: {  	v20 =	vadd.f32 v20, v21  }
0x43c: {  	v21 =	vld.idx.msk [tilespmem:v25+s21+$0x0], $0xffff  }
0x43d: {  	v20 =	vadd.f32 v22, v20  }
0x43e: {  	v22 =	vld.idx.msk [tilespmem:v26+s21+$0x0], $0xffff  }
0x43f: {  	v20 =	vadd.f32 v23, v20;
	_ =	sdelay $0x1  }
0x440: {  	v23 =	vor.u32 s12, v12;
	v20 =	vadd.f32 v21, v20;
	_ =	sdelay $0x1  }
0x441: {  	v21 =	vor.u32 s12, v13;
	v20 =	vadd.f32 v22, v20  }
0x442: {  	s31 =	sand.u32 $0x1F0, s9  }
0x443: {  	v22 =	vor.u32 s12, v14;
	[tilespmem:s31+$0x12780] =	vst v20  }
0x444: {  	v20 =	vld.idx.msk [tilespmem:v23+s21+$0x0], $0xffff  }
0x445: {  	v23 =	vor.u32 s12, v15  }
0x446: {  	v21 =	vld.idx.msk [tilespmem:v21+s21+$0x0], $0xffff  }
0x447: {  	v61 =	vor.u32 s12, v16  }
0x448: {  	v22 =	vld.idx.msk [tilespmem:v22+s21+$0x0], $0xffff  }
0x449: {  	v20 =	vadd.f32 $0.0e+00, v20  }
0x44a: {  	v62 =	vor.u32 s12, v17;
	v23 =	vld.idx.msk [tilespmem:v23+s21+$0x0], $0xffff  }
0x44b: {  	v20 =	vadd.f32 v21, v20  }
0x44c: {  	v63 =	vor.u32 s12, v18;
	v21 =	vld.idx.msk [tilespmem:v61+s21+$0x0], $0xffff  }
0x44d: {  	v20 =	vadd.f32 v22, v20  }
0x44e: {  	v22 =	vor.u32 s12, v19  }
0x44f: {  	v25 =	vld.idx.msk [tilespmem:v62+s21+$0x0], $0xffff;
	v20 =	vadd.f32 v23, v20;
	_ =	sdelay $0x1  }
0x450: {  	v23 =	vadd.f32 v21, v20;
	v21 =	vld.idx.msk [tilespmem:v63+s21+$0x0], $0xffff;
	_ =	sdelay $0x1  }
0x451: {  	v20 =	vld.idx.msk [tilespmem:v22+s21+$0x0], $0xffff  }
0x452: {  	v22 =	vadd.f32 v25, v23  }
0x453: {  	s11 =	simm.s32 $0x180  }
.LBB2_29:
0x454: {  	p0 =	sne.s32 s11, $0xF80;
	v23 =	vor.u32 s23, v12;
	v21 =	vadd.f32 v21, v22;
	_ =	sdelay $0x1  }
0x455: {  	v22 =	vor.u32 s23, v13;
	s9 =	sadd.s32 $0x10, s9;
	v20 =	vadd.f32 v20, v21  }
0x456: {  	s12 =	sand.u32 $0x1F0, s9  }
0x457: {  	v21 =	vor.u32 s23, v14;
	[tilespmem:s12+$0x12780] =	vst v20  }
0x458: {  	v20 =	vld.idx.msk [tilespmem:v23+s21+$0x0], $0xffff  }
0x459: {  	v23 =	vor.u32 s23, v15  }
0x45a: {  	v22 =	vld.idx.msk [tilespmem:v22+s21+$0x0], $0xffff  }
0x45b: {  	v24 =	vor.u32 s23, v16  }
0x45c: {  	v21 =	vld.idx.msk [tilespmem:v21+s21+$0x0], $0xffff  }
0x45d: {  	v25 =	vor.u32 s23, v17  }
0x45e: {  	v20 =	vadd.f32 $0.0e+00, v20;
	v23 =	vld.idx.msk [tilespmem:v23+s21+$0x0], $0xffff  }
0x45f: {  	v26 =	vor.u32 s23, v18  }
0x460: {  	v20 =	vadd.f32 v22, v20;
	v22 =	vld.idx.msk [tilespmem:v24+s21+$0x0], $0xffff  }
0x461: {  	v24 =	vor.u32 s23, v19;
	s23 =	smov.u32 s11  }
0x462: {  	v20 =	vadd.f32 v21, v20;
	v25 =	vld.idx.msk [tilespmem:v25+s21+$0x0], $0xffff;
	_ =	sdelay $0x1  }
0x463: {  	v20 =	vadd.f32 v23, v20;
	v21 =	vld.idx.msk [tilespmem:v26+s21+$0x0], $0xffff  }
.Ltmp14:
0x464: {  	(pc) =	sbr.rel @p0 .LBB2_29-.Ltmp14, $3  }
0x465: {  	v22 =	vadd.f32 v22, v20;
	v20 =	vld.idx.msk [tilespmem:v24+s21+$0x0], $0xffff;
	_ =	sdelay $0x1  }
0x466: {  	v22 =	vadd.f32 v25, v22  }
0x467: {  	s11 =	sadd.s32 $0x80, s11  }
0x468: {  	v12 =	vor.u32 s23, v12;
	v21 =	vadd.f32 v21, v22;
	_ =	sdelay $0x1  }
0x469: {  	v13 =	vor.u32 s23, v13;
	s9 =	sadd.s32 $0x10, s9;
	v20 =	vadd.f32 v20, v21  }
0x46a: {  	s11 =	sand.u32 $0x1F0, s9  }
0x46b: {  	v14 =	vor.u32 s23, v14;
	[tilespmem:s11+$0x12780] =	vst v20  }
0x46c: {  	v12 =	vld.idx.msk [tilespmem:v12+s21+$0x0], $0xffff  }
0x46d: {  	v15 =	vor.u32 s23, v15  }
0x46e: {  	v13 =	vld.idx.msk [tilespmem:v13+s21+$0x0], $0xffff  }
0x46f: {  	v16 =	vor.u32 s23, v16  }
0x470: {  	v14 =	vld.idx.msk [tilespmem:v14+s21+$0x0], $0xffff  }
0x471: {  	v17 =	vor.u32 s23, v17;
	v12 =	vadd.f32 $0.0e+00, v12  }
0x472: {  	v15 =	vld.idx.msk [tilespmem:v15+s21+$0x0], $0xffff  }
0x473: {  	v18 =	vor.u32 s23, v18;
	v12 =	vadd.f32 v13, v12  }
0x474: {  	v13 =	vld.idx.msk [tilespmem:v16+s21+$0x0], $0xffff  }
0x475: {  	v63 =	vor.u32 s23, v19;
	v12 =	vadd.f32 v14, v12  }
0x476: {  	v14 =	vld.idx.msk [tilespmem:v17+s21+$0x0], $0xffff  }
0x477: {  	v12 =	vadd.f32 v15, v12  }
0x478: {  	v15 =	vld.idx.msk [tilespmem:v18+s21+$0x0], $0xffff  }
0x479: {  	v12 =	vadd.f32 v13, v12  }
0x47a: {  	v13 =	vld.idx.msk [tilespmem:v63+s21+$0x0], $0xffff  }
0x47b: {  	v12 =	vadd.f32 v14, v12  }
0x47c: {  	p1 =	por $0x1, $0x1  }
.Ltmp15:
0x47d: {  	v12 =	vadd.f32 v15, v12;
	(pc) =	sbr.rel @!p1 .LBB2_31-.Ltmp15, $4  }
0x47e: {  	_ = 	snop  }
0x47f: {  	s9 =	sadd.s32 $0x10, s9;
	v12 =	vadd.f32 v13, v12  }
0x480: {  	s23 =	simm.s32 $0x80;
	s31 =	sand.u32 $0x1F0, s9  }
0x481: {  	p2 =	por $0x0, $0x0;
	p0 =	por $0x0, $0x0;
	s9 =	simm.s32 $0x0;
	v13 =	vor.u32 $0x2000, v11;
	[tilespmem:s31+$0x12780] =	vst v12;
	v12 =	vor.u32 $0x2001, v11  }
0x482: {  	v15 =	vor.u32 s9, v13;
	_ =	sdelay $0x1  }
0x483: {  	v16 =	vor.u32 s9, v12  }
0x484: {  	v14 =	vor.u32 $0x2002, v11  }
0x485: {  	v17 =	vor.u32 s9, v14  }
0x486: {  	v18 =	vld.idx.msk [tilespmem:v15+s21+$0x0], $0xffff;
	v15 =	vor.u32 $0x2003, v11  }
0x487: {  	v19 =	vor.u32 s9, v15  }
0x488: {  	v20 =	vld.idx.msk [tilespmem:v16+s21+$0x0], $0xffff;
	v16 =	vor.u32 $0x2004, v11  }
0x489: {  	v21 =	vor.u32 s9, v16  }
0x48a: {  	v22 =	vld.idx.msk [tilespmem:v17+s21+$0x0], $0xffff;
	v17 =	vor.u32 $0x2005, v11  }
0x48b: {  	v23 =	vor.u32 s9, v17;
	v18 =	vadd.f32 $0.0e+00, v18  }
0x48c: {  	v24 =	vld.idx.msk [tilespmem:v19+s21+$0x0], $0xffff  }
0x48d: {  	v20 =	vadd.f32 v20, v18  }
0x48e: {  	v21 =	vld.idx.msk [tilespmem:v21+s21+$0x0], $0xffff;
	v18 =	vor.u32 $0x2006, v11  }
0x48f: {  	v19 =	vor.u32 $0x2007, v11;
	v25 =	vor.u32 s9, v18;
	v20 =	vadd.f32 v22, v20  }
0x490: {  	p3 =	por $0x1, $0x1;
	v23 =	vld.idx.msk [tilespmem:v23+s21+$0x0], $0xffff;
	v22 =	vor.u32 s9, v19  }
.Ltmp16:
0x491: {  	v20 =	vadd.f32 v24, v20;
	(pc) =	sbr.rel @!p3 .LBB2_33-.Ltmp16, $4  }
0x492: {  	_ = 	snop  }
0x493: {  	v24 =	vadd.f32 v21, v20  }
0x494: {  	v21 =	vld.idx.msk [tilespmem:v25+s21+$0x0], $0xffff  }
0x495: {  	s11 =	simm.s32 $0x100;
	p2 =	por $0x1, $0x1;
	v20 =	vld.idx.msk [tilespmem:v22+s21+$0x0], $0xffff;
	v22 =	vadd.f32 v23, v24  }
0x496: {  	_ =	sdelay $0x2  }
0x497: {  	v23 =	vor.u32 s23, v13;
	v21 =	vadd.f32 v21, v22;
	_ =	sdelay $0x1  }
0x498: {  	v22 =	vor.u32 s23, v12;
	v20 =	vadd.f32 v20, v21  }
0x499: {  	s12 =	sand.u32 $0x1F0, s9  }
0x49a: {  	v21 =	vor.u32 s23, v14;
	[tilespmem:s12+$0x12980] =	vst v20  }
0x49b: {  	v20 =	vld.idx.msk [tilespmem:v23+s21+$0x0], $0xffff  }
0x49c: {  	v23 =	vor.u32 s23, v15  }
0x49d: {  	v22 =	vld.idx.msk [tilespmem:v22+s21+$0x0], $0xffff  }
0x49e: {  	v24 =	vor.u32 s23, v16  }
0x49f: {  	v21 =	vld.idx.msk [tilespmem:v21+s21+$0x0], $0xffff  }
0x4a0: {  	v25 =	vor.u32 s23, v17;
	v20 =	vadd.f32 $0.0e+00, v20  }
0x4a1: {  	v23 =	vld.idx.msk [tilespmem:v23+s21+$0x0], $0xffff  }
0x4a2: {  	v63 =	vor.u32 s23, v18;
	v20 =	vadd.f32 v22, v20  }
0x4a3: {  	v22 =	vld.idx.msk [tilespmem:v24+s21+$0x0], $0xffff  }
0x4a4: {  	v26 =	vor.u32 s23, v19;
	v20 =	vadd.f32 v21, v20  }
0x4a5: {  	v25 =	vld.idx.msk [tilespmem:v25+s21+$0x0], $0xffff  }
0x4a6: {  	p4 =	por $0x1, $0x1;
	v20 =	vadd.f32 v23, v20  }
.Ltmp17:
0x4a7: {  	v21 =	vld.idx.msk [tilespmem:v63+s21+$0x0], $0xffff;
	(pc) =	sbr.rel @!p4 .LBB2_35-.Ltmp17, $4  }
0x4a8: {  	v22 =	vadd.f32 v22, v20  }
0x4a9: {  	v20 =	vld.idx.msk [tilespmem:v26+s21+$0x0], $0xffff  }
0x4aa: {  	v22 =	vadd.f32 v25, v22  }
0x4ab: {  	s14 =	simm.s32 $0x180;
	p3 =	por $0x1, $0x1;
	s12 =	simm.s32 $0x0  }
.LBB2_36:
0x4ac: {  	p4 =	sne.s32 s14, $0xF80;
	v23 =	vor.u32 s11, v13;
	v21 =	vadd.f32 v21, v22;
	_ =	sdelay $0x1  }
0x4ad: {  	v22 =	vor.u32 s11, v12;
	s12 =	sadd.s32 $0x10, s12;
	v20 =	vadd.f32 v20, v21  }
0x4ae: {  	s15 =	sand.u32 $0x1F0, s12  }
0x4af: {  	v21 =	vor.u32 s11, v14;
	[tilespmem:s15+$0x12980] =	vst v20  }
0x4b0: {  	v20 =	vld.idx.msk [tilespmem:v23+s21+$0x0], $0xffff  }
0x4b1: {  	v23 =	vor.u32 s11, v15  }
0x4b2: {  	v22 =	vld.idx.msk [tilespmem:v22+s21+$0x0], $0xffff  }
0x4b3: {  	v24 =	vor.u32 s11, v16  }
0x4b4: {  	v21 =	vld.idx.msk [tilespmem:v21+s21+$0x0], $0xffff  }
0x4b5: {  	v25 =	vor.u32 s11, v17  }
0x4b6: {  	v20 =	vadd.f32 $0.0e+00, v20;
	v23 =	vld.idx.msk [tilespmem:v23+s21+$0x0], $0xffff  }
0x4b7: {  	v26 =	vor.u32 s11, v18  }
0x4b8: {  	v20 =	vadd.f32 v22, v20;
	v22 =	vld.idx.msk [tilespmem:v24+s21+$0x0], $0xffff  }
0x4b9: {  	v24 =	vor.u32 s11, v19;
	s11 =	smov.u32 s14  }
0x4ba: {  	v20 =	vadd.f32 v21, v20;
	v25 =	vld.idx.msk [tilespmem:v25+s21+$0x0], $0xffff;
	_ =	sdelay $0x1  }
0x4bb: {  	v20 =	vadd.f32 v23, v20;
	v21 =	vld.idx.msk [tilespmem:v26+s21+$0x0], $0xffff  }
.Ltmp18:
0x4bc: {  	(pc) =	sbr.rel @p4 .LBB2_36-.Ltmp18, $3  }
0x4bd: {  	v22 =	vadd.f32 v22, v20;
	v20 =	vld.idx.msk [tilespmem:v24+s21+$0x0], $0xffff;
	_ =	sdelay $0x1  }
0x4be: {  	v22 =	vadd.f32 v25, v22  }
0x4bf: {  	s14 =	sadd.s32 $0x80, s14  }
.LBB2_37:
0x4c0: {  	v13 =	vor.u32 s11, v13;
	v14 =	vadd.f32 @p2 v21, v22  }
0x4c1: {  	s12 =	sadd.s32 @p3 $0x10, s12;
	s14 =	simm.s32 $0x0  }
0x4c2: {  	v12 =	vor.u32 s11, v12;
	s14 =	smov.u32 @p3 s12;
	v14 =	vadd.f32 @p2 v20, v14  }
0x4c3: {  	v15 =	vor.u32 $0x2002, v11;
	s12 =	sand.u32 @p2 $0x1F0, s14  }
0x4c4: {  	v15 =	vor.u32 s11, v15;
	[tilespmem:s12+$0x12980] =	vst @p2 v14  }
0x4c5: {  	v14 =	vor.u32 $0x2003, v11;
	v13 =	vld.idx.msk [tilespmem:v13+s21+$0x0], $0xffff  }
0x4c6: {  	v14 =	vor.u32 s11, v14  }
0x4c7: {  	v16 =	vor.u32 $0x2004, v11;
	v12 =	vld.idx.msk [tilespmem:v12+s21+$0x0], $0xffff  }
0x4c8: {  	v16 =	vor.u32 s11, v16  }
0x4c9: {  	v17 =	vor.u32 $0x2005, v11;
	v15 =	vld.idx.msk [tilespmem:v15+s21+$0x0], $0xffff  }
0x4ca: {  	v17 =	vor.u32 s11, v17;
	v13 =	vadd.f32 $0.0e+00, v13  }
0x4cb: {  	v18 =	vor.u32 $0x2006, v11;
	v14 =	vld.idx.msk [tilespmem:v14+s21+$0x0], $0xffff  }
0x4cc: {  	v18 =	vor.u32 s11, v18;
	v12 =	vadd.f32 v12, v13  }
0x4cd: {  	v63 =	vor.u32 $0x2007, v11;
	v13 =	vld.idx.msk [tilespmem:v16+s21+$0x0], $0xffff  }
0x4ce: {  	v16 =	vor.u32 s11, v63;
	v12 =	vadd.f32 v15, v12  }
0x4cf: {  	v15 =	vld.idx.msk [tilespmem:v17+s21+$0x0], $0xffff  }
0x4d0: {  	v12 =	vadd.f32 v14, v12  }
0x4d1: {  	v14 =	vld.idx.msk [tilespmem:v18+s21+$0x0], $0xffff  }
0x4d2: {  	v12 =	vadd.f32 v13, v12  }
0x4d3: {  	v13 =	vld.idx.msk [tilespmem:v16+s21+$0x0], $0xffff  }
0x4d4: {  	v12 =	vadd.f32 v15, v12;
	_ =	sdelay $0x1  }
.Ltmp19:
0x4d5: {  	v12 =	vadd.f32 v14, v12;
	(pc) =	sbr.rel @!p1 .LBB2_38-.Ltmp19, $4  }
0x4d6: {  	s12 =	simm.s32 $0x0;
	s11 =	sadd.s32 @p2 $0x10, s14  }
0x4d7: {  	s12 =	smov.u32 @p2 s11;
	v12 =	vadd.f32 v13, v12  }
0x4d8: {  	s11 =	sand.u32 $0x1F0, s12  }
0x4d9: {  	v13 =	vor.u32 $0x3000, v11;
	[tilespmem:s11+$0x12980] =	vst v12;
	v12 =	vor.u32 $0x3001, v11  }
0x4da: {  	v15 =	vor.u32 s9, v13;
	_ =	sdelay $0x1  }
0x4db: {  	v16 =	vor.u32 s9, v12  }
0x4dc: {  	v14 =	vor.u32 $0x3002, v11  }
0x4dd: {  	v17 =	vor.u32 s9, v14  }
0x4de: {  	v18 =	vld.idx.msk [tilespmem:v15+s21+$0x0], $0xffff;
	v15 =	vor.u32 $0x3003, v11  }
0x4df: {  	v19 =	vor.u32 s9, v15  }
0x4e0: {  	v20 =	vld.idx.msk [tilespmem:v16+s21+$0x0], $0xffff;
	v16 =	vor.u32 $0x3004, v11  }
0x4e1: {  	v21 =	vor.u32 s9, v16  }
0x4e2: {  	v22 =	vld.idx.msk [tilespmem:v17+s21+$0x0], $0xffff;
	v17 =	vor.u32 $0x3005, v11  }
0x4e3: {  	v23 =	vor.u32 s9, v17;
	v18 =	vadd.f32 $0.0e+00, v18  }
0x4e4: {  	v24 =	vld.idx.msk [tilespmem:v19+s21+$0x0], $0xffff  }
0x4e5: {  	v20 =	vadd.f32 v20, v18  }
0x4e6: {  	v21 =	vld.idx.msk [tilespmem:v21+s21+$0x0], $0xffff;
	v18 =	vor.u32 $0x3006, v11  }
0x4e7: {  	v19 =	vor.u32 $0x3007, v11;
	v25 =	vor.u32 s9, v18;
	v20 =	vadd.f32 v22, v20  }
0x4e8: {  	p2 =	por $0x1, $0x1;
	v23 =	vld.idx.msk [tilespmem:v23+s21+$0x0], $0xffff;
	v22 =	vor.u32 s9, v19  }
.Ltmp20:
0x4e9: {  	v20 =	vadd.f32 v24, v20;
	(pc) =	sbr.rel @!p2 .LBB2_40-.Ltmp20, $4  }
0x4ea: {  	_ = 	snop  }
0x4eb: {  	v24 =	vadd.f32 v21, v20  }
0x4ec: {  	v21 =	vld.idx.msk [tilespmem:v25+s21+$0x0], $0xffff  }
0x4ed: {  	s11 =	simm.s32 $0x100;
	p1 =	por $0x1, $0x1;
	v20 =	vld.idx.msk [tilespmem:v22+s21+$0x0], $0xffff;
	v22 =	vadd.f32 v23, v24  }
0x4ee: {  	_ =	sdelay $0x2  }
0x4ef: {  	v23 =	vor.u32 s23, v13;
	v21 =	vadd.f32 v21, v22;
	_ =	sdelay $0x1  }
0x4f0: {  	v22 =	vor.u32 s23, v12;
	v20 =	vadd.f32 v20, v21  }
0x4f1: {  	s12 =	sand.u32 $0x1F0, s9  }
0x4f2: {  	v21 =	vor.u32 s23, v14;
	[tilespmem:s12+$0x12B80] =	vst v20  }
0x4f3: {  	v20 =	vld.idx.msk [tilespmem:v23+s21+$0x0], $0xffff  }
0x4f4: {  	v23 =	vor.u32 s23, v15  }
0x4f5: {  	v22 =	vld.idx.msk [tilespmem:v22+s21+$0x0], $0xffff  }
0x4f6: {  	v24 =	vor.u32 s23, v16  }
0x4f7: {  	v21 =	vld.idx.msk [tilespmem:v21+s21+$0x0], $0xffff  }
0x4f8: {  	v25 =	vor.u32 s23, v17;
	v20 =	vadd.f32 $0.0e+00, v20  }
0x4f9: {  	v23 =	vld.idx.msk [tilespmem:v23+s21+$0x0], $0xffff  }
0x4fa: {  	v63 =	vor.u32 s23, v18;
	v20 =	vadd.f32 v22, v20  }
0x4fb: {  	v22 =	vld.idx.msk [tilespmem:v24+s21+$0x0], $0xffff  }
0x4fc: {  	v26 =	vor.u32 s23, v19;
	v20 =	vadd.f32 v21, v20  }
0x4fd: {  	v25 =	vld.idx.msk [tilespmem:v25+s21+$0x0], $0xffff  }
0x4fe: {  	p2 =	por $0x1, $0x1;
	v20 =	vadd.f32 v23, v20  }
.Ltmp21:
0x4ff: {  	v21 =	vld.idx.msk [tilespmem:v63+s21+$0x0], $0xffff;
	(pc) =	sbr.rel @!p2 .LBB2_42-.Ltmp21, $4  }
0x500: {  	v22 =	vadd.f32 v22, v20  }
0x501: {  	v20 =	vld.idx.msk [tilespmem:v26+s21+$0x0], $0xffff  }
0x502: {  	v22 =	vadd.f32 v25, v22  }
0x503: {  	s14 =	simm.s32 $0x180;
	p0 =	por $0x1, $0x1;
	s12 =	simm.s32 $0x0  }
.LBB2_43:
0x504: {  	p2 =	sne.s32 s14, $0xF80;
	v23 =	vor.u32 s11, v13;
	v21 =	vadd.f32 v21, v22;
	_ =	sdelay $0x1  }
0x505: {  	v22 =	vor.u32 s11, v12;
	s12 =	sadd.s32 $0x10, s12;
	v20 =	vadd.f32 v20, v21  }
0x506: {  	s15 =	sand.u32 $0x1F0, s12  }
0x507: {  	v21 =	vor.u32 s11, v14;
	[tilespmem:s15+$0x12B80] =	vst v20  }
0x508: {  	v20 =	vld.idx.msk [tilespmem:v23+s21+$0x0], $0xffff  }
0x509: {  	v23 =	vor.u32 s11, v15  }
0x50a: {  	v22 =	vld.idx.msk [tilespmem:v22+s21+$0x0], $0xffff  }
0x50b: {  	v24 =	vor.u32 s11, v16  }
0x50c: {  	v21 =	vld.idx.msk [tilespmem:v21+s21+$0x0], $0xffff  }
0x50d: {  	v25 =	vor.u32 s11, v17  }
0x50e: {  	v20 =	vadd.f32 $0.0e+00, v20;
	v23 =	vld.idx.msk [tilespmem:v23+s21+$0x0], $0xffff  }
0x50f: {  	v26 =	vor.u32 s11, v18  }
0x510: {  	v20 =	vadd.f32 v22, v20;
	v22 =	vld.idx.msk [tilespmem:v24+s21+$0x0], $0xffff  }
0x511: {  	v24 =	vor.u32 s11, v19;
	s11 =	smov.u32 s14  }
0x512: {  	v20 =	vadd.f32 v21, v20;
	v25 =	vld.idx.msk [tilespmem:v25+s21+$0x0], $0xffff;
	_ =	sdelay $0x1  }
0x513: {  	v20 =	vadd.f32 v23, v20;
	v21 =	vld.idx.msk [tilespmem:v26+s21+$0x0], $0xffff  }
.Ltmp22:
0x514: {  	(pc) =	sbr.rel @p2 .LBB2_43-.Ltmp22, $3  }
0x515: {  	v22 =	vadd.f32 v22, v20;
	v20 =	vld.idx.msk [tilespmem:v24+s21+$0x0], $0xffff;
	_ =	sdelay $0x1  }
0x516: {  	v22 =	vadd.f32 v25, v22  }
0x517: {  	s14 =	sadd.s32 $0x80, s14  }
.LBB2_44:
0x518: {  	v13 =	vor.u32 s11, v13;
	v14 =	vadd.f32 @p1 v21, v22  }
0x519: {  	s12 =	sadd.s32 @p0 $0x10, s12;
	s14 =	simm.s32 $0x0  }
0x51a: {  	v12 =	vor.u32 s11, v12;
	s14 =	smov.u32 @p0 s12;
	v14 =	vadd.f32 @p1 v20, v14  }
0x51b: {  	v15 =	vor.u32 $0x3002, v11;
	s12 =	sand.u32 @p1 $0x1F0, s14  }
0x51c: {  	v15 =	vor.u32 s11, v15;
	[tilespmem:s12+$0x12B80] =	vst @p1 v14  }
0x51d: {  	v14 =	vor.u32 $0x3003, v11;
	v13 =	vld.idx.msk [tilespmem:v13+s21+$0x0], $0xffff  }
0x51e: {  	v14 =	vor.u32 s11, v14  }
0x51f: {  	v16 =	vor.u32 $0x3004, v11;
	v12 =	vld.idx.msk [tilespmem:v12+s21+$0x0], $0xffff  }
0x520: {  	v16 =	vor.u32 s11, v16  }
0x521: {  	v17 =	vor.u32 $0x3005, v11;
	v15 =	vld.idx.msk [tilespmem:v15+s21+$0x0], $0xffff  }
0x522: {  	v17 =	vor.u32 s11, v17;
	v13 =	vadd.f32 $0.0e+00, v13  }
0x523: {  	v18 =	vor.u32 $0x3006, v11;
	v14 =	vld.idx.msk [tilespmem:v14+s21+$0x0], $0xffff  }
0x524: {  	v18 =	vor.u32 s11, v18;
	v12 =	vadd.f32 v12, v13  }
0x525: {  	v63 =	vor.u32 $0x3007, v11;
	v13 =	vld.idx.msk [tilespmem:v16+s21+$0x0], $0xffff  }
0x526: {  	v16 =	vor.u32 s11, v63;
	v12 =	vadd.f32 v15, v12  }
0x527: {  	v15 =	vld.idx.msk [tilespmem:v17+s21+$0x0], $0xffff  }
0x528: {  	v12 =	vadd.f32 v14, v12  }
0x529: {  	v14 =	vld.idx.msk [tilespmem:v18+s21+$0x0], $0xffff  }
0x52a: {  	v12 =	vadd.f32 v13, v12  }
0x52b: {  	v13 =	vld.idx.msk [tilespmem:v16+s21+$0x0], $0xffff  }
0x52c: {  	s11 =	sadd.s32 @p1 $0x10, s14;
	v12 =	vadd.f32 v15, v12  }
0x52d: {  	s9 =	smov.u32 @p1 s11;
	p1 =	por $0x1, $0x1  }
.Ltmp23:
0x52e: {  	v12 =	vadd.f32 v14, v12;
	(pc) =	sbr.rel @!p1 .LBB2_45-.Ltmp23, $4  }
0x52f: {  	_ = 	snop  }
0x530: {  	v12 =	vadd.f32 v13, v12  }
0x531: {  	s23 =	simm.s32 $0x80;
	s11 =	sand.u32 $0x1F0, s9  }
0x532: {  	p2 =	por $0x0, $0x0;
	p0 =	por $0x0, $0x0;
	s9 =	simm.s32 $0x0;
	v13 =	vor.u32 $0x4000, v11;
	[tilespmem:s11+$0x12B80] =	vst v12;
	v12 =	vor.u32 $0x4001, v11  }
0x533: {  	v15 =	vor.u32 s9, v13;
	_ =	sdelay $0x1  }
0x534: {  	v16 =	vor.u32 s9, v12  }
0x535: {  	v14 =	vor.u32 $0x4002, v11  }
0x536: {  	v17 =	vor.u32 s9, v14  }
0x537: {  	v18 =	vld.idx.msk [tilespmem:v15+s21+$0x0], $0xffff;
	v15 =	vor.u32 $0x4003, v11  }
0x538: {  	v19 =	vor.u32 s9, v15  }
0x539: {  	v20 =	vld.idx.msk [tilespmem:v16+s21+$0x0], $0xffff;
	v16 =	vor.u32 $0x4004, v11  }
0x53a: {  	v21 =	vor.u32 s9, v16  }
0x53b: {  	v22 =	vld.idx.msk [tilespmem:v17+s21+$0x0], $0xffff;
	v17 =	vor.u32 $0x4005, v11  }
0x53c: {  	v23 =	vor.u32 s9, v17;
	v18 =	vadd.f32 $0.0e+00, v18  }
0x53d: {  	v24 =	vld.idx.msk [tilespmem:v19+s21+$0x0], $0xffff  }
0x53e: {  	v20 =	vadd.f32 v20, v18  }
0x53f: {  	v21 =	vld.idx.msk [tilespmem:v21+s21+$0x0], $0xffff;
	v18 =	vor.u32 $0x4006, v11  }
0x540: {  	v19 =	vor.u32 $0x4007, v11;
	v25 =	vor.u32 s9, v18;
	v20 =	vadd.f32 v22, v20  }
0x541: {  	p3 =	por $0x1, $0x1;
	v23 =	vld.idx.msk [tilespmem:v23+s21+$0x0], $0xffff;
	v22 =	vor.u32 s9, v19  }
.Ltmp24:
0x542: {  	v20 =	vadd.f32 v24, v20;
	(pc) =	sbr.rel @!p3 .LBB2_47-.Ltmp24, $4  }
0x543: {  	_ = 	snop  }
0x544: {  	v24 =	vadd.f32 v21, v20  }
0x545: {  	v21 =	vld.idx.msk [tilespmem:v25+s21+$0x0], $0xffff  }
0x546: {  	s11 =	simm.s32 $0x100;
	p2 =	por $0x1, $0x1;
	v20 =	vld.idx.msk [tilespmem:v22+s21+$0x0], $0xffff;
	v22 =	vadd.f32 v23, v24  }
0x547: {  	_ =	sdelay $0x2  }
0x548: {  	v23 =	vor.u32 s23, v13;
	v21 =	vadd.f32 v21, v22;
	_ =	sdelay $0x1  }
0x549: {  	v22 =	vor.u32 s23, v12;
	v20 =	vadd.f32 v20, v21  }
0x54a: {  	s12 =	sand.u32 $0x1F0, s9  }
0x54b: {  	v21 =	vor.u32 s23, v14;
	[tilespmem:s12+$0x12D80] =	vst v20  }
0x54c: {  	v20 =	vld.idx.msk [tilespmem:v23+s21+$0x0], $0xffff  }
0x54d: {  	v23 =	vor.u32 s23, v15  }
0x54e: {  	v22 =	vld.idx.msk [tilespmem:v22+s21+$0x0], $0xffff  }
0x54f: {  	v24 =	vor.u32 s23, v16  }
0x550: {  	v21 =	vld.idx.msk [tilespmem:v21+s21+$0x0], $0xffff  }
0x551: {  	v25 =	vor.u32 s23, v17;
	v20 =	vadd.f32 $0.0e+00, v20  }
0x552: {  	v23 =	vld.idx.msk [tilespmem:v23+s21+$0x0], $0xffff  }
0x553: {  	v63 =	vor.u32 s23, v18;
	v20 =	vadd.f32 v22, v20  }
0x554: {  	v22 =	vld.idx.msk [tilespmem:v24+s21+$0x0], $0xffff  }
0x555: {  	v26 =	vor.u32 s23, v19;
	v20 =	vadd.f32 v21, v20  }
0x556: {  	v25 =	vld.idx.msk [tilespmem:v25+s21+$0x0], $0xffff  }
0x557: {  	p4 =	por $0x1, $0x1;
	v20 =	vadd.f32 v23, v20  }
.Ltmp25:
0x558: {  	v21 =	vld.idx.msk [tilespmem:v63+s21+$0x0], $0xffff;
	(pc) =	sbr.rel @!p4 .LBB2_49-.Ltmp25, $4  }
0x559: {  	v22 =	vadd.f32 v22, v20  }
0x55a: {  	v20 =	vld.idx.msk [tilespmem:v26+s21+$0x0], $0xffff  }
0x55b: {  	v22 =	vadd.f32 v25, v22  }
0x55c: {  	s14 =	simm.s32 $0x180;
	p3 =	por $0x1, $0x1;
	s12 =	simm.s32 $0x0  }
.LBB2_50:
0x55d: {  	p4 =	sne.s32 s14, $0xF80;
	v23 =	vor.u32 s11, v13;
	v21 =	vadd.f32 v21, v22;
	_ =	sdelay $0x1  }
0x55e: {  	v22 =	vor.u32 s11, v12;
	s12 =	sadd.s32 $0x10, s12;
	v20 =	vadd.f32 v20, v21  }
0x55f: {  	s15 =	sand.u32 $0x1F0, s12  }
0x560: {  	v21 =	vor.u32 s11, v14;
	[tilespmem:s15+$0x12D80] =	vst v20  }
0x561: {  	v20 =	vld.idx.msk [tilespmem:v23+s21+$0x0], $0xffff  }
0x562: {  	v23 =	vor.u32 s11, v15  }
0x563: {  	v22 =	vld.idx.msk [tilespmem:v22+s21+$0x0], $0xffff  }
0x564: {  	v24 =	vor.u32 s11, v16  }
0x565: {  	v21 =	vld.idx.msk [tilespmem:v21+s21+$0x0], $0xffff  }
0x566: {  	v25 =	vor.u32 s11, v17  }
0x567: {  	v20 =	vadd.f32 $0.0e+00, v20;
	v23 =	vld.idx.msk [tilespmem:v23+s21+$0x0], $0xffff  }
0x568: {  	v26 =	vor.u32 s11, v18  }
0x569: {  	v20 =	vadd.f32 v22, v20;
	v22 =	vld.idx.msk [tilespmem:v24+s21+$0x0], $0xffff  }
0x56a: {  	v24 =	vor.u32 s11, v19;
	s11 =	smov.u32 s14  }
0x56b: {  	v20 =	vadd.f32 v21, v20;
	v25 =	vld.idx.msk [tilespmem:v25+s21+$0x0], $0xffff;
	_ =	sdelay $0x1  }
0x56c: {  	v20 =	vadd.f32 v23, v20;
	v21 =	vld.idx.msk [tilespmem:v26+s21+$0x0], $0xffff  }
.Ltmp26:
0x56d: {  	(pc) =	sbr.rel @p4 .LBB2_50-.Ltmp26, $3  }
0x56e: {  	v22 =	vadd.f32 v22, v20;
	v20 =	vld.idx.msk [tilespmem:v24+s21+$0x0], $0xffff;
	_ =	sdelay $0x1  }
0x56f: {  	v22 =	vadd.f32 v25, v22  }
0x570: {  	s14 =	sadd.s32 $0x80, s14  }
.LBB2_51:
0x571: {  	v13 =	vor.u32 s11, v13;
	v14 =	vadd.f32 @p2 v21, v22  }
0x572: {  	s12 =	sadd.s32 @p3 $0x10, s12;
	s14 =	simm.s32 $0x0  }
0x573: {  	v12 =	vor.u32 s11, v12;
	s14 =	smov.u32 @p3 s12;
	v14 =	vadd.f32 @p2 v20, v14  }
0x574: {  	v15 =	vor.u32 $0x4002, v11;
	s12 =	sand.u32 @p2 $0x1F0, s14  }
0x575: {  	v15 =	vor.u32 s11, v15;
	[tilespmem:s12+$0x12D80] =	vst @p2 v14  }
0x576: {  	v14 =	vor.u32 $0x4003, v11;
	v13 =	vld.idx.msk [tilespmem:v13+s21+$0x0], $0xffff  }
0x577: {  	v14 =	vor.u32 s11, v14  }
0x578: {  	v16 =	vor.u32 $0x4004, v11;
	v12 =	vld.idx.msk [tilespmem:v12+s21+$0x0], $0xffff  }
0x579: {  	v16 =	vor.u32 s11, v16  }
0x57a: {  	v17 =	vor.u32 $0x4005, v11;
	v15 =	vld.idx.msk [tilespmem:v15+s21+$0x0], $0xffff  }
0x57b: {  	v17 =	vor.u32 s11, v17;
	v13 =	vadd.f32 $0.0e+00, v13  }
0x57c: {  	v18 =	vor.u32 $0x4006, v11;
	v14 =	vld.idx.msk [tilespmem:v14+s21+$0x0], $0xffff  }
0x57d: {  	v18 =	vor.u32 s11, v18;
	v12 =	vadd.f32 v12, v13  }
0x57e: {  	v63 =	vor.u32 $0x4007, v11;
	v13 =	vld.idx.msk [tilespmem:v16+s21+$0x0], $0xffff  }
0x57f: {  	v16 =	vor.u32 s11, v63;
	v12 =	vadd.f32 v15, v12  }
0x580: {  	v15 =	vld.idx.msk [tilespmem:v17+s21+$0x0], $0xffff  }
0x581: {  	v12 =	vadd.f32 v14, v12  }
0x582: {  	v14 =	vld.idx.msk [tilespmem:v18+s21+$0x0], $0xffff  }
0x583: {  	v12 =	vadd.f32 v13, v12  }
0x584: {  	v13 =	vld.idx.msk [tilespmem:v16+s21+$0x0], $0xffff  }
0x585: {  	v12 =	vadd.f32 v15, v12;
	_ =	sdelay $0x1  }
.Ltmp27:
0x586: {  	v12 =	vadd.f32 v14, v12;
	(pc) =	sbr.rel @!p1 .LBB2_52-.Ltmp27, $4  }
0x587: {  	s12 =	simm.s32 $0x0;
	s11 =	sadd.s32 @p2 $0x10, s14  }
0x588: {  	s12 =	smov.u32 @p2 s11;
	v12 =	vadd.f32 v13, v12  }
0x589: {  	s11 =	sand.u32 $0x1F0, s12  }
0x58a: {  	v13 =	vor.u32 $0x5000, v11;
	[tilespmem:s11+$0x12D80] =	vst v12;
	v12 =	vor.u32 $0x5001, v11  }
0x58b: {  	v15 =	vor.u32 s9, v13;
	_ =	sdelay $0x1  }
0x58c: {  	v16 =	vor.u32 s9, v12  }
0x58d: {  	v14 =	vor.u32 $0x5002, v11  }
0x58e: {  	v17 =	vor.u32 s9, v14  }
0x58f: {  	v18 =	vld.idx.msk [tilespmem:v15+s21+$0x0], $0xffff;
	v15 =	vor.u32 $0x5003, v11  }
0x590: {  	v19 =	vor.u32 s9, v15  }
0x591: {  	v20 =	vld.idx.msk [tilespmem:v16+s21+$0x0], $0xffff;
	v16 =	vor.u32 $0x5004, v11  }
0x592: {  	v21 =	vor.u32 s9, v16  }
0x593: {  	v22 =	vld.idx.msk [tilespmem:v17+s21+$0x0], $0xffff;
	v17 =	vor.u32 $0x5005, v11  }
0x594: {  	v23 =	vor.u32 s9, v17;
	v18 =	vadd.f32 $0.0e+00, v18  }
0x595: {  	v24 =	vld.idx.msk [tilespmem:v19+s21+$0x0], $0xffff  }
0x596: {  	v20 =	vadd.f32 v20, v18  }
0x597: {  	v21 =	vld.idx.msk [tilespmem:v21+s21+$0x0], $0xffff;
	v18 =	vor.u32 $0x5006, v11  }
0x598: {  	v19 =	vor.u32 $0x5007, v11;
	v25 =	vor.u32 s9, v18;
	v20 =	vadd.f32 v22, v20  }
0x599: {  	p2 =	por $0x1, $0x1;
	v23 =	vld.idx.msk [tilespmem:v23+s21+$0x0], $0xffff;
	v22 =	vor.u32 s9, v19  }
.Ltmp28:
0x59a: {  	v20 =	vadd.f32 v24, v20;
	(pc) =	sbr.rel @!p2 .LBB2_54-.Ltmp28, $4  }
0x59b: {  	_ = 	snop  }
0x59c: {  	v24 =	vadd.f32 v21, v20  }
0x59d: {  	v21 =	vld.idx.msk [tilespmem:v25+s21+$0x0], $0xffff  }
0x59e: {  	s11 =	simm.s32 $0x100;
	p1 =	por $0x1, $0x1;
	v20 =	vld.idx.msk [tilespmem:v22+s21+$0x0], $0xffff;
	v22 =	vadd.f32 v23, v24  }
0x59f: {  	_ =	sdelay $0x2  }
0x5a0: {  	v23 =	vor.u32 s23, v13;
	v21 =	vadd.f32 v21, v22;
	_ =	sdelay $0x1  }
0x5a1: {  	v22 =	vor.u32 s23, v12;
	v20 =	vadd.f32 v20, v21  }
0x5a2: {  	s12 =	sand.u32 $0x1F0, s9  }
0x5a3: {  	v21 =	vor.u32 s23, v14;
	[tilespmem:s12+$0x12F80] =	vst v20  }
0x5a4: {  	v20 =	vld.idx.msk [tilespmem:v23+s21+$0x0], $0xffff  }
0x5a5: {  	v23 =	vor.u32 s23, v15  }
0x5a6: {  	v22 =	vld.idx.msk [tilespmem:v22+s21+$0x0], $0xffff  }
0x5a7: {  	v24 =	vor.u32 s23, v16  }
0x5a8: {  	v21 =	vld.idx.msk [tilespmem:v21+s21+$0x0], $0xffff  }
0x5a9: {  	v25 =	vor.u32 s23, v17;
	v20 =	vadd.f32 $0.0e+00, v20  }
0x5aa: {  	v23 =	vld.idx.msk [tilespmem:v23+s21+$0x0], $0xffff  }
0x5ab: {  	v63 =	vor.u32 s23, v18;
	v20 =	vadd.f32 v22, v20  }
0x5ac: {  	v22 =	vld.idx.msk [tilespmem:v24+s21+$0x0], $0xffff  }
0x5ad: {  	v26 =	vor.u32 s23, v19;
	v20 =	vadd.f32 v21, v20  }
0x5ae: {  	v25 =	vld.idx.msk [tilespmem:v25+s21+$0x0], $0xffff  }
0x5af: {  	p2 =	por $0x1, $0x1;
	v20 =	vadd.f32 v23, v20  }
.Ltmp29:
0x5b0: {  	v21 =	vld.idx.msk [tilespmem:v63+s21+$0x0], $0xffff;
	(pc) =	sbr.rel @!p2 .LBB2_56-.Ltmp29, $4  }
0x5b1: {  	v22 =	vadd.f32 v22, v20  }
0x5b2: {  	v20 =	vld.idx.msk [tilespmem:v26+s21+$0x0], $0xffff  }
0x5b3: {  	v22 =	vadd.f32 v25, v22  }
0x5b4: {  	s14 =	simm.s32 $0x180;
	p0 =	por $0x1, $0x1;
	s12 =	simm.s32 $0x0  }
.LBB2_57:
0x5b5: {  	p2 =	sne.s32 s14, $0xF80;
	v23 =	vor.u32 s11, v13;
	v21 =	vadd.f32 v21, v22;
	_ =	sdelay $0x1  }
0x5b6: {  	v22 =	vor.u32 s11, v12;
	s12 =	sadd.s32 $0x10, s12;
	v20 =	vadd.f32 v20, v21  }
0x5b7: {  	s15 =	sand.u32 $0x1F0, s12  }
0x5b8: {  	v21 =	vor.u32 s11, v14;
	[tilespmem:s15+$0x12F80] =	vst v20  }
0x5b9: {  	v20 =	vld.idx.msk [tilespmem:v23+s21+$0x0], $0xffff  }
0x5ba: {  	v23 =	vor.u32 s11, v15  }
0x5bb: {  	v22 =	vld.idx.msk [tilespmem:v22+s21+$0x0], $0xffff  }
0x5bc: {  	v24 =	vor.u32 s11, v16  }
0x5bd: {  	v21 =	vld.idx.msk [tilespmem:v21+s21+$0x0], $0xffff  }
0x5be: {  	v25 =	vor.u32 s11, v17  }
0x5bf: {  	v20 =	vadd.f32 $0.0e+00, v20;
	v23 =	vld.idx.msk [tilespmem:v23+s21+$0x0], $0xffff  }
0x5c0: {  	v26 =	vor.u32 s11, v18  }
0x5c1: {  	v20 =	vadd.f32 v22, v20;
	v22 =	vld.idx.msk [tilespmem:v24+s21+$0x0], $0xffff  }
0x5c2: {  	v24 =	vor.u32 s11, v19;
	s11 =	smov.u32 s14  }
0x5c3: {  	v20 =	vadd.f32 v21, v20;
	v25 =	vld.idx.msk [tilespmem:v25+s21+$0x0], $0xffff;
	_ =	sdelay $0x1  }
0x5c4: {  	v20 =	vadd.f32 v23, v20;
	v21 =	vld.idx.msk [tilespmem:v26+s21+$0x0], $0xffff  }
.Ltmp30:
0x5c5: {  	(pc) =	sbr.rel @p2 .LBB2_57-.Ltmp30, $3  }
0x5c6: {  	v22 =	vadd.f32 v22, v20;
	v20 =	vld.idx.msk [tilespmem:v24+s21+$0x0], $0xffff;
	_ =	sdelay $0x1  }
0x5c7: {  	v22 =	vadd.f32 v25, v22  }
0x5c8: {  	s14 =	sadd.s32 $0x80, s14  }
.LBB2_58:
0x5c9: {  	v13 =	vor.u32 s11, v13;
	v14 =	vadd.f32 @p1 v21, v22  }
0x5ca: {  	s12 =	sadd.s32 @p0 $0x10, s12;
	s14 =	simm.s32 $0x0  }
0x5cb: {  	v12 =	vor.u32 s11, v12;
	s14 =	smov.u32 @p0 s12;
	v14 =	vadd.f32 @p1 v20, v14  }
0x5cc: {  	v15 =	vor.u32 $0x5002, v11;
	s12 =	sand.u32 @p1 $0x1F0, s14  }
0x5cd: {  	v15 =	vor.u32 s11, v15;
	[tilespmem:s12+$0x12F80] =	vst @p1 v14  }
0x5ce: {  	v14 =	vor.u32 $0x5003, v11;
	v13 =	vld.idx.msk [tilespmem:v13+s21+$0x0], $0xffff  }
0x5cf: {  	v14 =	vor.u32 s11, v14  }
0x5d0: {  	v16 =	vor.u32 $0x5004, v11;
	v12 =	vld.idx.msk [tilespmem:v12+s21+$0x0], $0xffff  }
0x5d1: {  	v16 =	vor.u32 s11, v16  }
0x5d2: {  	v17 =	vor.u32 $0x5005, v11;
	v15 =	vld.idx.msk [tilespmem:v15+s21+$0x0], $0xffff  }
0x5d3: {  	v17 =	vor.u32 s11, v17;
	v13 =	vadd.f32 $0.0e+00, v13  }
0x5d4: {  	v18 =	vor.u32 $0x5006, v11;
	v14 =	vld.idx.msk [tilespmem:v14+s21+$0x0], $0xffff  }
0x5d5: {  	v18 =	vor.u32 s11, v18;
	v12 =	vadd.f32 v12, v13  }
0x5d6: {  	v63 =	vor.u32 $0x5007, v11;
	v13 =	vld.idx.msk [tilespmem:v16+s21+$0x0], $0xffff  }
0x5d7: {  	v16 =	vor.u32 s11, v63;
	v12 =	vadd.f32 v15, v12  }
0x5d8: {  	v15 =	vld.idx.msk [tilespmem:v17+s21+$0x0], $0xffff  }
0x5d9: {  	v12 =	vadd.f32 v14, v12  }
0x5da: {  	v14 =	vld.idx.msk [tilespmem:v18+s21+$0x0], $0xffff  }
0x5db: {  	v12 =	vadd.f32 v13, v12  }
0x5dc: {  	v13 =	vld.idx.msk [tilespmem:v16+s21+$0x0], $0xffff  }
0x5dd: {  	s11 =	sadd.s32 @p1 $0x10, s14;
	v12 =	vadd.f32 v15, v12  }
0x5de: {  	s9 =	smov.u32 @p1 s11;
	p1 =	por $0x1, $0x1  }
.Ltmp31:
0x5df: {  	v12 =	vadd.f32 v14, v12;
	(pc) =	sbr.rel @!p1 .LBB2_59-.Ltmp31, $4  }
0x5e0: {  	_ = 	snop  }
0x5e1: {  	v12 =	vadd.f32 v13, v12  }
0x5e2: {  	s23 =	simm.s32 $0x80;
	s11 =	sand.u32 $0x1F0, s9  }
0x5e3: {  	p2 =	por $0x0, $0x0;
	p0 =	por $0x0, $0x0;
	s9 =	simm.s32 $0x0;
	v13 =	vor.u32 $0x6000, v11;
	[tilespmem:s11+$0x12F80] =	vst v12;
	v12 =	vor.u32 $0x6001, v11  }
0x5e4: {  	v15 =	vor.u32 s9, v13;
	_ =	sdelay $0x1  }
0x5e5: {  	v16 =	vor.u32 s9, v12  }
0x5e6: {  	v14 =	vor.u32 $0x6002, v11  }
0x5e7: {  	v17 =	vor.u32 s9, v14  }
0x5e8: {  	v18 =	vld.idx.msk [tilespmem:v15+s21+$0x0], $0xffff;
	v15 =	vor.u32 $0x6003, v11  }
0x5e9: {  	v19 =	vor.u32 s9, v15  }
0x5ea: {  	v20 =	vld.idx.msk [tilespmem:v16+s21+$0x0], $0xffff;
	v16 =	vor.u32 $0x6004, v11  }
0x5eb: {  	v21 =	vor.u32 s9, v16  }
0x5ec: {  	v22 =	vld.idx.msk [tilespmem:v17+s21+$0x0], $0xffff;
	v17 =	vor.u32 $0x6005, v11  }
0x5ed: {  	v23 =	vor.u32 s9, v17;
	v18 =	vadd.f32 $0.0e+00, v18  }
0x5ee: {  	v24 =	vld.idx.msk [tilespmem:v19+s21+$0x0], $0xffff  }
0x5ef: {  	v20 =	vadd.f32 v20, v18  }
0x5f0: {  	v21 =	vld.idx.msk [tilespmem:v21+s21+$0x0], $0xffff;
	v18 =	vor.u32 $0x6006, v11  }
0x5f1: {  	v19 =	vor.u32 $0x6007, v11;
	v25 =	vor.u32 s9, v18;
	v20 =	vadd.f32 v22, v20  }
0x5f2: {  	p3 =	por $0x1, $0x1;
	v23 =	vld.idx.msk [tilespmem:v23+s21+$0x0], $0xffff;
	v22 =	vor.u32 s9, v19  }
.Ltmp32:
0x5f3: {  	v20 =	vadd.f32 v24, v20;
	(pc) =	sbr.rel @!p3 .LBB2_61-.Ltmp32, $4  }
0x5f4: {  	_ = 	snop  }
0x5f5: {  	v24 =	vadd.f32 v21, v20  }
0x5f6: {  	v21 =	vld.idx.msk [tilespmem:v25+s21+$0x0], $0xffff  }
0x5f7: {  	s11 =	simm.s32 $0x100;
	p2 =	por $0x1, $0x1;
	v20 =	vld.idx.msk [tilespmem:v22+s21+$0x0], $0xffff;
	v22 =	vadd.f32 v23, v24  }
0x5f8: {  	_ =	sdelay $0x2  }
0x5f9: {  	v23 =	vor.u32 s23, v13;
	v21 =	vadd.f32 v21, v22;
	_ =	sdelay $0x1  }
0x5fa: {  	v22 =	vor.u32 s23, v12;
	v20 =	vadd.f32 v20, v21  }
0x5fb: {  	s12 =	sand.u32 $0x1F0, s9  }
0x5fc: {  	v21 =	vor.u32 s23, v14;
	[tilespmem:s12+$0x13180] =	vst v20  }
0x5fd: {  	v20 =	vld.idx.msk [tilespmem:v23+s21+$0x0], $0xffff  }
0x5fe: {  	v23 =	vor.u32 s23, v15  }
0x5ff: {  	v22 =	vld.idx.msk [tilespmem:v22+s21+$0x0], $0xffff  }
0x600: {  	v24 =	vor.u32 s23, v16  }
0x601: {  	v21 =	vld.idx.msk [tilespmem:v21+s21+$0x0], $0xffff  }
0x602: {  	v25 =	vor.u32 s23, v17;
	v20 =	vadd.f32 $0.0e+00, v20  }
0x603: {  	v23 =	vld.idx.msk [tilespmem:v23+s21+$0x0], $0xffff  }
0x604: {  	v63 =	vor.u32 s23, v18;
	v20 =	vadd.f32 v22, v20  }
0x605: {  	v22 =	vld.idx.msk [tilespmem:v24+s21+$0x0], $0xffff  }
0x606: {  	v26 =	vor.u32 s23, v19;
	v20 =	vadd.f32 v21, v20  }
0x607: {  	v25 =	vld.idx.msk [tilespmem:v25+s21+$0x0], $0xffff  }
0x608: {  	p4 =	por $0x1, $0x1;
	v20 =	vadd.f32 v23, v20  }
.Ltmp33:
0x609: {  	v21 =	vld.idx.msk [tilespmem:v63+s21+$0x0], $0xffff;
	(pc) =	sbr.rel @!p4 .LBB2_63-.Ltmp33, $4  }
0x60a: {  	v22 =	vadd.f32 v22, v20  }
0x60b: {  	v20 =	vld.idx.msk [tilespmem:v26+s21+$0x0], $0xffff  }
0x60c: {  	v22 =	vadd.f32 v25, v22  }
0x60d: {  	s14 =	simm.s32 $0x180;
	p3 =	por $0x1, $0x1;
	s12 =	simm.s32 $0x0  }
.LBB2_64:
0x60e: {  	p4 =	sne.s32 s14, $0xF80;
	v23 =	vor.u32 s11, v13;
	v21 =	vadd.f32 v21, v22;
	_ =	sdelay $0x1  }
0x60f: {  	v22 =	vor.u32 s11, v12;
	s12 =	sadd.s32 $0x10, s12;
	v20 =	vadd.f32 v20, v21  }
0x610: {  	s15 =	sand.u32 $0x1F0, s12  }
0x611: {  	v21 =	vor.u32 s11, v14;
	[tilespmem:s15+$0x13180] =	vst v20  }
0x612: {  	v20 =	vld.idx.msk [tilespmem:v23+s21+$0x0], $0xffff  }
0x613: {  	v23 =	vor.u32 s11, v15  }
0x614: {  	v22 =	vld.idx.msk [tilespmem:v22+s21+$0x0], $0xffff  }
0x615: {  	v24 =	vor.u32 s11, v16  }
0x616: {  	v21 =	vld.idx.msk [tilespmem:v21+s21+$0x0], $0xffff  }
0x617: {  	v25 =	vor.u32 s11, v17  }
0x618: {  	v20 =	vadd.f32 $0.0e+00, v20;
	v23 =	vld.idx.msk [tilespmem:v23+s21+$0x0], $0xffff  }
0x619: {  	v26 =	vor.u32 s11, v18  }
0x61a: {  	v20 =	vadd.f32 v22, v20;
	v22 =	vld.idx.msk [tilespmem:v24+s21+$0x0], $0xffff  }
0x61b: {  	v24 =	vor.u32 s11, v19;
	s11 =	smov.u32 s14  }
0x61c: {  	v20 =	vadd.f32 v21, v20;
	v25 =	vld.idx.msk [tilespmem:v25+s21+$0x0], $0xffff;
	_ =	sdelay $0x1  }
0x61d: {  	v20 =	vadd.f32 v23, v20;
	v21 =	vld.idx.msk [tilespmem:v26+s21+$0x0], $0xffff  }
.Ltmp34:
0x61e: {  	(pc) =	sbr.rel @p4 .LBB2_64-.Ltmp34, $3  }
0x61f: {  	v22 =	vadd.f32 v22, v20;
	v20 =	vld.idx.msk [tilespmem:v24+s21+$0x0], $0xffff;
	_ =	sdelay $0x1  }
0x620: {  	v22 =	vadd.f32 v25, v22  }
0x621: {  	s14 =	sadd.s32 $0x80, s14  }
.LBB2_65:
0x622: {  	v13 =	vor.u32 s11, v13;
	v14 =	vadd.f32 @p2 v21, v22  }
0x623: {  	s12 =	sadd.s32 @p3 $0x10, s12;
	s14 =	simm.s32 $0x0  }
0x624: {  	v12 =	vor.u32 s11, v12;
	s14 =	smov.u32 @p3 s12;
	v14 =	vadd.f32 @p2 v20, v14  }
0x625: {  	v15 =	vor.u32 $0x6002, v11;
	s12 =	sand.u32 @p2 $0x1F0, s14  }
0x626: {  	v15 =	vor.u32 s11, v15;
	[tilespmem:s12+$0x13180] =	vst @p2 v14  }
0x627: {  	v14 =	vor.u32 $0x6003, v11;
	v13 =	vld.idx.msk [tilespmem:v13+s21+$0x0], $0xffff  }
0x628: {  	v14 =	vor.u32 s11, v14  }
0x629: {  	v16 =	vor.u32 $0x6004, v11;
	v12 =	vld.idx.msk [tilespmem:v12+s21+$0x0], $0xffff  }
0x62a: {  	v16 =	vor.u32 s11, v16  }
0x62b: {  	v17 =	vor.u32 $0x6005, v11;
	v15 =	vld.idx.msk [tilespmem:v15+s21+$0x0], $0xffff  }
0x62c: {  	v17 =	vor.u32 s11, v17;
	v13 =	vadd.f32 $0.0e+00, v13  }
0x62d: {  	v18 =	vor.u32 $0x6006, v11;
	v14 =	vld.idx.msk [tilespmem:v14+s21+$0x0], $0xffff  }
0x62e: {  	v18 =	vor.u32 s11, v18;
	v12 =	vadd.f32 v12, v13  }
0x62f: {  	v63 =	vor.u32 $0x6007, v11;
	v13 =	vld.idx.msk [tilespmem:v16+s21+$0x0], $0xffff  }
0x630: {  	v16 =	vor.u32 s11, v63;
	v12 =	vadd.f32 v15, v12  }
0x631: {  	v15 =	vld.idx.msk [tilespmem:v17+s21+$0x0], $0xffff  }
0x632: {  	v12 =	vadd.f32 v14, v12  }
0x633: {  	v14 =	vld.idx.msk [tilespmem:v18+s21+$0x0], $0xffff  }
0x634: {  	v12 =	vadd.f32 v13, v12  }
0x635: {  	v13 =	vld.idx.msk [tilespmem:v16+s21+$0x0], $0xffff  }
0x636: {  	v12 =	vadd.f32 v15, v12;
	_ =	sdelay $0x1  }
.Ltmp35:
0x637: {  	v12 =	vadd.f32 v14, v12;
	(pc) =	sbr.rel @!p1 .LBB2_66-.Ltmp35, $4  }
0x638: {  	s12 =	simm.s32 $0x0;
	s11 =	sadd.s32 @p2 $0x10, s14  }
0x639: {  	s12 =	smov.u32 @p2 s11;
	v12 =	vadd.f32 v13, v12  }
0x63a: {  	s11 =	sand.u32 $0x1F0, s12  }
0x63b: {  	v13 =	vor.u32 $0x7000, v11;
	[tilespmem:s11+$0x13180] =	vst v12;
	v12 =	vor.u32 $0x7001, v11  }
0x63c: {  	v15 =	vor.u32 s9, v13;
	_ =	sdelay $0x1  }
0x63d: {  	v16 =	vor.u32 s9, v12  }
0x63e: {  	v14 =	vor.u32 $0x7002, v11  }
0x63f: {  	v17 =	vor.u32 s9, v14  }
0x640: {  	v18 =	vld.idx.msk [tilespmem:v15+s21+$0x0], $0xffff;
	v15 =	vor.u32 $0x7003, v11  }
0x641: {  	v19 =	vor.u32 s9, v15  }
0x642: {  	v20 =	vld.idx.msk [tilespmem:v16+s21+$0x0], $0xffff;
	v16 =	vor.u32 $0x7004, v11  }
0x643: {  	v21 =	vor.u32 s9, v16  }
0x644: {  	v22 =	vld.idx.msk [tilespmem:v17+s21+$0x0], $0xffff;
	v17 =	vor.u32 $0x7005, v11  }
0x645: {  	v23 =	vor.u32 s9, v17;
	v18 =	vadd.f32 $0.0e+00, v18  }
0x646: {  	v24 =	vld.idx.msk [tilespmem:v19+s21+$0x0], $0xffff  }
0x647: {  	v20 =	vadd.f32 v20, v18  }
0x648: {  	v21 =	vld.idx.msk [tilespmem:v21+s21+$0x0], $0xffff;
	v18 =	vor.u32 $0x7006, v11  }
0x649: {  	v19 =	vor.u32 $0x7007, v11;
	v25 =	vor.u32 s9, v18;
	v20 =	vadd.f32 v22, v20  }
0x64a: {  	p2 =	por $0x1, $0x1;
	v23 =	vld.idx.msk [tilespmem:v23+s21+$0x0], $0xffff;
	v22 =	vor.u32 s9, v19  }
.Ltmp36:
0x64b: {  	v20 =	vadd.f32 v24, v20;
	(pc) =	sbr.rel @!p2 .LBB2_68-.Ltmp36, $4  }
0x64c: {  	_ = 	snop  }
0x64d: {  	v24 =	vadd.f32 v21, v20  }
0x64e: {  	v21 =	vld.idx.msk [tilespmem:v25+s21+$0x0], $0xffff  }
0x64f: {  	s11 =	simm.s32 $0x100;
	p1 =	por $0x1, $0x1;
	v20 =	vld.idx.msk [tilespmem:v22+s21+$0x0], $0xffff;
	v22 =	vadd.f32 v23, v24  }
0x650: {  	_ =	sdelay $0x2  }
0x651: {  	v23 =	vor.u32 s23, v13;
	v21 =	vadd.f32 v21, v22;
	_ =	sdelay $0x1  }
0x652: {  	v22 =	vor.u32 s23, v12;
	v20 =	vadd.f32 v20, v21  }
0x653: {  	s12 =	sand.u32 $0x1F0, s9  }
0x654: {  	v21 =	vor.u32 s23, v14;
	[tilespmem:s12+$0x13380] =	vst v20  }
0x655: {  	v20 =	vld.idx.msk [tilespmem:v23+s21+$0x0], $0xffff  }
0x656: {  	v23 =	vor.u32 s23, v15  }
0x657: {  	v22 =	vld.idx.msk [tilespmem:v22+s21+$0x0], $0xffff  }
0x658: {  	v24 =	vor.u32 s23, v16  }
0x659: {  	v21 =	vld.idx.msk [tilespmem:v21+s21+$0x0], $0xffff  }
0x65a: {  	v25 =	vor.u32 s23, v17;
	v20 =	vadd.f32 $0.0e+00, v20  }
0x65b: {  	v23 =	vld.idx.msk [tilespmem:v23+s21+$0x0], $0xffff  }
0x65c: {  	v63 =	vor.u32 s23, v18;
	v20 =	vadd.f32 v22, v20  }
0x65d: {  	v22 =	vld.idx.msk [tilespmem:v24+s21+$0x0], $0xffff  }
0x65e: {  	v26 =	vor.u32 s23, v19;
	v20 =	vadd.f32 v21, v20  }
0x65f: {  	v25 =	vld.idx.msk [tilespmem:v25+s21+$0x0], $0xffff  }
0x660: {  	p2 =	por $0x1, $0x1;
	v20 =	vadd.f32 v23, v20  }
.Ltmp37:
0x661: {  	v21 =	vld.idx.msk [tilespmem:v63+s21+$0x0], $0xffff;
	(pc) =	sbr.rel @!p2 .LBB2_70-.Ltmp37, $4  }
0x662: {  	v22 =	vadd.f32 v22, v20  }
0x663: {  	v20 =	vld.idx.msk [tilespmem:v26+s21+$0x0], $0xffff  }
0x664: {  	v22 =	vadd.f32 v25, v22  }
0x665: {  	s14 =	simm.s32 $0x180;
	p0 =	por $0x1, $0x1;
	s12 =	simm.s32 $0x0  }
.LBB2_71:
0x666: {  	p2 =	sne.s32 s14, $0xF80;
	v23 =	vor.u32 s11, v13;
	v21 =	vadd.f32 v21, v22;
	_ =	sdelay $0x1  }
0x667: {  	v22 =	vor.u32 s11, v12;
	s12 =	sadd.s32 $0x10, s12;
	v20 =	vadd.f32 v20, v21  }
0x668: {  	s15 =	sand.u32 $0x1F0, s12  }
0x669: {  	v21 =	vor.u32 s11, v14;
	[tilespmem:s15+$0x13380] =	vst v20  }
0x66a: {  	v20 =	vld.idx.msk [tilespmem:v23+s21+$0x0], $0xffff  }
0x66b: {  	v23 =	vor.u32 s11, v15  }
0x66c: {  	v22 =	vld.idx.msk [tilespmem:v22+s21+$0x0], $0xffff  }
0x66d: {  	v24 =	vor.u32 s11, v16  }
0x66e: {  	v21 =	vld.idx.msk [tilespmem:v21+s21+$0x0], $0xffff  }
0x66f: {  	v25 =	vor.u32 s11, v17  }
0x670: {  	v20 =	vadd.f32 $0.0e+00, v20;
	v23 =	vld.idx.msk [tilespmem:v23+s21+$0x0], $0xffff  }
0x671: {  	v26 =	vor.u32 s11, v18  }
0x672: {  	v20 =	vadd.f32 v22, v20;
	v22 =	vld.idx.msk [tilespmem:v24+s21+$0x0], $0xffff  }
0x673: {  	v24 =	vor.u32 s11, v19;
	s11 =	smov.u32 s14  }
0x674: {  	v20 =	vadd.f32 v21, v20;
	v25 =	vld.idx.msk [tilespmem:v25+s21+$0x0], $0xffff;
	_ =	sdelay $0x1  }
0x675: {  	v20 =	vadd.f32 v23, v20;
	v21 =	vld.idx.msk [tilespmem:v26+s21+$0x0], $0xffff  }
.Ltmp38:
0x676: {  	(pc) =	sbr.rel @p2 .LBB2_71-.Ltmp38, $3  }
0x677: {  	v22 =	vadd.f32 v22, v20;
	v20 =	vld.idx.msk [tilespmem:v24+s21+$0x0], $0xffff;
	_ =	sdelay $0x1  }
0x678: {  	v22 =	vadd.f32 v25, v22  }
0x679: {  	s14 =	sadd.s32 $0x80, s14  }
0x67a: {  	s16 =	simm.s32 $0x12580;
	s23 =	sld [smem:$0x7E2]  }
.LBB2_73:
0x67b: {  	v13 =	vor.u32 s11, v13;
	v14 =	vadd.f32 @p1 v21, v22  }
0x67c: {  	s12 =	sadd.s32 @p0 $0x10, s12;
	s14 =	simm.s32 $0x0  }
0x67d: {  	v12 =	vor.u32 s11, v12;
	s14 =	smov.u32 @p0 s12;
	v14 =	vadd.f32 @p1 v20, v14  }
0x67e: {  	v15 =	vor.u32 $0x7002, v11;
	s12 =	sand.u32 @p1 $0x1F0, s14  }
0x67f: {  	v15 =	vor.u32 s11, v15;
	[tilespmem:s12+$0x13380] =	vst @p1 v14  }
0x680: {  	v14 =	vor.u32 $0x7003, v11;
	v13 =	vld.idx.msk [tilespmem:v13+s21+$0x0], $0xffff  }
0x681: {  	v14 =	vor.u32 s11, v14  }
0x682: {  	v16 =	vor.u32 $0x7004, v11;
	v12 =	vld.idx.msk [tilespmem:v12+s21+$0x0], $0xffff  }
0x683: {  	v16 =	vor.u32 s11, v16  }
0x684: {  	v17 =	vor.u32 $0x7005, v11;
	v15 =	vld.idx.msk [tilespmem:v15+s21+$0x0], $0xffff  }
0x685: {  	v17 =	vor.u32 s11, v17;
	v13 =	vadd.f32 $0.0e+00, v13  }
0x686: {  	v18 =	vor.u32 $0x7006, v11;
	v14 =	vld.idx.msk [tilespmem:v14+s21+$0x0], $0xffff  }
0x687: {  	v18 =	vor.u32 s11, v18;
	v12 =	vadd.f32 v12, v13  }
0x688: {  	v13 =	vld.idx.msk [tilespmem:v16+s21+$0x0], $0xffff;
	v16 =	vor.u32 $0x7007, v11  }
0x689: {  	v16 =	vor.u32 s11, v16;
	v12 =	vadd.f32 v15, v12  }
0x68a: {  	v15 =	vld.idx.msk [tilespmem:v17+s21+$0x0], $0xffff  }
0x68b: {  	v12 =	vadd.f32 v14, v12  }
0x68c: {  	v14 =	vld.idx.msk [tilespmem:v18+s21+$0x0], $0xffff  }
0x68d: {  	v12 =	vadd.f32 v13, v12  }
0x68e: {  	v16 =	vld.idx.msk [tilespmem:v16+s21+$0x0], $0xffff  }
0x68f: {  	v13 =	vadd.f32 v15, v12  }
0x690: {  	s11 =	simm.s32 $0x0;
	v12 =	vor.u32 $0x8000, v11  }
0x691: {  	v15 =	vor.u32 s11, v12;
	v14 =	vadd.f32 v14, v13  }
0x692: {  	s12 =	sadd.s32 @p1 $0x10, s14;
	v13 =	vor.u32 $0x8001, v11  }
0x693: {  	s9 =	smov.u32 @p1 s12;
	v17 =	vor.u32 s11, v13;
	v16 =	vadd.f32 v16, v14  }
0x694: {  	s9 =	sand.u32 $0x1F0, s9;
	v14 =	vor.u32 $0x8002, v11  }
0x695: {  	v18 =	vor.u32 s11, v14;
	[tilespmem:s9+$0x13380] =	vst v16  }
0x696: {  	v19 =	vld.idx.msk [tilespmem:v15+s21+$0x0], $0xffff;
	v15 =	vor.u32 $0x8003, v11  }
0x697: {  	v20 =	vor.u32 s11, v15  }
0x698: {  	v16 =	vor.u32 $0x8004, v11;
	v21 =	vld.idx.msk [tilespmem:v17+s21+$0x0], $0xffff  }
0x699: {  	v22 =	vor.u32 s11, v16  }
0x69a: {  	v17 =	vor.u32 $0x8005, v11;
	v23 =	vld.idx.msk [tilespmem:v18+s21+$0x0], $0xffff  }
0x69b: {  	v24 =	vor.u32 s11, v17;
	v19 =	vadd.f32 $0.0e+00, v19  }
0x69c: {  	v18 =	vor.u32 $0x8006, v11;
	v20 =	vld.idx.msk [tilespmem:v20+s21+$0x0], $0xffff  }
0x69d: {  	v25 =	vor.u32 s11, v18;
	v19 =	vadd.f32 v21, v19  }
0x69e: {  	v11 =	vor.u32 $0x8007, v11;
	v21 =	vld.idx.msk [tilespmem:v22+s21+$0x0], $0xffff  }
0x69f: {  	v22 =	vor.u32 s11, v11;
	v19 =	vadd.f32 v23, v19  }
0x6a0: {  	v23 =	vld.idx.msk [tilespmem:v24+s21+$0x0], $0xffff  }
0x6a1: {  	v19 =	vadd.f32 v20, v19  }
0x6a2: {  	v20 =	vld.idx.msk [tilespmem:v25+s21+$0x0], $0xffff  }
0x6a3: {  	v19 =	vadd.f32 v21, v19  }
0x6a4: {  	v21 =	vld.idx.msk [tilespmem:v22+s21+$0x0], $0xffff  }
0x6a5: {  	v19 =	vadd.f32 v23, v19  }
0x6a6: {  	s28 =	simm.s32 $0x80  }
0x6a7: {  	v22 =	vor.u32 s28, v12;
	v19 =	vadd.f32 v20, v19;
	_ =	sdelay $0x1  }
0x6a8: {  	v20 =	vor.u32 s28, v13;
	v19 =	vadd.f32 v21, v19  }
0x6a9: {  	s31 =	sand.u32 $0x1F0, s11  }
0x6aa: {  	v21 =	vor.u32 s28, v14;
	[tilespmem:s31+$0x13580] =	vst v19  }
0x6ab: {  	v19 =	vld.idx.msk [tilespmem:v22+s21+$0x0], $0xffff  }
0x6ac: {  	v22 =	vor.u32 s28, v15  }
0x6ad: {  	v20 =	vld.idx.msk [tilespmem:v20+s21+$0x0], $0xffff  }
0x6ae: {  	v23 =	vor.u32 s28, v16  }
0x6af: {  	v21 =	vld.idx.msk [tilespmem:v21+s21+$0x0], $0xffff  }
0x6b0: {  	v19 =	vadd.f32 $0.0e+00, v19  }
0x6b1: {  	v63 =	vor.u32 s28, v17;
	v22 =	vld.idx.msk [tilespmem:v22+s21+$0x0], $0xffff  }
0x6b2: {  	v19 =	vadd.f32 v20, v19  }
0x6b3: {  	v20 =	vld.idx.msk [tilespmem:v23+s21+$0x0], $0xffff;
	v23 =	vor.u32 s28, v18  }
0x6b4: {  	v19 =	vadd.f32 v21, v19  }
0x6b5: {  	v21 =	vor.u32 s28, v11  }
0x6b6: {  	v24 =	vld.idx.msk [tilespmem:v63+s21+$0x0], $0xffff;
	v19 =	vadd.f32 v22, v19;
	_ =	sdelay $0x1  }
0x6b7: {  	v22 =	vadd.f32 v20, v19;
	v19 =	vld.idx.msk [tilespmem:v23+s21+$0x0], $0xffff;
	_ =	sdelay $0x1  }
0x6b8: {  	v20 =	vld.idx.msk [tilespmem:v21+s21+$0x0], $0xffff  }
0x6b9: {  	v21 =	vadd.f32 v24, v22  }
0x6ba: {  	s12 =	simm.s32 $0x180;
	s9 =	simm.s32 $0x100  }
.LBB2_74:
0x6bb: {  	p0 =	sne.s32 s12, $0xF80;
	v22 =	vor.u32 s9, v12;
	v19 =	vadd.f32 v19, v21;
	_ =	sdelay $0x1  }
0x6bc: {  	v21 =	vor.u32 s9, v13;
	s11 =	sadd.s32 $0x10, s11;
	v19 =	vadd.f32 v20, v19  }
0x6bd: {  	s14 =	sand.u32 $0x1F0, s11  }
0x6be: {  	v20 =	vor.u32 s9, v14;
	[tilespmem:s14+$0x13580] =	vst v19  }
0x6bf: {  	v19 =	vld.idx.msk [tilespmem:v22+s21+$0x0], $0xffff  }
0x6c0: {  	v22 =	vor.u32 s9, v15  }
0x6c1: {  	v21 =	vld.idx.msk [tilespmem:v21+s21+$0x0], $0xffff  }
0x6c2: {  	v23 =	vor.u32 s9, v16  }
0x6c3: {  	v20 =	vld.idx.msk [tilespmem:v20+s21+$0x0], $0xffff  }
0x6c4: {  	v24 =	vor.u32 s9, v17  }
0x6c5: {  	v19 =	vadd.f32 $0.0e+00, v19;
	v22 =	vld.idx.msk [tilespmem:v22+s21+$0x0], $0xffff  }
0x6c6: {  	v25 =	vor.u32 s9, v18  }
0x6c7: {  	v19 =	vadd.f32 v21, v19;
	v21 =	vld.idx.msk [tilespmem:v23+s21+$0x0], $0xffff  }
0x6c8: {  	v23 =	vor.u32 s9, v11;
	s9 =	smov.u32 s12  }
0x6c9: {  	v19 =	vadd.f32 v20, v19;
	v24 =	vld.idx.msk [tilespmem:v24+s21+$0x0], $0xffff;
	_ =	sdelay $0x1  }
0x6ca: {  	v20 =	vadd.f32 v22, v19;
	v19 =	vld.idx.msk [tilespmem:v25+s21+$0x0], $0xffff  }
.Ltmp39:
0x6cb: {  	(pc) =	sbr.rel @p0 .LBB2_74-.Ltmp39, $3  }
0x6cc: {  	v21 =	vadd.f32 v21, v20;
	v20 =	vld.idx.msk [tilespmem:v23+s21+$0x0], $0xffff;
	_ =	sdelay $0x1  }
0x6cd: {  	v21 =	vadd.f32 v24, v21  }
0x6ce: {  	s12 =	sadd.s32 $0x80, s12  }
0x6cf: {  	v12 =	vor.u32 s9, v12;
	v19 =	vadd.f32 v19, v21;
	_ =	sdelay $0x1  }
0x6d0: {  	v13 =	vor.u32 s9, v13;
	s11 =	sadd.s32 $0x10, s11;
	v19 =	vadd.f32 v20, v19  }
0x6d1: {  	s12 =	sand.u32 $0x1F0, s11  }
0x6d2: {  	v14 =	vor.u32 s9, v14;
	[tilespmem:s12+$0x13580] =	vst v19  }
0x6d3: {  	v12 =	vld.idx.msk [tilespmem:v12+s21+$0x0], $0xffff  }
0x6d4: {  	v15 =	vor.u32 s9, v15  }
0x6d5: {  	v13 =	vld.idx.msk [tilespmem:v13+s21+$0x0], $0xffff  }
0x6d6: {  	v16 =	vor.u32 s9, v16  }
0x6d7: {  	v14 =	vld.idx.msk [tilespmem:v14+s21+$0x0], $0xffff  }
0x6d8: {  	v17 =	vor.u32 s9, v17;
	v12 =	vadd.f32 $0.0e+00, v12  }
0x6d9: {  	v15 =	vld.idx.msk [tilespmem:v15+s21+$0x0], $0xffff  }
0x6da: {  	v18 =	vor.u32 s9, v18;
	v12 =	vadd.f32 v13, v12  }
0x6db: {  	v46 =	vld.idx.msk [tilespmem:v16+s21+$0x0], $0xffff  }
0x6dc: {  	v11 =	vor.u32 s9, v11;
	v12 =	vadd.f32 v14, v12  }
0x6dd: {  	v47 =	vld.idx.msk [tilespmem:v17+s21+$0x0], $0xffff  }
0x6de: {  	v12 =	vadd.f32 v15, v12  }
0x6df: {  	v48 =	vld.idx.msk [tilespmem:v18+s21+$0x0], $0xffff  }
0x6e0: {  	v12 =	vadd.f32 v46, v12  }
0x6e1: {  	v11 =	vld.idx.msk [tilespmem:v11+s21+$0x0], $0xffff  }
0x6e2: {  	v12 =	vadd.f32 v47, v12;
	_ =	sdelay $0x1  }
0x6e3: {  	v12 =	vadd.f32 v48, v12;
	_ =	sdelay $0x1  }
0x6e4: {  	s31 =	sadd.s32 $0x10, s11;
	v11 =	vadd.f32 v11, v12  }
0x6e5: {  	s9 =	sand.u32 $0x1F0, s31  }
0x6e6: {  	s11 =	rddreg [dreg:$0x14];
	[tilespmem:s9+$0x13580] =	vst v11  }
0x6e7: {  	[spmem:s11] =	stream.linear.scatter [tilespmem:s16], [sflag:$0x4], $0x1200, $0x38;
	[tilespmem:$0x1ACC0] =	vst v63  }
0x6e8: {  	_ =	swait.ge [sflag:s18], $0x1200  }
0x6e9: {  	[sflag:s18] =	ssyncset.done $0x0  }
0x6ea: {  	[sflag:s18] =	ssyncadd.s32 $0xFFFFEE00  }
0x6eb: {  	[bflag:$0x0] =	sbarrier.arrive $0xFFFF  }
0x6ec: {  	s12 =	rddreg [dreg:$0x15]  }
0x6ed: {  	[tilespmem:s16], [sflag:$0x4] =	stream.linear.gather [spmem:s12], $0x120, $0x38;
	[tilespmem:$0x1ACC0] =	vst v63  }
0x6ee: {  	_ =	swait.ge [sflag:s18], $0x120  }
0x6ef: {  	s14 =	sld [smem:$0x7EF]  }
0x6f0: {  	[sflag:s18] =	ssyncset.done $0x0  }
0x6f1: {  	s15 =	simm.s32 $0x126A0;
	[sflag:s18] =	ssyncadd.s32 $0xFFFFFEE0  }
0x6f2: {  	[tilespmem:s15], [sflag:$0x4] =	stream.linear.gather [spmem:s14], $0x120, $0x38;
	[tilespmem:$0x1ACC0] =	vst v63  }
0x6f3: {  	_ =	swait.ge [sflag:s18], $0x120  }
0x6f4: {  	s28 =	sld [smem:$0x7F0]  }
0x6f5: {  	[sflag:s18] =	ssyncset.done $0x0  }
0x6f6: {  	s31 =	simm.s32 $0x127C0;
	[sflag:s18] =	ssyncadd.s32 $0xFFFFFEE0  }
0x6f7: {  	[tilespmem:s31], [sflag:$0x4] =	stream.linear.gather [spmem:s28], $0x120, $0x38;
	[tilespmem:$0x1ACC0] =	vst v63  }
0x6f8: {  	_ =	swait.ge [sflag:s18], $0x120  }
0x6f9: {  	s11 =	sld [smem:$0x7F1]  }
0x6fa: {  	[sflag:s18] =	ssyncset.done $0x0  }
0x6fb: {  	s12 =	simm.s32 $0x128E0;
	[sflag:s18] =	ssyncadd.s32 $0xFFFFFEE0  }
0x6fc: {  	[tilespmem:s12], [sflag:$0x4] =	stream.linear.gather [spmem:s11], $0x120, $0x38;
	[tilespmem:$0x1ACC0] =	vst v63  }
0x6fd: {  	_ =	swait.ge [sflag:s18], $0x120  }
0x6fe: {  	s14 =	sld [smem:$0x7F2]  }
0x6ff: {  	[sflag:s18] =	ssyncset.done $0x0  }
0x700: {  	s15 =	simm.s32 $0x12A00;
	[sflag:s18] =	ssyncadd.s32 $0xFFFFFEE0  }
0x701: {  	[tilespmem:s15], [sflag:$0x4] =	stream.linear.gather [spmem:s14], $0x120, $0x38;
	[tilespmem:$0x1ACC0] =	vst v63  }
0x702: {  	_ =	swait.ge [sflag:s18], $0x120  }
0x703: {  	s28 =	sld [smem:$0x7F3]  }
0x704: {  	[sflag:s18] =	ssyncset.done $0x0  }
0x705: {  	s31 =	simm.s32 $0x12B20;
	[sflag:s18] =	ssyncadd.s32 $0xFFFFFEE0  }
0x706: {  	[tilespmem:s31], [sflag:$0x4] =	stream.linear.gather [spmem:s28], $0x120, $0x38;
	[tilespmem:$0x1ACC0] =	vst v63  }
0x707: {  	_ =	swait.ge [sflag:s18], $0x120  }
0x708: {  	s11 =	sld [smem:$0x7F4]  }
0x709: {  	[sflag:s18] =	ssyncset.done $0x0  }
0x70a: {  	s12 =	simm.s32 $0x12C40;
	[sflag:s18] =	ssyncadd.s32 $0xFFFFFEE0  }
0x70b: {  	[tilespmem:s12], [sflag:$0x4] =	stream.linear.gather [spmem:s11], $0x120, $0x38;
	[tilespmem:$0x1ACC0] =	vst v63  }
0x70c: {  	_ =	swait.ge [sflag:s18], $0x120  }
0x70d: {  	s14 =	sld [smem:$0x7F5]  }
0x70e: {  	[sflag:s18] =	ssyncset.done $0x0  }
0x70f: {  	s15 =	simm.s32 $0x12D60;
	[sflag:s18] =	ssyncadd.s32 $0xFFFFFEE0  }
0x710: {  	[tilespmem:s15], [sflag:$0x4] =	stream.linear.gather [spmem:s14], $0x120, $0x38;
	[tilespmem:$0x1ACC0] =	vst v63  }
0x711: {  	_ =	swait.ge [sflag:s18], $0x120  }
0x712: {  	s28 =	sld [smem:$0x7F6]  }
0x713: {  	[sflag:s18] =	ssyncset.done $0x0  }
0x714: {  	s31 =	simm.s32 $0x12E80;
	[sflag:s18] =	ssyncadd.s32 $0xFFFFFEE0  }
0x715: {  	[tilespmem:s31], [sflag:$0x4] =	stream.linear.gather [spmem:s28], $0x120, $0x38;
	[tilespmem:$0x1ACC0] =	vst v63  }
0x716: {  	_ =	swait.ge [sflag:s18], $0x120  }
0x717: {  	s12 =	sld [smem:$0x7F7]  }
0x718: {  	[sflag:s18] =	ssyncset.done $0x0  }
0x719: {  	s9 =	simm.s32 $0x12FA0;
	[sflag:s18] =	ssyncadd.s32 $0xFFFFFEE0  }
0x71a: {  	[tilespmem:s9], [sflag:$0x4] =	stream.linear.gather [spmem:s12], $0x120, $0x38;
	[tilespmem:$0x1ACC0] =	vst v63  }
0x71b: {  	_ =	swait.ge [sflag:s18], $0x120  }
0x71c: {  	s14 =	sld [smem:$0x7F8]  }
0x71d: {  	[sflag:s18] =	ssyncset.done $0x0  }
0x71e: {  	s15 =	simm.s32 $0x130C0;
	[sflag:s18] =	ssyncadd.s32 $0xFFFFFEE0  }
0x71f: {  	[tilespmem:s15], [sflag:$0x4] =	stream.linear.gather [spmem:s14], $0x120, $0x38;
	[tilespmem:$0x1ACC0] =	vst v63  }
0x720: {  	_ =	swait.ge [sflag:s18], $0x120  }
0x721: {  	s28 =	sld [smem:$0x7F9]  }
0x722: {  	[sflag:s18] =	ssyncset.done $0x0  }
0x723: {  	s31 =	simm.s32 $0x131E0;
	[sflag:s18] =	ssyncadd.s32 $0xFFFFFEE0  }
0x724: {  	[tilespmem:s31], [sflag:$0x4] =	stream.linear.gather [spmem:s28], $0x120, $0x38;
	[tilespmem:$0x1ACC0] =	vst v63  }
0x725: {  	_ =	swait.ge [sflag:s18], $0x120  }
0x726: {  	s14 =	sld [smem:$0x7FA]  }
0x727: {  	[sflag:s18] =	ssyncset.done $0x0  }
0x728: {  	s15 =	simm.s32 $0x13300;
	[sflag:s18] =	ssyncadd.s32 $0xFFFFFEE0  }
0x729: {  	[tilespmem:s15], [sflag:$0x4] =	stream.linear.gather [spmem:s14], $0x120, $0x38;
	[tilespmem:$0x1ACC0] =	vst v63  }
0x72a: {  	_ =	swait.ge [sflag:s18], $0x120  }
0x72b: {  	s28 =	sld [smem:$0x7FB]  }
0x72c: {  	[sflag:s18] =	ssyncset.done $0x0  }
0x72d: {  	s31 =	simm.s32 $0x13420;
	[sflag:s18] =	ssyncadd.s32 $0xFFFFFEE0  }
0x72e: {  	[tilespmem:s31], [sflag:$0x4] =	stream.linear.gather [spmem:s28], $0x120, $0x38;
	[tilespmem:$0x1ACC0] =	vst v63  }
0x72f: {  	_ =	swait.ge [sflag:s18], $0x120  }
0x730: {  	s12 =	sld [smem:$0x7FC]  }
0x731: {  	[sflag:s18] =	ssyncset.done $0x0  }
0x732: {  	s14 =	simm.s32 $0x13540;
	[sflag:s18] =	ssyncadd.s32 $0xFFFFFEE0  }
0x733: {  	[tilespmem:s14], [sflag:$0x4] =	stream.linear.gather [spmem:s12], $0x120, $0x38;
	[tilespmem:$0x1ACC0] =	vst v63  }
0x734: {  	_ =	swait.ge [sflag:s18], $0x120  }
0x735: {  	s15 =	sld [smem:$0x7FD]  }
0x736: {  	[sflag:s18] =	ssyncset.done $0x0  }
0x737: {  	s28 =	simm.s32 $0x13660;
	[sflag:s18] =	ssyncadd.s32 $0xFFFFFEE0  }
0x738: {  	[tilespmem:s28], [sflag:$0x4] =	stream.linear.gather [spmem:s15], $0x120, $0x38;
	[tilespmem:$0x1ACC0] =	vst v63  }
0x739: {  	_ =	swait.ge [sflag:s18], $0x120  }
0x73a: {  	[sflag:s18] =	ssyncset.done $0x0  }
0x73b: {  	[sflag:s18] =	ssyncadd.s32 $0xFFFFFEE0  }
0x73c: {  	v11 =	vld [tilespmem:s9+$0xFFFFF5E0];
	_ =	sdelay $0x1  }
0x73d: {  	v49 =	vld [tilespmem:s9+$0xFFFFF700];
	_ =	sdelay $0x1  }
0x73e: {  	v50 =	vld [tilespmem:s9+$0xFFFFF820]  }
0x73f: {  	v11 =	vadd.f32 $0.0e+00, v11  }
0x740: {  	s31 =	simm.s32 $0x0;
	v51 =	vld [tilespmem:s9+$0xFFFFF940]  }
0x741: {  	s11 =	sand.u32 $0x1F0, s31;
	v11 =	vadd.f32 v49, v11  }
0x742: {  	v52 =	vld [tilespmem:s11+$0x12A00]  }
0x743: {  	v11 =	vadd.f32 v50, v11  }
0x744: {  	v53 =	vld [tilespmem:s9+$0xFFFFFB80]  }
0x745: {  	v11 =	vadd.f32 v51, v11  }
0x746: {  	v54 =	vld [tilespmem:s9+$0xFFFFFCA0]  }
0x747: {  	v11 =	vadd.f32 v52, v11  }
0x748: {  	v55 =	vld [tilespmem:s9+$0xFFFFFDC0]  }
0x749: {  	v11 =	vadd.f32 v53, v11  }
0x74a: {  	v56 =	vld [tilespmem:s11+$0x12E80]  }
0x74b: {  	v11 =	vadd.f32 v54, v11  }
0x74c: {  	v57 =	vld [tilespmem:s9+$0x0]  }
0x74d: {  	v11 =	vadd.f32 v55, v11  }
0x74e: {  	v58 =	vld [tilespmem:s9+$0x120]  }
0x74f: {  	v11 =	vadd.f32 v56, v11  }
0x750: {  	v59 =	vld [tilespmem:s9+$0x240]  }
0x751: {  	v11 =	vadd.f32 v57, v11  }
0x752: {  	v60 =	vld [tilespmem:s11+$0x13300]  }
0x753: {  	v11 =	vadd.f32 v58, v11  }
0x754: {  	v61 =	vld [tilespmem:s9+$0x480]  }
0x755: {  	v11 =	vadd.f32 v59, v11  }
0x756: {  	v62 =	vld [tilespmem:s9+$0x5A0]  }
0x757: {  	v11 =	vadd.f32 v60, v11  }
0x758: {  	v63 =	vld [tilespmem:s9+$0x6C0]  }
0x759: {  	v11 =	vadd.f32 v61, v11;
	_ =	sdelay $0x1  }
0x75a: {  	v11 =	vadd.f32 v62, v11;
	_ =	sdelay $0x1  }
0x75b: {  	v11 =	vadd.f32 v63, v11  }
0x75c: {  	s9 =	simm.s32 $0x13780  }
0x75d: {  	s11 =	simm.s32 $0x12FB0;
	[tilespmem:s9+$0x0] =	vst v11  }
0x75e: {  	s12 =	simm.s32 $0x10;
	s14 =	simm.s32 $0x20;
	v11 =	vld [tilespmem:s11+$0xFFFFF5E0]  }
.LBB2_76:
0x75f: {  	p0 =	sne.s32 s14, $0x110  }
0x760: {  	v12 =	vld [tilespmem:s11+$0xFFFFF700];
	_ =	sdelay $0x1  }
0x761: {  	v13 =	vld [tilespmem:s11+$0xFFFFF820]  }
0x762: {  	v11 =	vadd.f32 $0.0e+00, v11  }
0x763: {  	v14 =	vld [tilespmem:s11+$0xFFFFF940]  }
0x764: {  	s15 =	sand.u32 $0x1F0, s12;
	s12 =	smov.u32 s14;
	v11 =	vadd.f32 v12, v11  }
0x765: {  	v12 =	vld [tilespmem:s15+$0x12A00]  }
0x766: {  	v11 =	vadd.f32 v13, v11  }
0x767: {  	v13 =	vld [tilespmem:s11+$0xFFFFFB80]  }
0x768: {  	v11 =	vadd.f32 v14, v11  }
0x769: {  	v14 =	vld [tilespmem:s11+$0xFFFFFCA0]  }
0x76a: {  	v11 =	vadd.f32 v12, v11  }
0x76b: {  	v12 =	vld [tilespmem:s11+$0xFFFFFDC0]  }
0x76c: {  	v11 =	vadd.f32 v13, v11  }
0x76d: {  	v13 =	vld [tilespmem:s15+$0x12E80]  }
0x76e: {  	v11 =	vadd.f32 v14, v11  }
0x76f: {  	v14 =	vld [tilespmem:s11+$0x0]  }
0x770: {  	v11 =	vadd.f32 v12, v11  }
0x771: {  	v12 =	vld [tilespmem:s11+$0x120]  }
0x772: {  	v11 =	vadd.f32 v13, v11  }
0x773: {  	v13 =	vld [tilespmem:s11+$0x240]  }
0x774: {  	v11 =	vadd.f32 v14, v11  }
0x775: {  	v14 =	vld [tilespmem:s15+$0x13300]  }
0x776: {  	v11 =	vadd.f32 v12, v11  }
0x777: {  	v12 =	vld [tilespmem:s11+$0x480]  }
0x778: {  	v11 =	vadd.f32 v13, v11  }
0x779: {  	v13 =	vld [tilespmem:s11+$0x5A0]  }
0x77a: {  	v11 =	vadd.f32 v14, v11  }
0x77b: {  	v14 =	vld [tilespmem:s11+$0x6C0]  }
0x77c: {  	v11 =	vadd.f32 v12, v11;
	_ =	sdelay $0x1  }
0x77d: {  	v11 =	vadd.f32 v13, v11  }
.Ltmp40:
0x77e: {  	(pc) =	sbr.rel @p0 .LBB2_76-.Ltmp40, $4  }
0x77f: {  	v11 =	vadd.f32 v14, v11  }
0x780: {  	s9 =	sadd.s32 $0x10, s9  }
0x781: {  	s11 =	sadd.s32 $0x10, s11;
	[tilespmem:s9+$0x0] =	vst v11  }
0x782: {  	s14 =	sadd.s32 $0x10, s14;
	v11 =	vld [tilespmem:s11+$0xFFFFF5E0]  }
0x783: {  	_ = 	snop  }
0x784: {  	v12 =	vld [tilespmem:s11+$0xFFFFF700];
	_ =	sdelay $0x1  }
0x785: {  	v13 =	vld [tilespmem:s11+$0xFFFFF820]  }
0x786: {  	v11 =	vadd.f32 $0.0e+00, v11  }
0x787: {  	v14 =	vld [tilespmem:s11+$0xFFFFF940]  }
0x788: {  	s12 =	sand.u32 $0x1F0, s12;
	v11 =	vadd.f32 v12, v11  }
0x789: {  	v52 =	vld [tilespmem:s12+$0x12A00]  }
0x78a: {  	v11 =	vadd.f32 v13, v11  }
0x78b: {  	v53 =	vld [tilespmem:s11+$0xFFFFFB80]  }
0x78c: {  	v11 =	vadd.f32 v14, v11  }
0x78d: {  	v54 =	vld [tilespmem:s11+$0xFFFFFCA0]  }
0x78e: {  	v11 =	vadd.f32 v52, v11  }
0x78f: {  	v55 =	vld [tilespmem:s11+$0xFFFFFDC0]  }
0x790: {  	v11 =	vadd.f32 v53, v11  }
0x791: {  	v56 =	vld [tilespmem:s12+$0x12E80]  }
0x792: {  	v11 =	vadd.f32 v54, v11  }
0x793: {  	v57 =	vld [tilespmem:s11+$0x0]  }
0x794: {  	v11 =	vadd.f32 v55, v11  }
0x795: {  	v58 =	vld [tilespmem:s11+$0x120]  }
0x796: {  	v11 =	vadd.f32 v56, v11  }
0x797: {  	v59 =	vld [tilespmem:s11+$0x240]  }
0x798: {  	v11 =	vadd.f32 v57, v11  }
0x799: {  	v60 =	vld [tilespmem:s12+$0x13300]  }
0x79a: {  	v11 =	vadd.f32 v58, v11  }
0x79b: {  	v61 =	vld [tilespmem:s11+$0x480]  }
0x79c: {  	v11 =	vadd.f32 v59, v11  }
0x79d: {  	v62 =	vld [tilespmem:s11+$0x5A0]  }
0x79e: {  	v11 =	vadd.f32 v60, v11  }
0x79f: {  	v63 =	vld [tilespmem:s11+$0x6C0]  }
0x7a0: {  	v11 =	vadd.f32 v61, v11;
	_ =	sdelay $0x1  }
0x7a1: {  	v11 =	vadd.f32 v62, v11;
	_ =	sdelay $0x1  }
0x7a2: {  	s15 =	sld [smem:$0x7ED];
	v11 =	vadd.f32 v63, v11  }
0x7a3: {  	s9 =	sadd.s32 $0x10, s9  }
0x7a4: {  	s14 =	simm.s32 $0x0;
	s28 =	simm.s32 $0x13780;
	[tilespmem:s9+$0x0] =	vst v11  }
0x7a5: {  	[hbm4b:s15+s14] =	stream.linear.scatter [tilespmem:s28], [sflag:$0x4], $0x120, $0x38;
	[tilespmem:$0x1ACC0] =	vst v63  }
0x7a6: {  	_ =	swait.ge [sflag:s18], $0x120  }
0x7a7: {  	s31 =	sld [smem:$0x7EE];
	_ =	sdelay $0x1  }
0x7a8: {  	s23 =	sadd.s32 $0x1, s23  }
0x7a9: {  	p0 =	sne.s32 s23, s31  }
.Ltmp41:
0x7aa: {  	_ = 	snop;
	(pc) =	sbr.rel @p0 .LBB2_1-.Ltmp41, $4  }
.Ltmp42:
0x7ab: {  	_ = 	snop;
	(pc) =	sbr.rel @!p0 .LBB2_78-.Ltmp42, $4  }
0x7ac: {  	_ = 	snop  }
0x7ad: {  	[sflag:s18] =	ssyncset.done $0x0  }
0x7ae: {  	[sflag:s18] =	ssyncadd.s32 $0xFFFFFEE0  }
0x7af: {  	_ = 	snop  }
.LBB2_31:
.Ltmp43:
0x7b0: {  	(pc) =	sbr.rel .LBB2_37-.Ltmp43, $2  }
0x7b1: {  	_ =	sdelay $0x2  }
0x7b2: {  	s11 =	simm.s32 $0x0;
	s12 =	simm.s32 $0x0;
	p3 =	por $0x0, $0x0  }
.LBB2_38:
.Ltmp44:
0x7b3: {  	(pc) =	sbr.rel .LBB2_44-.Ltmp44, $2  }
0x7b4: {  	_ =	sdelay $0x2  }
0x7b5: {  	s11 =	simm.s32 $0x0;
	s12 =	simm.s32 $0x0;
	p1 =	por $0x0, $0x0  }
.LBB2_45:
.Ltmp45:
0x7b6: {  	(pc) =	sbr.rel .LBB2_51-.Ltmp45, $2  }
0x7b7: {  	_ =	sdelay $0x2  }
0x7b8: {  	s11 =	simm.s32 $0x0;
	s12 =	simm.s32 $0x0;
	p3 =	por $0x0, $0x0  }
.LBB2_52:
.Ltmp46:
0x7b9: {  	(pc) =	sbr.rel .LBB2_58-.Ltmp46, $2  }
0x7ba: {  	_ =	sdelay $0x2  }
0x7bb: {  	s11 =	simm.s32 $0x0;
	s12 =	simm.s32 $0x0;
	p1 =	por $0x0, $0x0  }
.LBB2_59:
.Ltmp47:
0x7bc: {  	(pc) =	sbr.rel .LBB2_65-.Ltmp47, $2  }
0x7bd: {  	_ =	sdelay $0x2  }
0x7be: {  	s11 =	simm.s32 $0x0;
	s12 =	simm.s32 $0x0;
	p3 =	por $0x0, $0x0  }
.LBB2_66:
.Ltmp48:
0x7bf: {  	(pc) =	sbr.rel .LBB2_73-.Ltmp48, $3  }
0x7c0: {  	_ =	sdelay $0x1  }
0x7c1: {  	s11 =	simm.s32 $0x0;
	s12 =	simm.s32 $0x0  }
0x7c2: {  	p1 =	por $0x0, $0x0;
	s16 =	simm.s32 $0x12580;
	s23 =	sld [smem:$0x7E2]  }
.LBB2_33:
.Ltmp49:
0x7c3: {  	(pc) =	sbr.rel .LBB2_37-.Ltmp49, $2  }
0x7c4: {  	_ =	sdelay $0x2  }
0x7c5: {  	s11 =	simm.s32 $0x80;
	s12 =	simm.s32 $0x0;
	p3 =	por $0x0, $0x0  }
.LBB2_40:
.Ltmp50:
0x7c6: {  	(pc) =	sbr.rel .LBB2_44-.Ltmp50, $2  }
0x7c7: {  	_ =	sdelay $0x2  }
0x7c8: {  	s11 =	simm.s32 $0x80;
	s12 =	simm.s32 $0x0  }
.LBB2_47:
.Ltmp51:
0x7c9: {  	(pc) =	sbr.rel .LBB2_51-.Ltmp51, $2  }
0x7ca: {  	_ =	sdelay $0x2  }
0x7cb: {  	s11 =	simm.s32 $0x80;
	s12 =	simm.s32 $0x0;
	p3 =	por $0x0, $0x0  }
.LBB2_54:
.Ltmp52:
0x7cc: {  	(pc) =	sbr.rel .LBB2_58-.Ltmp52, $2  }
0x7cd: {  	_ =	sdelay $0x2  }
0x7ce: {  	s11 =	simm.s32 $0x80;
	s12 =	simm.s32 $0x0  }
.LBB2_61:
.Ltmp53:
0x7cf: {  	(pc) =	sbr.rel .LBB2_65-.Ltmp53, $2  }
0x7d0: {  	_ =	sdelay $0x2  }
0x7d1: {  	s11 =	simm.s32 $0x80;
	s12 =	simm.s32 $0x0;
	p3 =	por $0x0, $0x0  }
.LBB2_68:
.Ltmp54:
0x7d2: {  	(pc) =	sbr.rel .LBB2_73-.Ltmp54, $3  }
0x7d3: {  	_ =	sdelay $0x1  }
0x7d4: {  	s11 =	simm.s32 $0x80  }
0x7d5: {  	s12 =	simm.s32 $0x0;
	s16 =	simm.s32 $0x12580;
	s23 =	sld [smem:$0x7E2]  }
.LBB2_35:
.Ltmp55:
0x7d6: {  	(pc) =	sbr.rel .LBB2_37-.Ltmp55, $2  }
0x7d7: {  	_ =	sdelay $0x2  }
0x7d8: {  	s12 =	simm.s32 $0x0  }
.LBB2_42:
.Ltmp56:
0x7d9: {  	(pc) =	sbr.rel .LBB2_44-.Ltmp56, $2  }
0x7da: {  	_ =	sdelay $0x2  }
0x7db: {  	s12 =	simm.s32 $0x0  }
.LBB2_49:
.Ltmp57:
0x7dc: {  	(pc) =	sbr.rel .LBB2_51-.Ltmp57, $2  }
0x7dd: {  	_ =	sdelay $0x2  }
0x7de: {  	s12 =	simm.s32 $0x0  }
.LBB2_56:
.Ltmp58:
0x7df: {  	(pc) =	sbr.rel .LBB2_58-.Ltmp58, $2  }
0x7e0: {  	_ =	sdelay $0x2  }
0x7e1: {  	s12 =	simm.s32 $0x0  }
.LBB2_63:
.Ltmp59:
0x7e2: {  	(pc) =	sbr.rel .LBB2_65-.Ltmp59, $2  }
0x7e3: {  	_ =	sdelay $0x2  }
0x7e4: {  	s12 =	simm.s32 $0x0  }
.LBB2_70:
.Ltmp60:
0x7e5: {  	(pc) =	sbr.rel .LBB2_73-.Ltmp60, $2  }
0x7e6: {  	_ =	sdelay $0x2  }
0x7e7: {  	s12 =	simm.s32 $0x0;
	s16 =	simm.s32 $0x12580;
	s23 =	sld [smem:$0x7E2]  }
.LBB2_78:
0x7e8: {  	_ =	sfence.sel $0x180000  }
0x7e9: {  	[bflag:$0x0] =	sbarrier.arrive $0xFFFF  }
0x7ea: {  	_ =	strace $0x90000047  }
0x7eb: {  	s0 =	stileid.u32;
	[bflag:$0x2] =	sbarrier.arrive $0xFFFF  }
0x7ec: {  	p0 =	sne.s32 s0, $0x0;
	s0 =	rddreg [dreg:$0x9]  }
0x7ed: {  	s0 =	sadd.s32 @!p0 $0x100000, s0  }
0x7ee: {  	[sflag:s0] =	ssyncadd.tile.s32 @!p0 $0x1;
	_ =	shalt  }
.Lfunc_end2:
_tile_overlayer_lowered:
.L_overlay_start_2:
0x7ef: {  	(tag) =	ssettag $0x2  }
0x7f0: {  	s0 =	rddreg [dreg:$0x0];
	s2 =	stileid.u32  }
0x7f1: {  	s1 =	rddreg [dreg:$0x1];
	p0 =	sne.s32 s2, $0x0  }
0x7f2: {  	s3 =	rddreg [dreg:$0x2];
	[bflag:$0x3] =	sbarrier.arrive $0xFFFF;
	s2 =	simm.s32 @!p0 $0x1C04  }
0x7f3: {  	[timem:s3], [sflag:s2] =	dma.local @!p0 [hbm:s0], s1  }
0x7f4: {  	s0 =	simm.s32 @!p0 $0x4  }
0x7f5: {  	_ =	swait.ge @!p0 [sflag:s0], s1  }
0x7f6: {  	s1 =	ssub.s32 @!p0 $0x0, s1;
	[sflag:s0] =	ssyncset.done @!p0 $0x0  }
0x7f7: {  	[sflag:s0] =	ssyncadd.s32 @!p0 s1  }
0x7f8: {  	[bflag:$0x3] =	sbarrier.arrive $0xFFFF  }
0x7f9: {  	_ =	shalt  }

</sc_bundles>
